<compile_context>
chip_gen: v7x
topology: tpu7x:2x2x1
jax: 0.10.2.dev20260603
libtpu: 0.0.44.dev20260713+nightly
codegen_flags: <defaults>
</compile_context>

<pallas_src>
import functools

import jax
import jax.numpy as jnp
import numpy as np
from jax import lax
from jax.experimental import pallas as pl
from jax.experimental.pallas import tpu as pltpu
from jax.experimental.pallas import tpu_sc as plsc

N = 10000
E = 320000
F_IN = 128
HID = 32
NCLS = 2
D2 = 8
NPAD = 10240
NC, NS = 2, 16
NW = NC * NS
LANES = 128
EPAD = ((E + NW * LANES * 8 - 1) // (NW * LANES * 8)) * (NW * LANES * 8)
ROWS = EPAD // LANES
RPT = ROWS // NW
SL = NPAD // NS

_mesh = plsc.VectorSubcoreMesh(core_axis_name="c", subcore_axis_name="s")

_FILL = np.stack([np.arange(EPAD - E, dtype=np.int32) % N,
                  N + (np.arange(EPAD - E, dtype=np.int32) % (NPAD - N))])


@functools.partial(
    pl.kernel,
    out_type=jax.ShapeDtypeStruct((NC, NPAD), jnp.float32),
    mesh=_mesh,
    compiler_params=pltpu.CompilerParams(use_tc_tiling_on_sc=False),
    scratch_types=[
        pltpu.VMEM((RPT, LANES), jnp.int32),
        pltpu.VMEM((LANES,), jnp.float32),
        pltpu.VMEM_SHARED((NPAD,), jnp.float32),
        pltpu.SemaphoreType.DMA,
    ],
)
def _deg_kernel(ei_hbm, zeros_hbm, ones_hbm, out_hbm, idxc_v, ones_v, shared, dsem):
    c = lax.axis_index("c")
    s = lax.axis_index("s")
    wid = s * NC + c
    pltpu.sync_copy(ones_hbm, ones_v)
    pltpu.sync_copy(zeros_hbm, shared.at[pl.ds(s * SL, SL)])
    pltpu.sync_copy(ei_hbm.at[1, pl.ds(wid * RPT, RPT)], idxc_v)
    plsc.subcore_barrier()

    def body(j, carry):
        pltpu.async_copy(ones_v, shared.at[idxc_v.at[j]], dsem, add=True)
        return carry

    lax.fori_loop(0, RPT, body, 0)

    def dbody(j, carry):
        pltpu.make_async_copy(ones_v, shared.at[idxc_v.at[j]], dsem).wait()
        return carry

    lax.fori_loop(0, RPT, dbody, 0)
    plsc.subcore_barrier()
    pltpu.sync_copy(shared.at[pl.ds(s * SL, SL)], out_hbm.at[c, pl.ds(s * SL, SL)])


def _make_scatter(D, GRP):
    NG = RPT // GRP
    @functools.partial(
        pl.kernel,
        out_type=jax.ShapeDtypeStruct((NC, NPAD, D), jnp.float32),
        mesh=_mesh,
        compiler_params=pltpu.CompilerParams(use_tc_tiling_on_sc=False),
        scratch_types=[
            pltpu.VMEM((RPT, LANES), jnp.int32),
            pltpu.VMEM((RPT, LANES), jnp.int32),
            pltpu.VMEM((GRP, LANES, D), jnp.float32),
            pltpu.VMEM((GRP, LANES, D), jnp.float32),
            pltpu.VMEM_SHARED((NPAD, D), jnp.float32),
            pltpu.SemaphoreType.DMA,
            pltpu.SemaphoreType.DMA,
            pltpu.SemaphoreType.DMA,
            pltpu.SemaphoreType.DMA,
        ],
    )
    def _scat(ei_hbm, table_hbm, zeros_hbm, out_hbm,
              idxr_v, idxc_v, bufa_v, bufb_v, shared, sema, semb, ssema, ssemb):
        c = lax.axis_index("c")
        s = lax.axis_index("s")
        wid = s * NC + c
        pltpu.sync_copy(zeros_hbm, shared.at[pl.ds(s * SL, SL)])
        pltpu.sync_copy(ei_hbm.at[0, pl.ds(wid * RPT, RPT)], idxr_v)
        pltpu.sync_copy(ei_hbm.at[1, pl.ds(wid * RPT, RPT)], idxc_v)
        plsc.subcore_barrier()

        def fire(g, buf_v, sem):
            base = g * GRP
            for b in range(GRP):
                pltpu.async_copy(table_hbm.at[idxr_v.at[base + b]],
                                 buf_v.at[b], sem)

        def drain(g, buf_v, sem, ssem):
            base = g * GRP
            for b in range(GRP):
                pltpu.make_async_copy(table_hbm.at[idxr_v.at[base + b]],
                                      buf_v.at[b], sem).wait()
                pltpu.async_copy(buf_v.at[b], shared.at[idxc_v.at[base + b]],
                                 ssem, add=True)
            for b in range(GRP):
                pltpu.make_async_copy(buf_v.at[b],
                                      shared.at[idxc_v.at[base + b]],
                                      ssem).wait()

        fire(0, bufa_v, sema)

        def body(p, carry):
            ga = 2 * p
            fire(ga + 1, bufb_v, semb)
            drain(ga, bufa_v, sema, ssema)

            @pl.when(ga + 2 < NG)
            def _():
                fire(ga + 2, bufa_v, sema)

            drain(ga + 1, bufb_v, semb, ssemb)
            return carry

        lax.fori_loop(0, NG // 2, body, 0)
        plsc.subcore_barrier()
        pltpu.sync_copy(shared.at[pl.ds(s * SL, SL)],
                        out_hbm.at[c, pl.ds(s * SL, SL)])

    return _scat


_scat32 = _make_scatter(HID, 8)
_scat8 = _make_scatter(D2, 10)


def _tc1_body(deg2_ref, x_ref, wi_ref, wr_ref, b_ref, hs_ref, root_ref, dinv_ref):
    degT = jnp.transpose(deg2_ref[...])
    deg = jnp.sum(degT[:N, :], axis=1, keepdims=True)
    dinv = jnp.where(deg > 0.0, lax.rsqrt(jnp.maximum(deg, 1e-30)), 0.0)
    x = x_ref[...]
    h = jnp.dot(x, wi_ref[...], preferred_element_type=jnp.float32)
    hs_ref[...] = dinv * h
    root_ref[...] = jnp.dot(x, wr_ref[...], preferred_element_type=jnp.float32) + b_ref[...]
    dinv_ref[...] = dinv


_tc1 = pl.pallas_call(
    _tc1_body,
    out_shape=(
        jax.ShapeDtypeStruct((N, HID), jnp.float32),
        jax.ShapeDtypeStruct((N, HID), jnp.float32),
        jax.ShapeDtypeStruct((N, 1), jnp.float32),
    ),
)


def _tc2_body(s1_ref, dinv_ref, root1_ref, w2i_ref, w2r_ref, b2_ref,
              hs2_ref, root2_ref):
    dinv = dinv_ref[...]
    agg = dinv * (s1_ref[0, :N, :] + s1_ref[1, :N, :])
    out1 = jnp.maximum(agg + root1_ref[...], 0.0)
    zpad = jnp.zeros((HID, D2 - NCLS), jnp.float32)
    w2i = jnp.concatenate([w2i_ref[...], zpad], axis=1)
    w2r = jnp.concatenate([w2r_ref[...], zpad], axis=1)
    b2 = jnp.concatenate([b2_ref[...], jnp.zeros((1, D2 - NCLS), jnp.float32)],
                         axis=1)
    h2 = jnp.dot(out1, w2i, preferred_element_type=jnp.float32)
    hs2_ref[...] = dinv * h2
    root2_ref[...] = jnp.dot(out1, w2r, preferred_element_type=jnp.float32) + b2


_tc2 = pl.pallas_call(
    _tc2_body,
    out_shape=(
        jax.ShapeDtypeStruct((N, D2), jnp.float32),
        jax.ShapeDtypeStruct((N, D2), jnp.float32),
    ),
)


def _tc3_body(s2_ref, dinv_ref, root2_ref, out_ref):
    o = dinv_ref[...] * (s2_ref[0, :N, :] + s2_ref[1, :N, :]) + root2_ref[...]
    z = o[:, 0:NCLS]
    m = jnp.max(z, axis=1, keepdims=True)
    lse = m + jnp.log(jnp.sum(jnp.exp(z - m), axis=1, keepdims=True))
    out_ref[...] = z - lse


_tc3 = pl.pallas_call(
    _tc3_body,
    out_shape=jax.ShapeDtypeStruct((N, NCLS), jnp.float32),
)


def kernel(x, edge_index, W1_init, W1_root, b1, W2_init, W2_root, b2):
    ei = jnp.concatenate([edge_index, _FILL], axis=1).reshape(2, ROWS, LANES)
    zeros32 = jnp.zeros((SL, HID), jnp.float32)

    deg2 = _deg_kernel(ei, zeros32[:SL, 0],
                       jnp.ones((LANES,), jnp.float32))
    hs1, root1, dinv = _tc1(deg2, x, W1_init, W1_root, b1.reshape(1, HID))

    s1 = _scat32(ei, hs1, zeros32)
    hs2, root2 = _tc2(s1, dinv, root1, W2_init, W2_root, b2.reshape(1, NCLS))

    s2 = _scat8(ei, hs2, zeros32[:, 0:D2])
    return _tc3(s2, dinv, root2)

# --- scband reference (transcript-rebuilt; emitter-appended) ---
"""Pipeline reference for scband-arma-73658689126818 (READ-ONLY COPY).

The authoritative reference and input builder live on the scoring server;
editing this copy changes nothing except your own understanding.
"""

import jax, jax.numpy as jnp
import numpy as np

N = 10000
E = 320000
F_IN = 128
HID = 32
NUM_CLASS = 2


def _glorot(key, shape):
    fan_in, fan_out = shape[0], shape[1]
    limit = float(np.sqrt(6.0 / (fan_in + fan_out)))
    return jax.random.uniform(key, shape, dtype=jnp.float32, minval=-limit, maxval=limit)


def setup_inputs(seed: int = 0) -> dict:
    key = jax.random.key(seed)
    ks = jax.random.split(key, 8)
    x = jax.random.normal(ks[0], (N, F_IN), dtype=jnp.float32)
    edge_index = jax.random.randint(ks[1], (2, E), 0, N, dtype=jnp.int32)
    # conv1 (ARMAConv, K=1, T=1): init_weight [F_IN, HID], root_weight [F_IN, HID], bias [HID]
    W1_init = _glorot(ks[2], (F_IN, HID))
    W1_root = _glorot(ks[3], (F_IN, HID))
    b1 = jnp.zeros((HID,), dtype=jnp.float32)
    # conv2: init_weight [HID, NUM_CLASS], root_weight [HID, NUM_CLASS], bias [NUM_CLASS]
    W2_init = _glorot(ks[4], (HID, NUM_CLASS))
    W2_root = _glorot(ks[5], (HID, NUM_CLASS))
    b2 = jnp.zeros((NUM_CLASS,), dtype=jnp.float32)
    return {
        'x': x, 'edge_index': edge_index,
        'W1_init': W1_init, 'W1_root': W1_root, 'b1': b1,
        'W2_init': W2_init, 'W2_root': W2_root, 'b2': b2,
    }


def _gcn_norm_no_self_loops(edge_index, num_nodes):
    # PyG gcn_norm with add_self_loops=False, edge_weight=1
    row, col = edge_index[0], edge_index[1]
    ones = jnp.ones(row.shape[0], dtype=jnp.float32)
    deg = jax.ops.segment_sum(ones, col, num_segments=num_nodes)
    deg_inv_sqrt = jnp.where(deg > 0, deg ** -0.5, 0.0)
    return deg_inv_sqrt[row] * deg_inv_sqrt[col]


def _arma_layer(x, edge_index, norm, W_init, W_root, b, act):
    # x_out = A_hat (x W_init) + x W_root + b  (K=1 stack, T=1 layer, dropout inactive in eval)
    row, col = edge_index[0], edge_index[1]
    h = x @ W_init
    msg = norm[:, None] * jnp.take(h, row, axis=0)
    agg = jax.ops.segment_sum(msg, col, num_segments=x.shape[0])
    out = agg + x @ W_root + b
    if act:
        out = jax.nn.relu(out)
    return out


def reference(x, edge_index, W1_init, W1_root, b1, W2_init, W2_root, b2):
    norm = _gcn_norm_no_self_loops(edge_index, x.shape[0])
    h1 = _arma_layer(x, edge_index, norm, W1_init, W1_root, b1, act=True)
    h2 = _arma_layer(h1, edge_index, norm, W2_init, W2_root, b2, act=False)
    return jax.nn.log_softmax(h2, axis=1)

if __name__ == "__main__":
    import jax
    _d = setup_inputs()
    print(jax.jit(kernel)(*tuple(_d.values())))

</pallas_src>

<mosaic_0001>
#map = affine_map<(d0, d1) -> (0, 0, 0)>
#map1 = affine_map<(d0, d1) -> (0)>
#map2 = affine_map<(d0, d1) -> (0, 0)>
module attributes {stable_mosaic.version = 14 : i64} {
  func.func @_deg_kernel(%arg0: i32, %arg1: i32, %arg2: memref<2x2560x128xi32, #tpu.memory_space<hbm>>, %arg3: memref<640xf32, #tpu.memory_space<hbm>>, %arg4: memref<128xf32, #tpu.memory_space<hbm>>, %arg5: memref<2x10240xf32, #tpu.memory_space<hbm>>, %arg6: memref<80x128xi32, #tpu.memory_space<vmem>>, %arg7: memref<128xf32, #tpu.memory_space<vmem>>, %arg8: memref<10240xf32, #tpu.memory_space<vmem_shared>>, %arg9: memref<!tpu.dma_semaphore, #tpu.memory_space<semaphore_mem>>) attributes {dimension_semantics = [#tpu.dimension_semantics<core_parallel>, #tpu.dimension_semantics<subcore_parallel>], iteration_bounds = array<i64: 2, 16>, scalar_prefetch = 0 : i64, scratch_operands = 4 : i64, tpu.core_type = #tpu.core_type<sc_vector_subcore>, window_params = [{transform_indices = #map}, {transform_indices = #map1}, {transform_indices = #map1}, {transform_indices = #map2}]} {
    %mul3A = arith.constant 2 : i32
    %mul3A_0 = arith.muli %arg1, %mul3A : i32
    %add3A = arith.addi %mul3A_0, %arg0 : i32
    "tpu.region"() ({
      %run_scoped3A_21 = tpu.sem_alloc : memref<!tpu.dma_semaphore, #tpu.memory_space<semaphore_mem>>
      tpu.enqueue_dma source(%arg4 : memref<128xf32, #tpu.memory_space<hbm>>) target(%arg7 : memref<128xf32, #tpu.memory_space<vmem>>) target_semaphore(%run_scoped3A_21 : memref<!tpu.dma_semaphore, #tpu.memory_space<semaphore_mem>>)
      tpu.wait_dma2 semaphore(%run_scoped3A_21 : memref<!tpu.dma_semaphore, #tpu.memory_space<semaphore_mem>>) src(%arg4 : memref<128xf32, #tpu.memory_space<hbm>>) dst(%arg7 : memref<128xf32, #tpu.memory_space<vmem>>)
      tpu.yield
    }) : () -> ()
    %mul3A_1 = arith.constant 640 : i32
    %mul3A_2 = arith.muli %arg1, %mul3A_1 : i32
    "tpu.region"() ({
      %run_scoped3A_21 = tpu.sem_alloc : memref<!tpu.dma_semaphore, #tpu.memory_space<semaphore_mem>>
      %dma_start3A = tpu.memref_slice %arg8[%mul3A_2] : memref<10240xf32, #tpu.memory_space<vmem_shared>> -> memref<640xf32, #tpu.memory_space<vmem_shared>>
      tpu.enqueue_dma source(%arg3 : memref<640xf32, #tpu.memory_space<hbm>>) target(%dma_start3A : memref<640xf32, #tpu.memory_space<vmem_shared>>) target_semaphore(%run_scoped3A_21 : memref<!tpu.dma_semaphore, #tpu.memory_space<semaphore_mem>>)
      %dma_wait3A = tpu.memref_slice %arg8[%mul3A_2] : memref<10240xf32, #tpu.memory_space<vmem_shared>> -> memref<640xf32, #tpu.memory_space<vmem_shared>>
      tpu.wait_dma2 semaphore(%run_scoped3A_21 : memref<!tpu.dma_semaphore, #tpu.memory_space<semaphore_mem>>) src(%arg3 : memref<640xf32, #tpu.memory_space<hbm>>) dst(%dma_wait3A : memref<640xf32, #tpu.memory_space<vmem_shared>>)
      tpu.yield
    }) : () -> ()
    %mul3A_3 = arith.constant 80 : i32
    %mul3A_4 = arith.muli %add3A, %mul3A_3 : i32
    %run_scoped3A = arith.constant 1 : i32
    "tpu.region"() ({
      %run_scoped3A_21 = tpu.sem_alloc : memref<!tpu.dma_semaphore, #tpu.memory_space<semaphore_mem>>
      %dma_start3A = arith.constant 0 : i32
      %dma_start3A_22 = tpu.memref_slice %arg2[%run_scoped3A, %mul3A_4, %dma_start3A] : memref<2x2560x128xi32, #tpu.memory_space<hbm>> -> memref<1x80x128xi32, #tpu.memory_space<hbm>>
      %dma_start3A_23 = tpu.memref_squeeze %dma_start3A_22 : memref<1x80x128xi32, #tpu.memory_space<hbm>> -> memref<80x128xi32, #tpu.memory_space<hbm>>
      %dma_start3A_24 = arith.constant 0 : i32
      %dma_start3A_25 = tpu.memref_slice %arg2[%run_scoped3A, %mul3A_4, %dma_start3A_24] : memref<2x2560x128xi32, #tpu.memory_space<hbm>> -> memref<1x80x128xi32, #tpu.memory_space<hbm>>
      %dma_start3A_26 = tpu.memref_squeeze %dma_start3A_25 : memref<1x80x128xi32, #tpu.memory_space<hbm>> -> memref<80x128xi32, #tpu.memory_space<hbm>>
      tpu.enqueue_dma source(%dma_start3A_26 : memref<80x128xi32, #tpu.memory_space<hbm>>) target(%arg6 : memref<80x128xi32, #tpu.memory_space<vmem>>) target_semaphore(%run_scoped3A_21 : memref<!tpu.dma_semaphore, #tpu.memory_space<semaphore_mem>>)
      %dma_wait3A = arith.constant 0 : i32
      %dma_wait3A_27 = tpu.memref_slice %arg2[%run_scoped3A, %mul3A_4, %dma_wait3A] : memref<2x2560x128xi32, #tpu.memory_space<hbm>> -> memref<1x80x128xi32, #tpu.memory_space<hbm>>
      %dma_wait3A_28 = tpu.memref_squeeze %dma_wait3A_27 : memref<1x80x128xi32, #tpu.memory_space<hbm>> -> memref<80x128xi32, #tpu.memory_space<hbm>>
      %dma_wait3A_29 = arith.constant 0 : i32
      %dma_wait3A_30 = tpu.memref_slice %arg2[%run_scoped3A, %mul3A_4, %dma_wait3A_29] : memref<2x2560x128xi32, #tpu.memory_space<hbm>> -> memref<1x80x128xi32, #tpu.memory_space<hbm>>
      %dma_wait3A_31 = tpu.memref_squeeze %dma_wait3A_30 : memref<1x80x128xi32, #tpu.memory_space<hbm>> -> memref<80x128xi32, #tpu.memory_space<hbm>>
      tpu.wait_dma2 semaphore(%run_scoped3A_21 : memref<!tpu.dma_semaphore, #tpu.memory_space<semaphore_mem>>) src(%dma_wait3A_31 : memref<80x128xi32, #tpu.memory_space<hbm>>) dst(%arg6 : memref<80x128xi32, #tpu.memory_space<vmem>>)
      tpu.yield
    }) : () -> ()
    %barrier3A = arith.constant 0 : index
    tpu.barrier barrier_id(%barrier3A)
    %scan3A = arith.constant 0 : i32
    %scan3A_5 = arith.constant 0 : i32
    %scan3A_6 = arith.constant 80 : i32
    %scan3A_7 = arith.addi %scan3A_5, %scan3A_6 : i32
    %scan3A_8 = arith.constant 1 : i32
    scf.for %scan3A_21 = %scan3A_5 to %scan3A_7 step %scan3A_8  : i32 {
      %dma_start3A = arith.constant 0 : i32
      %dma_start3A_22 = tpu.memref_slice %arg6[%scan3A_21, %dma_start3A] : memref<80x128xi32, #tpu.memory_space<vmem>> -> memref<1x128xi32, #tpu.memory_space<vmem>>
      %dma_start3A_23 = tpu.memref_squeeze %dma_start3A_22 : memref<1x128xi32, #tpu.memory_space<vmem>> -> memref<128xi32, #tpu.memory_space<vmem>>
      %dma_start3A_24 = arith.constant 0 : i32
      %dma_start3A_25 = tpu.memref_slice %arg8[%dma_start3A_24] : memref<10240xf32, #tpu.memory_space<vmem_shared>> -> memref<10240xf32, #tpu.memory_space<vmem_shared>>
      tpu.enqueue_indirect_dma source(%arg7 : memref<128xf32, #tpu.memory_space<vmem>>) target(%dma_start3A_25 : memref<10240xf32, #tpu.memory_space<vmem_shared>>) offsets(%dma_start3A_23 : memref<128xi32, #tpu.memory_space<vmem>>) semaphore(%arg9 : memref<!tpu.dma_semaphore, #tpu.memory_space<semaphore_mem>>) {add = true}
    }
    %scan3A_9 = arith.constant 80 : i32
    %scan3A_10 = arith.constant 0 : i32
    %scan3A_11 = arith.constant 0 : i32
    %scan3A_12 = arith.constant 80 : i32
    %scan3A_13 = arith.addi %scan3A_11, %scan3A_12 : i32
    %scan3A_14 = arith.constant 1 : i32
    scf.for %scan3A_21 = %scan3A_11 to %scan3A_13 step %scan3A_14  : i32 {
      %dma_wait3A = arith.constant 0 : i32
      %dma_wait3A_22 = tpu.memref_slice %arg6[%scan3A_21, %dma_wait3A] : memref<80x128xi32, #tpu.memory_space<vmem>> -> memref<1x128xi32, #tpu.memory_space<vmem>>
      %dma_wait3A_23 = tpu.memref_squeeze %dma_wait3A_22 : memref<1x128xi32, #tpu.memory_space<vmem>> -> memref<128xi32, #tpu.memory_space<vmem>>
      %dma_wait3A_24 = arith.constant 0 : i32
      %dma_wait3A_25 = tpu.memref_slice %arg8[%dma_wait3A_24] : memref<10240xf32, #tpu.memory_space<vmem_shared>> -> memref<10240xf32, #tpu.memory_space<vmem_shared>>
      tpu.wait_indirect_dma semaphore(%arg9 : memref<!tpu.dma_semaphore, #tpu.memory_space<semaphore_mem>>) src(%arg7 : memref<128xf32, #tpu.memory_space<vmem>>) dst(%dma_wait3A_25 : memref<10240xf32, #tpu.memory_space<vmem_shared>>)
    }
    %scan3A_15 = arith.constant 80 : i32
    %barrier3A_16 = arith.constant 0 : index
    tpu.barrier barrier_id(%barrier3A_16)
    %mul3A_17 = arith.constant 640 : i32
    %mul3A_18 = arith.muli %arg1, %mul3A_17 : i32
    %mul3A_19 = arith.constant 640 : i32
    %mul3A_20 = arith.muli %arg1, %mul3A_19 : i32
    "tpu.region"() ({
      %run_scoped3A_21 = tpu.sem_alloc : memref<!tpu.dma_semaphore, #tpu.memory_space<semaphore_mem>>
      %dma_start3A = tpu.memref_slice %arg5[%arg0, %mul3A_20] : memref<2x10240xf32, #tpu.memory_space<hbm>> -> memref<1x640xf32, #tpu.memory_space<hbm>>
      %dma_start3A_22 = tpu.memref_squeeze %dma_start3A : memref<1x640xf32, #tpu.memory_space<hbm>> -> memref<640xf32, #tpu.memory_space<hbm>>
      %dma_start3A_23 = tpu.memref_slice %arg8[%mul3A_18] : memref<10240xf32, #tpu.memory_space<vmem_shared>> -> memref<640xf32, #tpu.memory_space<vmem_shared>>
      tpu.enqueue_dma source(%dma_start3A_23 : memref<640xf32, #tpu.memory_space<vmem_shared>>) target(%dma_start3A_22 : memref<640xf32, #tpu.memory_space<hbm>>) target_semaphore(%run_scoped3A_21 : memref<!tpu.dma_semaphore, #tpu.memory_space<semaphore_mem>>)
      %dma_wait3A = tpu.memref_slice %arg5[%arg0, %mul3A_20] : memref<2x10240xf32, #tpu.memory_space<hbm>> -> memref<1x640xf32, #tpu.memory_space<hbm>>
      %dma_wait3A_24 = tpu.memref_squeeze %dma_wait3A : memref<1x640xf32, #tpu.memory_space<hbm>> -> memref<640xf32, #tpu.memory_space<hbm>>
      %dma_wait3A_25 = tpu.memref_slice %arg8[%mul3A_18] : memref<10240xf32, #tpu.memory_space<vmem_shared>> -> memref<640xf32, #tpu.memory_space<vmem_shared>>
      tpu.wait_dma2 semaphore(%run_scoped3A_21 : memref<!tpu.dma_semaphore, #tpu.memory_space<semaphore_mem>>) src(%dma_wait3A_25 : memref<640xf32, #tpu.memory_space<vmem_shared>>) dst(%dma_wait3A_24 : memref<640xf32, #tpu.memory_space<hbm>>)
      tpu.yield
    }) : () -> ()
    return
  }
}

#map = affine_map<(d0, d1) -> (0, 0, 0)>
#map1 = affine_map<(d0, d1) -> (0, 0)>
module attributes {stable_mosaic.version = 14 : i64} {
  func.func @_scat(%arg0: i32, %arg1: i32, %arg2: memref<2x2560x128xi32, #tpu.memory_space<hbm>>, %arg3: memref<10000x32xf32, #tpu.memory_space<hbm>>, %arg4: memref<640x32xf32, #tpu.memory_space<hbm>>, %arg5: memref<2x10240x32xf32, #tpu.memory_space<hbm>>, %arg6: memref<80x128xi32, #tpu.memory_space<vmem>>, %arg7: memref<80x128xi32, #tpu.memory_space<vmem>>, %arg8: memref<8x128x32xf32, #tpu.memory_space<vmem>>, %arg9: memref<8x128x32xf32, #tpu.memory_space<vmem>>, %arg10: memref<10240x32xf32, #tpu.memory_space<vmem_shared>>, %arg11: memref<!tpu.dma_semaphore, #tpu.memory_space<semaphore_mem>>, %arg12: memref<!tpu.dma_semaphore, #tpu.memory_space<semaphore_mem>>, %arg13: memref<!tpu.dma_semaphore, #tpu.memory_space<semaphore_mem>>, %arg14: memref<!tpu.dma_semaphore, #tpu.memory_space<semaphore_mem>>) attributes {dimension_semantics = [#tpu.dimension_semantics<core_parallel>, #tpu.dimension_semantics<subcore_parallel>], iteration_bounds = array<i64: 2, 16>, scalar_prefetch = 0 : i64, scratch_operands = 9 : i64, tpu.core_type = #tpu.core_type<sc_vector_subcore>, window_params = [{transform_indices = #map}, {transform_indices = #map1}, {transform_indices = #map1}, {transform_indices = #map}]} {
    %mul3A = arith.constant 2 : i32
    %mul3A_0 = arith.muli %arg1, %mul3A : i32
    %add3A = arith.addi %mul3A_0, %arg0 : i32
    %mul3A_1 = arith.constant 640 : i32
    %mul3A_2 = arith.muli %arg1, %mul3A_1 : i32
    "tpu.region"() ({
      %run_scoped3A_113 = tpu.sem_alloc : memref<!tpu.dma_semaphore, #tpu.memory_space<semaphore_mem>>
      %dma_start3A_114 = arith.constant 0 : i32
      %dma_start3A_115 = tpu.memref_slice %arg10[%mul3A_2, %dma_start3A_114] : memref<10240x32xf32, #tpu.memory_space<vmem_shared>> -> memref<640x32xf32, #tpu.memory_space<vmem_shared>>
      tpu.enqueue_dma source(%arg4 : memref<640x32xf32, #tpu.memory_space<hbm>>) target(%dma_start3A_115 : memref<640x32xf32, #tpu.memory_space<vmem_shared>>) target_semaphore(%run_scoped3A_113 : memref<!tpu.dma_semaphore, #tpu.memory_space<semaphore_mem>>)
      %dma_wait3A = arith.constant 0 : i32
      %dma_wait3A_116 = tpu.memref_slice %arg10[%mul3A_2, %dma_wait3A] : memref<10240x32xf32, #tpu.memory_space<vmem_shared>> -> memref<640x32xf32, #tpu.memory_space<vmem_shared>>
      tpu.wait_dma2 semaphore(%run_scoped3A_113 : memref<!tpu.dma_semaphore, #tpu.memory_space<semaphore_mem>>) src(%arg4 : memref<640x32xf32, #tpu.memory_space<hbm>>) dst(%dma_wait3A_116 : memref<640x32xf32, #tpu.memory_space<vmem_shared>>)
      tpu.yield
    }) : () -> ()
    %mul3A_3 = arith.constant 80 : i32
    %mul3A_4 = arith.muli %add3A, %mul3A_3 : i32
    %run_scoped3A = arith.constant 0 : i32
    "tpu.region"() ({
      %run_scoped3A_113 = tpu.sem_alloc : memref<!tpu.dma_semaphore, #tpu.memory_space<semaphore_mem>>
      %dma_start3A_114 = arith.constant 0 : i32
      %dma_start3A_115 = tpu.memref_slice %arg2[%run_scoped3A, %mul3A_4, %dma_start3A_114] : memref<2x2560x128xi32, #tpu.memory_space<hbm>> -> memref<1x80x128xi32, #tpu.memory_space<hbm>>
      %dma_start3A_116 = tpu.memref_squeeze %dma_start3A_115 : memref<1x80x128xi32, #tpu.memory_space<hbm>> -> memref<80x128xi32, #tpu.memory_space<hbm>>
      %dma_start3A_117 = arith.constant 0 : i32
      %dma_start3A_118 = tpu.memref_slice %arg2[%run_scoped3A, %mul3A_4, %dma_start3A_117] : memref<2x2560x128xi32, #tpu.memory_space<hbm>> -> memref<1x80x128xi32, #tpu.memory_space<hbm>>
      %dma_start3A_119 = tpu.memref_squeeze %dma_start3A_118 : memref<1x80x128xi32, #tpu.memory_space<hbm>> -> memref<80x128xi32, #tpu.memory_space<hbm>>
      tpu.enqueue_dma source(%dma_start3A_119 : memref<80x128xi32, #tpu.memory_space<hbm>>) target(%arg6 : memref<80x128xi32, #tpu.memory_space<vmem>>) target_semaphore(%run_scoped3A_113 : memref<!tpu.dma_semaphore, #tpu.memory_space<semaphore_mem>>)
      %dma_wait3A = arith.constant 0 : i32
      %dma_wait3A_120 = tpu.memref_slice %arg2[%run_scoped3A, %mul3A_4, %dma_wait3A] : memref<2x2560x128xi32, #tpu.memory_space<hbm>> -> memref<1x80x128xi32, #tpu.memory_space<hbm>>
      %dma_wait3A_121 = tpu.memref_squeeze %dma_wait3A_120 : memref<1x80x128xi32, #tpu.memory_space<hbm>> -> memref<80x128xi32, #tpu.memory_space<hbm>>
      %dma_wait3A_122 = arith.constant 0 : i32
      %dma_wait3A_123 = tpu.memref_slice %arg2[%run_scoped3A, %mul3A_4, %dma_wait3A_122] : memref<2x2560x128xi32, #tpu.memory_space<hbm>> -> memref<1x80x128xi32, #tpu.memory_space<hbm>>
      %dma_wait3A_124 = tpu.memref_squeeze %dma_wait3A_123 : memref<1x80x128xi32, #tpu.memory_space<hbm>> -> memref<80x128xi32, #tpu.memory_space<hbm>>
      tpu.wait_dma2 semaphore(%run_scoped3A_113 : memref<!tpu.dma_semaphore, #tpu.memory_space<semaphore_mem>>) src(%dma_wait3A_124 : memref<80x128xi32, #tpu.memory_space<hbm>>) dst(%arg6 : memref<80x128xi32, #tpu.memory_space<vmem>>)
      tpu.yield
    }) : () -> ()
    %mul3A_5 = arith.constant 80 : i32
    %mul3A_6 = arith.muli %add3A, %mul3A_5 : i32
    %run_scoped3A_7 = arith.constant 1 : i32
    "tpu.region"() ({
      %run_scoped3A_113 = tpu.sem_alloc : memref<!tpu.dma_semaphore, #tpu.memory_space<semaphore_mem>>
      %dma_start3A_114 = arith.constant 0 : i32
      %dma_start3A_115 = tpu.memref_slice %arg2[%run_scoped3A_7, %mul3A_6, %dma_start3A_114] : memref<2x2560x128xi32, #tpu.memory_space<hbm>> -> memref<1x80x128xi32, #tpu.memory_space<hbm>>
      %dma_start3A_116 = tpu.memref_squeeze %dma_start3A_115 : memref<1x80x128xi32, #tpu.memory_space<hbm>> -> memref<80x128xi32, #tpu.memory_space<hbm>>
      %dma_start3A_117 = arith.constant 0 : i32
      %dma_start3A_118 = tpu.memref_slice %arg2[%run_scoped3A_7, %mul3A_6, %dma_start3A_117] : memref<2x2560x128xi32, #tpu.memory_space<hbm>> -> memref<1x80x128xi32, #tpu.memory_space<hbm>>
      %dma_start3A_119 = tpu.memref_squeeze %dma_start3A_118 : memref<1x80x128xi32, #tpu.memory_space<hbm>> -> memref<80x128xi32, #tpu.memory_space<hbm>>
      tpu.enqueue_dma source(%dma_start3A_119 : memref<80x128xi32, #tpu.memory_space<hbm>>) target(%arg7 : memref<80x128xi32, #tpu.memory_space<vmem>>) target_semaphore(%run_scoped3A_113 : memref<!tpu.dma_semaphore, #tpu.memory_space<semaphore_mem>>)
      %dma_wait3A = arith.constant 0 : i32
      %dma_wait3A_120 = tpu.memref_slice %arg2[%run_scoped3A_7, %mul3A_6, %dma_wait3A] : memref<2x2560x128xi32, #tpu.memory_space<hbm>> -> memref<1x80x128xi32, #tpu.memory_space<hbm>>
      %dma_wait3A_121 = tpu.memref_squeeze %dma_wait3A_120 : memref<1x80x128xi32, #tpu.memory_space<hbm>> -> memref<80x128xi32, #tpu.memory_space<hbm>>
      %dma_wait3A_122 = arith.constant 0 : i32
      %dma_wait3A_123 = tpu.memref_slice %arg2[%run_scoped3A_7, %mul3A_6, %dma_wait3A_122] : memref<2x2560x128xi32, #tpu.memory_space<hbm>> -> memref<1x80x128xi32, #tpu.memory_space<hbm>>
      %dma_wait3A_124 = tpu.memref_squeeze %dma_wait3A_123 : memref<1x80x128xi32, #tpu.memory_space<hbm>> -> memref<80x128xi32, #tpu.memory_space<hbm>>
      tpu.wait_dma2 semaphore(%run_scoped3A_113 : memref<!tpu.dma_semaphore, #tpu.memory_space<semaphore_mem>>) src(%dma_wait3A_124 : memref<80x128xi32, #tpu.memory_space<hbm>>) dst(%arg7 : memref<80x128xi32, #tpu.memory_space<vmem>>)
      tpu.yield
    }) : () -> ()
    %barrier3A = arith.constant 0 : index
    tpu.barrier barrier_id(%barrier3A)
    %dma_start3A = arith.constant 0 : i32
    %dma_start3A_8 = arith.constant 0 : i32
    %dma_start3A_9 = arith.constant 0 : i32
    %dma_start3A_10 = arith.constant 0 : i32
    %dma_start3A_11 = tpu.memref_slice %arg8[%dma_start3A_8, %dma_start3A_9, %dma_start3A_10] : memref<8x128x32xf32, #tpu.memory_space<vmem>> -> memref<1x128x32xf32, #tpu.memory_space<vmem>>
    %dma_start3A_12 = tpu.memref_squeeze %dma_start3A_11 : memref<1x128x32xf32, #tpu.memory_space<vmem>> -> memref<128x32xf32, #tpu.memory_space<vmem>>
    %dma_start3A_13 = arith.constant 0 : i32
    %dma_start3A_14 = tpu.memref_slice %arg6[%dma_start3A, %dma_start3A_13] : memref<80x128xi32, #tpu.memory_space<vmem>> -> memref<1x128xi32, #tpu.memory_space<vmem>>
    %dma_start3A_15 = tpu.memref_squeeze %dma_start3A_14 : memref<1x128xi32, #tpu.memory_space<vmem>> -> memref<128xi32, #tpu.memory_space<vmem>>
    %dma_start3A_16 = arith.constant 0 : i32
    %dma_start3A_17 = arith.constant 0 : i32
    %dma_start3A_18 = tpu.memref_slice %arg3[%dma_start3A_16, %dma_start3A_17] : memref<10000x32xf32, #tpu.memory_space<hbm>> -> memref<10000x32xf32, #tpu.memory_space<hbm>>
    tpu.enqueue_indirect_dma source(%dma_start3A_18 : memref<10000x32xf32, #tpu.memory_space<hbm>>) target(%dma_start3A_12 : memref<128x32xf32, #tpu.memory_space<vmem>>) offsets(%dma_start3A_15 : memref<128xi32, #tpu.memory_space<vmem>>) semaphore(%arg11 : memref<!tpu.dma_semaphore, #tpu.memory_space<semaphore_mem>>)
    %dma_start3A_19 = arith.constant 1 : i32
    %dma_start3A_20 = arith.constant 1 : i32
    %dma_start3A_21 = arith.constant 0 : i32
    %dma_start3A_22 = arith.constant 0 : i32
    %dma_start3A_23 = tpu.memref_slice %arg8[%dma_start3A_20, %dma_start3A_21, %dma_start3A_22] : memref<8x128x32xf32, #tpu.memory_space<vmem>> -> memref<1x128x32xf32, #tpu.memory_space<vmem>>
    %dma_start3A_24 = tpu.memref_squeeze %dma_start3A_23 : memref<1x128x32xf32, #tpu.memory_space<vmem>> -> memref<128x32xf32, #tpu.memory_space<vmem>>
    %dma_start3A_25 = arith.constant 0 : i32
    %dma_start3A_26 = tpu.memref_slice %arg6[%dma_start3A_19, %dma_start3A_25] : memref<80x128xi32, #tpu.memory_space<vmem>> -> memref<1x128xi32, #tpu.memory_space<vmem>>
    %dma_start3A_27 = tpu.memref_squeeze %dma_start3A_26 : memref<1x128xi32, #tpu.memory_space<vmem>> -> memref<128xi32, #tpu.memory_space<vmem>>
    %dma_start3A_28 = arith.constant 0 : i32
    %dma_start3A_29 = arith.constant 0 : i32
    %dma_start3A_30 = tpu.memref_slice %arg3[%dma_start3A_28, %dma_start3A_29] : memref<10000x32xf32, #tpu.memory_space<hbm>> -> memref<10000x32xf32, #tpu.memory_space<hbm>>
    tpu.enqueue_indirect_dma source(%dma_start3A_30 : memref<10000x32xf32, #tpu.memory_space<hbm>>) target(%dma_start3A_24 : memref<128x32xf32, #tpu.memory_space<vmem>>) offsets(%dma_start3A_27 : memref<128xi32, #tpu.memory_space<vmem>>) semaphore(%arg11 : memref<!tpu.dma_semaphore, #tpu.memory_space<semaphore_mem>>)
    %dma_start3A_31 = arith.constant 2 : i32
    %dma_start3A_32 = arith.constant 2 : i32
    %dma_start3A_33 = arith.constant 0 : i32
    %dma_start3A_34 = arith.constant 0 : i32
    %dma_start3A_35 = tpu.memref_slice %arg8[%dma_start3A_32, %dma_start3A_33, %dma_start3A_34] : memref<8x128x32xf32, #tpu.memory_space<vmem>> -> memref<1x128x32xf32, #tpu.memory_space<vmem>>
    %dma_start3A_36 = tpu.memref_squeeze %dma_start3A_35 : memref<1x128x32xf32, #tpu.memory_space<vmem>> -> memref<128x32xf32, #tpu.memory_space<vmem>>
    %dma_start3A_37 = arith.constant 0 : i32
    %dma_start3A_38 = tpu.memref_slice %arg6[%dma_start3A_31, %dma_start3A_37] : memref<80x128xi32, #tpu.memory_space<vmem>> -> memref<1x128xi32, #tpu.memory_space<vmem>>
    %dma_start3A_39 = tpu.memref_squeeze %dma_start3A_38 : memref<1x128xi32, #tpu.memory_space<vmem>> -> memref<128xi32, #tpu.memory_space<vmem>>
    %dma_start3A_40 = arith.constant 0 : i32
    %dma_start3A_41 = arith.constant 0 : i32
    %dma_start3A_42 = tpu.memref_slice %arg3[%dma_start3A_40, %dma_start3A_41] : memref<10000x32xf32, #tpu.memory_space<hbm>> -> memref<10000x32xf32, #tpu.memory_space<hbm>>
    tpu.enqueue_indirect_dma source(%dma_start3A_42 : memref<10000x32xf32, #tpu.memory_space<hbm>>) target(%dma_start3A_36 : memref<128x32xf32, #tpu.memory_space<vmem>>) offsets(%dma_start3A_39 : memref<128xi32, #tpu.memory_space<vmem>>) semaphore(%arg11 : memref<!tpu.dma_semaphore, #tpu.memory_space<semaphore_mem>>)
    %dma_start3A_43 = arith.constant 3 : i32
    %dma_start3A_44 = arith.constant 3 : i32
    %dma_start3A_45 = arith.constant 0 : i32
    %dma_start3A_46 = arith.constant 0 : i32
    %dma_start3A_47 = tpu.memref_slice %arg8[%dma_start3A_44, %dma_start3A_45, %dma_start3A_46] : memref<8x128x32xf32, #tpu.memory_space<vmem>> -> memref<1x128x32xf32, #tpu.memory_space<vmem>>
    %dma_start3A_48 = tpu.memref_squeeze %dma_start3A_47 : memref<1x128x32xf32, #tpu.memory_space<vmem>> -> memref<128x32xf32, #tpu.memory_space<vmem>>
    %dma_start3A_49 = arith.constant 0 : i32
    %dma_start3A_50 = tpu.memref_slice %arg6[%dma_start3A_43, %dma_start3A_49] : memref<80x128xi32, #tpu.memory_space<vmem>> -> memref<1x128xi32, #tpu.memory_space<vmem>>
    %dma_start3A_51 = tpu.memref_squeeze %dma_start3A_50 : memref<1x128xi32, #tpu.memory_space<vmem>> -> memref<128xi32, #tpu.memory_space<vmem>>
    %dma_start3A_52 = arith.constant 0 : i32
    %dma_start3A_53 = arith.constant 0 : i32
    %dma_start3A_54 = tpu.memref_slice %arg3[%dma_start3A_52, %dma_start3A_53] : memref<10000x32xf32, #tpu.memory_space<hbm>> -> memref<10000x32xf32, #tpu.memory_space<hbm>>
    tpu.enqueue_indirect_dma source(%dma_start3A_54 : memref<10000x32xf32, #tpu.memory_space<hbm>>) target(%dma_start3A_48 : memref<128x32xf32, #tpu.memory_space<vmem>>) offsets(%dma_start3A_51 : memref<128xi32, #tpu.memory_space<vmem>>) semaphore(%arg11 : memref<!tpu.dma_semaphore, #tpu.memory_space<semaphore_mem>>)
    %dma_start3A_55 = arith.constant 4 : i32
    %dma_start3A_56 = arith.constant 4 : i32
    %dma_start3A_57 = arith.constant 0 : i32
    %dma_start3A_58 = arith.constant 0 : i32
    %dma_start3A_59 = tpu.memref_slice %arg8[%dma_start3A_56, %dma_start3A_57, %dma_start3A_58] : memref<8x128x32xf32, #tpu.memory_space<vmem>> -> memref<1x128x32xf32, #tpu.memory_space<vmem>>
    %dma_start3A_60 = tpu.memref_squeeze %dma_start3A_59 : memref<1x128x32xf32, #tpu.memory_space<vmem>> -> memref<128x32xf32, #tpu.memory_space<vmem>>
    %dma_start3A_61 = arith.constant 0 : i32
    %dma_start3A_62 = tpu.memref_slice %arg6[%dma_start3A_55, %dma_start3A_61] : memref<80x128xi32, #tpu.memory_space<vmem>> -> memref<1x128xi32, #tpu.memory_space<vmem>>
    %dma_start3A_63 = tpu.memref_squeeze %dma_start3A_62 : memref<1x128xi32, #tpu.memory_space<vmem>> -> memref<128xi32, #tpu.memory_space<vmem>>
    %dma_start3A_64 = arith.constant 0 : i32
    %dma_start3A_65 = arith.constant 0 : i32
    %dma_start3A_66 = tpu.memref_slice %arg3[%dma_start3A_64, %dma_start3A_65] : memref<10000x32xf32, #tpu.memory_space<hbm>> -> memref<10000x32xf32, #tpu.memory_space<hbm>>
    tpu.enqueue_indirect_dma source(%dma_start3A_66 : memref<10000x32xf32, #tpu.memory_space<hbm>>) target(%dma_start3A_60 : memref<128x32xf32, #tpu.memory_space<vmem>>) offsets(%dma_start3A_63 : memref<128xi32, #tpu.memory_space<vmem>>) semaphore(%arg11 : memref<!tpu.dma_semaphore, #tpu.memory_space<semaphore_mem>>)
    %dma_start3A_67 = arith.constant 5 : i32
    %dma_start3A_68 = arith.constant 5 : i32
    %dma_start3A_69 = arith.constant 0 : i32
    %dma_start3A_70 = arith.constant 0 : i32
    %dma_start3A_71 = tpu.memref_slice %arg8[%dma_start3A_68, %dma_start3A_69, %dma_start3A_70] : memref<8x128x32xf32, #tpu.memory_space<vmem>> -> memref<1x128x32xf32, #tpu.memory_space<vmem>>
    %dma_start3A_72 = tpu.memref_squeeze %dma_start3A_71 : memref<1x128x32xf32, #tpu.memory_space<vmem>> -> memref<128x32xf32, #tpu.memory_space<vmem>>
    %dma_start3A_73 = arith.constant 0 : i32
    %dma_start3A_74 = tpu.memref_slice %arg6[%dma_start3A_67, %dma_start3A_73] : memref<80x128xi32, #tpu.memory_space<vmem>> -> memref<1x128xi32, #tpu.memory_space<vmem>>
    %dma_start3A_75 = tpu.memref_squeeze %dma_start3A_74 : memref<1x128xi32, #tpu.memory_space<vmem>> -> memref<128xi32, #tpu.memory_space<vmem>>
    %dma_start3A_76 = arith.constant 0 : i32
    %dma_start3A_77 = arith.constant 0 : i32
    %dma_start3A_78 = tpu.memref_slice %arg3[%dma_start3A_76, %dma_start3A_77] : memref<10000x32xf32, #tpu.memory_space<hbm>> -> memref<10000x32xf32, #tpu.memory_space<hbm>>
    tpu.enqueue_indirect_dma source(%dma_start3A_78 : memref<10000x32xf32, #tpu.memory_space<hbm>>) target(%dma_start3A_72 : memref<128x32xf32, #tpu.memory_space<vmem>>) offsets(%dma_start3A_75 : memref<128xi32, #tpu.memory_space<vmem>>) semaphore(%arg11 : memref<!tpu.dma_semaphore, #tpu.memory_space<semaphore_mem>>)
    %dma_start3A_79 = arith.constant 6 : i32
    %dma_start3A_80 = arith.constant 6 : i32
    %dma_start3A_81 = arith.constant 0 : i32
    %dma_start3A_82 = arith.constant 0 : i32
    %dma_start3A_83 = tpu.memref_slice %arg8[%dma_start3A_80, %dma_start3A_81, %dma_start3A_82] : memref<8x128x32xf32, #tpu.memory_space<vmem>> -> memref<1x128x32xf32, #tpu.memory_space<vmem>>
    %dma_start3A_84 = tpu.memref_squeeze %dma_start3A_83 : memref<1x128x32xf32, #tpu.memory_space<vmem>> -> memref<128x32xf32, #tpu.memory_space<vmem>>
    %dma_start3A_85 = arith.constant 0 : i32
    %dma_start3A_86 = tpu.memref_slice %arg6[%dma_start3A_79, %dma_start3A_85] : memref<80x128xi32, #tpu.memory_space<vmem>> -> memref<1x128xi32, #tpu.memory_space<vmem>>
    %dma_start3A_87 = tpu.memref_squeeze %dma_start3A_86 : memref<1x128xi32, #tpu.memory_space<vmem>> -> memref<128xi32, #tpu.memory_space<vmem>>
    %dma_start3A_88 = arith.constant 0 : i32
    %dma_start3A_89 = arith.constant 0 : i32
    %dma_start3A_90 = tpu.memref_slice %arg3[%dma_start3A_88, %dma_start3A_89] : memref<10000x32xf32, #tpu.memory_space<hbm>> -> memref<10000x32xf32, #tpu.memory_space<hbm>>
    tpu.enqueue_indirect_dma source(%dma_start3A_90 : memref<10000x32xf32, #tpu.memory_space<hbm>>) target(%dma_start3A_84 : memref<128x32xf32, #tpu.memory_space<vmem>>) offsets(%dma_start3A_87 : memref<128xi32, #tpu.memory_space<vmem>>) semaphore(%arg11 : memref<!tpu.dma_semaphore, #tpu.memory_space<semaphore_mem>>)
    %dma_start3A_91 = arith.constant 7 : i32
    %dma_start3A_92 = arith.constant 7 : i32
    %dma_start3A_93 = arith.constant 0 : i32
    %dma_start3A_94 = arith.constant 0 : i32
    %dma_start3A_95 = tpu.memref_slice %arg8[%dma_start3A_92, %dma_start3A_93, %dma_start3A_94] : memref<8x128x32xf32, #tpu.memory_space<vmem>> -> memref<1x128x32xf32, #tpu.memory_space<vmem>>
    %dma_start3A_96 = tpu.memref_squeeze %dma_start3A_95 : memref<1x128x32xf32, #tpu.memory_space<vmem>> -> memref<128x32xf32, #tpu.memory_space<vmem>>
    %dma_start3A_97 = arith.constant 0 : i32
    %dma_start3A_98 = tpu.memref_slice %arg6[%dma_start3A_91, %dma_start3A_97] : memref<80x128xi32, #tpu.memory_space<vmem>> -> memref<1x128xi32, #tpu.memory_space<vmem>>
    %dma_start3A_99 = tpu.memref_squeeze %dma_start3A_98 : memref<1x128xi32, #tpu.memory_space<vmem>> -> memref<128xi32, #tpu.memory_space<vmem>>
    %dma_start3A_100 = arith.constant 0 : i32
    %dma_start3A_101 = arith.constant 0 : i32
    %dma_start3A_102 = tpu.memref_slice %arg3[%dma_start3A_100, %dma_start3A_101] : memref<10000x32xf32, #tpu.memory_space<hbm>> -> memref<10000x32xf32, #tpu.memory_space<hbm>>
    tpu.enqueue_indirect_dma source(%dma_start3A_102 : memref<10000x32xf32, #tpu.memory_space<hbm>>) target(%dma_start3A_96 : memref<128x32xf32, #tpu.memory_space<vmem>>) offsets(%dma_start3A_99 : memref<128xi32, #tpu.memory_space<vmem>>) semaphore(%arg11 : memref<!tpu.dma_semaphore, #tpu.memory_space<semaphore_mem>>)
    %scan3A = arith.constant 0 : i32
    %scan3A_103 = arith.constant 0 : i32
    %scan3A_104 = arith.constant 5 : i32
    %scan3A_105 = arith.addi %scan3A_103, %scan3A_104 : i32
    %scan3A_106 = arith.constant 1 : i32
    scf.for %scan3A_113 = %scan3A_103 to %scan3A_105 step %scan3A_106  : i32 {
      %mul3A_114 = arith.constant 2 : i32
      %mul3A_115 = arith.muli %mul3A_114, %scan3A_113 : i32
      %add3A_116 = arith.constant 1 : i32
      %add3A_117 = arith.addi %mul3A_115, %add3A_116 : i32
      %mul3A_118 = arith.constant 8 : i32
      %mul3A_119 = arith.muli %add3A_117, %mul3A_118 : i32
      %add3A_120 = arith.constant 0 : i32
      %add3A_121 = arith.addi %mul3A_119, %add3A_120 : i32
      %dma_start3A_122 = arith.constant 0 : i32
      %dma_start3A_123 = arith.constant 0 : i32
      %dma_start3A_124 = arith.constant 0 : i32
      %dma_start3A_125 = tpu.memref_slice %arg9[%dma_start3A_122, %dma_start3A_123, %dma_start3A_124] : memref<8x128x32xf32, #tpu.memory_space<vmem>> -> memref<1x128x32xf32, #tpu.memory_space<vmem>>
      %dma_start3A_126 = tpu.memref_squeeze %dma_start3A_125 : memref<1x128x32xf32, #tpu.memory_space<vmem>> -> memref<128x32xf32, #tpu.memory_space<vmem>>
      %dma_start3A_127 = arith.constant 0 : i32
      %dma_start3A_128 = tpu.memref_slice %arg6[%add3A_121, %dma_start3A_127] : memref<80x128xi32, #tpu.memory_space<vmem>> -> memref<1x128xi32, #tpu.memory_space<vmem>>
      %dma_start3A_129 = tpu.memref_squeeze %dma_start3A_128 : memref<1x128xi32, #tpu.memory_space<vmem>> -> memref<128xi32, #tpu.memory_space<vmem>>
      %dma_start3A_130 = arith.constant 0 : i32
      %dma_start3A_131 = arith.constant 0 : i32
      %dma_start3A_132 = tpu.memref_slice %arg3[%dma_start3A_130, %dma_start3A_131] : memref<10000x32xf32, #tpu.memory_space<hbm>> -> memref<10000x32xf32, #tpu.memory_space<hbm>>
      tpu.enqueue_indirect_dma source(%dma_start3A_132 : memref<10000x32xf32, #tpu.memory_space<hbm>>) target(%dma_start3A_126 : memref<128x32xf32, #tpu.memory_space<vmem>>) offsets(%dma_start3A_129 : memref<128xi32, #tpu.memory_space<vmem>>) semaphore(%arg12 : memref<!tpu.dma_semaphore, #tpu.memory_space<semaphore_mem>>)
      %add3A_133 = arith.constant 1 : i32
      %add3A_134 = arith.addi %mul3A_119, %add3A_133 : i32
      %dma_start3A_135 = arith.constant 1 : i32
      %dma_start3A_136 = arith.constant 0 : i32
      %dma_start3A_137 = arith.constant 0 : i32
      %dma_start3A_138 = tpu.memref_slice %arg9[%dma_start3A_135, %dma_start3A_136, %dma_start3A_137] : memref<8x128x32xf32, #tpu.memory_space<vmem>> -> memref<1x128x32xf32, #tpu.memory_space<vmem>>
      %dma_start3A_139 = tpu.memref_squeeze %dma_start3A_138 : memref<1x128x32xf32, #tpu.memory_space<vmem>> -> memref<128x32xf32, #tpu.memory_space<vmem>>
      %dma_start3A_140 = arith.constant 0 : i32
      %dma_start3A_141 = tpu.memref_slice %arg6[%add3A_134, %dma_start3A_140] : memref<80x128xi32, #tpu.memory_space<vmem>> -> memref<1x128xi32, #tpu.memory_space<vmem>>
      %dma_start3A_142 = tpu.memref_squeeze %dma_start3A_141 : memref<1x128xi32, #tpu.memory_space<vmem>> -> memref<128xi32, #tpu.memory_space<vmem>>
      %dma_start3A_143 = arith.constant 0 : i32
      %dma_start3A_144 = arith.constant 0 : i32
      %dma_start3A_145 = tpu.memref_slice %arg3[%dma_start3A_143, %dma_start3A_144] : memref<10000x32xf32, #tpu.memory_space<hbm>> -> memref<10000x32xf32, #tpu.memory_space<hbm>>
      tpu.enqueue_indirect_dma source(%dma_start3A_145 : memref<10000x32xf32, #tpu.memory_space<hbm>>) target(%dma_start3A_139 : memref<128x32xf32, #tpu.memory_space<vmem>>) offsets(%dma_start3A_142 : memref<128xi32, #tpu.memory_space<vmem>>) semaphore(%arg12 : memref<!tpu.dma_semaphore, #tpu.memory_space<semaphore_mem>>)
      %add3A_146 = arith.constant 2 : i32
      %add3A_147 = arith.addi %mul3A_119, %add3A_146 : i32
      %dma_start3A_148 = arith.constant 2 : i32
      %dma_start3A_149 = arith.constant 0 : i32
      %dma_start3A_150 = arith.constant 0 : i32
      %dma_start3A_151 = tpu.memref_slice %arg9[%dma_start3A_148, %dma_start3A_149, %dma_start3A_150] : memref<8x128x32xf32, #tpu.memory_space<vmem>> -> memref<1x128x32xf32, #tpu.memory_space<vmem>>
      %dma_start3A_152 = tpu.memref_squeeze %dma_start3A_151 : memref<1x128x32xf32, #tpu.memory_space<vmem>> -> memref<128x32xf32, #tpu.memory_space<vmem>>
      %dma_start3A_153 = arith.constant 0 : i32
      %dma_start3A_154 = tpu.memref_slice %arg6[%add3A_147, %dma_start3A_153] : memref<80x128xi32, #tpu.memory_space<vmem>> -> memref<1x128xi32, #tpu.memory_space<vmem>>
      %dma_start3A_155 = tpu.memref_squeeze %dma_start3A_154 : memref<1x128xi32, #tpu.memory_space<vmem>> -> memref<128xi32, #tpu.memory_space<vmem>>
      %dma_start3A_156 = arith.constant 0 : i32
      %dma_start3A_157 = arith.constant 0 : i32
      %dma_start3A_158 = tpu.memref_slice %arg3[%dma_start3A_156, %dma_start3A_157] : memref<10000x32xf32, #tpu.memory_space<hbm>> -> memref<10000x32xf32, #tpu.memory_space<hbm>>
      tpu.enqueue_indirect_dma source(%dma_start3A_158 : memref<10000x32xf32, #tpu.memory_space<hbm>>) target(%dma_start3A_152 : memref<128x32xf32, #tpu.memory_space<vmem>>) offsets(%dma_start3A_155 : memref<128xi32, #tpu.memory_space<vmem>>) semaphore(%arg12 : memref<!tpu.dma_semaphore, #tpu.memory_space<semaphore_mem>>)
      %add3A_159 = arith.constant 3 : i32
      %add3A_160 = arith.addi %mul3A_119, %add3A_159 : i32
      %dma_start3A_161 = arith.constant 3 : i32
      %dma_start3A_162 = arith.constant 0 : i32
      %dma_start3A_163 = arith.constant 0 : i32
      %dma_start3A_164 = tpu.memref_slice %arg9[%dma_start3A_161, %dma_start3A_162, %dma_start3A_163] : memref<8x128x32xf32, #tpu.memory_space<vmem>> -> memref<1x128x32xf32, #tpu.memory_space<vmem>>
      %dma_start3A_165 = tpu.memref_squeeze %dma_start3A_164 : memref<1x128x32xf32, #tpu.memory_space<vmem>> -> memref<128x32xf32, #tpu.memory_space<vmem>>
      %dma_start3A_166 = arith.constant 0 : i32
      %dma_start3A_167 = tpu.memref_slice %arg6[%add3A_160, %dma_start3A_166] : memref<80x128xi32, #tpu.memory_space<vmem>> -> memref<1x128xi32, #tpu.memory_space<vmem>>
      %dma_start3A_168 = tpu.memref_squeeze %dma_start3A_167 : memref<1x128xi32, #tpu.memory_space<vmem>> -> memref<128xi32, #tpu.memory_space<vmem>>
      %dma_start3A_169 = arith.constant 0 : i32
      %dma_start3A_170 = arith.constant 0 : i32
      %dma_start3A_171 = tpu.memref_slice %arg3[%dma_start3A_169, %dma_start3A_170] : memref<10000x32xf32, #tpu.memory_space<hbm>> -> memref<10000x32xf32, #tpu.memory_space<hbm>>
      tpu.enqueue_indirect_dma source(%dma_start3A_171 : memref<10000x32xf32, #tpu.memory_space<hbm>>) target(%dma_start3A_165 : memref<128x32xf32, #tpu.memory_space<vmem>>) offsets(%dma_start3A_168 : memref<128xi32, #tpu.memory_space<vmem>>) semaphore(%arg12 : memref<!tpu.dma_semaphore, #tpu.memory_space<semaphore_mem>>)
      %add3A_172 = arith.constant 4 : i32
      %add3A_173 = arith.addi %mul3A_119, %add3A_172 : i32
      %dma_start3A_174 = arith.constant 4 : i32
      %dma_start3A_175 = arith.constant 0 : i32
      %dma_start3A_176 = arith.constant 0 : i32
      %dma_start3A_177 = tpu.memref_slice %arg9[%dma_start3A_174, %dma_start3A_175, %dma_start3A_176] : memref<8x128x32xf32, #tpu.memory_space<vmem>> -> memref<1x128x32xf32, #tpu.memory_space<vmem>>
      %dma_start3A_178 = tpu.memref_squeeze %dma_start3A_177 : memref<1x128x32xf32, #tpu.memory_space<vmem>> -> memref<128x32xf32, #tpu.memory_space<vmem>>
      %dma_start3A_179 = arith.constant 0 : i32
      %dma_start3A_180 = tpu.memref_slice %arg6[%add3A_173, %dma_start3A_179] : memref<80x128xi32, #tpu.memory_space<vmem>> -> memref<1x128xi32, #tpu.memory_space<vmem>>
      %dma_start3A_181 = tpu.memref_squeeze %dma_start3A_180 : memref<1x128xi32, #tpu.memory_space<vmem>> -> memref<128xi32, #tpu.memory_space<vmem>>
      %dma_start3A_182 = arith.constant 0 : i32
      %dma_start3A_183 = arith.constant 0 : i32
      %dma_start3A_184 = tpu.memref_slice %arg3[%dma_start3A_182, %dma_start3A_183] : memref<10000x32xf32, #tpu.memory_space<hbm>> -> memref<10000x32xf32, #tpu.memory_space<hbm>>
      tpu.enqueue_indirect_dma source(%dma_start3A_184 : memref<10000x32xf32, #tpu.memory_space<hbm>>) target(%dma_start3A_178 : memref<128x32xf32, #tpu.memory_space<vmem>>) offsets(%dma_start3A_181 : memref<128xi32, #tpu.memory_space<vmem>>) semaphore(%arg12 : memref<!tpu.dma_semaphore, #tpu.memory_space<semaphore_mem>>)
      %add3A_185 = arith.constant 5 : i32
      %add3A_186 = arith.addi %mul3A_119, %add3A_185 : i32
      %dma_start3A_187 = arith.constant 5 : i32
      %dma_start3A_188 = arith.constant 0 : i32
      %dma_start3A_189 = arith.constant 0 : i32
      %dma_start3A_190 = tpu.memref_slice %arg9[%dma_start3A_187, %dma_start3A_188, %dma_start3A_189] : memref<8x128x32xf32, #tpu.memory_space<vmem>> -> memref<1x128x32xf32, #tpu.memory_space<vmem>>
      %dma_start3A_191 = tpu.memref_squeeze %dma_start3A_190 : memref<1x128x32xf32, #tpu.memory_space<vmem>> -> memref<128x32xf32, #tpu.memory_space<vmem>>
      %dma_start3A_192 = arith.constant 0 : i32
      %dma_start3A_193 = tpu.memref_slice %arg6[%add3A_186, %dma_start3A_192] : memref<80x128xi32, #tpu.memory_space<vmem>> -> memref<1x128xi32, #tpu.memory_space<vmem>>
      %dma_start3A_194 = tpu.memref_squeeze %dma_start3A_193 : memref<1x128xi32, #tpu.memory_space<vmem>> -> memref<128xi32, #tpu.memory_space<vmem>>
      %dma_start3A_195 = arith.constant 0 : i32
      %dma_start3A_196 = arith.constant 0 : i32
      %dma_start3A_197 = tpu.memref_slice %arg3[%dma_start3A_195, %dma_start3A_196] : memref<10000x32xf32, #tpu.memory_space<hbm>> -> memref<10000x32xf32, #tpu.memory_space<hbm>>
      tpu.enqueue_indirect_dma source(%dma_start3A_197 : memref<10000x32xf32, #tpu.memory_space<hbm>>) target(%dma_start3A_191 : memref<128x32xf32, #tpu.memory_space<vmem>>) offsets(%dma_start3A_194 : memref<128xi32, #tpu.memory_space<vmem>>) semaphore(%arg12 : memref<!tpu.dma_semaphore, #tpu.memory_space<semaphore_mem>>)
      %add3A_198 = arith.constant 6 : i32
      %add3A_199 = arith.addi %mul3A_119, %add3A_198 : i32
      %dma_start3A_200 = arith.constant 6 : i32
      %dma_start3A_201 = arith.constant 0 : i32
      %dma_start3A_202 = arith.constant 0 : i32
      %dma_start3A_203 = tpu.memref_slice %arg9[%dma_start3A_200, %dma_start3A_201, %dma_start3A_202] : memref<8x128x32xf32, #tpu.memory_space<vmem>> -> memref<1x128x32xf32, #tpu.memory_space<vmem>>
      %dma_start3A_204 = tpu.memref_squeeze %dma_start3A_203 : memref<1x128x32xf32, #tpu.memory_space<vmem>> -> memref<128x32xf32, #tpu.memory_space<vmem>>
      %dma_start3A_205 = arith.constant 0 : i32
      %dma_start3A_206 = tpu.memref_slice %arg6[%add3A_199, %dma_start3A_205] : memref<80x128xi32, #tpu.memory_space<vmem>> -> memref<1x128xi32, #tpu.memory_space<vmem>>
      %dma_start3A_207 = tpu.memref_squeeze %dma_start3A_206 : memref<1x128xi32, #tpu.memory_space<vmem>> -> memref<128xi32, #tpu.memory_space<vmem>>
      %dma_start3A_208 = arith.constant 0 : i32
      %dma_start3A_209 = arith.constant 0 : i32
      %dma_start3A_210 = tpu.memref_slice %arg3[%dma_start3A_208, %dma_start3A_209] : memref<10000x32xf32, #tpu.memory_space<hbm>> -> memref<10000x32xf32, #tpu.memory_space<hbm>>
      tpu.enqueue_indirect_dma source(%dma_start3A_210 : memref<10000x32xf32, #tpu.memory_space<hbm>>) target(%dma_start3A_204 : memref<128x32xf32, #tpu.memory_space<vmem>>) offsets(%dma_start3A_207 : memref<128xi32, #tpu.memory_space<vmem>>) semaphore(%arg12 : memref<!tpu.dma_semaphore, #tpu.memory_space<semaphore_mem>>)
      %add3A_211 = arith.constant 7 : i32
      %add3A_212 = arith.addi %mul3A_119, %add3A_211 : i32
      %dma_start3A_213 = arith.constant 7 : i32
      %dma_start3A_214 = arith.constant 0 : i32
      %dma_start3A_215 = arith.constant 0 : i32
      %dma_start3A_216 = tpu.memref_slice %arg9[%dma_start3A_213, %dma_start3A_214, %dma_start3A_215] : memref<8x128x32xf32, #tpu.memory_space<vmem>> -> memref<1x128x32xf32, #tpu.memory_space<vmem>>
      %dma_start3A_217 = tpu.memref_squeeze %dma_start3A_216 : memref<1x128x32xf32, #tpu.memory_space<vmem>> -> memref<128x32xf32, #tpu.memory_space<vmem>>
      %dma_start3A_218 = arith.constant 0 : i32
      %dma_start3A_219 = tpu.memref_slice %arg6[%add3A_212, %dma_start3A_218] : memref<80x128xi32, #tpu.memory_space<vmem>> -> memref<1x128xi32, #tpu.memory_space<vmem>>
      %dma_start3A_220 = tpu.memref_squeeze %dma_start3A_219 : memref<1x128xi32, #tpu.memory_space<vmem>> -> memref<128xi32, #tpu.memory_space<vmem>>
      %dma_start3A_221 = arith.constant 0 : i32
      %dma_start3A_222 = arith.constant 0 : i32
      %dma_start3A_223 = tpu.memref_slice %arg3[%dma_start3A_221, %dma_start3A_222] : memref<10000x32xf32, #tpu.memory_space<hbm>> -> memref<10000x32xf32, #tpu.memory_space<hbm>>
      tpu.enqueue_indirect_dma source(%dma_start3A_223 : memref<10000x32xf32, #tpu.memory_space<hbm>>) target(%dma_start3A_217 : memref<128x32xf32, #tpu.memory_space<vmem>>) offsets(%dma_start3A_220 : memref<128xi32, #tpu.memory_space<vmem>>) semaphore(%arg12 : memref<!tpu.dma_semaphore, #tpu.memory_space<semaphore_mem>>)
      %mul3A_224 = arith.constant 8 : i32
      %mul3A_225 = arith.muli %mul3A_115, %mul3A_224 : i32
      %add3A_226 = arith.constant 0 : i32
      %add3A_227 = arith.addi %mul3A_225, %add3A_226 : i32
      %dma_wait3A = arith.constant 0 : i32
      %dma_wait3A_228 = arith.constant 0 : i32
      %dma_wait3A_229 = arith.constant 0 : i32
      %dma_wait3A_230 = tpu.memref_slice %arg8[%dma_wait3A, %dma_wait3A_228, %dma_wait3A_229] : memref<8x128x32xf32, #tpu.memory_space<vmem>> -> memref<1x128x32xf32, #tpu.memory_space<vmem>>
      %dma_wait3A_231 = tpu.memref_squeeze %dma_wait3A_230 : memref<1x128x32xf32, #tpu.memory_space<vmem>> -> memref<128x32xf32, #tpu.memory_space<vmem>>
      %dma_wait3A_232 = arith.constant 0 : i32
      %dma_wait3A_233 = tpu.memref_slice %arg6[%add3A_227, %dma_wait3A_232] : memref<80x128xi32, #tpu.memory_space<vmem>> -> memref<1x128xi32, #tpu.memory_space<vmem>>
      %dma_wait3A_234 = tpu.memref_squeeze %dma_wait3A_233 : memref<1x128xi32, #tpu.memory_space<vmem>> -> memref<128xi32, #tpu.memory_space<vmem>>
      %dma_wait3A_235 = arith.constant 0 : i32
      %dma_wait3A_236 = arith.constant 0 : i32
      %dma_wait3A_237 = tpu.memref_slice %arg3[%dma_wait3A_235, %dma_wait3A_236] : memref<10000x32xf32, #tpu.memory_space<hbm>> -> memref<10000x32xf32, #tpu.memory_space<hbm>>
      tpu.wait_indirect_dma semaphore(%arg11 : memref<!tpu.dma_semaphore, #tpu.memory_space<semaphore_mem>>) src(%dma_wait3A_237 : memref<10000x32xf32, #tpu.memory_space<hbm>>) dst(%dma_wait3A_231 : memref<128x32xf32, #tpu.memory_space<vmem>>)
      %add3A_238 = arith.constant 0 : i32
      %add3A_239 = arith.addi %mul3A_225, %add3A_238 : i32
      %dma_start3A_240 = arith.constant 0 : i32
      %dma_start3A_241 = arith.constant 0 : i32
      %dma_start3A_242 = arith.constant 0 : i32
      %dma_start3A_243 = tpu.memref_slice %arg8[%dma_start3A_240, %dma_start3A_241, %dma_start3A_242] : memref<8x128x32xf32, #tpu.memory_space<vmem>> -> memref<1x128x32xf32, #tpu.memory_space<vmem>>
      %dma_start3A_244 = tpu.memref_squeeze %dma_start3A_243 : memref<1x128x32xf32, #tpu.memory_space<vmem>> -> memref<128x32xf32, #tpu.memory_space<vmem>>
      %dma_start3A_245 = arith.constant 0 : i32
      %dma_start3A_246 = tpu.memref_slice %arg7[%add3A_239, %dma_start3A_245] : memref<80x128xi32, #tpu.memory_space<vmem>> -> memref<1x128xi32, #tpu.memory_space<vmem>>
      %dma_start3A_247 = tpu.memref_squeeze %dma_start3A_246 : memref<1x128xi32, #tpu.memory_space<vmem>> -> memref<128xi32, #tpu.memory_space<vmem>>
      %dma_start3A_248 = arith.constant 0 : i32
      %dma_start3A_249 = arith.constant 0 : i32
      %dma_start3A_250 = tpu.memref_slice %arg10[%dma_start3A_248, %dma_start3A_249] : memref<10240x32xf32, #tpu.memory_space<vmem_shared>> -> memref<10240x32xf32, #tpu.memory_space<vmem_shared>>
      tpu.enqueue_indirect_dma source(%dma_start3A_244 : memref<128x32xf32, #tpu.memory_space<vmem>>) target(%dma_start3A_250 : memref<10240x32xf32, #tpu.memory_space<vmem_shared>>) offsets(%dma_start3A_247 : memref<128xi32, #tpu.memory_space<vmem>>) semaphore(%arg13 : memref<!tpu.dma_semaphore, #tpu.memory_space<semaphore_mem>>) {add = true}
      %add3A_251 = arith.constant 1 : i32
      %add3A_252 = arith.addi %mul3A_225, %add3A_251 : i32
      %dma_wait3A_253 = arith.constant 1 : i32
      %dma_wait3A_254 = arith.constant 0 : i32
      %dma_wait3A_255 = arith.constant 0 : i32
      %dma_wait3A_256 = tpu.memref_slice %arg8[%dma_wait3A_253, %dma_wait3A_254, %dma_wait3A_255] : memref<8x128x32xf32, #tpu.memory_space<vmem>> -> memref<1x128x32xf32, #tpu.memory_space<vmem>>
      %dma_wait3A_257 = tpu.memref_squeeze %dma_wait3A_256 : memref<1x128x32xf32, #tpu.memory_space<vmem>> -> memref<128x32xf32, #tpu.memory_space<vmem>>
      %dma_wait3A_258 = arith.constant 0 : i32
      %dma_wait3A_259 = tpu.memref_slice %arg6[%add3A_252, %dma_wait3A_258] : memref<80x128xi32, #tpu.memory_space<vmem>> -> memref<1x128xi32, #tpu.memory_space<vmem>>
      %dma_wait3A_260 = tpu.memref_squeeze %dma_wait3A_259 : memref<1x128xi32, #tpu.memory_space<vmem>> -> memref<128xi32, #tpu.memory_space<vmem>>
      %dma_wait3A_261 = arith.constant 0 : i32
      %dma_wait3A_262 = arith.constant 0 : i32
      %dma_wait3A_263 = tpu.memref_slice %arg3[%dma_wait3A_261, %dma_wait3A_262] : memref<10000x32xf32, #tpu.memory_space<hbm>> -> memref<10000x32xf32, #tpu.memory_space<hbm>>
      tpu.wait_indirect_dma semaphore(%arg11 : memref<!tpu.dma_semaphore, #tpu.memory_space<semaphore_mem>>) src(%dma_wait3A_263 : memref<10000x32xf32, #tpu.memory_space<hbm>>) dst(%dma_wait3A_257 : memref<128x32xf32, #tpu.memory_space<vmem>>)
      %add3A_264 = arith.constant 1 : i32
      %add3A_265 = arith.addi %mul3A_225, %add3A_264 : i32
      %dma_start3A_266 = arith.constant 1 : i32
      %dma_start3A_267 = arith.constant 0 : i32
      %dma_start3A_268 = arith.constant 0 : i32
      %dma_start3A_269 = tpu.memref_slice %arg8[%dma_start3A_266, %dma_start3A_267, %dma_start3A_268] : memref<8x128x32xf32, #tpu.memory_space<vmem>> -> memref<1x128x32xf32, #tpu.memory_space<vmem>>
      %dma_start3A_270 = tpu.memref_squeeze %dma_start3A_269 : memref<1x128x32xf32, #tpu.memory_space<vmem>> -> memref<128x32xf32, #tpu.memory_space<vmem>>
      %dma_start3A_271 = arith.constant 0 : i32
      %dma_start3A_272 = tpu.memref_slice %arg7[%add3A_265, %dma_start3A_271] : memref<80x128xi32, #tpu.memory_space<vmem>> -> memref<1x128xi32, #tpu.memory_space<vmem>>
      %dma_start3A_273 = tpu.memref_squeeze %dma_start3A_272 : memref<1x128xi32, #tpu.memory_space<vmem>> -> memref<128xi32, #tpu.memory_space<vmem>>
      %dma_start3A_274 = arith.constant 0 : i32
      %dma_start3A_275 = arith.constant 0 : i32
      %dma_start3A_276 = tpu.memref_slice %arg10[%dma_start3A_274, %dma_start3A_275] : memref<10240x32xf32, #tpu.memory_space<vmem_shared>> -> memref<10240x32xf32, #tpu.memory_space<vmem_shared>>
      tpu.enqueue_indirect_dma source(%dma_start3A_270 : memref<128x32xf32, #tpu.memory_space<vmem>>) target(%dma_start3A_276 : memref<10240x32xf32, #tpu.memory_space<vmem_shared>>) offsets(%dma_start3A_273 : memref<128xi32, #tpu.memory_space<vmem>>) semaphore(%arg13 : memref<!tpu.dma_semaphore, #tpu.memory_space<semaphore_mem>>) {add = true}
      %add3A_277 = arith.constant 2 : i32
      %add3A_278 = arith.addi %mul3A_225, %add3A_277 : i32
      %dma_wait3A_279 = arith.constant 2 : i32
      %dma_wait3A_280 = arith.constant 0 : i32
      %dma_wait3A_281 = arith.constant 0 : i32
      %dma_wait3A_282 = tpu.memref_slice %arg8[%dma_wait3A_279, %dma_wait3A_280, %dma_wait3A_281] : memref<8x128x32xf32, #tpu.memory_space<vmem>> -> memref<1x128x32xf32, #tpu.memory_space<vmem>>
      %dma_wait3A_283 = tpu.memref_squeeze %dma_wait3A_282 : memref<1x128x32xf32, #tpu.memory_space<vmem>> -> memref<128x32xf32, #tpu.memory_space<vmem>>
      %dma_wait3A_284 = arith.constant 0 : i32
      %dma_wait3A_285 = tpu.memref_slice %arg6[%add3A_278, %dma_wait3A_284] : memref<80x128xi32, #tpu.memory_space<vmem>> -> memref<1x128xi32, #tpu.memory_space<vmem>>
      %dma_wait3A_286 = tpu.memref_squeeze %dma_wait3A_285 : memref<1x128xi32, #tpu.memory_space<vmem>> -> memref<128xi32, #tpu.memory_space<vmem>>
      %dma_wait3A_287 = arith.constant 0 : i32
      %dma_wait3A_288 = arith.constant 0 : i32
      %dma_wait3A_289 = tpu.memref_slice %arg3[%dma_wait3A_287, %dma_wait3A_288] : memref<10000x32xf32, #tpu.memory_space<hbm>> -> memref<10000x32xf32, #tpu.memory_space<hbm>>
      tpu.wait_indirect_dma semaphore(%arg11 : memref<!tpu.dma_semaphore, #tpu.memory_space<semaphore_mem>>) src(%dma_wait3A_289 : memref<10000x32xf32, #tpu.memory_space<hbm>>) dst(%dma_wait3A_283 : memref<128x32xf32, #tpu.memory_space<vmem>>)
      %add3A_290 = arith.constant 2 : i32
      %add3A_291 = arith.addi %mul3A_225, %add3A_290 : i32
      %dma_start3A_292 = arith.constant 2 : i32
      %dma_start3A_293 = arith.constant 0 : i32
      %dma_start3A_294 = arith.constant 0 : i32
      %dma_start3A_295 = tpu.memref_slice %arg8[%dma_start3A_292, %dma_start3A_293, %dma_start3A_294] : memref<8x128x32xf32, #tpu.memory_space<vmem>> -> memref<1x128x32xf32, #tpu.memory_space<vmem>>
      %dma_start3A_296 = tpu.memref_squeeze %dma_start3A_295 : memref<1x128x32xf32, #tpu.memory_space<vmem>> -> memref<128x32xf32, #tpu.memory_space<vmem>>
      %dma_start3A_297 = arith.constant 0 : i32
      %dma_start3A_298 = tpu.memref_slice %arg7[%add3A_291, %dma_start3A_297] : memref<80x128xi32, #tpu.memory_space<vmem>> -> memref<1x128xi32, #tpu.memory_space<vmem>>
      %dma_start3A_299 = tpu.memref_squeeze %dma_start3A_298 : memref<1x128xi32, #tpu.memory_space<vmem>> -> memref<128xi32, #tpu.memory_space<vmem>>
      %dma_start3A_300 = arith.constant 0 : i32
      %dma_start3A_301 = arith.constant 0 : i32
      %dma_start3A_302 = tpu.memref_slice %arg10[%dma_start3A_300, %dma_start3A_301] : memref<10240x32xf32, #tpu.memory_space<vmem_shared>> -> memref<10240x32xf32, #tpu.memory_space<vmem_shared>>
      tpu.enqueue_indirect_dma source(%dma_start3A_296 : memref<128x32xf32, #tpu.memory_space<vmem>>) target(%dma_start3A_302 : memref<10240x32xf32, #tpu.memory_space<vmem_shared>>) offsets(%dma_start3A_299 : memref<128xi32, #tpu.memory_space<vmem>>) semaphore(%arg13 : memref<!tpu.dma_semaphore, #tpu.memory_space<semaphore_mem>>) {add = true}
      %add3A_303 = arith.constant 3 : i32
      %add3A_304 = arith.addi %mul3A_225, %add3A_303 : i32
      %dma_wait3A_305 = arith.constant 3 : i32
      %dma_wait3A_306 = arith.constant 0 : i32
      %dma_wait3A_307 = arith.constant 0 : i32
      %dma_wait3A_308 = tpu.memref_slice %arg8[%dma_wait3A_305, %dma_wait3A_306, %dma_wait3A_307] : memref<8x128x32xf32, #tpu.memory_space<vmem>> -> memref<1x128x32xf32, #tpu.memory_space<vmem>>
      %dma_wait3A_309 = tpu.memref_squeeze %dma_wait3A_308 : memref<1x128x32xf32, #tpu.memory_space<vmem>> -> memref<128x32xf32, #tpu.memory_space<vmem>>
      %dma_wait3A_310 = arith.constant 0 : i32
      %dma_wait3A_311 = tpu.memref_slice %arg6[%add3A_304, %dma_wait3A_310] : memref<80x128xi32, #tpu.memory_space<vmem>> -> memref<1x128xi32, #tpu.memory_space<vmem>>
      %dma_wait3A_312 = tpu.memref_squeeze %dma_wait3A_311 : memref<1x128xi32, #tpu.memory_space<vmem>> -> memref<128xi32, #tpu.memory_space<vmem>>
      %dma_wait3A_313 = arith.constant 0 : i32
      %dma_wait3A_314 = arith.constant 0 : i32
      %dma_wait3A_315 = tpu.memref_slice %arg3[%dma_wait3A_313, %dma_wait3A_314] : memref<10000x32xf32, #tpu.memory_space<hbm>> -> memref<10000x32xf32, #tpu.memory_space<hbm>>
      tpu.wait_indirect_dma semaphore(%arg11 : memref<!tpu.dma_semaphore, #tpu.memory_space<semaphore_mem>>) src(%dma_wait3A_315 : memref<10000x32xf32, #tpu.memory_space<hbm>>) dst(%dma_wait3A_309 : memref<128x32xf32, #tpu.memory_space<vmem>>)
      %add3A_316 = arith.constant 3 : i32
      %add3A_317 = arith.addi %mul3A_225, %add3A_316 : i32
      %dma_start3A_318 = arith.constant 3 : i32
      %dma_start3A_319 = arith.constant 0 : i32
      %dma_start3A_320 = arith.constant 0 : i32
      %dma_start3A_321 = tpu.memref_slice %arg8[%dma_start3A_318, %dma_start3A_319, %dma_start3A_320] : memref<8x128x32xf32, #tpu.memory_space<vmem>> -> memref<1x128x32xf32, #tpu.memory_space<vmem>>
      %dma_start3A_322 = tpu.memref_squeeze %dma_start3A_321 : memref<1x128x32xf32, #tpu.memory_space<vmem>> -> memref<128x32xf32, #tpu.memory_space<vmem>>
      %dma_start3A_323 = arith.constant 0 : i32
      %dma_start3A_324 = tpu.memref_slice %arg7[%add3A_317, %dma_start3A_323] : memref<80x128xi32, #tpu.memory_space<vmem>> -> memref<1x128xi32, #tpu.memory_space<vmem>>
      %dma_start3A_325 = tpu.memref_squeeze %dma_start3A_324 : memref<1x128xi32, #tpu.memory_space<vmem>> -> memref<128xi32, #tpu.memory_space<vmem>>
      %dma_start3A_326 = arith.constant 0 : i32
      %dma_start3A_327 = arith.constant 0 : i32
      %dma_start3A_328 = tpu.memref_slice %arg10[%dma_start3A_326, %dma_start3A_327] : memref<10240x32xf32, #tpu.memory_space<vmem_shared>> -> memref<10240x32xf32, #tpu.memory_space<vmem_shared>>
      tpu.enqueue_indirect_dma source(%dma_start3A_322 : memref<128x32xf32, #tpu.memory_space<vmem>>) target(%dma_start3A_328 : memref<10240x32xf32, #tpu.memory_space<vmem_shared>>) offsets(%dma_start3A_325 : memref<128xi32, #tpu.memory_space<vmem>>) semaphore(%arg13 : memref<!tpu.dma_semaphore, #tpu.memory_space<semaphore_mem>>) {add = true}
      %add3A_329 = arith.constant 4 : i32
      %add3A_330 = arith.addi %mul3A_225, %add3A_329 : i32
      %dma_wait3A_331 = arith.constant 4 : i32
      %dma_wait3A_332 = arith.constant 0 : i32
      %dma_wait3A_333 = arith.constant 0 : i32
      %dma_wait3A_334 = tpu.memref_slice %arg8[%dma_wait3A_331, %dma_wait3A_332, %dma_wait3A_333] : memref<8x128x32xf32, #tpu.memory_space<vmem>> -> memref<1x128x32xf32, #tpu.memory_space<vmem>>
      %dma_wait3A_335 = tpu.memref_squeeze %dma_wait3A_334 : memref<1x128x32xf32, #tpu.memory_space<vmem>> -> memref<128x32xf32, #tpu.memory_space<vmem>>
      %dma_wait3A_336 = arith.constant 0 : i32
      %dma_wait3A_337 = tpu.memref_slice %arg6[%add3A_330, %dma_wait3A_336] : memref<80x128xi32, #tpu.memory_space<vmem>> -> memref<1x128xi32, #tpu.memory_space<vmem>>
      %dma_wait3A_338 = tpu.memref_squeeze %dma_wait3A_337 : memref<1x128xi32, #tpu.memory_space<vmem>> -> memref<128xi32, #tpu.memory_space<vmem>>
      %dma_wait3A_339 = arith.constant 0 : i32
      %dma_wait3A_340 = arith.constant 0 : i32
      %dma_wait3A_341 = tpu.memref_slice %arg3[%dma_wait3A_339, %dma_wait3A_340] : memref<10000x32xf32, #tpu.memory_space<hbm>> -> memref<10000x32xf32, #tpu.memory_space<hbm>>
      tpu.wait_indirect_dma semaphore(%arg11 : memref<!tpu.dma_semaphore, #tpu.memory_space<semaphore_mem>>) src(%dma_wait3A_341 : memref<10000x32xf32, #tpu.memory_space<hbm>>) dst(%dma_wait3A_335 : memref<128x32xf32, #tpu.memory_space<vmem>>)
      %add3A_342 = arith.constant 4 : i32
      %add3A_343 = arith.addi %mul3A_225, %add3A_342 : i32
      %dma_start3A_344 = arith.constant 4 : i32
      %dma_start3A_345 = arith.constant 0 : i32
      %dma_start3A_346 = arith.constant 0 : i32
      %dma_start3A_347 = tpu.memref_slice %arg8[%dma_start3A_344, %dma_start3A_345, %dma_start3A_346] : memref<8x128x32xf32, #tpu.memory_space<vmem>> -> memref<1x128x32xf32, #tpu.memory_space<vmem>>
      %dma_start3A_348 = tpu.memref_squeeze %dma_start3A_347 : memref<1x128x32xf32, #tpu.memory_space<vmem>> -> memref<128x32xf32, #tpu.memory_space<vmem>>
      %dma_start3A_349 = arith.constant 0 : i32
      %dma_start3A_350 = tpu.memref_slice %arg7[%add3A_343, %dma_start3A_349] : memref<80x128xi32, #tpu.memory_space<vmem>> -> memref<1x128xi32, #tpu.memory_space<vmem>>
      %dma_start3A_351 = tpu.memref_squeeze %dma_start3A_350 : memref<1x128xi32, #tpu.memory_space<vmem>> -> memref<128xi32, #tpu.memory_space<vmem>>
      %dma_start3A_352 = arith.constant 0 : i32
      %dma_start3A_353 = arith.constant 0 : i32
      %dma_start3A_354 = tpu.memref_slice %arg10[%dma_start3A_352, %dma_start3A_353] : memref<10240x32xf32, #tpu.memory_space<vmem_shared>> -> memref<10240x32xf32, #tpu.memory_space<vmem_shared>>
      tpu.enqueue_indirect_dma source(%dma_start3A_348 : memref<128x32xf32, #tpu.memory_space<vmem>>) target(%dma_start3A_354 : memref<10240x32xf32, #tpu.memory_space<vmem_shared>>) offsets(%dma_start3A_351 : memref<128xi32, #tpu.memory_space<vmem>>) semaphore(%arg13 : memref<!tpu.dma_semaphore, #tpu.memory_space<semaphore_mem>>) {add = true}
      %add3A_355 = arith.constant 5 : i32
      %add3A_356 = arith.addi %mul3A_225, %add3A_355 : i32
      %dma_wait3A_357 = arith.constant 5 : i32
      %dma_wait3A_358 = arith.constant 0 : i32
      %dma_wait3A_359 = arith.constant 0 : i32
      %dma_wait3A_360 = tpu.memref_slice %arg8[%dma_wait3A_357, %dma_wait3A_358, %dma_wait3A_359] : memref<8x128x32xf32, #tpu.memory_space<vmem>> -> memref<1x128x32xf32, #tpu.memory_space<vmem>>
      %dma_wait3A_361 = tpu.memref_squeeze %dma_wait3A_360 : memref<1x128x32xf32, #tpu.memory_space<vmem>> -> memref<128x32xf32, #tpu.memory_space<vmem>>
      %dma_wait3A_362 = arith.constant 0 : i32
      %dma_wait3A_363 = tpu.memref_slice %arg6[%add3A_356, %dma_wait3A_362] : memref<80x128xi32, #tpu.memory_space<vmem>> -> memref<1x128xi32, #tpu.memory_space<vmem>>
      %dma_wait3A_364 = tpu.memref_squeeze %dma_wait3A_363 : memref<1x128xi32, #tpu.memory_space<vmem>> -> memref<128xi32, #tpu.memory_space<vmem>>
      %dma_wait3A_365 = arith.constant 0 : i32
      %dma_wait3A_366 = arith.constant 0 : i32
      %dma_wait3A_367 = tpu.memref_slice %arg3[%dma_wait3A_365, %dma_wait3A_366] : memref<10000x32xf32, #tpu.memory_space<hbm>> -> memref<10000x32xf32, #tpu.memory_space<hbm>>
      tpu.wait_indirect_dma semaphore(%arg11 : memref<!tpu.dma_semaphore, #tpu.memory_space<semaphore_mem>>) src(%dma_wait3A_367 : memref<10000x32xf32, #tpu.memory_space<hbm>>) dst(%dma_wait3A_361 : memref<128x32xf32, #tpu.memory_space<vmem>>)
      %add3A_368 = arith.constant 5 : i32
      %add3A_369 = arith.addi %mul3A_225, %add3A_368 : i32
      %dma_start3A_370 = arith.constant 5 : i32
      %dma_start3A_371 = arith.constant 0 : i32
      %dma_start3A_372 = arith.constant 0 : i32
      %dma_start3A_373 = tpu.memref_slice %arg8[%dma_start3A_370, %dma_start3A_371, %dma_start3A_372] : memref<8x128x32xf32, #tpu.memory_space<vmem>> -> memref<1x128x32xf32, #tpu.memory_space<vmem>>
      %dma_start3A_374 = tpu.memref_squeeze %dma_start3A_373 : memref<1x128x32xf32, #tpu.memory_space<vmem>> -> memref<128x32xf32, #tpu.memory_space<vmem>>
      %dma_start3A_375 = arith.constant 0 : i32
      %dma_start3A_376 = tpu.memref_slice %arg7[%add3A_369, %dma_start3A_375] : memref<80x128xi32, #tpu.memory_space<vmem>> -> memref<1x128xi32, #tpu.memory_space<vmem>>
      %dma_start3A_377 = tpu.memref_squeeze %dma_start3A_376 : memref<1x128xi32, #tpu.memory_space<vmem>> -> memref<128xi32, #tpu.memory_space<vmem>>
      %dma_start3A_378 = arith.constant 0 : i32
      %dma_start3A_379 = arith.constant 0 : i32
      %dma_start3A_380 = tpu.memref_slice %arg10[%dma_start3A_378, %dma_start3A_379] : memref<10240x32xf32, #tpu.memory_space<vmem_shared>> -> memref<10240x32xf32, #tpu.memory_space<vmem_shared>>
      tpu.enqueue_indirect_dma source(%dma_start3A_374 : memref<128x32xf32, #tpu.memory_space<vmem>>) target(%dma_start3A_380 : memref<10240x32xf32, #tpu.memory_space<vmem_shared>>) offsets(%dma_start3A_377 : memref<128xi32, #tpu.memory_space<vmem>>) semaphore(%arg13 : memref<!tpu.dma_semaphore, #tpu.memory_space<semaphore_mem>>) {add = true}
      %add3A_381 = arith.constant 6 : i32
      %add3A_382 = arith.addi %mul3A_225, %add3A_381 : i32
      %dma_wait3A_383 = arith.constant 6 : i32
      %dma_wait3A_384 = arith.constant 0 : i32
      %dma_wait3A_385 = arith.constant 0 : i32
      %dma_wait3A_386 = tpu.memref_slice %arg8[%dma_wait3A_383, %dma_wait3A_384, %dma_wait3A_385] : memref<8x128x32xf32, #tpu.memory_space<vmem>> -> memref<1x128x32xf32, #tpu.memory_space<vmem>>
      %dma_wait3A_387 = tpu.memref_squeeze %dma_wait3A_386 : memref<1x128x32xf32, #tpu.memory_space<vmem>> -> memref<128x32xf32, #tpu.memory_space<vmem>>
      %dma_wait3A_388 = arith.constant 0 : i32
      %dma_wait3A_389 = tpu.memref_slice %arg6[%add3A_382, %dma_wait3A_388] : memref<80x128xi32, #tpu.memory_space<vmem>> -> memref<1x128xi32, #tpu.memory_space<vmem>>
      %dma_wait3A_390 = tpu.memref_squeeze %dma_wait3A_389 : memref<1x128xi32, #tpu.memory_space<vmem>> -> memref<128xi32, #tpu.memory_space<vmem>>
      %dma_wait3A_391 = arith.constant 0 : i32
      %dma_wait3A_392 = arith.constant 0 : i32
      %dma_wait3A_393 = tpu.memref_slice %arg3[%dma_wait3A_391, %dma_wait3A_392] : memref<10000x32xf32, #tpu.memory_space<hbm>> -> memref<10000x32xf32, #tpu.memory_space<hbm>>
      tpu.wait_indirect_dma semaphore(%arg11 : memref<!tpu.dma_semaphore, #tpu.memory_space<semaphore_mem>>) src(%dma_wait3A_393 : memref<10000x32xf32, #tpu.memory_space<hbm>>) dst(%dma_wait3A_387 : memref<128x32xf32, #tpu.memory_space<vmem>>)
      %add3A_394 = arith.constant 6 : i32
      %add3A_395 = arith.addi %mul3A_225, %add3A_394 : i32
      %dma_start3A_396 = arith.constant 6 : i32
      %dma_start3A_397 = arith.constant 0 : i32
      %dma_start3A_398 = arith.constant 0 : i32
      %dma_start3A_399 = tpu.memref_slice %arg8[%dma_start3A_396, %dma_start3A_397, %dma_start3A_398] : memref<8x128x32xf32, #tpu.memory_space<vmem>> -> memref<1x128x32xf32, #tpu.memory_space<vmem>>
      %dma_start3A_400 = tpu.memref_squeeze %dma_start3A_399 : memref<1x128x32xf32, #tpu.memory_space<vmem>> -> memref<128x32xf32, #tpu.memory_space<vmem>>
      %dma_start3A_401 = arith.constant 0 : i32
      %dma_start3A_402 = tpu.memref_slice %arg7[%add3A_395, %dma_start3A_401] : memref<80x128xi32, #tpu.memory_space<vmem>> -> memref<1x128xi32, #tpu.memory_space<vmem>>
      %dma_start3A_403 = tpu.memref_squeeze %dma_start3A_402 : memref<1x128xi32, #tpu.memory_space<vmem>> -> memref<128xi32, #tpu.memory_space<vmem>>
      %dma_start3A_404 = arith.constant 0 : i32
      %dma_start3A_405 = arith.constant 0 : i32
      %dma_start3A_406 = tpu.memref_slice %arg10[%dma_start3A_404, %dma_start3A_405] : memref<10240x32xf32, #tpu.memory_space<vmem_shared>> -> memref<10240x32xf32, #tpu.memory_space<vmem_shared>>
      tpu.enqueue_indirect_dma source(%dma_start3A_400 : memref<128x32xf32, #tpu.memory_space<vmem>>) target(%dma_start3A_406 : memref<10240x32xf32, #tpu.memory_space<vmem_shared>>) offsets(%dma_start3A_403 : memref<128xi32, #tpu.memory_space<vmem>>) semaphore(%arg13 : memref<!tpu.dma_semaphore, #tpu.memory_space<semaphore_mem>>) {add = true}
      %add3A_407 = arith.constant 7 : i32
      %add3A_408 = arith.addi %mul3A_225, %add3A_407 : i32
      %dma_wait3A_409 = arith.constant 7 : i32
      %dma_wait3A_410 = arith.constant 0 : i32
      %dma_wait3A_411 = arith.constant 0 : i32
      %dma_wait3A_412 = tpu.memref_slice %arg8[%dma_wait3A_409, %dma_wait3A_410, %dma_wait3A_411] : memref<8x128x32xf32, #tpu.memory_space<vmem>> -> memref<1x128x32xf32, #tpu.memory_space<vmem>>
      %dma_wait3A_413 = tpu.memref_squeeze %dma_wait3A_412 : memref<1x128x32xf32, #tpu.memory_space<vmem>> -> memref<128x32xf32, #tpu.memory_space<vmem>>
      %dma_wait3A_414 = arith.constant 0 : i32
      %dma_wait3A_415 = tpu.memref_slice %arg6[%add3A_408, %dma_wait3A_414] : memref<80x128xi32, #tpu.memory_space<vmem>> -> memref<1x128xi32, #tpu.memory_space<vmem>>
      %dma_wait3A_416 = tpu.memref_squeeze %dma_wait3A_415 : memref<1x128xi32, #tpu.memory_space<vmem>> -> memref<128xi32, #tpu.memory_space<vmem>>
      %dma_wait3A_417 = arith.constant 0 : i32
      %dma_wait3A_418 = arith.constant 0 : i32
      %dma_wait3A_419 = tpu.memref_slice %arg3[%dma_wait3A_417, %dma_wait3A_418] : memref<10000x32xf32, #tpu.memory_space<hbm>> -> memref<10000x32xf32, #tpu.memory_space<hbm>>
      tpu.wait_indirect_dma semaphore(%arg11 : memref<!tpu.dma_semaphore, #tpu.memory_space<semaphore_mem>>) src(%dma_wait3A_419 : memref<10000x32xf32, #tpu.memory_space<hbm>>) dst(%dma_wait3A_413 : memref<128x32xf32, #tpu.memory_space<vmem>>)
      %add3A_420 = arith.constant 7 : i32
      %add3A_421 = arith.addi %mul3A_225, %add3A_420 : i32
      %dma_start3A_422 = arith.constant 7 : i32
      %dma_start3A_423 = arith.constant 0 : i32
      %dma_start3A_424 = arith.constant 0 : i32
      %dma_start3A_425 = tpu.memref_slice %arg8[%dma_start3A_422, %dma_start3A_423, %dma_start3A_424] : memref<8x128x32xf32, #tpu.memory_space<vmem>> -> memref<1x128x32xf32, #tpu.memory_space<vmem>>
      %dma_start3A_426 = tpu.memref_squeeze %dma_start3A_425 : memref<1x128x32xf32, #tpu.memory_space<vmem>> -> memref<128x32xf32, #tpu.memory_space<vmem>>
      %dma_start3A_427 = arith.constant 0 : i32
      %dma_start3A_428 = tpu.memref_slice %arg7[%add3A_421, %dma_start3A_427] : memref<80x128xi32, #tpu.memory_space<vmem>> -> memref<1x128xi32, #tpu.memory_space<vmem>>
      %dma_start3A_429 = tpu.memref_squeeze %dma_start3A_428 : memref<1x128xi32, #tpu.memory_space<vmem>> -> memref<128xi32, #tpu.memory_space<vmem>>
      %dma_start3A_430 = arith.constant 0 : i32
      %dma_start3A_431 = arith.constant 0 : i32
      %dma_start3A_432 = tpu.memref_slice %arg10[%dma_start3A_430, %dma_start3A_431] : memref<10240x32xf32, #tpu.memory_space<vmem_shared>> -> memref<10240x32xf32, #tpu.memory_space<vmem_shared>>
      tpu.enqueue_indirect_dma source(%dma_start3A_426 : memref<128x32xf32, #tpu.memory_space<vmem>>) target(%dma_start3A_432 : memref<10240x32xf32, #tpu.memory_space<vmem_shared>>) offsets(%dma_start3A_429 : memref<128xi32, #tpu.memory_space<vmem>>) semaphore(%arg13 : memref<!tpu.dma_semaphore, #tpu.memory_space<semaphore_mem>>) {add = true}
      %add3A_433 = arith.constant 0 : i32
      %add3A_434 = arith.addi %mul3A_225, %add3A_433 : i32
      %dma_wait3A_435 = arith.constant 0 : i32
      %dma_wait3A_436 = arith.constant 0 : i32
      %dma_wait3A_437 = arith.constant 0 : i32
      %dma_wait3A_438 = tpu.memref_slice %arg8[%dma_wait3A_435, %dma_wait3A_436, %dma_wait3A_437] : memref<8x128x32xf32, #tpu.memory_space<vmem>> -> memref<1x128x32xf32, #tpu.memory_space<vmem>>
      %dma_wait3A_439 = tpu.memref_squeeze %dma_wait3A_438 : memref<1x128x32xf32, #tpu.memory_space<vmem>> -> memref<128x32xf32, #tpu.memory_space<vmem>>
      %dma_wait3A_440 = arith.constant 0 : i32
      %dma_wait3A_441 = tpu.memref_slice %arg7[%add3A_434, %dma_wait3A_440] : memref<80x128xi32, #tpu.memory_space<vmem>> -> memref<1x128xi32, #tpu.memory_space<vmem>>
      %dma_wait3A_442 = tpu.memref_squeeze %dma_wait3A_441 : memref<1x128xi32, #tpu.memory_space<vmem>> -> memref<128xi32, #tpu.memory_space<vmem>>
      %dma_wait3A_443 = arith.constant 0 : i32
      %dma_wait3A_444 = arith.constant 0 : i32
      %dma_wait3A_445 = tpu.memref_slice %arg10[%dma_wait3A_443, %dma_wait3A_444] : memref<10240x32xf32, #tpu.memory_space<vmem_shared>> -> memref<10240x32xf32, #tpu.memory_space<vmem_shared>>
      tpu.wait_indirect_dma semaphore(%arg13 : memref<!tpu.dma_semaphore, #tpu.memory_space<semaphore_mem>>) src(%dma_wait3A_439 : memref<128x32xf32, #tpu.memory_space<vmem>>) dst(%dma_wait3A_445 : memref<10240x32xf32, #tpu.memory_space<vmem_shared>>)
      %add3A_446 = arith.constant 1 : i32
      %add3A_447 = arith.addi %mul3A_225, %add3A_446 : i32
      %dma_wait3A_448 = arith.constant 1 : i32
      %dma_wait3A_449 = arith.constant 0 : i32
      %dma_wait3A_450 = arith.constant 0 : i32
      %dma_wait3A_451 = tpu.memref_slice %arg8[%dma_wait3A_448, %dma_wait3A_449, %dma_wait3A_450] : memref<8x128x32xf32, #tpu.memory_space<vmem>> -> memref<1x128x32xf32, #tpu.memory_space<vmem>>
      %dma_wait3A_452 = tpu.memref_squeeze %dma_wait3A_451 : memref<1x128x32xf32, #tpu.memory_space<vmem>> -> memref<128x32xf32, #tpu.memory_space<vmem>>
      %dma_wait3A_453 = arith.constant 0 : i32
      %dma_wait3A_454 = tpu.memref_slice %arg7[%add3A_447, %dma_wait3A_453] : memref<80x128xi32, #tpu.memory_space<vmem>> -> memref<1x128xi32, #tpu.memory_space<vmem>>
      %dma_wait3A_455 = tpu.memref_squeeze %dma_wait3A_454 : memref<1x128xi32, #tpu.memory_space<vmem>> -> memref<128xi32, #tpu.memory_space<vmem>>
      %dma_wait3A_456 = arith.constant 0 : i32
      %dma_wait3A_457 = arith.constant 0 : i32
      %dma_wait3A_458 = tpu.memref_slice %arg10[%dma_wait3A_456, %dma_wait3A_457] : memref<10240x32xf32, #tpu.memory_space<vmem_shared>> -> memref<10240x32xf32, #tpu.memory_space<vmem_shared>>
      tpu.wait_indirect_dma semaphore(%arg13 : memref<!tpu.dma_semaphore, #tpu.memory_space<semaphore_mem>>) src(%dma_wait3A_452 : memref<128x32xf32, #tpu.memory_space<vmem>>) dst(%dma_wait3A_458 : memref<10240x32xf32, #tpu.memory_space<vmem_shared>>)
      %add3A_459 = arith.constant 2 : i32
      %add3A_460 = arith.addi %mul3A_225, %add3A_459 : i32
      %dma_wait3A_461 = arith.constant 2 : i32
      %dma_wait3A_462 = arith.constant 0 : i32
      %dma_wait3A_463 = arith.constant 0 : i32
      %dma_wait3A_464 = tpu.memref_slice %arg8[%dma_wait3A_461, %dma_wait3A_462, %dma_wait3A_463] : memref<8x128x32xf32, #tpu.memory_space<vmem>> -> memref<1x128x32xf32, #tpu.memory_space<vmem>>
      %dma_wait3A_465 = tpu.memref_squeeze %dma_wait3A_464 : memref<1x128x32xf32, #tpu.memory_space<vmem>> -> memref<128x32xf32, #tpu.memory_space<vmem>>
      %dma_wait3A_466 = arith.constant 0 : i32
      %dma_wait3A_467 = tpu.memref_slice %arg7[%add3A_460, %dma_wait3A_466] : memref<80x128xi32, #tpu.memory_space<vmem>> -> memref<1x128xi32, #tpu.memory_space<vmem>>
      %dma_wait3A_468 = tpu.memref_squeeze %dma_wait3A_467 : memref<1x128xi32, #tpu.memory_space<vmem>> -> memref<128xi32, #tpu.memory_space<vmem>>
      %dma_wait3A_469 = arith.constant 0 : i32
      %dma_wait3A_470 = arith.constant 0 : i32
      %dma_wait3A_471 = tpu.memref_slice %arg10[%dma_wait3A_469, %dma_wait3A_470] : memref<10240x32xf32, #tpu.memory_space<vmem_shared>> -> memref<10240x32xf32, #tpu.memory_space<vmem_shared>>
      tpu.wait_indirect_dma semaphore(%arg13 : memref<!tpu.dma_semaphore, #tpu.memory_space<semaphore_mem>>) src(%dma_wait3A_465 : memref<128x32xf32, #tpu.memory_space<vmem>>) dst(%dma_wait3A_471 : memref<10240x32xf32, #tpu.memory_space<vmem_shared>>)
      %add3A_472 = arith.constant 3 : i32
      %add3A_473 = arith.addi %mul3A_225, %add3A_472 : i32
      %dma_wait3A_474 = arith.constant 3 : i32
      %dma_wait3A_475 = arith.constant 0 : i32
      %dma_wait3A_476 = arith.constant 0 : i32
      %dma_wait3A_477 = tpu.memref_slice %arg8[%dma_wait3A_474, %dma_wait3A_475, %dma_wait3A_476] : memref<8x128x32xf32, #tpu.memory_space<vmem>> -> memref<1x128x32xf32, #tpu.memory_space<vmem>>
      %dma_wait3A_478 = tpu.memref_squeeze %dma_wait3A_477 : memref<1x128x32xf32, #tpu.memory_space<vmem>> -> memref<128x32xf32, #tpu.memory_space<vmem>>
      %dma_wait3A_479 = arith.constant 0 : i32
      %dma_wait3A_480 = tpu.memref_slice %arg7[%add3A_473, %dma_wait3A_479] : memref<80x128xi32, #tpu.memory_space<vmem>> -> memref<1x128xi32, #tpu.memory_space<vmem>>
      %dma_wait3A_481 = tpu.memref_squeeze %dma_wait3A_480 : memref<1x128xi32, #tpu.memory_space<vmem>> -> memref<128xi32, #tpu.memory_space<vmem>>
      %dma_wait3A_482 = arith.constant 0 : i32
      %dma_wait3A_483 = arith.constant 0 : i32
      %dma_wait3A_484 = tpu.memref_slice %arg10[%dma_wait3A_482, %dma_wait3A_483] : memref<10240x32xf32, #tpu.memory_space<vmem_shared>> -> memref<10240x32xf32, #tpu.memory_space<vmem_shared>>
      tpu.wait_indirect_dma semaphore(%arg13 : memref<!tpu.dma_semaphore, #tpu.memory_space<semaphore_mem>>) src(%dma_wait3A_478 : memref<128x32xf32, #tpu.memory_space<vmem>>) dst(%dma_wait3A_484 : memref<10240x32xf32, #tpu.memory_space<vmem_shared>>)
      %add3A_485 = arith.constant 4 : i32
      %add3A_486 = arith.addi %mul3A_225, %add3A_485 : i32
      %dma_wait3A_487 = arith.constant 4 : i32
      %dma_wait3A_488 = arith.constant 0 : i32
      %dma_wait3A_489 = arith.constant 0 : i32
      %dma_wait3A_490 = tpu.memref_slice %arg8[%dma_wait3A_487, %dma_wait3A_488, %dma_wait3A_489] : memref<8x128x32xf32, #tpu.memory_space<vmem>> -> memref<1x128x32xf32, #tpu.memory_space<vmem>>
      %dma_wait3A_491 = tpu.memref_squeeze %dma_wait3A_490 : memref<1x128x32xf32, #tpu.memory_space<vmem>> -> memref<128x32xf32, #tpu.memory_space<vmem>>
      %dma_wait3A_492 = arith.constant 0 : i32
      %dma_wait3A_493 = tpu.memref_slice %arg7[%add3A_486, %dma_wait3A_492] : memref<80x128xi32, #tpu.memory_space<vmem>> -> memref<1x128xi32, #tpu.memory_space<vmem>>
      %dma_wait3A_494 = tpu.memref_squeeze %dma_wait3A_493 : memref<1x128xi32, #tpu.memory_space<vmem>> -> memref<128xi32, #tpu.memory_space<vmem>>
      %dma_wait3A_495 = arith.constant 0 : i32
      %dma_wait3A_496 = arith.constant 0 : i32
      %dma_wait3A_497 = tpu.memref_slice %arg10[%dma_wait3A_495, %dma_wait3A_496] : memref<10240x32xf32, #tpu.memory_space<vmem_shared>> -> memref<10240x32xf32, #tpu.memory_space<vmem_shared>>
      tpu.wait_indirect_dma semaphore(%arg13 : memref<!tpu.dma_semaphore, #tpu.memory_space<semaphore_mem>>) src(%dma_wait3A_491 : memref<128x32xf32, #tpu.memory_space<vmem>>) dst(%dma_wait3A_497 : memref<10240x32xf32, #tpu.memory_space<vmem_shared>>)
      %add3A_498 = arith.constant 5 : i32
      %add3A_499 = arith.addi %mul3A_225, %add3A_498 : i32
      %dma_wait3A_500 = arith.constant 5 : i32
      %dma_wait3A_501 = arith.constant 0 : i32
      %dma_wait3A_502 = arith.constant 0 : i32
      %dma_wait3A_503 = tpu.memref_slice %arg8[%dma_wait3A_500, %dma_wait3A_501, %dma_wait3A_502] : memref<8x128x32xf32, #tpu.memory_space<vmem>> -> memref<1x128x32xf32, #tpu.memory_space<vmem>>
      %dma_wait3A_504 = tpu.memref_squeeze %dma_wait3A_503 : memref<1x128x32xf32, #tpu.memory_space<vmem>> -> memref<128x32xf32, #tpu.memory_space<vmem>>
      %dma_wait3A_505 = arith.constant 0 : i32
      %dma_wait3A_506 = tpu.memref_slice %arg7[%add3A_499, %dma_wait3A_505] : memref<80x128xi32, #tpu.memory_space<vmem>> -> memref<1x128xi32, #tpu.memory_space<vmem>>
      %dma_wait3A_507 = tpu.memref_squeeze %dma_wait3A_506 : memref<1x128xi32, #tpu.memory_space<vmem>> -> memref<128xi32, #tpu.memory_space<vmem>>
      %dma_wait3A_508 = arith.constant 0 : i32
      %dma_wait3A_509 = arith.constant 0 : i32
      %dma_wait3A_510 = tpu.memref_slice %arg10[%dma_wait3A_508, %dma_wait3A_509] : memref<10240x32xf32, #tpu.memory_space<vmem_shared>> -> memref<10240x32xf32, #tpu.memory_space<vmem_shared>>
      tpu.wait_indirect_dma semaphore(%arg13 : memref<!tpu.dma_semaphore, #tpu.memory_space<semaphore_mem>>) src(%dma_wait3A_504 : memref<128x32xf32, #tpu.memory_space<vmem>>) dst(%dma_wait3A_510 : memref<10240x32xf32, #tpu.memory_space<vmem_shared>>)
      %add3A_511 = arith.constant 6 : i32
      %add3A_512 = arith.addi %mul3A_225, %add3A_511 : i32
      %dma_wait3A_513 = arith.constant 6 : i32
      %dma_wait3A_514 = arith.constant 0 : i32
      %dma_wait3A_515 = arith.constant 0 : i32
      %dma_wait3A_516 = tpu.memref_slice %arg8[%dma_wait3A_513, %dma_wait3A_514, %dma_wait3A_515] : memref<8x128x32xf32, #tpu.memory_space<vmem>> -> memref<1x128x32xf32, #tpu.memory_space<vmem>>
      %dma_wait3A_517 = tpu.memref_squeeze %dma_wait3A_516 : memref<1x128x32xf32, #tpu.memory_space<vmem>> -> memref<128x32xf32, #tpu.memory_space<vmem>>
      %dma_wait3A_518 = arith.constant 0 : i32
      %dma_wait3A_519 = tpu.memref_slice %arg7[%add3A_512, %dma_wait3A_518] : memref<80x128xi32, #tpu.memory_space<vmem>> -> memref<1x128xi32, #tpu.memory_space<vmem>>
      %dma_wait3A_520 = tpu.memref_squeeze %dma_wait3A_519 : memref<1x128xi32, #tpu.memory_space<vmem>> -> memref<128xi32, #tpu.memory_space<vmem>>
      %dma_wait3A_521 = arith.constant 0 : i32
      %dma_wait3A_522 = arith.constant 0 : i32
      %dma_wait3A_523 = tpu.memref_slice %arg10[%dma_wait3A_521, %dma_wait3A_522] : memref<10240x32xf32, #tpu.memory_space<vmem_shared>> -> memref<10240x32xf32, #tpu.memory_space<vmem_shared>>
      tpu.wait_indirect_dma semaphore(%arg13 : memref<!tpu.dma_semaphore, #tpu.memory_space<semaphore_mem>>) src(%dma_wait3A_517 : memref<128x32xf32, #tpu.memory_space<vmem>>) dst(%dma_wait3A_523 : memref<10240x32xf32, #tpu.memory_space<vmem_shared>>)
      %add3A_524 = arith.constant 7 : i32
      %add3A_525 = arith.addi %mul3A_225, %add3A_524 : i32
      %dma_wait3A_526 = arith.constant 7 : i32
      %dma_wait3A_527 = arith.constant 0 : i32
      %dma_wait3A_528 = arith.constant 0 : i32
      %dma_wait3A_529 = tpu.memref_slice %arg8[%dma_wait3A_526, %dma_wait3A_527, %dma_wait3A_528] : memref<8x128x32xf32, #tpu.memory_space<vmem>> -> memref<1x128x32xf32, #tpu.memory_space<vmem>>
      %dma_wait3A_530 = tpu.memref_squeeze %dma_wait3A_529 : memref<1x128x32xf32, #tpu.memory_space<vmem>> -> memref<128x32xf32, #tpu.memory_space<vmem>>
      %dma_wait3A_531 = arith.constant 0 : i32
      %dma_wait3A_532 = tpu.memref_slice %arg7[%add3A_525, %dma_wait3A_531] : memref<80x128xi32, #tpu.memory_space<vmem>> -> memref<1x128xi32, #tpu.memory_space<vmem>>
      %dma_wait3A_533 = tpu.memref_squeeze %dma_wait3A_532 : memref<1x128xi32, #tpu.memory_space<vmem>> -> memref<128xi32, #tpu.memory_space<vmem>>
      %dma_wait3A_534 = arith.constant 0 : i32
      %dma_wait3A_535 = arith.constant 0 : i32
      %dma_wait3A_536 = tpu.memref_slice %arg10[%dma_wait3A_534, %dma_wait3A_535] : memref<10240x32xf32, #tpu.memory_space<vmem_shared>> -> memref<10240x32xf32, #tpu.memory_space<vmem_shared>>
      tpu.wait_indirect_dma semaphore(%arg13 : memref<!tpu.dma_semaphore, #tpu.memory_space<semaphore_mem>>) src(%dma_wait3A_530 : memref<128x32xf32, #tpu.memory_space<vmem>>) dst(%dma_wait3A_536 : memref<10240x32xf32, #tpu.memory_space<vmem_shared>>)
      %add3A_537 = arith.constant 2 : i32
      %add3A_538 = arith.addi %mul3A_115, %add3A_537 : i32
      %lt3A = arith.constant 10 : i32
      %lt3A_539 = arith.cmpi slt, %add3A_538, %lt3A : i32
      %convert_element_type3A = arith.extui %lt3A_539 : i1 to i32
      %cond3A = arith.constant 0 : i32
      %cond3A_540 = arith.cmpi ne, %convert_element_type3A, %cond3A : i32
      scf.if %cond3A_540 {
        %add3A_857 = arith.constant 2 : i32
        %add3A_858 = arith.addi %mul3A_115, %add3A_857 : i32
        %mul3A_859 = arith.constant 8 : i32
        %mul3A_860 = arith.muli %add3A_858, %mul3A_859 : i32
        %add3A_861 = arith.constant 0 : i32
        %add3A_862 = arith.addi %mul3A_860, %add3A_861 : i32
        %dma_start3A_863 = arith.constant 0 : i32
        %dma_start3A_864 = arith.constant 0 : i32
        %dma_start3A_865 = arith.constant 0 : i32
        %dma_start3A_866 = tpu.memref_slice %arg8[%dma_start3A_863, %dma_start3A_864, %dma_start3A_865] : memref<8x128x32xf32, #tpu.memory_space<vmem>> -> memref<1x128x32xf32, #tpu.memory_space<vmem>>
        %dma_start3A_867 = tpu.memref_squeeze %dma_start3A_866 : memref<1x128x32xf32, #tpu.memory_space<vmem>> -> memref<128x32xf32, #tpu.memory_space<vmem>>
        %dma_start3A_868 = arith.constant 0 : i32
        %dma_start3A_869 = tpu.memref_slice %arg6[%add3A_862, %dma_start3A_868] : memref<80x128xi32, #tpu.memory_space<vmem>> -> memref<1x128xi32, #tpu.memory_space<vmem>>
        %dma_start3A_870 = tpu.memref_squeeze %dma_start3A_869 : memref<1x128xi32, #tpu.memory_space<vmem>> -> memref<128xi32, #tpu.memory_space<vmem>>
        %dma_start3A_871 = arith.constant 0 : i32
        %dma_start3A_872 = arith.constant 0 : i32
        %dma_start3A_873 = tpu.memref_slice %arg3[%dma_start3A_871, %dma_start3A_872] : memref<10000x32xf32, #tpu.memory_space<hbm>> -> memref<10000x32xf32, #tpu.memory_space<hbm>>
        tpu.enqueue_indirect_dma source(%dma_start3A_873 : memref<10000x32xf32, #tpu.memory_space<hbm>>) target(%dma_start3A_867 : memref<128x32xf32, #tpu.memory_space<vmem>>) offsets(%dma_start3A_870 : memref<128xi32, #tpu.memory_space<vmem>>) semaphore(%arg11 : memref<!tpu.dma_semaphore, #tpu.memory_space<semaphore_mem>>)
        %add3A_874 = arith.constant 1 : i32
        %add3A_875 = arith.addi %mul3A_860, %add3A_874 : i32
        %dma_start3A_876 = arith.constant 1 : i32
        %dma_start3A_877 = arith.constant 0 : i32
        %dma_start3A_878 = arith.constant 0 : i32
        %dma_start3A_879 = tpu.memref_slice %arg8[%dma_start3A_876, %dma_start3A_877, %dma_start3A_878] : memref<8x128x32xf32, #tpu.memory_space<vmem>> -> memref<1x128x32xf32, #tpu.memory_space<vmem>>
        %dma_start3A_880 = tpu.memref_squeeze %dma_start3A_879 : memref<1x128x32xf32, #tpu.memory_space<vmem>> -> memref<128x32xf32, #tpu.memory_space<vmem>>
        %dma_start3A_881 = arith.constant 0 : i32
        %dma_start3A_882 = tpu.memref_slice %arg6[%add3A_875, %dma_start3A_881] : memref<80x128xi32, #tpu.memory_space<vmem>> -> memref<1x128xi32, #tpu.memory_space<vmem>>
        %dma_start3A_883 = tpu.memref_squeeze %dma_start3A_882 : memref<1x128xi32, #tpu.memory_space<vmem>> -> memref<128xi32, #tpu.memory_space<vmem>>
        %dma_start3A_884 = arith.constant 0 : i32
        %dma_start3A_885 = arith.constant 0 : i32
        %dma_start3A_886 = tpu.memref_slice %arg3[%dma_start3A_884, %dma_start3A_885] : memref<10000x32xf32, #tpu.memory_space<hbm>> -> memref<10000x32xf32, #tpu.memory_space<hbm>>
        tpu.enqueue_indirect_dma source(%dma_start3A_886 : memref<10000x32xf32, #tpu.memory_space<hbm>>) target(%dma_start3A_880 : memref<128x32xf32, #tpu.memory_space<vmem>>) offsets(%dma_start3A_883 : memref<128xi32, #tpu.memory_space<vmem>>) semaphore(%arg11 : memref<!tpu.dma_semaphore, #tpu.memory_space<semaphore_mem>>)
        %add3A_887 = arith.constant 2 : i32
        %add3A_888 = arith.addi %mul3A_860, %add3A_887 : i32
        %dma_start3A_889 = arith.constant 2 : i32
        %dma_start3A_890 = arith.constant 0 : i32
        %dma_start3A_891 = arith.constant 0 : i32
        %dma_start3A_892 = tpu.memref_slice %arg8[%dma_start3A_889, %dma_start3A_890, %dma_start3A_891] : memref<8x128x32xf32, #tpu.memory_space<vmem>> -> memref<1x128x32xf32, #tpu.memory_space<vmem>>
        %dma_start3A_893 = tpu.memref_squeeze %dma_start3A_892 : memref<1x128x32xf32, #tpu.memory_space<vmem>> -> memref<128x32xf32, #tpu.memory_space<vmem>>
        %dma_start3A_894 = arith.constant 0 : i32
        %dma_start3A_895 = tpu.memref_slice %arg6[%add3A_888, %dma_start3A_894] : memref<80x128xi32, #tpu.memory_space<vmem>> -> memref<1x128xi32, #tpu.memory_space<vmem>>
        %dma_start3A_896 = tpu.memref_squeeze %dma_start3A_895 : memref<1x128xi32, #tpu.memory_space<vmem>> -> memref<128xi32, #tpu.memory_space<vmem>>
        %dma_start3A_897 = arith.constant 0 : i32
        %dma_start3A_898 = arith.constant 0 : i32
        %dma_start3A_899 = tpu.memref_slice %arg3[%dma_start3A_897, %dma_start3A_898] : memref<10000x32xf32, #tpu.memory_space<hbm>> -> memref<10000x32xf32, #tpu.memory_space<hbm>>
        tpu.enqueue_indirect_dma source(%dma_start3A_899 : memref<10000x32xf32, #tpu.memory_space<hbm>>) target(%dma_start3A_893 : memref<128x32xf32, #tpu.memory_space<vmem>>) offsets(%dma_start3A_896 : memref<128xi32, #tpu.memory_space<vmem>>) semaphore(%arg11 : memref<!tpu.dma_semaphore, #tpu.memory_space<semaphore_mem>>)
        %add3A_900 = arith.constant 3 : i32
        %add3A_901 = arith.addi %mul3A_860, %add3A_900 : i32
        %dma_start3A_902 = arith.constant 3 : i32
        %dma_start3A_903 = arith.constant 0 : i32
        %dma_start3A_904 = arith.constant 0 : i32
        %dma_start3A_905 = tpu.memref_slice %arg8[%dma_start3A_902, %dma_start3A_903, %dma_start3A_904] : memref<8x128x32xf32, #tpu.memory_space<vmem>> -> memref<1x128x32xf32, #tpu.memory_space<vmem>>
        %dma_start3A_906 = tpu.memref_squeeze %dma_start3A_905 : memref<1x128x32xf32, #tpu.memory_space<vmem>> -> memref<128x32xf32, #tpu.memory_space<vmem>>
        %dma_start3A_907 = arith.constant 0 : i32
        %dma_start3A_908 = tpu.memref_slice %arg6[%add3A_901, %dma_start3A_907] : memref<80x128xi32, #tpu.memory_space<vmem>> -> memref<1x128xi32, #tpu.memory_space<vmem>>
        %dma_start3A_909 = tpu.memref_squeeze %dma_start3A_908 : memref<1x128xi32, #tpu.memory_space<vmem>> -> memref<128xi32, #tpu.memory_space<vmem>>
        %dma_start3A_910 = arith.constant 0 : i32
        %dma_start3A_911 = arith.constant 0 : i32
        %dma_start3A_912 = tpu.memref_slice %arg3[%dma_start3A_910, %dma_start3A_911] : memref<10000x32xf32, #tpu.memory_space<hbm>> -> memref<10000x32xf32, #tpu.memory_space<hbm>>
        tpu.enqueue_indirect_dma source(%dma_start3A_912 : memref<10000x32xf32, #tpu.memory_space<hbm>>) target(%dma_start3A_906 : memref<128x32xf32, #tpu.memory_space<vmem>>) offsets(%dma_start3A_909 : memref<128xi32, #tpu.memory_space<vmem>>) semaphore(%arg11 : memref<!tpu.dma_semaphore, #tpu.memory_space<semaphore_mem>>)
        %add3A_913 = arith.constant 4 : i32
        %add3A_914 = arith.addi %mul3A_860, %add3A_913 : i32
        %dma_start3A_915 = arith.constant 4 : i32
        %dma_start3A_916 = arith.constant 0 : i32
        %dma_start3A_917 = arith.constant 0 : i32
        %dma_start3A_918 = tpu.memref_slice %arg8[%dma_start3A_915, %dma_start3A_916, %dma_start3A_917] : memref<8x128x32xf32, #tpu.memory_space<vmem>> -> memref<1x128x32xf32, #tpu.memory_space<vmem>>
        %dma_start3A_919 = tpu.memref_squeeze %dma_start3A_918 : memref<1x128x32xf32, #tpu.memory_space<vmem>> -> memref<128x32xf32, #tpu.memory_space<vmem>>
        %dma_start3A_920 = arith.constant 0 : i32
        %dma_start3A_921 = tpu.memref_slice %arg6[%add3A_914, %dma_start3A_920] : memref<80x128xi32, #tpu.memory_space<vmem>> -> memref<1x128xi32, #tpu.memory_space<vmem>>
        %dma_start3A_922 = tpu.memref_squeeze %dma_start3A_921 : memref<1x128xi32, #tpu.memory_space<vmem>> -> memref<128xi32, #tpu.memory_space<vmem>>
        %dma_start3A_923 = arith.constant 0 : i32
        %dma_start3A_924 = arith.constant 0 : i32
        %dma_start3A_925 = tpu.memref_slice %arg3[%dma_start3A_923, %dma_start3A_924] : memref<10000x32xf32, #tpu.memory_space<hbm>> -> memref<10000x32xf32, #tpu.memory_space<hbm>>
        tpu.enqueue_indirect_dma source(%dma_start3A_925 : memref<10000x32xf32, #tpu.memory_space<hbm>>) target(%dma_start3A_919 : memref<128x32xf32, #tpu.memory_space<vmem>>) offsets(%dma_start3A_922 : memref<128xi32, #tpu.memory_space<vmem>>) semaphore(%arg11 : memref<!tpu.dma_semaphore, #tpu.memory_space<semaphore_mem>>)
        %add3A_926 = arith.constant 5 : i32
        %add3A_927 = arith.addi %mul3A_860, %add3A_926 : i32
        %dma_start3A_928 = arith.constant 5 : i32
        %dma_start3A_929 = arith.constant 0 : i32
        %dma_start3A_930 = arith.constant 0 : i32
        %dma_start3A_931 = tpu.memref_slice %arg8[%dma_start3A_928, %dma_start3A_929, %dma_start3A_930] : memref<8x128x32xf32, #tpu.memory_space<vmem>> -> memref<1x128x32xf32, #tpu.memory_space<vmem>>
        %dma_start3A_932 = tpu.memref_squeeze %dma_start3A_931 : memref<1x128x32xf32, #tpu.memory_space<vmem>> -> memref<128x32xf32, #tpu.memory_space<vmem>>
        %dma_start3A_933 = arith.constant 0 : i32
        %dma_start3A_934 = tpu.memref_slice %arg6[%add3A_927, %dma_start3A_933] : memref<80x128xi32, #tpu.memory_space<vmem>> -> memref<1x128xi32, #tpu.memory_space<vmem>>
        %dma_start3A_935 = tpu.memref_squeeze %dma_start3A_934 : memref<1x128xi32, #tpu.memory_space<vmem>> -> memref<128xi32, #tpu.memory_space<vmem>>
        %dma_start3A_936 = arith.constant 0 : i32
        %dma_start3A_937 = arith.constant 0 : i32
        %dma_start3A_938 = tpu.memref_slice %arg3[%dma_start3A_936, %dma_start3A_937] : memref<10000x32xf32, #tpu.memory_space<hbm>> -> memref<10000x32xf32, #tpu.memory_space<hbm>>
        tpu.enqueue_indirect_dma source(%dma_start3A_938 : memref<10000x32xf32, #tpu.memory_space<hbm>>) target(%dma_start3A_932 : memref<128x32xf32, #tpu.memory_space<vmem>>) offsets(%dma_start3A_935 : memref<128xi32, #tpu.memory_space<vmem>>) semaphore(%arg11 : memref<!tpu.dma_semaphore, #tpu.memory_space<semaphore_mem>>)
        %add3A_939 = arith.constant 6 : i32
        %add3A_940 = arith.addi %mul3A_860, %add3A_939 : i32
        %dma_start3A_941 = arith.constant 6 : i32
        %dma_start3A_942 = arith.constant 0 : i32
        %dma_start3A_943 = arith.constant 0 : i32
        %dma_start3A_944 = tpu.memref_slice %arg8[%dma_start3A_941, %dma_start3A_942, %dma_start3A_943] : memref<8x128x32xf32, #tpu.memory_space<vmem>> -> memref<1x128x32xf32, #tpu.memory_space<vmem>>
        %dma_start3A_945 = tpu.memref_squeeze %dma_start3A_944 : memref<1x128x32xf32, #tpu.memory_space<vmem>> -> memref<128x32xf32, #tpu.memory_space<vmem>>
        %dma_start3A_946 = arith.constant 0 : i32
        %dma_start3A_947 = tpu.memref_slice %arg6[%add3A_940, %dma_start3A_946] : memref<80x128xi32, #tpu.memory_space<vmem>> -> memref<1x128xi32, #tpu.memory_space<vmem>>
        %dma_start3A_948 = tpu.memref_squeeze %dma_start3A_947 : memref<1x128xi32, #tpu.memory_space<vmem>> -> memref<128xi32, #tpu.memory_space<vmem>>
        %dma_start3A_949 = arith.constant 0 : i32
        %dma_start3A_950 = arith.constant 0 : i32
        %dma_start3A_951 = tpu.memref_slice %arg3[%dma_start3A_949, %dma_start3A_950] : memref<10000x32xf32, #tpu.memory_space<hbm>> -> memref<10000x32xf32, #tpu.memory_space<hbm>>
        tpu.enqueue_indirect_dma source(%dma_start3A_951 : memref<10000x32xf32, #tpu.memory_space<hbm>>) target(%dma_start3A_945 : memref<128x32xf32, #tpu.memory_space<vmem>>) offsets(%dma_start3A_948 : memref<128xi32, #tpu.memory_space<vmem>>) semaphore(%arg11 : memref<!tpu.dma_semaphore, #tpu.memory_space<semaphore_mem>>)
        %add3A_952 = arith.constant 7 : i32
        %add3A_953 = arith.addi %mul3A_860, %add3A_952 : i32
        %dma_start3A_954 = arith.constant 7 : i32
        %dma_start3A_955 = arith.constant 0 : i32
        %dma_start3A_956 = arith.constant 0 : i32
        %dma_start3A_957 = tpu.memref_slice %arg8[%dma_start3A_954, %dma_start3A_955, %dma_start3A_956] : memref<8x128x32xf32, #tpu.memory_space<vmem>> -> memref<1x128x32xf32, #tpu.memory_space<vmem>>
        %dma_start3A_958 = tpu.memref_squeeze %dma_start3A_957 : memref<1x128x32xf32, #tpu.memory_space<vmem>> -> memref<128x32xf32, #tpu.memory_space<vmem>>
        %dma_start3A_959 = arith.constant 0 : i32
        %dma_start3A_960 = tpu.memref_slice %arg6[%add3A_953, %dma_start3A_959] : memref<80x128xi32, #tpu.memory_space<vmem>> -> memref<1x128xi32, #tpu.memory_space<vmem>>
        %dma_start3A_961 = tpu.memref_squeeze %dma_start3A_960 : memref<1x128xi32, #tpu.memory_space<vmem>> -> memref<128xi32, #tpu.memory_space<vmem>>
        %dma_start3A_962 = arith.constant 0 : i32
        %dma_start3A_963 = arith.constant 0 : i32
        %dma_start3A_964 = tpu.memref_slice %arg3[%dma_start3A_962, %dma_start3A_963] : memref<10000x32xf32, #tpu.memory_space<hbm>> -> memref<10000x32xf32, #tpu.memory_space<hbm>>
        tpu.enqueue_indirect_dma source(%dma_start3A_964 : memref<10000x32xf32, #tpu.memory_space<hbm>>) target(%dma_start3A_958 : memref<128x32xf32, #tpu.memory_space<vmem>>) offsets(%dma_start3A_961 : memref<128xi32, #tpu.memory_space<vmem>>) semaphore(%arg11 : memref<!tpu.dma_semaphore, #tpu.memory_space<semaphore_mem>>)
      } else {
      }
      %add3A_541 = arith.constant 1 : i32
      %add3A_542 = arith.addi %mul3A_115, %add3A_541 : i32
      %mul3A_543 = arith.constant 8 : i32
      %mul3A_544 = arith.muli %add3A_542, %mul3A_543 : i32
      %add3A_545 = arith.constant 0 : i32
      %add3A_546 = arith.addi %mul3A_544, %add3A_545 : i32
      %dma_wait3A_547 = arith.constant 0 : i32
      %dma_wait3A_548 = arith.constant 0 : i32
      %dma_wait3A_549 = arith.constant 0 : i32
      %dma_wait3A_550 = tpu.memref_slice %arg9[%dma_wait3A_547, %dma_wait3A_548, %dma_wait3A_549] : memref<8x128x32xf32, #tpu.memory_space<vmem>> -> memref<1x128x32xf32, #tpu.memory_space<vmem>>
      %dma_wait3A_551 = tpu.memref_squeeze %dma_wait3A_550 : memref<1x128x32xf32, #tpu.memory_space<vmem>> -> memref<128x32xf32, #tpu.memory_space<vmem>>
      %dma_wait3A_552 = arith.constant 0 : i32
      %dma_wait3A_553 = tpu.memref_slice %arg6[%add3A_546, %dma_wait3A_552] : memref<80x128xi32, #tpu.memory_space<vmem>> -> memref<1x128xi32, #tpu.memory_space<vmem>>
      %dma_wait3A_554 = tpu.memref_squeeze %dma_wait3A_553 : memref<1x128xi32, #tpu.memory_space<vmem>> -> memref<128xi32, #tpu.memory_space<vmem>>
      %dma_wait3A_555 = arith.constant 0 : i32
      %dma_wait3A_556 = arith.constant 0 : i32
      %dma_wait3A_557 = tpu.memref_slice %arg3[%dma_wait3A_555, %dma_wait3A_556] : memref<10000x32xf32, #tpu.memory_space<hbm>> -> memref<10000x32xf32, #tpu.memory_space<hbm>>
      tpu.wait_indirect_dma semaphore(%arg12 : memref<!tpu.dma_semaphore, #tpu.memory_space<semaphore_mem>>) src(%dma_wait3A_557 : memref<10000x32xf32, #tpu.memory_space<hbm>>) dst(%dma_wait3A_551 : memref<128x32xf32, #tpu.memory_space<vmem>>)
      %add3A_558 = arith.constant 0 : i32
      %add3A_559 = arith.addi %mul3A_544, %add3A_558 : i32
      %dma_start3A_560 = arith.constant 0 : i32
      %dma_start3A_561 = arith.constant 0 : i32
      %dma_start3A_562 = arith.constant 0 : i32
      %dma_start3A_563 = tpu.memref_slice %arg9[%dma_start3A_560, %dma_start3A_561, %dma_start3A_562] : memref<8x128x32xf32, #tpu.memory_space<vmem>> -> memref<1x128x32xf32, #tpu.memory_space<vmem>>
      %dma_start3A_564 = tpu.memref_squeeze %dma_start3A_563 : memref<1x128x32xf32, #tpu.memory_space<vmem>> -> memref<128x32xf32, #tpu.memory_space<vmem>>
      %dma_start3A_565 = arith.constant 0 : i32
      %dma_start3A_566 = tpu.memref_slice %arg7[%add3A_559, %dma_start3A_565] : memref<80x128xi32, #tpu.memory_space<vmem>> -> memref<1x128xi32, #tpu.memory_space<vmem>>
      %dma_start3A_567 = tpu.memref_squeeze %dma_start3A_566 : memref<1x128xi32, #tpu.memory_space<vmem>> -> memref<128xi32, #tpu.memory_space<vmem>>
      %dma_start3A_568 = arith.constant 0 : i32
      %dma_start3A_569 = arith.constant 0 : i32
      %dma_start3A_570 = tpu.memref_slice %arg10[%dma_start3A_568, %dma_start3A_569] : memref<10240x32xf32, #tpu.memory_space<vmem_shared>> -> memref<10240x32xf32, #tpu.memory_space<vmem_shared>>
      tpu.enqueue_indirect_dma source(%dma_start3A_564 : memref<128x32xf32, #tpu.memory_space<vmem>>) target(%dma_start3A_570 : memref<10240x32xf32, #tpu.memory_space<vmem_shared>>) offsets(%dma_start3A_567 : memref<128xi32, #tpu.memory_space<vmem>>) semaphore(%arg14 : memref<!tpu.dma_semaphore, #tpu.memory_space<semaphore_mem>>) {add = true}
      %add3A_571 = arith.constant 1 : i32
      %add3A_572 = arith.addi %mul3A_544, %add3A_571 : i32
      %dma_wait3A_573 = arith.constant 1 : i32
      %dma_wait3A_574 = arith.constant 0 : i32
      %dma_wait3A_575 = arith.constant 0 : i32
      %dma_wait3A_576 = tpu.memref_slice %arg9[%dma_wait3A_573, %dma_wait3A_574, %dma_wait3A_575] : memref<8x128x32xf32, #tpu.memory_space<vmem>> -> memref<1x128x32xf32, #tpu.memory_space<vmem>>
      %dma_wait3A_577 = tpu.memref_squeeze %dma_wait3A_576 : memref<1x128x32xf32, #tpu.memory_space<vmem>> -> memref<128x32xf32, #tpu.memory_space<vmem>>
      %dma_wait3A_578 = arith.constant 0 : i32
      %dma_wait3A_579 = tpu.memref_slice %arg6[%add3A_572, %dma_wait3A_578] : memref<80x128xi32, #tpu.memory_space<vmem>> -> memref<1x128xi32, #tpu.memory_space<vmem>>
      %dma_wait3A_580 = tpu.memref_squeeze %dma_wait3A_579 : memref<1x128xi32, #tpu.memory_space<vmem>> -> memref<128xi32, #tpu.memory_space<vmem>>
      %dma_wait3A_581 = arith.constant 0 : i32
      %dma_wait3A_582 = arith.constant 0 : i32
      %dma_wait3A_583 = tpu.memref_slice %arg3[%dma_wait3A_581, %dma_wait3A_582] : memref<10000x32xf32, #tpu.memory_space<hbm>> -> memref<10000x32xf32, #tpu.memory_space<hbm>>
      tpu.wait_indirect_dma semaphore(%arg12 : memref<!tpu.dma_semaphore, #tpu.memory_space<semaphore_mem>>) src(%dma_wait3A_583 : memref<10000x32xf32, #tpu.memory_space<hbm>>) dst(%dma_wait3A_577 : memref<128x32xf32, #tpu.memory_space<vmem>>)
      %add3A_584 = arith.constant 1 : i32
      %add3A_585 = arith.addi %mul3A_544, %add3A_584 : i32
      %dma_start3A_586 = arith.constant 1 : i32
      %dma_start3A_587 = arith.constant 0 : i32
      %dma_start3A_588 = arith.constant 0 : i32
      %dma_start3A_589 = tpu.memref_slice %arg9[%dma_start3A_586, %dma_start3A_587, %dma_start3A_588] : memref<8x128x32xf32, #tpu.memory_space<vmem>> -> memref<1x128x32xf32, #tpu.memory_space<vmem>>
      %dma_start3A_590 = tpu.memref_squeeze %dma_start3A_589 : memref<1x128x32xf32, #tpu.memory_space<vmem>> -> memref<128x32xf32, #tpu.memory_space<vmem>>
      %dma_start3A_591 = arith.constant 0 : i32
      %dma_start3A_592 = tpu.memref_slice %arg7[%add3A_585, %dma_start3A_591] : memref<80x128xi32, #tpu.memory_space<vmem>> -> memref<1x128xi32, #tpu.memory_space<vmem>>
      %dma_start3A_593 = tpu.memref_squeeze %dma_start3A_592 : memref<1x128xi32, #tpu.memory_space<vmem>> -> memref<128xi32, #tpu.memory_space<vmem>>
      %dma_start3A_594 = arith.constant 0 : i32
      %dma_start3A_595 = arith.constant 0 : i32
      %dma_start3A_596 = tpu.memref_slice %arg10[%dma_start3A_594, %dma_start3A_595] : memref<10240x32xf32, #tpu.memory_space<vmem_shared>> -> memref<10240x32xf32, #tpu.memory_space<vmem_shared>>
      tpu.enqueue_indirect_dma source(%dma_start3A_590 : memref<128x32xf32, #tpu.memory_space<vmem>>) target(%dma_start3A_596 : memref<10240x32xf32, #tpu.memory_space<vmem_shared>>) offsets(%dma_start3A_593 : memref<128xi32, #tpu.memory_space<vmem>>) semaphore(%arg14 : memref<!tpu.dma_semaphore, #tpu.memory_space<semaphore_mem>>) {add = true}
      %add3A_597 = arith.constant 2 : i32
      %add3A_598 = arith.addi %mul3A_544, %add3A_597 : i32
      %dma_wait3A_599 = arith.constant 2 : i32
      %dma_wait3A_600 = arith.constant 0 : i32
      %dma_wait3A_601 = arith.constant 0 : i32
      %dma_wait3A_602 = tpu.memref_slice %arg9[%dma_wait3A_599, %dma_wait3A_600, %dma_wait3A_601] : memref<8x128x32xf32, #tpu.memory_space<vmem>> -> memref<1x128x32xf32, #tpu.memory_space<vmem>>
      %dma_wait3A_603 = tpu.memref_squeeze %dma_wait3A_602 : memref<1x128x32xf32, #tpu.memory_space<vmem>> -> memref<128x32xf32, #tpu.memory_space<vmem>>
      %dma_wait3A_604 = arith.constant 0 : i32
      %dma_wait3A_605 = tpu.memref_slice %arg6[%add3A_598, %dma_wait3A_604] : memref<80x128xi32, #tpu.memory_space<vmem>> -> memref<1x128xi32, #tpu.memory_space<vmem>>
      %dma_wait3A_606 = tpu.memref_squeeze %dma_wait3A_605 : memref<1x128xi32, #tpu.memory_space<vmem>> -> memref<128xi32, #tpu.memory_space<vmem>>
      %dma_wait3A_607 = arith.constant 0 : i32
      %dma_wait3A_608 = arith.constant 0 : i32
      %dma_wait3A_609 = tpu.memref_slice %arg3[%dma_wait3A_607, %dma_wait3A_608] : memref<10000x32xf32, #tpu.memory_space<hbm>> -> memref<10000x32xf32, #tpu.memory_space<hbm>>
      tpu.wait_indirect_dma semaphore(%arg12 : memref<!tpu.dma_semaphore, #tpu.memory_space<semaphore_mem>>) src(%dma_wait3A_609 : memref<10000x32xf32, #tpu.memory_space<hbm>>) dst(%dma_wait3A_603 : memref<128x32xf32, #tpu.memory_space<vmem>>)
      %add3A_610 = arith.constant 2 : i32
      %add3A_611 = arith.addi %mul3A_544, %add3A_610 : i32
      %dma_start3A_612 = arith.constant 2 : i32
      %dma_start3A_613 = arith.constant 0 : i32
      %dma_start3A_614 = arith.constant 0 : i32
      %dma_start3A_615 = tpu.memref_slice %arg9[%dma_start3A_612, %dma_start3A_613, %dma_start3A_614] : memref<8x128x32xf32, #tpu.memory_space<vmem>> -> memref<1x128x32xf32, #tpu.memory_space<vmem>>
      %dma_start3A_616 = tpu.memref_squeeze %dma_start3A_615 : memref<1x128x32xf32, #tpu.memory_space<vmem>> -> memref<128x32xf32, #tpu.memory_space<vmem>>
      %dma_start3A_617 = arith.constant 0 : i32
      %dma_start3A_618 = tpu.memref_slice %arg7[%add3A_611, %dma_start3A_617] : memref<80x128xi32, #tpu.memory_space<vmem>> -> memref<1x128xi32, #tpu.memory_space<vmem>>
      %dma_start3A_619 = tpu.memref_squeeze %dma_start3A_618 : memref<1x128xi32, #tpu.memory_space<vmem>> -> memref<128xi32, #tpu.memory_space<vmem>>
      %dma_start3A_620 = arith.constant 0 : i32
      %dma_start3A_621 = arith.constant 0 : i32
      %dma_start3A_622 = tpu.memref_slice %arg10[%dma_start3A_620, %dma_start3A_621] : memref<10240x32xf32, #tpu.memory_space<vmem_shared>> -> memref<10240x32xf32, #tpu.memory_space<vmem_shared>>
      tpu.enqueue_indirect_dma source(%dma_start3A_616 : memref<128x32xf32, #tpu.memory_space<vmem>>) target(%dma_start3A_622 : memref<10240x32xf32, #tpu.memory_space<vmem_shared>>) offsets(%dma_start3A_619 : memref<128xi32, #tpu.memory_space<vmem>>) semaphore(%arg14 : memref<!tpu.dma_semaphore, #tpu.memory_space<semaphore_mem>>) {add = true}
      %add3A_623 = arith.constant 3 : i32
      %add3A_624 = arith.addi %mul3A_544, %add3A_623 : i32
      %dma_wait3A_625 = arith.constant 3 : i32
      %dma_wait3A_626 = arith.constant 0 : i32
      %dma_wait3A_627 = arith.constant 0 : i32
      %dma_wait3A_628 = tpu.memref_slice %arg9[%dma_wait3A_625, %dma_wait3A_626, %dma_wait3A_627] : memref<8x128x32xf32, #tpu.memory_space<vmem>> -> memref<1x128x32xf32, #tpu.memory_space<vmem>>
      %dma_wait3A_629 = tpu.memref_squeeze %dma_wait3A_628 : memref<1x128x32xf32, #tpu.memory_space<vmem>> -> memref<128x32xf32, #tpu.memory_space<vmem>>
      %dma_wait3A_630 = arith.constant 0 : i32
      %dma_wait3A_631 = tpu.memref_slice %arg6[%add3A_624, %dma_wait3A_630] : memref<80x128xi32, #tpu.memory_space<vmem>> -> memref<1x128xi32, #tpu.memory_space<vmem>>
      %dma_wait3A_632 = tpu.memref_squeeze %dma_wait3A_631 : memref<1x128xi32, #tpu.memory_space<vmem>> -> memref<128xi32, #tpu.memory_space<vmem>>
      %dma_wait3A_633 = arith.constant 0 : i32
      %dma_wait3A_634 = arith.constant 0 : i32
      %dma_wait3A_635 = tpu.memref_slice %arg3[%dma_wait3A_633, %dma_wait3A_634] : memref<10000x32xf32, #tpu.memory_space<hbm>> -> memref<10000x32xf32, #tpu.memory_space<hbm>>
      tpu.wait_indirect_dma semaphore(%arg12 : memref<!tpu.dma_semaphore, #tpu.memory_space<semaphore_mem>>) src(%dma_wait3A_635 : memref<10000x32xf32, #tpu.memory_space<hbm>>) dst(%dma_wait3A_629 : memref<128x32xf32, #tpu.memory_space<vmem>>)
      %add3A_636 = arith.constant 3 : i32
      %add3A_637 = arith.addi %mul3A_544, %add3A_636 : i32
      %dma_start3A_638 = arith.constant 3 : i32
      %dma_start3A_639 = arith.constant 0 : i32
      %dma_start3A_640 = arith.constant 0 : i32
      %dma_start3A_641 = tpu.memref_slice %arg9[%dma_start3A_638, %dma_start3A_639, %dma_start3A_640] : memref<8x128x32xf32, #tpu.memory_space<vmem>> -> memref<1x128x32xf32, #tpu.memory_space<vmem>>
      %dma_start3A_642 = tpu.memref_squeeze %dma_start3A_641 : memref<1x128x32xf32, #tpu.memory_space<vmem>> -> memref<128x32xf32, #tpu.memory_space<vmem>>
      %dma_start3A_643 = arith.constant 0 : i32
      %dma_start3A_644 = tpu.memref_slice %arg7[%add3A_637, %dma_start3A_643] : memref<80x128xi32, #tpu.memory_space<vmem>> -> memref<1x128xi32, #tpu.memory_space<vmem>>
      %dma_start3A_645 = tpu.memref_squeeze %dma_start3A_644 : memref<1x128xi32, #tpu.memory_space<vmem>> -> memref<128xi32, #tpu.memory_space<vmem>>
      %dma_start3A_646 = arith.constant 0 : i32
      %dma_start3A_647 = arith.constant 0 : i32
      %dma_start3A_648 = tpu.memref_slice %arg10[%dma_start3A_646, %dma_start3A_647] : memref<10240x32xf32, #tpu.memory_space<vmem_shared>> -> memref<10240x32xf32, #tpu.memory_space<vmem_shared>>
      tpu.enqueue_indirect_dma source(%dma_start3A_642 : memref<128x32xf32, #tpu.memory_space<vmem>>) target(%dma_start3A_648 : memref<10240x32xf32, #tpu.memory_space<vmem_shared>>) offsets(%dma_start3A_645 : memref<128xi32, #tpu.memory_space<vmem>>) semaphore(%arg14 : memref<!tpu.dma_semaphore, #tpu.memory_space<semaphore_mem>>) {add = true}
      %add3A_649 = arith.constant 4 : i32
      %add3A_650 = arith.addi %mul3A_544, %add3A_649 : i32
      %dma_wait3A_651 = arith.constant 4 : i32
      %dma_wait3A_652 = arith.constant 0 : i32
      %dma_wait3A_653 = arith.constant 0 : i32
      %dma_wait3A_654 = tpu.memref_slice %arg9[%dma_wait3A_651, %dma_wait3A_652, %dma_wait3A_653] : memref<8x128x32xf32, #tpu.memory_space<vmem>> -> memref<1x128x32xf32, #tpu.memory_space<vmem>>
      %dma_wait3A_655 = tpu.memref_squeeze %dma_wait3A_654 : memref<1x128x32xf32, #tpu.memory_space<vmem>> -> memref<128x32xf32, #tpu.memory_space<vmem>>
      %dma_wait3A_656 = arith.constant 0 : i32
      %dma_wait3A_657 = tpu.memref_slice %arg6[%add3A_650, %dma_wait3A_656] : memref<80x128xi32, #tpu.memory_space<vmem>> -> memref<1x128xi32, #tpu.memory_space<vmem>>
      %dma_wait3A_658 = tpu.memref_squeeze %dma_wait3A_657 : memref<1x128xi32, #tpu.memory_space<vmem>> -> memref<128xi32, #tpu.memory_space<vmem>>
      %dma_wait3A_659 = arith.constant 0 : i32
      %dma_wait3A_660 = arith.constant 0 : i32
      %dma_wait3A_661 = tpu.memref_slice %arg3[%dma_wait3A_659, %dma_wait3A_660] : memref<10000x32xf32, #tpu.memory_space<hbm>> -> memref<10000x32xf32, #tpu.memory_space<hbm>>
      tpu.wait_indirect_dma semaphore(%arg12 : memref<!tpu.dma_semaphore, #tpu.memory_space<semaphore_mem>>) src(%dma_wait3A_661 : memref<10000x32xf32, #tpu.memory_space<hbm>>) dst(%dma_wait3A_655 : memref<128x32xf32, #tpu.memory_space<vmem>>)
      %add3A_662 = arith.constant 4 : i32
      %add3A_663 = arith.addi %mul3A_544, %add3A_662 : i32
      %dma_start3A_664 = arith.constant 4 : i32
      %dma_start3A_665 = arith.constant 0 : i32
      %dma_start3A_666 = arith.constant 0 : i32
      %dma_start3A_667 = tpu.memref_slice %arg9[%dma_start3A_664, %dma_start3A_665, %dma_start3A_666] : memref<8x128x32xf32, #tpu.memory_space<vmem>> -> memref<1x128x32xf32, #tpu.memory_space<vmem>>
      %dma_start3A_668 = tpu.memref_squeeze %dma_start3A_667 : memref<1x128x32xf32, #tpu.memory_space<vmem>> -> memref<128x32xf32, #tpu.memory_space<vmem>>
      %dma_start3A_669 = arith.constant 0 : i32
      %dma_start3A_670 = tpu.memref_slice %arg7[%add3A_663, %dma_start3A_669] : memref<80x128xi32, #tpu.memory_space<vmem>> -> memref<1x128xi32, #tpu.memory_space<vmem>>
      %dma_start3A_671 = tpu.memref_squeeze %dma_start3A_670 : memref<1x128xi32, #tpu.memory_space<vmem>> -> memref<128xi32, #tpu.memory_space<vmem>>
      %dma_start3A_672 = arith.constant 0 : i32
      %dma_start3A_673 = arith.constant 0 : i32
      %dma_start3A_674 = tpu.memref_slice %arg10[%dma_start3A_672, %dma_start3A_673] : memref<10240x32xf32, #tpu.memory_space<vmem_shared>> -> memref<10240x32xf32, #tpu.memory_space<vmem_shared>>
      tpu.enqueue_indirect_dma source(%dma_start3A_668 : memref<128x32xf32, #tpu.memory_space<vmem>>) target(%dma_start3A_674 : memref<10240x32xf32, #tpu.memory_space<vmem_shared>>) offsets(%dma_start3A_671 : memref<128xi32, #tpu.memory_space<vmem>>) semaphore(%arg14 : memref<!tpu.dma_semaphore, #tpu.memory_space<semaphore_mem>>) {add = true}
      %add3A_675 = arith.constant 5 : i32
      %add3A_676 = arith.addi %mul3A_544, %add3A_675 : i32
      %dma_wait3A_677 = arith.constant 5 : i32
      %dma_wait3A_678 = arith.constant 0 : i32
      %dma_wait3A_679 = arith.constant 0 : i32
      %dma_wait3A_680 = tpu.memref_slice %arg9[%dma_wait3A_677, %dma_wait3A_678, %dma_wait3A_679] : memref<8x128x32xf32, #tpu.memory_space<vmem>> -> memref<1x128x32xf32, #tpu.memory_space<vmem>>
      %dma_wait3A_681 = tpu.memref_squeeze %dma_wait3A_680 : memref<1x128x32xf32, #tpu.memory_space<vmem>> -> memref<128x32xf32, #tpu.memory_space<vmem>>
      %dma_wait3A_682 = arith.constant 0 : i32
      %dma_wait3A_683 = tpu.memref_slice %arg6[%add3A_676, %dma_wait3A_682] : memref<80x128xi32, #tpu.memory_space<vmem>> -> memref<1x128xi32, #tpu.memory_space<vmem>>
      %dma_wait3A_684 = tpu.memref_squeeze %dma_wait3A_683 : memref<1x128xi32, #tpu.memory_space<vmem>> -> memref<128xi32, #tpu.memory_space<vmem>>
      %dma_wait3A_685 = arith.constant 0 : i32
      %dma_wait3A_686 = arith.constant 0 : i32
      %dma_wait3A_687 = tpu.memref_slice %arg3[%dma_wait3A_685, %dma_wait3A_686] : memref<10000x32xf32, #tpu.memory_space<hbm>> -> memref<10000x32xf32, #tpu.memory_space<hbm>>
      tpu.wait_indirect_dma semaphore(%arg12 : memref<!tpu.dma_semaphore, #tpu.memory_space<semaphore_mem>>) src(%dma_wait3A_687 : memref<10000x32xf32, #tpu.memory_space<hbm>>) dst(%dma_wait3A_681 : memref<128x32xf32, #tpu.memory_space<vmem>>)
      %add3A_688 = arith.constant 5 : i32
      %add3A_689 = arith.addi %mul3A_544, %add3A_688 : i32
      %dma_start3A_690 = arith.constant 5 : i32
      %dma_start3A_691 = arith.constant 0 : i32
      %dma_start3A_692 = arith.constant 0 : i32
      %dma_start3A_693 = tpu.memref_slice %arg9[%dma_start3A_690, %dma_start3A_691, %dma_start3A_692] : memref<8x128x32xf32, #tpu.memory_space<vmem>> -> memref<1x128x32xf32, #tpu.memory_space<vmem>>
      %dma_start3A_694 = tpu.memref_squeeze %dma_start3A_693 : memref<1x128x32xf32, #tpu.memory_space<vmem>> -> memref<128x32xf32, #tpu.memory_space<vmem>>
      %dma_start3A_695 = arith.constant 0 : i32
      %dma_start3A_696 = tpu.memref_slice %arg7[%add3A_689, %dma_start3A_695] : memref<80x128xi32, #tpu.memory_space<vmem>> -> memref<1x128xi32, #tpu.memory_space<vmem>>
      %dma_start3A_697 = tpu.memref_squeeze %dma_start3A_696 : memref<1x128xi32, #tpu.memory_space<vmem>> -> memref<128xi32, #tpu.memory_space<vmem>>
      %dma_start3A_698 = arith.constant 0 : i32
      %dma_start3A_699 = arith.constant 0 : i32
      %dma_start3A_700 = tpu.memref_slice %arg10[%dma_start3A_698, %dma_start3A_699] : memref<10240x32xf32, #tpu.memory_space<vmem_shared>> -> memref<10240x32xf32, #tpu.memory_space<vmem_shared>>
      tpu.enqueue_indirect_dma source(%dma_start3A_694 : memref<128x32xf32, #tpu.memory_space<vmem>>) target(%dma_start3A_700 : memref<10240x32xf32, #tpu.memory_space<vmem_shared>>) offsets(%dma_start3A_697 : memref<128xi32, #tpu.memory_space<vmem>>) semaphore(%arg14 : memref<!tpu.dma_semaphore, #tpu.memory_space<semaphore_mem>>) {add = true}
      %add3A_701 = arith.constant 6 : i32
      %add3A_702 = arith.addi %mul3A_544, %add3A_701 : i32
      %dma_wait3A_703 = arith.constant 6 : i32
      %dma_wait3A_704 = arith.constant 0 : i32
      %dma_wait3A_705 = arith.constant 0 : i32
      %dma_wait3A_706 = tpu.memref_slice %arg9[%dma_wait3A_703, %dma_wait3A_704, %dma_wait3A_705] : memref<8x128x32xf32, #tpu.memory_space<vmem>> -> memref<1x128x32xf32, #tpu.memory_space<vmem>>
      %dma_wait3A_707 = tpu.memref_squeeze %dma_wait3A_706 : memref<1x128x32xf32, #tpu.memory_space<vmem>> -> memref<128x32xf32, #tpu.memory_space<vmem>>
      %dma_wait3A_708 = arith.constant 0 : i32
      %dma_wait3A_709 = tpu.memref_slice %arg6[%add3A_702, %dma_wait3A_708] : memref<80x128xi32, #tpu.memory_space<vmem>> -> memref<1x128xi32, #tpu.memory_space<vmem>>
      %dma_wait3A_710 = tpu.memref_squeeze %dma_wait3A_709 : memref<1x128xi32, #tpu.memory_space<vmem>> -> memref<128xi32, #tpu.memory_space<vmem>>
      %dma_wait3A_711 = arith.constant 0 : i32
      %dma_wait3A_712 = arith.constant 0 : i32
      %dma_wait3A_713 = tpu.memref_slice %arg3[%dma_wait3A_711, %dma_wait3A_712] : memref<10000x32xf32, #tpu.memory_space<hbm>> -> memref<10000x32xf32, #tpu.memory_space<hbm>>
      tpu.wait_indirect_dma semaphore(%arg12 : memref<!tpu.dma_semaphore, #tpu.memory_space<semaphore_mem>>) src(%dma_wait3A_713 : memref<10000x32xf32, #tpu.memory_space<hbm>>) dst(%dma_wait3A_707 : memref<128x32xf32, #tpu.memory_space<vmem>>)
      %add3A_714 = arith.constant 6 : i32
      %add3A_715 = arith.addi %mul3A_544, %add3A_714 : i32
      %dma_start3A_716 = arith.constant 6 : i32
      %dma_start3A_717 = arith.constant 0 : i32
      %dma_start3A_718 = arith.constant 0 : i32
      %dma_start3A_719 = tpu.memref_slice %arg9[%dma_start3A_716, %dma_start3A_717, %dma_start3A_718] : memref<8x128x32xf32, #tpu.memory_space<vmem>> -> memref<1x128x32xf32, #tpu.memory_space<vmem>>
      %dma_start3A_720 = tpu.memref_squeeze %dma_start3A_719 : memref<1x128x32xf32, #tpu.memory_space<vmem>> -> memref<128x32xf32, #tpu.memory_space<vmem>>
      %dma_start3A_721 = arith.constant 0 : i32
      %dma_start3A_722 = tpu.memref_slice %arg7[%add3A_715, %dma_start3A_721] : memref<80x128xi32, #tpu.memory_space<vmem>> -> memref<1x128xi32, #tpu.memory_space<vmem>>
      %dma_start3A_723 = tpu.memref_squeeze %dma_start3A_722 : memref<1x128xi32, #tpu.memory_space<vmem>> -> memref<128xi32, #tpu.memory_space<vmem>>
      %dma_start3A_724 = arith.constant 0 : i32
      %dma_start3A_725 = arith.constant 0 : i32
      %dma_start3A_726 = tpu.memref_slice %arg10[%dma_start3A_724, %dma_start3A_725] : memref<10240x32xf32, #tpu.memory_space<vmem_shared>> -> memref<10240x32xf32, #tpu.memory_space<vmem_shared>>
      tpu.enqueue_indirect_dma source(%dma_start3A_720 : memref<128x32xf32, #tpu.memory_space<vmem>>) target(%dma_start3A_726 : memref<10240x32xf32, #tpu.memory_space<vmem_shared>>) offsets(%dma_start3A_723 : memref<128xi32, #tpu.memory_space<vmem>>) semaphore(%arg14 : memref<!tpu.dma_semaphore, #tpu.memory_space<semaphore_mem>>) {add = true}
      %add3A_727 = arith.constant 7 : i32
      %add3A_728 = arith.addi %mul3A_544, %add3A_727 : i32
      %dma_wait3A_729 = arith.constant 7 : i32
      %dma_wait3A_730 = arith.constant 0 : i32
      %dma_wait3A_731 = arith.constant 0 : i32
      %dma_wait3A_732 = tpu.memref_slice %arg9[%dma_wait3A_729, %dma_wait3A_730, %dma_wait3A_731] : memref<8x128x32xf32, #tpu.memory_space<vmem>> -> memref<1x128x32xf32, #tpu.memory_space<vmem>>
      %dma_wait3A_733 = tpu.memref_squeeze %dma_wait3A_732 : memref<1x128x32xf32, #tpu.memory_space<vmem>> -> memref<128x32xf32, #tpu.memory_space<vmem>>
      %dma_wait3A_734 = arith.constant 0 : i32
      %dma_wait3A_735 = tpu.memref_slice %arg6[%add3A_728, %dma_wait3A_734] : memref<80x128xi32, #tpu.memory_space<vmem>> -> memref<1x128xi32, #tpu.memory_space<vmem>>
      %dma_wait3A_736 = tpu.memref_squeeze %dma_wait3A_735 : memref<1x128xi32, #tpu.memory_space<vmem>> -> memref<128xi32, #tpu.memory_space<vmem>>
      %dma_wait3A_737 = arith.constant 0 : i32
      %dma_wait3A_738 = arith.constant 0 : i32
      %dma_wait3A_739 = tpu.memref_slice %arg3[%dma_wait3A_737, %dma_wait3A_738] : memref<10000x32xf32, #tpu.memory_space<hbm>> -> memref<10000x32xf32, #tpu.memory_space<hbm>>
      tpu.wait_indirect_dma semaphore(%arg12 : memref<!tpu.dma_semaphore, #tpu.memory_space<semaphore_mem>>) src(%dma_wait3A_739 : memref<10000x32xf32, #tpu.memory_space<hbm>>) dst(%dma_wait3A_733 : memref<128x32xf32, #tpu.memory_space<vmem>>)
      %add3A_740 = arith.constant 7 : i32
      %add3A_741 = arith.addi %mul3A_544, %add3A_740 : i32
      %dma_start3A_742 = arith.constant 7 : i32
      %dma_start3A_743 = arith.constant 0 : i32
      %dma_start3A_744 = arith.constant 0 : i32
      %dma_start3A_745 = tpu.memref_slice %arg9[%dma_start3A_742, %dma_start3A_743, %dma_start3A_744] : memref<8x128x32xf32, #tpu.memory_space<vmem>> -> memref<1x128x32xf32, #tpu.memory_space<vmem>>
      %dma_start3A_746 = tpu.memref_squeeze %dma_start3A_745 : memref<1x128x32xf32, #tpu.memory_space<vmem>> -> memref<128x32xf32, #tpu.memory_space<vmem>>
      %dma_start3A_747 = arith.constant 0 : i32
      %dma_start3A_748 = tpu.memref_slice %arg7[%add3A_741, %dma_start3A_747] : memref<80x128xi32, #tpu.memory_space<vmem>> -> memref<1x128xi32, #tpu.memory_space<vmem>>
      %dma_start3A_749 = tpu.memref_squeeze %dma_start3A_748 : memref<1x128xi32, #tpu.memory_space<vmem>> -> memref<128xi32, #tpu.memory_space<vmem>>
      %dma_start3A_750 = arith.constant 0 : i32
      %dma_start3A_751 = arith.constant 0 : i32
      %dma_start3A_752 = tpu.memref_slice %arg10[%dma_start3A_750, %dma_start3A_751] : memref<10240x32xf32, #tpu.memory_space<vmem_shared>> -> memref<10240x32xf32, #tpu.memory_space<vmem_shared>>
      tpu.enqueue_indirect_dma source(%dma_start3A_746 : memref<128x32xf32, #tpu.memory_space<vmem>>) target(%dma_start3A_752 : memref<10240x32xf32, #tpu.memory_space<vmem_shared>>) offsets(%dma_start3A_749 : memref<128xi32, #tpu.memory_space<vmem>>) semaphore(%arg14 : memref<!tpu.dma_semaphore, #tpu.memory_space<semaphore_mem>>) {add = true}
      %add3A_753 = arith.constant 0 : i32
      %add3A_754 = arith.addi %mul3A_544, %add3A_753 : i32
      %dma_wait3A_755 = arith.constant 0 : i32
      %dma_wait3A_756 = arith.constant 0 : i32
      %dma_wait3A_757 = arith.constant 0 : i32
      %dma_wait3A_758 = tpu.memref_slice %arg9[%dma_wait3A_755, %dma_wait3A_756, %dma_wait3A_757] : memref<8x128x32xf32, #tpu.memory_space<vmem>> -> memref<1x128x32xf32, #tpu.memory_space<vmem>>
      %dma_wait3A_759 = tpu.memref_squeeze %dma_wait3A_758 : memref<1x128x32xf32, #tpu.memory_space<vmem>> -> memref<128x32xf32, #tpu.memory_space<vmem>>
      %dma_wait3A_760 = arith.constant 0 : i32
      %dma_wait3A_761 = tpu.memref_slice %arg7[%add3A_754, %dma_wait3A_760] : memref<80x128xi32, #tpu.memory_space<vmem>> -> memref<1x128xi32, #tpu.memory_space<vmem>>
      %dma_wait3A_762 = tpu.memref_squeeze %dma_wait3A_761 : memref<1x128xi32, #tpu.memory_space<vmem>> -> memref<128xi32, #tpu.memory_space<vmem>>
      %dma_wait3A_763 = arith.constant 0 : i32
      %dma_wait3A_764 = arith.constant 0 : i32
      %dma_wait3A_765 = tpu.memref_slice %arg10[%dma_wait3A_763, %dma_wait3A_764] : memref<10240x32xf32, #tpu.memory_space<vmem_shared>> -> memref<10240x32xf32, #tpu.memory_space<vmem_shared>>
      tpu.wait_indirect_dma semaphore(%arg14 : memref<!tpu.dma_semaphore, #tpu.memory_space<semaphore_mem>>) src(%dma_wait3A_759 : memref<128x32xf32, #tpu.memory_space<vmem>>) dst(%dma_wait3A_765 : memref<10240x32xf32, #tpu.memory_space<vmem_shared>>)
      %add3A_766 = arith.constant 1 : i32
      %add3A_767 = arith.addi %mul3A_544, %add3A_766 : i32
      %dma_wait3A_768 = arith.constant 1 : i32
      %dma_wait3A_769 = arith.constant 0 : i32
      %dma_wait3A_770 = arith.constant 0 : i32
      %dma_wait3A_771 = tpu.memref_slice %arg9[%dma_wait3A_768, %dma_wait3A_769, %dma_wait3A_770] : memref<8x128x32xf32, #tpu.memory_space<vmem>> -> memref<1x128x32xf32, #tpu.memory_space<vmem>>
      %dma_wait3A_772 = tpu.memref_squeeze %dma_wait3A_771 : memref<1x128x32xf32, #tpu.memory_space<vmem>> -> memref<128x32xf32, #tpu.memory_space<vmem>>
      %dma_wait3A_773 = arith.constant 0 : i32
      %dma_wait3A_774 = tpu.memref_slice %arg7[%add3A_767, %dma_wait3A_773] : memref<80x128xi32, #tpu.memory_space<vmem>> -> memref<1x128xi32, #tpu.memory_space<vmem>>
      %dma_wait3A_775 = tpu.memref_squeeze %dma_wait3A_774 : memref<1x128xi32, #tpu.memory_space<vmem>> -> memref<128xi32, #tpu.memory_space<vmem>>
      %dma_wait3A_776 = arith.constant 0 : i32
      %dma_wait3A_777 = arith.constant 0 : i32
      %dma_wait3A_778 = tpu.memref_slice %arg10[%dma_wait3A_776, %dma_wait3A_777] : memref<10240x32xf32, #tpu.memory_space<vmem_shared>> -> memref<10240x32xf32, #tpu.memory_space<vmem_shared>>
      tpu.wait_indirect_dma semaphore(%arg14 : memref<!tpu.dma_semaphore, #tpu.memory_space<semaphore_mem>>) src(%dma_wait3A_772 : memref<128x32xf32, #tpu.memory_space<vmem>>) dst(%dma_wait3A_778 : memref<10240x32xf32, #tpu.memory_space<vmem_shared>>)
      %add3A_779 = arith.constant 2 : i32
      %add3A_780 = arith.addi %mul3A_544, %add3A_779 : i32
      %dma_wait3A_781 = arith.constant 2 : i32
      %dma_wait3A_782 = arith.constant 0 : i32
      %dma_wait3A_783 = arith.constant 0 : i32
      %dma_wait3A_784 = tpu.memref_slice %arg9[%dma_wait3A_781, %dma_wait3A_782, %dma_wait3A_783] : memref<8x128x32xf32, #tpu.memory_space<vmem>> -> memref<1x128x32xf32, #tpu.memory_space<vmem>>
      %dma_wait3A_785 = tpu.memref_squeeze %dma_wait3A_784 : memref<1x128x32xf32, #tpu.memory_space<vmem>> -> memref<128x32xf32, #tpu.memory_space<vmem>>
      %dma_wait3A_786 = arith.constant 0 : i32
      %dma_wait3A_787 = tpu.memref_slice %arg7[%add3A_780, %dma_wait3A_786] : memref<80x128xi32, #tpu.memory_space<vmem>> -> memref<1x128xi32, #tpu.memory_space<vmem>>
      %dma_wait3A_788 = tpu.memref_squeeze %dma_wait3A_787 : memref<1x128xi32, #tpu.memory_space<vmem>> -> memref<128xi32, #tpu.memory_space<vmem>>
      %dma_wait3A_789 = arith.constant 0 : i32
      %dma_wait3A_790 = arith.constant 0 : i32
      %dma_wait3A_791 = tpu.memref_slice %arg10[%dma_wait3A_789, %dma_wait3A_790] : memref<10240x32xf32, #tpu.memory_space<vmem_shared>> -> memref<10240x32xf32, #tpu.memory_space<vmem_shared>>
      tpu.wait_indirect_dma semaphore(%arg14 : memref<!tpu.dma_semaphore, #tpu.memory_space<semaphore_mem>>) src(%dma_wait3A_785 : memref<128x32xf32, #tpu.memory_space<vmem>>) dst(%dma_wait3A_791 : memref<10240x32xf32, #tpu.memory_space<vmem_shared>>)
      %add3A_792 = arith.constant 3 : i32
      %add3A_793 = arith.addi %mul3A_544, %add3A_792 : i32
      %dma_wait3A_794 = arith.constant 3 : i32
      %dma_wait3A_795 = arith.constant 0 : i32
      %dma_wait3A_796 = arith.constant 0 : i32
      %dma_wait3A_797 = tpu.memref_slice %arg9[%dma_wait3A_794, %dma_wait3A_795, %dma_wait3A_796] : memref<8x128x32xf32, #tpu.memory_space<vmem>> -> memref<1x128x32xf32, #tpu.memory_space<vmem>>
      %dma_wait3A_798 = tpu.memref_squeeze %dma_wait3A_797 : memref<1x128x32xf32, #tpu.memory_space<vmem>> -> memref<128x32xf32, #tpu.memory_space<vmem>>
      %dma_wait3A_799 = arith.constant 0 : i32
      %dma_wait3A_800 = tpu.memref_slice %arg7[%add3A_793, %dma_wait3A_799] : memref<80x128xi32, #tpu.memory_space<vmem>> -> memref<1x128xi32, #tpu.memory_space<vmem>>
      %dma_wait3A_801 = tpu.memref_squeeze %dma_wait3A_800 : memref<1x128xi32, #tpu.memory_space<vmem>> -> memref<128xi32, #tpu.memory_space<vmem>>
      %dma_wait3A_802 = arith.constant 0 : i32
      %dma_wait3A_803 = arith.constant 0 : i32
      %dma_wait3A_804 = tpu.memref_slice %arg10[%dma_wait3A_802, %dma_wait3A_803] : memref<10240x32xf32, #tpu.memory_space<vmem_shared>> -> memref<10240x32xf32, #tpu.memory_space<vmem_shared>>
      tpu.wait_indirect_dma semaphore(%arg14 : memref<!tpu.dma_semaphore, #tpu.memory_space<semaphore_mem>>) src(%dma_wait3A_798 : memref<128x32xf32, #tpu.memory_space<vmem>>) dst(%dma_wait3A_804 : memref<10240x32xf32, #tpu.memory_space<vmem_shared>>)
      %add3A_805 = arith.constant 4 : i32
      %add3A_806 = arith.addi %mul3A_544, %add3A_805 : i32
      %dma_wait3A_807 = arith.constant 4 : i32
      %dma_wait3A_808 = arith.constant 0 : i32
      %dma_wait3A_809 = arith.constant 0 : i32
      %dma_wait3A_810 = tpu.memref_slice %arg9[%dma_wait3A_807, %dma_wait3A_808, %dma_wait3A_809] : memref<8x128x32xf32, #tpu.memory_space<vmem>> -> memref<1x128x32xf32, #tpu.memory_space<vmem>>
      %dma_wait3A_811 = tpu.memref_squeeze %dma_wait3A_810 : memref<1x128x32xf32, #tpu.memory_space<vmem>> -> memref<128x32xf32, #tpu.memory_space<vmem>>
      %dma_wait3A_812 = arith.constant 0 : i32
      %dma_wait3A_813 = tpu.memref_slice %arg7[%add3A_806, %dma_wait3A_812] : memref<80x128xi32, #tpu.memory_space<vmem>> -> memref<1x128xi32, #tpu.memory_space<vmem>>
      %dma_wait3A_814 = tpu.memref_squeeze %dma_wait3A_813 : memref<1x128xi32, #tpu.memory_space<vmem>> -> memref<128xi32, #tpu.memory_space<vmem>>
      %dma_wait3A_815 = arith.constant 0 : i32
      %dma_wait3A_816 = arith.constant 0 : i32
      %dma_wait3A_817 = tpu.memref_slice %arg10[%dma_wait3A_815, %dma_wait3A_816] : memref<10240x32xf32, #tpu.memory_space<vmem_shared>> -> memref<10240x32xf32, #tpu.memory_space<vmem_shared>>
      tpu.wait_indirect_dma semaphore(%arg14 : memref<!tpu.dma_semaphore, #tpu.memory_space<semaphore_mem>>) src(%dma_wait3A_811 : memref<128x32xf32, #tpu.memory_space<vmem>>) dst(%dma_wait3A_817 : memref<10240x32xf32, #tpu.memory_space<vmem_shared>>)
      %add3A_818 = arith.constant 5 : i32
      %add3A_819 = arith.addi %mul3A_544, %add3A_818 : i32
      %dma_wait3A_820 = arith.constant 5 : i32
      %dma_wait3A_821 = arith.constant 0 : i32
      %dma_wait3A_822 = arith.constant 0 : i32
      %dma_wait3A_823 = tpu.memref_slice %arg9[%dma_wait3A_820, %dma_wait3A_821, %dma_wait3A_822] : memref<8x128x32xf32, #tpu.memory_space<vmem>> -> memref<1x128x32xf32, #tpu.memory_space<vmem>>
      %dma_wait3A_824 = tpu.memref_squeeze %dma_wait3A_823 : memref<1x128x32xf32, #tpu.memory_space<vmem>> -> memref<128x32xf32, #tpu.memory_space<vmem>>
      %dma_wait3A_825 = arith.constant 0 : i32
      %dma_wait3A_826 = tpu.memref_slice %arg7[%add3A_819, %dma_wait3A_825] : memref<80x128xi32, #tpu.memory_space<vmem>> -> memref<1x128xi32, #tpu.memory_space<vmem>>
      %dma_wait3A_827 = tpu.memref_squeeze %dma_wait3A_826 : memref<1x128xi32, #tpu.memory_space<vmem>> -> memref<128xi32, #tpu.memory_space<vmem>>
      %dma_wait3A_828 = arith.constant 0 : i32
      %dma_wait3A_829 = arith.constant 0 : i32
      %dma_wait3A_830 = tpu.memref_slice %arg10[%dma_wait3A_828, %dma_wait3A_829] : memref<10240x32xf32, #tpu.memory_space<vmem_shared>> -> memref<10240x32xf32, #tpu.memory_space<vmem_shared>>
      tpu.wait_indirect_dma semaphore(%arg14 : memref<!tpu.dma_semaphore, #tpu.memory_space<semaphore_mem>>) src(%dma_wait3A_824 : memref<128x32xf32, #tpu.memory_space<vmem>>) dst(%dma_wait3A_830 : memref<10240x32xf32, #tpu.memory_space<vmem_shared>>)
      %add3A_831 = arith.constant 6 : i32
      %add3A_832 = arith.addi %mul3A_544, %add3A_831 : i32
      %dma_wait3A_833 = arith.constant 6 : i32
      %dma_wait3A_834 = arith.constant 0 : i32
      %dma_wait3A_835 = arith.constant 0 : i32
      %dma_wait3A_836 = tpu.memref_slice %arg9[%dma_wait3A_833, %dma_wait3A_834, %dma_wait3A_835] : memref<8x128x32xf32, #tpu.memory_space<vmem>> -> memref<1x128x32xf32, #tpu.memory_space<vmem>>
      %dma_wait3A_837 = tpu.memref_squeeze %dma_wait3A_836 : memref<1x128x32xf32, #tpu.memory_space<vmem>> -> memref<128x32xf32, #tpu.memory_space<vmem>>
      %dma_wait3A_838 = arith.constant 0 : i32
      %dma_wait3A_839 = tpu.memref_slice %arg7[%add3A_832, %dma_wait3A_838] : memref<80x128xi32, #tpu.memory_space<vmem>> -> memref<1x128xi32, #tpu.memory_space<vmem>>
      %dma_wait3A_840 = tpu.memref_squeeze %dma_wait3A_839 : memref<1x128xi32, #tpu.memory_space<vmem>> -> memref<128xi32, #tpu.memory_space<vmem>>
      %dma_wait3A_841 = arith.constant 0 : i32
      %dma_wait3A_842 = arith.constant 0 : i32
      %dma_wait3A_843 = tpu.memref_slice %arg10[%dma_wait3A_841, %dma_wait3A_842] : memref<10240x32xf32, #tpu.memory_space<vmem_shared>> -> memref<10240x32xf32, #tpu.memory_space<vmem_shared>>
      tpu.wait_indirect_dma semaphore(%arg14 : memref<!tpu.dma_semaphore, #tpu.memory_space<semaphore_mem>>) src(%dma_wait3A_837 : memref<128x32xf32, #tpu.memory_space<vmem>>) dst(%dma_wait3A_843 : memref<10240x32xf32, #tpu.memory_space<vmem_shared>>)
      %add3A_844 = arith.constant 7 : i32
      %add3A_845 = arith.addi %mul3A_544, %add3A_844 : i32
      %dma_wait3A_846 = arith.constant 7 : i32
      %dma_wait3A_847 = arith.constant 0 : i32
      %dma_wait3A_848 = arith.constant 0 : i32
      %dma_wait3A_849 = tpu.memref_slice %arg9[%dma_wait3A_846, %dma_wait3A_847, %dma_wait3A_848] : memref<8x128x32xf32, #tpu.memory_space<vmem>> -> memref<1x128x32xf32, #tpu.memory_space<vmem>>
      %dma_wait3A_850 = tpu.memref_squeeze %dma_wait3A_849 : memref<1x128x32xf32, #tpu.memory_space<vmem>> -> memref<128x32xf32, #tpu.memory_space<vmem>>
      %dma_wait3A_851 = arith.constant 0 : i32
      %dma_wait3A_852 = tpu.memref_slice %arg7[%add3A_845, %dma_wait3A_851] : memref<80x128xi32, #tpu.memory_space<vmem>> -> memref<1x128xi32, #tpu.memory_space<vmem>>
      %dma_wait3A_853 = tpu.memref_squeeze %dma_wait3A_852 : memref<1x128xi32, #tpu.memory_space<vmem>> -> memref<128xi32, #tpu.memory_space<vmem>>
      %dma_wait3A_854 = arith.constant 0 : i32
      %dma_wait3A_855 = arith.constant 0 : i32
      %dma_wait3A_856 = tpu.memref_slice %arg10[%dma_wait3A_854, %dma_wait3A_855] : memref<10240x32xf32, #tpu.memory_space<vmem_shared>> -> memref<10240x32xf32, #tpu.memory_space<vmem_shared>>
      tpu.wait_indirect_dma semaphore(%arg14 : memref<!tpu.dma_semaphore, #tpu.memory_space<semaphore_mem>>) src(%dma_wait3A_850 : memref<128x32xf32, #tpu.memory_space<vmem>>) dst(%dma_wait3A_856 : memref<10240x32xf32, #tpu.memory_space<vmem_shared>>)
    }
    %scan3A_107 = arith.constant 5 : i32
    %barrier3A_108 = arith.constant 0 : index
    tpu.barrier barrier_id(%barrier3A_108)
    %mul3A_109 = arith.constant 640 : i32
    %mul3A_110 = arith.muli %arg1, %mul3A_109 : i32
    %mul3A_111 = arith.constant 640 : i32
    %mul3A_112 = arith.muli %arg1, %mul3A_111 : i32
    "tpu.region"() ({
      %run_scoped3A_113 = tpu.sem_alloc : memref<!tpu.dma_semaphore, #tpu.memory_space<semaphore_mem>>
      %dma_start3A_114 = arith.constant 0 : i32
      %dma_start3A_115 = tpu.memref_slice %arg5[%arg0, %mul3A_112, %dma_start3A_114] : memref<2x10240x32xf32, #tpu.memory_space<hbm>> -> memref<1x640x32xf32, #tpu.memory_space<hbm>>
      %dma_start3A_116 = tpu.memref_squeeze %dma_start3A_115 : memref<1x640x32xf32, #tpu.memory_space<hbm>> -> memref<640x32xf32, #tpu.memory_space<hbm>>
      %dma_start3A_117 = arith.constant 0 : i32
      %dma_start3A_118 = tpu.memref_slice %arg10[%mul3A_110, %dma_start3A_117] : memref<10240x32xf32, #tpu.memory_space<vmem_shared>> -> memref<640x32xf32, #tpu.memory_space<vmem_shared>>
      tpu.enqueue_dma source(%dma_start3A_118 : memref<640x32xf32, #tpu.memory_space<vmem_shared>>) target(%dma_start3A_116 : memref<640x32xf32, #tpu.memory_space<hbm>>) target_semaphore(%run_scoped3A_113 : memref<!tpu.dma_semaphore, #tpu.memory_space<semaphore_mem>>)
      %dma_wait3A = arith.constant 0 : i32
      %dma_wait3A_119 = tpu.memref_slice %arg5[%arg0, %mul3A_112, %dma_wait3A] : memref<2x10240x32xf32, #tpu.memory_space<hbm>> -> memref<1x640x32xf32, #tpu.memory_space<hbm>>
      %dma_wait3A_120 = tpu.memref_squeeze %dma_wait3A_119 : memref<1x640x32xf32, #tpu.memory_space<hbm>> -> memref<640x32xf32, #tpu.memory_space<hbm>>
      %dma_wait3A_121 = arith.constant 0 : i32
      %dma_wait3A_122 = tpu.memref_slice %arg10[%mul3A_110, %dma_wait3A_121] : memref<10240x32xf32, #tpu.memory_space<vmem_shared>> -> memref<640x32xf32, #tpu.memory_space<vmem_shared>>
      tpu.wait_dma2 semaphore(%run_scoped3A_113 : memref<!tpu.dma_semaphore, #tpu.memory_space<semaphore_mem>>) src(%dma_wait3A_122 : memref<640x32xf32, #tpu.memory_space<vmem_shared>>) dst(%dma_wait3A_120 : memref<640x32xf32, #tpu.memory_space<hbm>>)
      tpu.yield
    }) : () -> ()
    return
  }
}

#map = affine_map<(d0, d1) -> (0, 0, 0)>
#map1 = affine_map<(d0, d1) -> (0, 0)>
module attributes {stable_mosaic.version = 14 : i64} {
  func.func @_scat(%arg0: i32, %arg1: i32, %arg2: memref<2x2560x128xi32, #tpu.memory_space<hbm>>, %arg3: memref<10000x8xf32, #tpu.memory_space<hbm>>, %arg4: memref<640x8xf32, #tpu.memory_space<hbm>>, %arg5: memref<2x10240x8xf32, #tpu.memory_space<hbm>>, %arg6: memref<80x128xi32, #tpu.memory_space<vmem>>, %arg7: memref<80x128xi32, #tpu.memory_space<vmem>>, %arg8: memref<10x128x8xf32, #tpu.memory_space<vmem>>, %arg9: memref<10x128x8xf32, #tpu.memory_space<vmem>>, %arg10: memref<10240x8xf32, #tpu.memory_space<vmem_shared>>, %arg11: memref<!tpu.dma_semaphore, #tpu.memory_space<semaphore_mem>>, %arg12: memref<!tpu.dma_semaphore, #tpu.memory_space<semaphore_mem>>, %arg13: memref<!tpu.dma_semaphore, #tpu.memory_space<semaphore_mem>>, %arg14: memref<!tpu.dma_semaphore, #tpu.memory_space<semaphore_mem>>) attributes {dimension_semantics = [#tpu.dimension_semantics<core_parallel>, #tpu.dimension_semantics<subcore_parallel>], iteration_bounds = array<i64: 2, 16>, scalar_prefetch = 0 : i64, scratch_operands = 9 : i64, tpu.core_type = #tpu.core_type<sc_vector_subcore>, window_params = [{transform_indices = #map}, {transform_indices = #map1}, {transform_indices = #map1}, {transform_indices = #map}]} {
    %mul3A = arith.constant 2 : i32
    %mul3A_0 = arith.muli %arg1, %mul3A : i32
    %add3A = arith.addi %mul3A_0, %arg0 : i32
    %mul3A_1 = arith.constant 640 : i32
    %mul3A_2 = arith.muli %arg1, %mul3A_1 : i32
    "tpu.region"() ({
      %run_scoped3A_137 = tpu.sem_alloc : memref<!tpu.dma_semaphore, #tpu.memory_space<semaphore_mem>>
      %dma_start3A_138 = arith.constant 0 : i32
      %dma_start3A_139 = tpu.memref_slice %arg10[%mul3A_2, %dma_start3A_138] : memref<10240x8xf32, #tpu.memory_space<vmem_shared>> -> memref<640x8xf32, #tpu.memory_space<vmem_shared>>
      tpu.enqueue_dma source(%arg4 : memref<640x8xf32, #tpu.memory_space<hbm>>) target(%dma_start3A_139 : memref<640x8xf32, #tpu.memory_space<vmem_shared>>) target_semaphore(%run_scoped3A_137 : memref<!tpu.dma_semaphore, #tpu.memory_space<semaphore_mem>>)
      %dma_wait3A = arith.constant 0 : i32
      %dma_wait3A_140 = tpu.memref_slice %arg10[%mul3A_2, %dma_wait3A] : memref<10240x8xf32, #tpu.memory_space<vmem_shared>> -> memref<640x8xf32, #tpu.memory_space<vmem_shared>>
      tpu.wait_dma2 semaphore(%run_scoped3A_137 : memref<!tpu.dma_semaphore, #tpu.memory_space<semaphore_mem>>) src(%arg4 : memref<640x8xf32, #tpu.memory_space<hbm>>) dst(%dma_wait3A_140 : memref<640x8xf32, #tpu.memory_space<vmem_shared>>)
      tpu.yield
    }) : () -> ()
    %mul3A_3 = arith.constant 80 : i32
    %mul3A_4 = arith.muli %add3A, %mul3A_3 : i32
    %run_scoped3A = arith.constant 0 : i32
    "tpu.region"() ({
      %run_scoped3A_137 = tpu.sem_alloc : memref<!tpu.dma_semaphore, #tpu.memory_space<semaphore_mem>>
      %dma_start3A_138 = arith.constant 0 : i32
      %dma_start3A_139 = tpu.memref_slice %arg2[%run_scoped3A, %mul3A_4, %dma_start3A_138] : memref<2x2560x128xi32, #tpu.memory_space<hbm>> -> memref<1x80x128xi32, #tpu.memory_space<hbm>>
      %dma_start3A_140 = tpu.memref_squeeze %dma_start3A_139 : memref<1x80x128xi32, #tpu.memory_space<hbm>> -> memref<80x128xi32, #tpu.memory_space<hbm>>
      %dma_start3A_141 = arith.constant 0 : i32
      %dma_start3A_142 = tpu.memref_slice %arg2[%run_scoped3A, %mul3A_4, %dma_start3A_141] : memref<2x2560x128xi32, #tpu.memory_space<hbm>> -> memref<1x80x128xi32, #tpu.memory_space<hbm>>
      %dma_start3A_143 = tpu.memref_squeeze %dma_start3A_142 : memref<1x80x128xi32, #tpu.memory_space<hbm>> -> memref<80x128xi32, #tpu.memory_space<hbm>>
      tpu.enqueue_dma source(%dma_start3A_143 : memref<80x128xi32, #tpu.memory_space<hbm>>) target(%arg6 : memref<80x128xi32, #tpu.memory_space<vmem>>) target_semaphore(%run_scoped3A_137 : memref<!tpu.dma_semaphore, #tpu.memory_space<semaphore_mem>>)
      %dma_wait3A = arith.constant 0 : i32
      %dma_wait3A_144 = tpu.memref_slice %arg2[%run_scoped3A, %mul3A_4, %dma_wait3A] : memref<2x2560x128xi32, #tpu.memory_space<hbm>> -> memref<1x80x128xi32, #tpu.memory_space<hbm>>
      %dma_wait3A_145 = tpu.memref_squeeze %dma_wait3A_144 : memref<1x80x128xi32, #tpu.memory_space<hbm>> -> memref<80x128xi32, #tpu.memory_space<hbm>>
      %dma_wait3A_146 = arith.constant 0 : i32
      %dma_wait3A_147 = tpu.memref_slice %arg2[%run_scoped3A, %mul3A_4, %dma_wait3A_146] : memref<2x2560x128xi32, #tpu.memory_space<hbm>> -> memref<1x80x128xi32, #tpu.memory_space<hbm>>
      %dma_wait3A_148 = tpu.memref_squeeze %dma_wait3A_147 : memref<1x80x128xi32, #tpu.memory_space<hbm>> -> memref<80x128xi32, #tpu.memory_space<hbm>>
      tpu.wait_dma2 semaphore(%run_scoped3A_137 : memref<!tpu.dma_semaphore, #tpu.memory_space<semaphore_mem>>) src(%dma_wait3A_148 : memref<80x128xi32, #tpu.memory_space<hbm>>) dst(%arg6 : memref<80x128xi32, #tpu.memory_space<vmem>>)
      tpu.yield
    }) : () -> ()
    %mul3A_5 = arith.constant 80 : i32
    %mul3A_6 = arith.muli %add3A, %mul3A_5 : i32
    %run_scoped3A_7 = arith.constant 1 : i32
    "tpu.region"() ({
      %run_scoped3A_137 = tpu.sem_alloc : memref<!tpu.dma_semaphore, #tpu.memory_space<semaphore_mem>>
      %dma_start3A_138 = arith.constant 0 : i32
      %dma_start3A_139 = tpu.memref_slice %arg2[%run_scoped3A_7, %mul3A_6, %dma_start3A_138] : memref<2x2560x128xi32, #tpu.memory_space<hbm>> -> memref<1x80x128xi32, #tpu.memory_space<hbm>>
      %dma_start3A_140 = tpu.memref_squeeze %dma_start3A_139 : memref<1x80x128xi32, #tpu.memory_space<hbm>> -> memref<80x128xi32, #tpu.memory_space<hbm>>
      %dma_start3A_141 = arith.constant 0 : i32
      %dma_start3A_142 = tpu.memref_slice %arg2[%run_scoped3A_7, %mul3A_6, %dma_start3A_141] : memref<2x2560x128xi32, #tpu.memory_space<hbm>> -> memref<1x80x128xi32, #tpu.memory_space<hbm>>
      %dma_start3A_143 = tpu.memref_squeeze %dma_start3A_142 : memref<1x80x128xi32, #tpu.memory_space<hbm>> -> memref<80x128xi32, #tpu.memory_space<hbm>>
      tpu.enqueue_dma source(%dma_start3A_143 : memref<80x128xi32, #tpu.memory_space<hbm>>) target(%arg7 : memref<80x128xi32, #tpu.memory_space<vmem>>) target_semaphore(%run_scoped3A_137 : memref<!tpu.dma_semaphore, #tpu.memory_space<semaphore_mem>>)
      %dma_wait3A = arith.constant 0 : i32
      %dma_wait3A_144 = tpu.memref_slice %arg2[%run_scoped3A_7, %mul3A_6, %dma_wait3A] : memref<2x2560x128xi32, #tpu.memory_space<hbm>> -> memref<1x80x128xi32, #tpu.memory_space<hbm>>
      %dma_wait3A_145 = tpu.memref_squeeze %dma_wait3A_144 : memref<1x80x128xi32, #tpu.memory_space<hbm>> -> memref<80x128xi32, #tpu.memory_space<hbm>>
      %dma_wait3A_146 = arith.constant 0 : i32
      %dma_wait3A_147 = tpu.memref_slice %arg2[%run_scoped3A_7, %mul3A_6, %dma_wait3A_146] : memref<2x2560x128xi32, #tpu.memory_space<hbm>> -> memref<1x80x128xi32, #tpu.memory_space<hbm>>
      %dma_wait3A_148 = tpu.memref_squeeze %dma_wait3A_147 : memref<1x80x128xi32, #tpu.memory_space<hbm>> -> memref<80x128xi32, #tpu.memory_space<hbm>>
      tpu.wait_dma2 semaphore(%run_scoped3A_137 : memref<!tpu.dma_semaphore, #tpu.memory_space<semaphore_mem>>) src(%dma_wait3A_148 : memref<80x128xi32, #tpu.memory_space<hbm>>) dst(%arg7 : memref<80x128xi32, #tpu.memory_space<vmem>>)
      tpu.yield
    }) : () -> ()
    %barrier3A = arith.constant 0 : index
    tpu.barrier barrier_id(%barrier3A)
    %dma_start3A = arith.constant 0 : i32
    %dma_start3A_8 = arith.constant 0 : i32
    %dma_start3A_9 = arith.constant 0 : i32
    %dma_start3A_10 = arith.constant 0 : i32
    %dma_start3A_11 = tpu.memref_slice %arg8[%dma_start3A_8, %dma_start3A_9, %dma_start3A_10] : memref<10x128x8xf32, #tpu.memory_space<vmem>> -> memref<1x128x8xf32, #tpu.memory_space<vmem>>
    %dma_start3A_12 = tpu.memref_squeeze %dma_start3A_11 : memref<1x128x8xf32, #tpu.memory_space<vmem>> -> memref<128x8xf32, #tpu.memory_space<vmem>>
    %dma_start3A_13 = arith.constant 0 : i32
    %dma_start3A_14 = tpu.memref_slice %arg6[%dma_start3A, %dma_start3A_13] : memref<80x128xi32, #tpu.memory_space<vmem>> -> memref<1x128xi32, #tpu.memory_space<vmem>>
    %dma_start3A_15 = tpu.memref_squeeze %dma_start3A_14 : memref<1x128xi32, #tpu.memory_space<vmem>> -> memref<128xi32, #tpu.memory_space<vmem>>
    %dma_start3A_16 = arith.constant 0 : i32
    %dma_start3A_17 = arith.constant 0 : i32
    %dma_start3A_18 = tpu.memref_slice %arg3[%dma_start3A_16, %dma_start3A_17] : memref<10000x8xf32, #tpu.memory_space<hbm>> -> memref<10000x8xf32, #tpu.memory_space<hbm>>
    tpu.enqueue_indirect_dma source(%dma_start3A_18 : memref<10000x8xf32, #tpu.memory_space<hbm>>) target(%dma_start3A_12 : memref<128x8xf32, #tpu.memory_space<vmem>>) offsets(%dma_start3A_15 : memref<128xi32, #tpu.memory_space<vmem>>) semaphore(%arg11 : memref<!tpu.dma_semaphore, #tpu.memory_space<semaphore_mem>>)
    %dma_start3A_19 = arith.constant 1 : i32
    %dma_start3A_20 = arith.constant 1 : i32
    %dma_start3A_21 = arith.constant 0 : i32
    %dma_start3A_22 = arith.constant 0 : i32
    %dma_start3A_23 = tpu.memref_slice %arg8[%dma_start3A_20, %dma_start3A_21, %dma_start3A_22] : memref<10x128x8xf32, #tpu.memory_space<vmem>> -> memref<1x128x8xf32, #tpu.memory_space<vmem>>
    %dma_start3A_24 = tpu.memref_squeeze %dma_start3A_23 : memref<1x128x8xf32, #tpu.memory_space<vmem>> -> memref<128x8xf32, #tpu.memory_space<vmem>>
    %dma_start3A_25 = arith.constant 0 : i32
    %dma_start3A_26 = tpu.memref_slice %arg6[%dma_start3A_19, %dma_start3A_25] : memref<80x128xi32, #tpu.memory_space<vmem>> -> memref<1x128xi32, #tpu.memory_space<vmem>>
    %dma_start3A_27 = tpu.memref_squeeze %dma_start3A_26 : memref<1x128xi32, #tpu.memory_space<vmem>> -> memref<128xi32, #tpu.memory_space<vmem>>
    %dma_start3A_28 = arith.constant 0 : i32
    %dma_start3A_29 = arith.constant 0 : i32
    %dma_start3A_30 = tpu.memref_slice %arg3[%dma_start3A_28, %dma_start3A_29] : memref<10000x8xf32, #tpu.memory_space<hbm>> -> memref<10000x8xf32, #tpu.memory_space<hbm>>
    tpu.enqueue_indirect_dma source(%dma_start3A_30 : memref<10000x8xf32, #tpu.memory_space<hbm>>) target(%dma_start3A_24 : memref<128x8xf32, #tpu.memory_space<vmem>>) offsets(%dma_start3A_27 : memref<128xi32, #tpu.memory_space<vmem>>) semaphore(%arg11 : memref<!tpu.dma_semaphore, #tpu.memory_space<semaphore_mem>>)
    %dma_start3A_31 = arith.constant 2 : i32
    %dma_start3A_32 = arith.constant 2 : i32
    %dma_start3A_33 = arith.constant 0 : i32
    %dma_start3A_34 = arith.constant 0 : i32
    %dma_start3A_35 = tpu.memref_slice %arg8[%dma_start3A_32, %dma_start3A_33, %dma_start3A_34] : memref<10x128x8xf32, #tpu.memory_space<vmem>> -> memref<1x128x8xf32, #tpu.memory_space<vmem>>
    %dma_start3A_36 = tpu.memref_squeeze %dma_start3A_35 : memref<1x128x8xf32, #tpu.memory_space<vmem>> -> memref<128x8xf32, #tpu.memory_space<vmem>>
    %dma_start3A_37 = arith.constant 0 : i32
    %dma_start3A_38 = tpu.memref_slice %arg6[%dma_start3A_31, %dma_start3A_37] : memref<80x128xi32, #tpu.memory_space<vmem>> -> memref<1x128xi32, #tpu.memory_space<vmem>>
    %dma_start3A_39 = tpu.memref_squeeze %dma_start3A_38 : memref<1x128xi32, #tpu.memory_space<vmem>> -> memref<128xi32, #tpu.memory_space<vmem>>
    %dma_start3A_40 = arith.constant 0 : i32
    %dma_start3A_41 = arith.constant 0 : i32
    %dma_start3A_42 = tpu.memref_slice %arg3[%dma_start3A_40, %dma_start3A_41] : memref<10000x8xf32, #tpu.memory_space<hbm>> -> memref<10000x8xf32, #tpu.memory_space<hbm>>
    tpu.enqueue_indirect_dma source(%dma_start3A_42 : memref<10000x8xf32, #tpu.memory_space<hbm>>) target(%dma_start3A_36 : memref<128x8xf32, #tpu.memory_space<vmem>>) offsets(%dma_start3A_39 : memref<128xi32, #tpu.memory_space<vmem>>) semaphore(%arg11 : memref<!tpu.dma_semaphore, #tpu.memory_space<semaphore_mem>>)
    %dma_start3A_43 = arith.constant 3 : i32
    %dma_start3A_44 = arith.constant 3 : i32
    %dma_start3A_45 = arith.constant 0 : i32
    %dma_start3A_46 = arith.constant 0 : i32
    %dma_start3A_47 = tpu.memref_slice %arg8[%dma_start3A_44, %dma_start3A_45, %dma_start3A_46] : memref<10x128x8xf32, #tpu.memory_space<vmem>> -> memref<1x128x8xf32, #tpu.memory_space<vmem>>
    %dma_start3A_48 = tpu.memref_squeeze %dma_start3A_47 : memref<1x128x8xf32, #tpu.memory_space<vmem>> -> memref<128x8xf32, #tpu.memory_space<vmem>>
    %dma_start3A_49 = arith.constant 0 : i32
    %dma_start3A_50 = tpu.memref_slice %arg6[%dma_start3A_43, %dma_start3A_49] : memref<80x128xi32, #tpu.memory_space<vmem>> -> memref<1x128xi32, #tpu.memory_space<vmem>>
    %dma_start3A_51 = tpu.memref_squeeze %dma_start3A_50 : memref<1x128xi32, #tpu.memory_space<vmem>> -> memref<128xi32, #tpu.memory_space<vmem>>
    %dma_start3A_52 = arith.constant 0 : i32
    %dma_start3A_53 = arith.constant 0 : i32
    %dma_start3A_54 = tpu.memref_slice %arg3[%dma_start3A_52, %dma_start3A_53] : memref<10000x8xf32, #tpu.memory_space<hbm>> -> memref<10000x8xf32, #tpu.memory_space<hbm>>
    tpu.enqueue_indirect_dma source(%dma_start3A_54 : memref<10000x8xf32, #tpu.memory_space<hbm>>) target(%dma_start3A_48 : memref<128x8xf32, #tpu.memory_space<vmem>>) offsets(%dma_start3A_51 : memref<128xi32, #tpu.memory_space<vmem>>) semaphore(%arg11 : memref<!tpu.dma_semaphore, #tpu.memory_space<semaphore_mem>>)
    %dma_start3A_55 = arith.constant 4 : i32
    %dma_start3A_56 = arith.constant 4 : i32
    %dma_start3A_57 = arith.constant 0 : i32
    %dma_start3A_58 = arith.constant 0 : i32
    %dma_start3A_59 = tpu.memref_slice %arg8[%dma_start3A_56, %dma_start3A_57, %dma_start3A_58] : memref<10x128x8xf32, #tpu.memory_space<vmem>> -> memref<1x128x8xf32, #tpu.memory_space<vmem>>
    %dma_start3A_60 = tpu.memref_squeeze %dma_start3A_59 : memref<1x128x8xf32, #tpu.memory_space<vmem>> -> memref<128x8xf32, #tpu.memory_space<vmem>>
    %dma_start3A_61 = arith.constant 0 : i32
    %dma_start3A_62 = tpu.memref_slice %arg6[%dma_start3A_55, %dma_start3A_61] : memref<80x128xi32, #tpu.memory_space<vmem>> -> memref<1x128xi32, #tpu.memory_space<vmem>>
    %dma_start3A_63 = tpu.memref_squeeze %dma_start3A_62 : memref<1x128xi32, #tpu.memory_space<vmem>> -> memref<128xi32, #tpu.memory_space<vmem>>
    %dma_start3A_64 = arith.constant 0 : i32
    %dma_start3A_65 = arith.constant 0 : i32
    %dma_start3A_66 = tpu.memref_slice %arg3[%dma_start3A_64, %dma_start3A_65] : memref<10000x8xf32, #tpu.memory_space<hbm>> -> memref<10000x8xf32, #tpu.memory_space<hbm>>
    tpu.enqueue_indirect_dma source(%dma_start3A_66 : memref<10000x8xf32, #tpu.memory_space<hbm>>) target(%dma_start3A_60 : memref<128x8xf32, #tpu.memory_space<vmem>>) offsets(%dma_start3A_63 : memref<128xi32, #tpu.memory_space<vmem>>) semaphore(%arg11 : memref<!tpu.dma_semaphore, #tpu.memory_space<semaphore_mem>>)
    %dma_start3A_67 = arith.constant 5 : i32
    %dma_start3A_68 = arith.constant 5 : i32
    %dma_start3A_69 = arith.constant 0 : i32
    %dma_start3A_70 = arith.constant 0 : i32
    %dma_start3A_71 = tpu.memref_slice %arg8[%dma_start3A_68, %dma_start3A_69, %dma_start3A_70] : memref<10x128x8xf32, #tpu.memory_space<vmem>> -> memref<1x128x8xf32, #tpu.memory_space<vmem>>
    %dma_start3A_72 = tpu.memref_squeeze %dma_start3A_71 : memref<1x128x8xf32, #tpu.memory_space<vmem>> -> memref<128x8xf32, #tpu.memory_space<vmem>>
    %dma_start3A_73 = arith.constant 0 : i32
    %dma_start3A_74 = tpu.memref_slice %arg6[%dma_start3A_67, %dma_start3A_73] : memref<80x128xi32, #tpu.memory_space<vmem>> -> memref<1x128xi32, #tpu.memory_space<vmem>>
    %dma_start3A_75 = tpu.memref_squeeze %dma_start3A_74 : memref<1x128xi32, #tpu.memory_space<vmem>> -> memref<128xi32, #tpu.memory_space<vmem>>
    %dma_start3A_76 = arith.constant 0 : i32
    %dma_start3A_77 = arith.constant 0 : i32
    %dma_start3A_78 = tpu.memref_slice %arg3[%dma_start3A_76, %dma_start3A_77] : memref<10000x8xf32, #tpu.memory_space<hbm>> -> memref<10000x8xf32, #tpu.memory_space<hbm>>
    tpu.enqueue_indirect_dma source(%dma_start3A_78 : memref<10000x8xf32, #tpu.memory_space<hbm>>) target(%dma_start3A_72 : memref<128x8xf32, #tpu.memory_space<vmem>>) offsets(%dma_start3A_75 : memref<128xi32, #tpu.memory_space<vmem>>) semaphore(%arg11 : memref<!tpu.dma_semaphore, #tpu.memory_space<semaphore_mem>>)
    %dma_start3A_79 = arith.constant 6 : i32
    %dma_start3A_80 = arith.constant 6 : i32
    %dma_start3A_81 = arith.constant 0 : i32
    %dma_start3A_82 = arith.constant 0 : i32
    %dma_start3A_83 = tpu.memref_slice %arg8[%dma_start3A_80, %dma_start3A_81, %dma_start3A_82] : memref<10x128x8xf32, #tpu.memory_space<vmem>> -> memref<1x128x8xf32, #tpu.memory_space<vmem>>
    %dma_start3A_84 = tpu.memref_squeeze %dma_start3A_83 : memref<1x128x8xf32, #tpu.memory_space<vmem>> -> memref<128x8xf32, #tpu.memory_space<vmem>>
    %dma_start3A_85 = arith.constant 0 : i32
    %dma_start3A_86 = tpu.memref_slice %arg6[%dma_start3A_79, %dma_start3A_85] : memref<80x128xi32, #tpu.memory_space<vmem>> -> memref<1x128xi32, #tpu.memory_space<vmem>>
    %dma_start3A_87 = tpu.memref_squeeze %dma_start3A_86 : memref<1x128xi32, #tpu.memory_space<vmem>> -> memref<128xi32, #tpu.memory_space<vmem>>
    %dma_start3A_88 = arith.constant 0 : i32
    %dma_start3A_89 = arith.constant 0 : i32
    %dma_start3A_90 = tpu.memref_slice %arg3[%dma_start3A_88, %dma_start3A_89] : memref<10000x8xf32, #tpu.memory_space<hbm>> -> memref<10000x8xf32, #tpu.memory_space<hbm>>
    tpu.enqueue_indirect_dma source(%dma_start3A_90 : memref<10000x8xf32, #tpu.memory_space<hbm>>) target(%dma_start3A_84 : memref<128x8xf32, #tpu.memory_space<vmem>>) offsets(%dma_start3A_87 : memref<128xi32, #tpu.memory_space<vmem>>) semaphore(%arg11 : memref<!tpu.dma_semaphore, #tpu.memory_space<semaphore_mem>>)
    %dma_start3A_91 = arith.constant 7 : i32
    %dma_start3A_92 = arith.constant 7 : i32
    %dma_start3A_93 = arith.constant 0 : i32
    %dma_start3A_94 = arith.constant 0 : i32
    %dma_start3A_95 = tpu.memref_slice %arg8[%dma_start3A_92, %dma_start3A_93, %dma_start3A_94] : memref<10x128x8xf32, #tpu.memory_space<vmem>> -> memref<1x128x8xf32, #tpu.memory_space<vmem>>
    %dma_start3A_96 = tpu.memref_squeeze %dma_start3A_95 : memref<1x128x8xf32, #tpu.memory_space<vmem>> -> memref<128x8xf32, #tpu.memory_space<vmem>>
    %dma_start3A_97 = arith.constant 0 : i32
    %dma_start3A_98 = tpu.memref_slice %arg6[%dma_start3A_91, %dma_start3A_97] : memref<80x128xi32, #tpu.memory_space<vmem>> -> memref<1x128xi32, #tpu.memory_space<vmem>>
    %dma_start3A_99 = tpu.memref_squeeze %dma_start3A_98 : memref<1x128xi32, #tpu.memory_space<vmem>> -> memref<128xi32, #tpu.memory_space<vmem>>
    %dma_start3A_100 = arith.constant 0 : i32
    %dma_start3A_101 = arith.constant 0 : i32
    %dma_start3A_102 = tpu.memref_slice %arg3[%dma_start3A_100, %dma_start3A_101] : memref<10000x8xf32, #tpu.memory_space<hbm>> -> memref<10000x8xf32, #tpu.memory_space<hbm>>
    tpu.enqueue_indirect_dma source(%dma_start3A_102 : memref<10000x8xf32, #tpu.memory_space<hbm>>) target(%dma_start3A_96 : memref<128x8xf32, #tpu.memory_space<vmem>>) offsets(%dma_start3A_99 : memref<128xi32, #tpu.memory_space<vmem>>) semaphore(%arg11 : memref<!tpu.dma_semaphore, #tpu.memory_space<semaphore_mem>>)
    %dma_start3A_103 = arith.constant 8 : i32
    %dma_start3A_104 = arith.constant 8 : i32
    %dma_start3A_105 = arith.constant 0 : i32
    %dma_start3A_106 = arith.constant 0 : i32
    %dma_start3A_107 = tpu.memref_slice %arg8[%dma_start3A_104, %dma_start3A_105, %dma_start3A_106] : memref<10x128x8xf32, #tpu.memory_space<vmem>> -> memref<1x128x8xf32, #tpu.memory_space<vmem>>
    %dma_start3A_108 = tpu.memref_squeeze %dma_start3A_107 : memref<1x128x8xf32, #tpu.memory_space<vmem>> -> memref<128x8xf32, #tpu.memory_space<vmem>>
    %dma_start3A_109 = arith.constant 0 : i32
    %dma_start3A_110 = tpu.memref_slice %arg6[%dma_start3A_103, %dma_start3A_109] : memref<80x128xi32, #tpu.memory_space<vmem>> -> memref<1x128xi32, #tpu.memory_space<vmem>>
    %dma_start3A_111 = tpu.memref_squeeze %dma_start3A_110 : memref<1x128xi32, #tpu.memory_space<vmem>> -> memref<128xi32, #tpu.memory_space<vmem>>
    %dma_start3A_112 = arith.constant 0 : i32
    %dma_start3A_113 = arith.constant 0 : i32
    %dma_start3A_114 = tpu.memref_slice %arg3[%dma_start3A_112, %dma_start3A_113] : memref<10000x8xf32, #tpu.memory_space<hbm>> -> memref<10000x8xf32, #tpu.memory_space<hbm>>
    tpu.enqueue_indirect_dma source(%dma_start3A_114 : memref<10000x8xf32, #tpu.memory_space<hbm>>) target(%dma_start3A_108 : memref<128x8xf32, #tpu.memory_space<vmem>>) offsets(%dma_start3A_111 : memref<128xi32, #tpu.memory_space<vmem>>) semaphore(%arg11 : memref<!tpu.dma_semaphore, #tpu.memory_space<semaphore_mem>>)
    %dma_start3A_115 = arith.constant 9 : i32
    %dma_start3A_116 = arith.constant 9 : i32
    %dma_start3A_117 = arith.constant 0 : i32
    %dma_start3A_118 = arith.constant 0 : i32
    %dma_start3A_119 = tpu.memref_slice %arg8[%dma_start3A_116, %dma_start3A_117, %dma_start3A_118] : memref<10x128x8xf32, #tpu.memory_space<vmem>> -> memref<1x128x8xf32, #tpu.memory_space<vmem>>
    %dma_start3A_120 = tpu.memref_squeeze %dma_start3A_119 : memref<1x128x8xf32, #tpu.memory_space<vmem>> -> memref<128x8xf32, #tpu.memory_space<vmem>>
    %dma_start3A_121 = arith.constant 0 : i32
    %dma_start3A_122 = tpu.memref_slice %arg6[%dma_start3A_115, %dma_start3A_121] : memref<80x128xi32, #tpu.memory_space<vmem>> -> memref<1x128xi32, #tpu.memory_space<vmem>>
    %dma_start3A_123 = tpu.memref_squeeze %dma_start3A_122 : memref<1x128xi32, #tpu.memory_space<vmem>> -> memref<128xi32, #tpu.memory_space<vmem>>
    %dma_start3A_124 = arith.constant 0 : i32
    %dma_start3A_125 = arith.constant 0 : i32
    %dma_start3A_126 = tpu.memref_slice %arg3[%dma_start3A_124, %dma_start3A_125] : memref<10000x8xf32, #tpu.memory_space<hbm>> -> memref<10000x8xf32, #tpu.memory_space<hbm>>
    tpu.enqueue_indirect_dma source(%dma_start3A_126 : memref<10000x8xf32, #tpu.memory_space<hbm>>) target(%dma_start3A_120 : memref<128x8xf32, #tpu.memory_space<vmem>>) offsets(%dma_start3A_123 : memref<128xi32, #tpu.memory_space<vmem>>) semaphore(%arg11 : memref<!tpu.dma_semaphore, #tpu.memory_space<semaphore_mem>>)
    %scan3A = arith.constant 0 : i32
    %scan3A_127 = arith.constant 0 : i32
    %scan3A_128 = arith.constant 4 : i32
    %scan3A_129 = arith.addi %scan3A_127, %scan3A_128 : i32
    %scan3A_130 = arith.constant 1 : i32
    scf.for %scan3A_137 = %scan3A_127 to %scan3A_129 step %scan3A_130  : i32 {
      %mul3A_138 = arith.constant 2 : i32
      %mul3A_139 = arith.muli %mul3A_138, %scan3A_137 : i32
      %add3A_140 = arith.constant 1 : i32
      %add3A_141 = arith.addi %mul3A_139, %add3A_140 : i32
      %mul3A_142 = arith.constant 10 : i32
      %mul3A_143 = arith.muli %add3A_141, %mul3A_142 : i32
      %add3A_144 = arith.constant 0 : i32
      %add3A_145 = arith.addi %mul3A_143, %add3A_144 : i32
      %dma_start3A_146 = arith.constant 0 : i32
      %dma_start3A_147 = arith.constant 0 : i32
      %dma_start3A_148 = arith.constant 0 : i32
      %dma_start3A_149 = tpu.memref_slice %arg9[%dma_start3A_146, %dma_start3A_147, %dma_start3A_148] : memref<10x128x8xf32, #tpu.memory_space<vmem>> -> memref<1x128x8xf32, #tpu.memory_space<vmem>>
      %dma_start3A_150 = tpu.memref_squeeze %dma_start3A_149 : memref<1x128x8xf32, #tpu.memory_space<vmem>> -> memref<128x8xf32, #tpu.memory_space<vmem>>
      %dma_start3A_151 = arith.constant 0 : i32
      %dma_start3A_152 = tpu.memref_slice %arg6[%add3A_145, %dma_start3A_151] : memref<80x128xi32, #tpu.memory_space<vmem>> -> memref<1x128xi32, #tpu.memory_space<vmem>>
      %dma_start3A_153 = tpu.memref_squeeze %dma_start3A_152 : memref<1x128xi32, #tpu.memory_space<vmem>> -> memref<128xi32, #tpu.memory_space<vmem>>
      %dma_start3A_154 = arith.constant 0 : i32
      %dma_start3A_155 = arith.constant 0 : i32
      %dma_start3A_156 = tpu.memref_slice %arg3[%dma_start3A_154, %dma_start3A_155] : memref<10000x8xf32, #tpu.memory_space<hbm>> -> memref<10000x8xf32, #tpu.memory_space<hbm>>
      tpu.enqueue_indirect_dma source(%dma_start3A_156 : memref<10000x8xf32, #tpu.memory_space<hbm>>) target(%dma_start3A_150 : memref<128x8xf32, #tpu.memory_space<vmem>>) offsets(%dma_start3A_153 : memref<128xi32, #tpu.memory_space<vmem>>) semaphore(%arg12 : memref<!tpu.dma_semaphore, #tpu.memory_space<semaphore_mem>>)
      %add3A_157 = arith.constant 1 : i32
      %add3A_158 = arith.addi %mul3A_143, %add3A_157 : i32
      %dma_start3A_159 = arith.constant 1 : i32
      %dma_start3A_160 = arith.constant 0 : i32
      %dma_start3A_161 = arith.constant 0 : i32
      %dma_start3A_162 = tpu.memref_slice %arg9[%dma_start3A_159, %dma_start3A_160, %dma_start3A_161] : memref<10x128x8xf32, #tpu.memory_space<vmem>> -> memref<1x128x8xf32, #tpu.memory_space<vmem>>
      %dma_start3A_163 = tpu.memref_squeeze %dma_start3A_162 : memref<1x128x8xf32, #tpu.memory_space<vmem>> -> memref<128x8xf32, #tpu.memory_space<vmem>>
      %dma_start3A_164 = arith.constant 0 : i32
      %dma_start3A_165 = tpu.memref_slice %arg6[%add3A_158, %dma_start3A_164] : memref<80x128xi32, #tpu.memory_space<vmem>> -> memref<1x128xi32, #tpu.memory_space<vmem>>
      %dma_start3A_166 = tpu.memref_squeeze %dma_start3A_165 : memref<1x128xi32, #tpu.memory_space<vmem>> -> memref<128xi32, #tpu.memory_space<vmem>>
      %dma_start3A_167 = arith.constant 0 : i32
      %dma_start3A_168 = arith.constant 0 : i32
      %dma_start3A_169 = tpu.memref_slice %arg3[%dma_start3A_167, %dma_start3A_168] : memref<10000x8xf32, #tpu.memory_space<hbm>> -> memref<10000x8xf32, #tpu.memory_space<hbm>>
      tpu.enqueue_indirect_dma source(%dma_start3A_169 : memref<10000x8xf32, #tpu.memory_space<hbm>>) target(%dma_start3A_163 : memref<128x8xf32, #tpu.memory_space<vmem>>) offsets(%dma_start3A_166 : memref<128xi32, #tpu.memory_space<vmem>>) semaphore(%arg12 : memref<!tpu.dma_semaphore, #tpu.memory_space<semaphore_mem>>)
      %add3A_170 = arith.constant 2 : i32
      %add3A_171 = arith.addi %mul3A_143, %add3A_170 : i32
      %dma_start3A_172 = arith.constant 2 : i32
      %dma_start3A_173 = arith.constant 0 : i32
      %dma_start3A_174 = arith.constant 0 : i32
      %dma_start3A_175 = tpu.memref_slice %arg9[%dma_start3A_172, %dma_start3A_173, %dma_start3A_174] : memref<10x128x8xf32, #tpu.memory_space<vmem>> -> memref<1x128x8xf32, #tpu.memory_space<vmem>>
      %dma_start3A_176 = tpu.memref_squeeze %dma_start3A_175 : memref<1x128x8xf32, #tpu.memory_space<vmem>> -> memref<128x8xf32, #tpu.memory_space<vmem>>
      %dma_start3A_177 = arith.constant 0 : i32
      %dma_start3A_178 = tpu.memref_slice %arg6[%add3A_171, %dma_start3A_177] : memref<80x128xi32, #tpu.memory_space<vmem>> -> memref<1x128xi32, #tpu.memory_space<vmem>>
      %dma_start3A_179 = tpu.memref_squeeze %dma_start3A_178 : memref<1x128xi32, #tpu.memory_space<vmem>> -> memref<128xi32, #tpu.memory_space<vmem>>
      %dma_start3A_180 = arith.constant 0 : i32
      %dma_start3A_181 = arith.constant 0 : i32
      %dma_start3A_182 = tpu.memref_slice %arg3[%dma_start3A_180, %dma_start3A_181] : memref<10000x8xf32, #tpu.memory_space<hbm>> -> memref<10000x8xf32, #tpu.memory_space<hbm>>
      tpu.enqueue_indirect_dma source(%dma_start3A_182 : memref<10000x8xf32, #tpu.memory_space<hbm>>) target(%dma_start3A_176 : memref<128x8xf32, #tpu.memory_space<vmem>>) offsets(%dma_start3A_179 : memref<128xi32, #tpu.memory_space<vmem>>) semaphore(%arg12 : memref<!tpu.dma_semaphore, #tpu.memory_space<semaphore_mem>>)
      %add3A_183 = arith.constant 3 : i32
      %add3A_184 = arith.addi %mul3A_143, %add3A_183 : i32
      %dma_start3A_185 = arith.constant 3 : i32
      %dma_start3A_186 = arith.constant 0 : i32
      %dma_start3A_187 = arith.constant 0 : i32
      %dma_start3A_188 = tpu.memref_slice %arg9[%dma_start3A_185, %dma_start3A_186, %dma_start3A_187] : memref<10x128x8xf32, #tpu.memory_space<vmem>> -> memref<1x128x8xf32, #tpu.memory_space<vmem>>
      %dma_start3A_189 = tpu.memref_squeeze %dma_start3A_188 : memref<1x128x8xf32, #tpu.memory_space<vmem>> -> memref<128x8xf32, #tpu.memory_space<vmem>>
      %dma_start3A_190 = arith.constant 0 : i32
      %dma_start3A_191 = tpu.memref_slice %arg6[%add3A_184, %dma_start3A_190] : memref<80x128xi32, #tpu.memory_space<vmem>> -> memref<1x128xi32, #tpu.memory_space<vmem>>
      %dma_start3A_192 = tpu.memref_squeeze %dma_start3A_191 : memref<1x128xi32, #tpu.memory_space<vmem>> -> memref<128xi32, #tpu.memory_space<vmem>>
      %dma_start3A_193 = arith.constant 0 : i32
      %dma_start3A_194 = arith.constant 0 : i32
      %dma_start3A_195 = tpu.memref_slice %arg3[%dma_start3A_193, %dma_start3A_194] : memref<10000x8xf32, #tpu.memory_space<hbm>> -> memref<10000x8xf32, #tpu.memory_space<hbm>>
      tpu.enqueue_indirect_dma source(%dma_start3A_195 : memref<10000x8xf32, #tpu.memory_space<hbm>>) target(%dma_start3A_189 : memref<128x8xf32, #tpu.memory_space<vmem>>) offsets(%dma_start3A_192 : memref<128xi32, #tpu.memory_space<vmem>>) semaphore(%arg12 : memref<!tpu.dma_semaphore, #tpu.memory_space<semaphore_mem>>)
      %add3A_196 = arith.constant 4 : i32
      %add3A_197 = arith.addi %mul3A_143, %add3A_196 : i32
      %dma_start3A_198 = arith.constant 4 : i32
      %dma_start3A_199 = arith.constant 0 : i32
      %dma_start3A_200 = arith.constant 0 : i32
      %dma_start3A_201 = tpu.memref_slice %arg9[%dma_start3A_198, %dma_start3A_199, %dma_start3A_200] : memref<10x128x8xf32, #tpu.memory_space<vmem>> -> memref<1x128x8xf32, #tpu.memory_space<vmem>>
      %dma_start3A_202 = tpu.memref_squeeze %dma_start3A_201 : memref<1x128x8xf32, #tpu.memory_space<vmem>> -> memref<128x8xf32, #tpu.memory_space<vmem>>
      %dma_start3A_203 = arith.constant 0 : i32
      %dma_start3A_204 = tpu.memref_slice %arg6[%add3A_197, %dma_start3A_203] : memref<80x128xi32, #tpu.memory_space<vmem>> -> memref<1x128xi32, #tpu.memory_space<vmem>>
      %dma_start3A_205 = tpu.memref_squeeze %dma_start3A_204 : memref<1x128xi32, #tpu.memory_space<vmem>> -> memref<128xi32, #tpu.memory_space<vmem>>
      %dma_start3A_206 = arith.constant 0 : i32
      %dma_start3A_207 = arith.constant 0 : i32
      %dma_start3A_208 = tpu.memref_slice %arg3[%dma_start3A_206, %dma_start3A_207] : memref<10000x8xf32, #tpu.memory_space<hbm>> -> memref<10000x8xf32, #tpu.memory_space<hbm>>
      tpu.enqueue_indirect_dma source(%dma_start3A_208 : memref<10000x8xf32, #tpu.memory_space<hbm>>) target(%dma_start3A_202 : memref<128x8xf32, #tpu.memory_space<vmem>>) offsets(%dma_start3A_205 : memref<128xi32, #tpu.memory_space<vmem>>) semaphore(%arg12 : memref<!tpu.dma_semaphore, #tpu.memory_space<semaphore_mem>>)
      %add3A_209 = arith.constant 5 : i32
      %add3A_210 = arith.addi %mul3A_143, %add3A_209 : i32
      %dma_start3A_211 = arith.constant 5 : i32
      %dma_start3A_212 = arith.constant 0 : i32
      %dma_start3A_213 = arith.constant 0 : i32
      %dma_start3A_214 = tpu.memref_slice %arg9[%dma_start3A_211, %dma_start3A_212, %dma_start3A_213] : memref<10x128x8xf32, #tpu.memory_space<vmem>> -> memref<1x128x8xf32, #tpu.memory_space<vmem>>
      %dma_start3A_215 = tpu.memref_squeeze %dma_start3A_214 : memref<1x128x8xf32, #tpu.memory_space<vmem>> -> memref<128x8xf32, #tpu.memory_space<vmem>>
      %dma_start3A_216 = arith.constant 0 : i32
      %dma_start3A_217 = tpu.memref_slice %arg6[%add3A_210, %dma_start3A_216] : memref<80x128xi32, #tpu.memory_space<vmem>> -> memref<1x128xi32, #tpu.memory_space<vmem>>
      %dma_start3A_218 = tpu.memref_squeeze %dma_start3A_217 : memref<1x128xi32, #tpu.memory_space<vmem>> -> memref<128xi32, #tpu.memory_space<vmem>>
      %dma_start3A_219 = arith.constant 0 : i32
      %dma_start3A_220 = arith.constant 0 : i32
      %dma_start3A_221 = tpu.memref_slice %arg3[%dma_start3A_219, %dma_start3A_220] : memref<10000x8xf32, #tpu.memory_space<hbm>> -> memref<10000x8xf32, #tpu.memory_space<hbm>>
      tpu.enqueue_indirect_dma source(%dma_start3A_221 : memref<10000x8xf32, #tpu.memory_space<hbm>>) target(%dma_start3A_215 : memref<128x8xf32, #tpu.memory_space<vmem>>) offsets(%dma_start3A_218 : memref<128xi32, #tpu.memory_space<vmem>>) semaphore(%arg12 : memref<!tpu.dma_semaphore, #tpu.memory_space<semaphore_mem>>)
      %add3A_222 = arith.constant 6 : i32
      %add3A_223 = arith.addi %mul3A_143, %add3A_222 : i32
      %dma_start3A_224 = arith.constant 6 : i32
      %dma_start3A_225 = arith.constant 0 : i32
      %dma_start3A_226 = arith.constant 0 : i32
      %dma_start3A_227 = tpu.memref_slice %arg9[%dma_start3A_224, %dma_start3A_225, %dma_start3A_226] : memref<10x128x8xf32, #tpu.memory_space<vmem>> -> memref<1x128x8xf32, #tpu.memory_space<vmem>>
      %dma_start3A_228 = tpu.memref_squeeze %dma_start3A_227 : memref<1x128x8xf32, #tpu.memory_space<vmem>> -> memref<128x8xf32, #tpu.memory_space<vmem>>
      %dma_start3A_229 = arith.constant 0 : i32
      %dma_start3A_230 = tpu.memref_slice %arg6[%add3A_223, %dma_start3A_229] : memref<80x128xi32, #tpu.memory_space<vmem>> -> memref<1x128xi32, #tpu.memory_space<vmem>>
      %dma_start3A_231 = tpu.memref_squeeze %dma_start3A_230 : memref<1x128xi32, #tpu.memory_space<vmem>> -> memref<128xi32, #tpu.memory_space<vmem>>
      %dma_start3A_232 = arith.constant 0 : i32
      %dma_start3A_233 = arith.constant 0 : i32
      %dma_start3A_234 = tpu.memref_slice %arg3[%dma_start3A_232, %dma_start3A_233] : memref<10000x8xf32, #tpu.memory_space<hbm>> -> memref<10000x8xf32, #tpu.memory_space<hbm>>
      tpu.enqueue_indirect_dma source(%dma_start3A_234 : memref<10000x8xf32, #tpu.memory_space<hbm>>) target(%dma_start3A_228 : memref<128x8xf32, #tpu.memory_space<vmem>>) offsets(%dma_start3A_231 : memref<128xi32, #tpu.memory_space<vmem>>) semaphore(%arg12 : memref<!tpu.dma_semaphore, #tpu.memory_space<semaphore_mem>>)
      %add3A_235 = arith.constant 7 : i32
      %add3A_236 = arith.addi %mul3A_143, %add3A_235 : i32
      %dma_start3A_237 = arith.constant 7 : i32
      %dma_start3A_238 = arith.constant 0 : i32
      %dma_start3A_239 = arith.constant 0 : i32
      %dma_start3A_240 = tpu.memref_slice %arg9[%dma_start3A_237, %dma_start3A_238, %dma_start3A_239] : memref<10x128x8xf32, #tpu.memory_space<vmem>> -> memref<1x128x8xf32, #tpu.memory_space<vmem>>
      %dma_start3A_241 = tpu.memref_squeeze %dma_start3A_240 : memref<1x128x8xf32, #tpu.memory_space<vmem>> -> memref<128x8xf32, #tpu.memory_space<vmem>>
      %dma_start3A_242 = arith.constant 0 : i32
      %dma_start3A_243 = tpu.memref_slice %arg6[%add3A_236, %dma_start3A_242] : memref<80x128xi32, #tpu.memory_space<vmem>> -> memref<1x128xi32, #tpu.memory_space<vmem>>
      %dma_start3A_244 = tpu.memref_squeeze %dma_start3A_243 : memref<1x128xi32, #tpu.memory_space<vmem>> -> memref<128xi32, #tpu.memory_space<vmem>>
      %dma_start3A_245 = arith.constant 0 : i32
      %dma_start3A_246 = arith.constant 0 : i32
      %dma_start3A_247 = tpu.memref_slice %arg3[%dma_start3A_245, %dma_start3A_246] : memref<10000x8xf32, #tpu.memory_space<hbm>> -> memref<10000x8xf32, #tpu.memory_space<hbm>>
      tpu.enqueue_indirect_dma source(%dma_start3A_247 : memref<10000x8xf32, #tpu.memory_space<hbm>>) target(%dma_start3A_241 : memref<128x8xf32, #tpu.memory_space<vmem>>) offsets(%dma_start3A_244 : memref<128xi32, #tpu.memory_space<vmem>>) semaphore(%arg12 : memref<!tpu.dma_semaphore, #tpu.memory_space<semaphore_mem>>)
      %add3A_248 = arith.constant 8 : i32
      %add3A_249 = arith.addi %mul3A_143, %add3A_248 : i32
      %dma_start3A_250 = arith.constant 8 : i32
      %dma_start3A_251 = arith.constant 0 : i32
      %dma_start3A_252 = arith.constant 0 : i32
      %dma_start3A_253 = tpu.memref_slice %arg9[%dma_start3A_250, %dma_start3A_251, %dma_start3A_252] : memref<10x128x8xf32, #tpu.memory_space<vmem>> -> memref<1x128x8xf32, #tpu.memory_space<vmem>>
      %dma_start3A_254 = tpu.memref_squeeze %dma_start3A_253 : memref<1x128x8xf32, #tpu.memory_space<vmem>> -> memref<128x8xf32, #tpu.memory_space<vmem>>
      %dma_start3A_255 = arith.constant 0 : i32
      %dma_start3A_256 = tpu.memref_slice %arg6[%add3A_249, %dma_start3A_255] : memref<80x128xi32, #tpu.memory_space<vmem>> -> memref<1x128xi32, #tpu.memory_space<vmem>>
      %dma_start3A_257 = tpu.memref_squeeze %dma_start3A_256 : memref<1x128xi32, #tpu.memory_space<vmem>> -> memref<128xi32, #tpu.memory_space<vmem>>
      %dma_start3A_258 = arith.constant 0 : i32
      %dma_start3A_259 = arith.constant 0 : i32
      %dma_start3A_260 = tpu.memref_slice %arg3[%dma_start3A_258, %dma_start3A_259] : memref<10000x8xf32, #tpu.memory_space<hbm>> -> memref<10000x8xf32, #tpu.memory_space<hbm>>
      tpu.enqueue_indirect_dma source(%dma_start3A_260 : memref<10000x8xf32, #tpu.memory_space<hbm>>) target(%dma_start3A_254 : memref<128x8xf32, #tpu.memory_space<vmem>>) offsets(%dma_start3A_257 : memref<128xi32, #tpu.memory_space<vmem>>) semaphore(%arg12 : memref<!tpu.dma_semaphore, #tpu.memory_space<semaphore_mem>>)
      %add3A_261 = arith.constant 9 : i32
      %add3A_262 = arith.addi %mul3A_143, %add3A_261 : i32
      %dma_start3A_263 = arith.constant 9 : i32
      %dma_start3A_264 = arith.constant 0 : i32
      %dma_start3A_265 = arith.constant 0 : i32
      %dma_start3A_266 = tpu.memref_slice %arg9[%dma_start3A_263, %dma_start3A_264, %dma_start3A_265] : memref<10x128x8xf32, #tpu.memory_space<vmem>> -> memref<1x128x8xf32, #tpu.memory_space<vmem>>
      %dma_start3A_267 = tpu.memref_squeeze %dma_start3A_266 : memref<1x128x8xf32, #tpu.memory_space<vmem>> -> memref<128x8xf32, #tpu.memory_space<vmem>>
      %dma_start3A_268 = arith.constant 0 : i32
      %dma_start3A_269 = tpu.memref_slice %arg6[%add3A_262, %dma_start3A_268] : memref<80x128xi32, #tpu.memory_space<vmem>> -> memref<1x128xi32, #tpu.memory_space<vmem>>
      %dma_start3A_270 = tpu.memref_squeeze %dma_start3A_269 : memref<1x128xi32, #tpu.memory_space<vmem>> -> memref<128xi32, #tpu.memory_space<vmem>>
      %dma_start3A_271 = arith.constant 0 : i32
      %dma_start3A_272 = arith.constant 0 : i32
      %dma_start3A_273 = tpu.memref_slice %arg3[%dma_start3A_271, %dma_start3A_272] : memref<10000x8xf32, #tpu.memory_space<hbm>> -> memref<10000x8xf32, #tpu.memory_space<hbm>>
      tpu.enqueue_indirect_dma source(%dma_start3A_273 : memref<10000x8xf32, #tpu.memory_space<hbm>>) target(%dma_start3A_267 : memref<128x8xf32, #tpu.memory_space<vmem>>) offsets(%dma_start3A_270 : memref<128xi32, #tpu.memory_space<vmem>>) semaphore(%arg12 : memref<!tpu.dma_semaphore, #tpu.memory_space<semaphore_mem>>)
      %mul3A_274 = arith.constant 10 : i32
      %mul3A_275 = arith.muli %mul3A_139, %mul3A_274 : i32
      %add3A_276 = arith.constant 0 : i32
      %add3A_277 = arith.addi %mul3A_275, %add3A_276 : i32
      %dma_wait3A = arith.constant 0 : i32
      %dma_wait3A_278 = arith.constant 0 : i32
      %dma_wait3A_279 = arith.constant 0 : i32
      %dma_wait3A_280 = tpu.memref_slice %arg8[%dma_wait3A, %dma_wait3A_278, %dma_wait3A_279] : memref<10x128x8xf32, #tpu.memory_space<vmem>> -> memref<1x128x8xf32, #tpu.memory_space<vmem>>
      %dma_wait3A_281 = tpu.memref_squeeze %dma_wait3A_280 : memref<1x128x8xf32, #tpu.memory_space<vmem>> -> memref<128x8xf32, #tpu.memory_space<vmem>>
      %dma_wait3A_282 = arith.constant 0 : i32
      %dma_wait3A_283 = tpu.memref_slice %arg6[%add3A_277, %dma_wait3A_282] : memref<80x128xi32, #tpu.memory_space<vmem>> -> memref<1x128xi32, #tpu.memory_space<vmem>>
      %dma_wait3A_284 = tpu.memref_squeeze %dma_wait3A_283 : memref<1x128xi32, #tpu.memory_space<vmem>> -> memref<128xi32, #tpu.memory_space<vmem>>
      %dma_wait3A_285 = arith.constant 0 : i32
      %dma_wait3A_286 = arith.constant 0 : i32
      %dma_wait3A_287 = tpu.memref_slice %arg3[%dma_wait3A_285, %dma_wait3A_286] : memref<10000x8xf32, #tpu.memory_space<hbm>> -> memref<10000x8xf32, #tpu.memory_space<hbm>>
      tpu.wait_indirect_dma semaphore(%arg11 : memref<!tpu.dma_semaphore, #tpu.memory_space<semaphore_mem>>) src(%dma_wait3A_287 : memref<10000x8xf32, #tpu.memory_space<hbm>>) dst(%dma_wait3A_281 : memref<128x8xf32, #tpu.memory_space<vmem>>)
      %add3A_288 = arith.constant 0 : i32
      %add3A_289 = arith.addi %mul3A_275, %add3A_288 : i32
      %dma_start3A_290 = arith.constant 0 : i32
      %dma_start3A_291 = arith.constant 0 : i32
      %dma_start3A_292 = arith.constant 0 : i32
      %dma_start3A_293 = tpu.memref_slice %arg8[%dma_start3A_290, %dma_start3A_291, %dma_start3A_292] : memref<10x128x8xf32, #tpu.memory_space<vmem>> -> memref<1x128x8xf32, #tpu.memory_space<vmem>>
      %dma_start3A_294 = tpu.memref_squeeze %dma_start3A_293 : memref<1x128x8xf32, #tpu.memory_space<vmem>> -> memref<128x8xf32, #tpu.memory_space<vmem>>
      %dma_start3A_295 = arith.constant 0 : i32
      %dma_start3A_296 = tpu.memref_slice %arg7[%add3A_289, %dma_start3A_295] : memref<80x128xi32, #tpu.memory_space<vmem>> -> memref<1x128xi32, #tpu.memory_space<vmem>>
      %dma_start3A_297 = tpu.memref_squeeze %dma_start3A_296 : memref<1x128xi32, #tpu.memory_space<vmem>> -> memref<128xi32, #tpu.memory_space<vmem>>
      %dma_start3A_298 = arith.constant 0 : i32
      %dma_start3A_299 = arith.constant 0 : i32
      %dma_start3A_300 = tpu.memref_slice %arg10[%dma_start3A_298, %dma_start3A_299] : memref<10240x8xf32, #tpu.memory_space<vmem_shared>> -> memref<10240x8xf32, #tpu.memory_space<vmem_shared>>
      tpu.enqueue_indirect_dma source(%dma_start3A_294 : memref<128x8xf32, #tpu.memory_space<vmem>>) target(%dma_start3A_300 : memref<10240x8xf32, #tpu.memory_space<vmem_shared>>) offsets(%dma_start3A_297 : memref<128xi32, #tpu.memory_space<vmem>>) semaphore(%arg13 : memref<!tpu.dma_semaphore, #tpu.memory_space<semaphore_mem>>) {add = true}
      %add3A_301 = arith.constant 1 : i32
      %add3A_302 = arith.addi %mul3A_275, %add3A_301 : i32
      %dma_wait3A_303 = arith.constant 1 : i32
      %dma_wait3A_304 = arith.constant 0 : i32
      %dma_wait3A_305 = arith.constant 0 : i32
      %dma_wait3A_306 = tpu.memref_slice %arg8[%dma_wait3A_303, %dma_wait3A_304, %dma_wait3A_305] : memref<10x128x8xf32, #tpu.memory_space<vmem>> -> memref<1x128x8xf32, #tpu.memory_space<vmem>>
      %dma_wait3A_307 = tpu.memref_squeeze %dma_wait3A_306 : memref<1x128x8xf32, #tpu.memory_space<vmem>> -> memref<128x8xf32, #tpu.memory_space<vmem>>
      %dma_wait3A_308 = arith.constant 0 : i32
      %dma_wait3A_309 = tpu.memref_slice %arg6[%add3A_302, %dma_wait3A_308] : memref<80x128xi32, #tpu.memory_space<vmem>> -> memref<1x128xi32, #tpu.memory_space<vmem>>
      %dma_wait3A_310 = tpu.memref_squeeze %dma_wait3A_309 : memref<1x128xi32, #tpu.memory_space<vmem>> -> memref<128xi32, #tpu.memory_space<vmem>>
      %dma_wait3A_311 = arith.constant 0 : i32
      %dma_wait3A_312 = arith.constant 0 : i32
      %dma_wait3A_313 = tpu.memref_slice %arg3[%dma_wait3A_311, %dma_wait3A_312] : memref<10000x8xf32, #tpu.memory_space<hbm>> -> memref<10000x8xf32, #tpu.memory_space<hbm>>
      tpu.wait_indirect_dma semaphore(%arg11 : memref<!tpu.dma_semaphore, #tpu.memory_space<semaphore_mem>>) src(%dma_wait3A_313 : memref<10000x8xf32, #tpu.memory_space<hbm>>) dst(%dma_wait3A_307 : memref<128x8xf32, #tpu.memory_space<vmem>>)
      %add3A_314 = arith.constant 1 : i32
      %add3A_315 = arith.addi %mul3A_275, %add3A_314 : i32
      %dma_start3A_316 = arith.constant 1 : i32
      %dma_start3A_317 = arith.constant 0 : i32
      %dma_start3A_318 = arith.constant 0 : i32
      %dma_start3A_319 = tpu.memref_slice %arg8[%dma_start3A_316, %dma_start3A_317, %dma_start3A_318] : memref<10x128x8xf32, #tpu.memory_space<vmem>> -> memref<1x128x8xf32, #tpu.memory_space<vmem>>
      %dma_start3A_320 = tpu.memref_squeeze %dma_start3A_319 : memref<1x128x8xf32, #tpu.memory_space<vmem>> -> memref<128x8xf32, #tpu.memory_space<vmem>>
      %dma_start3A_321 = arith.constant 0 : i32
      %dma_start3A_322 = tpu.memref_slice %arg7[%add3A_315, %dma_start3A_321] : memref<80x128xi32, #tpu.memory_space<vmem>> -> memref<1x128xi32, #tpu.memory_space<vmem>>
      %dma_start3A_323 = tpu.memref_squeeze %dma_start3A_322 : memref<1x128xi32, #tpu.memory_space<vmem>> -> memref<128xi32, #tpu.memory_space<vmem>>
      %dma_start3A_324 = arith.constant 0 : i32
      %dma_start3A_325 = arith.constant 0 : i32
      %dma_start3A_326 = tpu.memref_slice %arg10[%dma_start3A_324, %dma_start3A_325] : memref<10240x8xf32, #tpu.memory_space<vmem_shared>> -> memref<10240x8xf32, #tpu.memory_space<vmem_shared>>
      tpu.enqueue_indirect_dma source(%dma_start3A_320 : memref<128x8xf32, #tpu.memory_space<vmem>>) target(%dma_start3A_326 : memref<10240x8xf32, #tpu.memory_space<vmem_shared>>) offsets(%dma_start3A_323 : memref<128xi32, #tpu.memory_space<vmem>>) semaphore(%arg13 : memref<!tpu.dma_semaphore, #tpu.memory_space<semaphore_mem>>) {add = true}
      %add3A_327 = arith.constant 2 : i32
      %add3A_328 = arith.addi %mul3A_275, %add3A_327 : i32
      %dma_wait3A_329 = arith.constant 2 : i32
      %dma_wait3A_330 = arith.constant 0 : i32
      %dma_wait3A_331 = arith.constant 0 : i32
      %dma_wait3A_332 = tpu.memref_slice %arg8[%dma_wait3A_329, %dma_wait3A_330, %dma_wait3A_331] : memref<10x128x8xf32, #tpu.memory_space<vmem>> -> memref<1x128x8xf32, #tpu.memory_space<vmem>>
      %dma_wait3A_333 = tpu.memref_squeeze %dma_wait3A_332 : memref<1x128x8xf32, #tpu.memory_space<vmem>> -> memref<128x8xf32, #tpu.memory_space<vmem>>
      %dma_wait3A_334 = arith.constant 0 : i32
      %dma_wait3A_335 = tpu.memref_slice %arg6[%add3A_328, %dma_wait3A_334] : memref<80x128xi32, #tpu.memory_space<vmem>> -> memref<1x128xi32, #tpu.memory_space<vmem>>
      %dma_wait3A_336 = tpu.memref_squeeze %dma_wait3A_335 : memref<1x128xi32, #tpu.memory_space<vmem>> -> memref<128xi32, #tpu.memory_space<vmem>>
      %dma_wait3A_337 = arith.constant 0 : i32
      %dma_wait3A_338 = arith.constant 0 : i32
      %dma_wait3A_339 = tpu.memref_slice %arg3[%dma_wait3A_337, %dma_wait3A_338] : memref<10000x8xf32, #tpu.memory_space<hbm>> -> memref<10000x8xf32, #tpu.memory_space<hbm>>
      tpu.wait_indirect_dma semaphore(%arg11 : memref<!tpu.dma_semaphore, #tpu.memory_space<semaphore_mem>>) src(%dma_wait3A_339 : memref<10000x8xf32, #tpu.memory_space<hbm>>) dst(%dma_wait3A_333 : memref<128x8xf32, #tpu.memory_space<vmem>>)
      %add3A_340 = arith.constant 2 : i32
      %add3A_341 = arith.addi %mul3A_275, %add3A_340 : i32
      %dma_start3A_342 = arith.constant 2 : i32
      %dma_start3A_343 = arith.constant 0 : i32
      %dma_start3A_344 = arith.constant 0 : i32
      %dma_start3A_345 = tpu.memref_slice %arg8[%dma_start3A_342, %dma_start3A_343, %dma_start3A_344] : memref<10x128x8xf32, #tpu.memory_space<vmem>> -> memref<1x128x8xf32, #tpu.memory_space<vmem>>
      %dma_start3A_346 = tpu.memref_squeeze %dma_start3A_345 : memref<1x128x8xf32, #tpu.memory_space<vmem>> -> memref<128x8xf32, #tpu.memory_space<vmem>>
      %dma_start3A_347 = arith.constant 0 : i32
      %dma_start3A_348 = tpu.memref_slice %arg7[%add3A_341, %dma_start3A_347] : memref<80x128xi32, #tpu.memory_space<vmem>> -> memref<1x128xi32, #tpu.memory_space<vmem>>
      %dma_start3A_349 = tpu.memref_squeeze %dma_start3A_348 : memref<1x128xi32, #tpu.memory_space<vmem>> -> memref<128xi32, #tpu.memory_space<vmem>>
      %dma_start3A_350 = arith.constant 0 : i32
      %dma_start3A_351 = arith.constant 0 : i32
      %dma_start3A_352 = tpu.memref_slice %arg10[%dma_start3A_350, %dma_start3A_351] : memref<10240x8xf32, #tpu.memory_space<vmem_shared>> -> memref<10240x8xf32, #tpu.memory_space<vmem_shared>>
      tpu.enqueue_indirect_dma source(%dma_start3A_346 : memref<128x8xf32, #tpu.memory_space<vmem>>) target(%dma_start3A_352 : memref<10240x8xf32, #tpu.memory_space<vmem_shared>>) offsets(%dma_start3A_349 : memref<128xi32, #tpu.memory_space<vmem>>) semaphore(%arg13 : memref<!tpu.dma_semaphore, #tpu.memory_space<semaphore_mem>>) {add = true}
      %add3A_353 = arith.constant 3 : i32
      %add3A_354 = arith.addi %mul3A_275, %add3A_353 : i32
      %dma_wait3A_355 = arith.constant 3 : i32
      %dma_wait3A_356 = arith.constant 0 : i32
      %dma_wait3A_357 = arith.constant 0 : i32
      %dma_wait3A_358 = tpu.memref_slice %arg8[%dma_wait3A_355, %dma_wait3A_356, %dma_wait3A_357] : memref<10x128x8xf32, #tpu.memory_space<vmem>> -> memref<1x128x8xf32, #tpu.memory_space<vmem>>
      %dma_wait3A_359 = tpu.memref_squeeze %dma_wait3A_358 : memref<1x128x8xf32, #tpu.memory_space<vmem>> -> memref<128x8xf32, #tpu.memory_space<vmem>>
      %dma_wait3A_360 = arith.constant 0 : i32
      %dma_wait3A_361 = tpu.memref_slice %arg6[%add3A_354, %dma_wait3A_360] : memref<80x128xi32, #tpu.memory_space<vmem>> -> memref<1x128xi32, #tpu.memory_space<vmem>>
      %dma_wait3A_362 = tpu.memref_squeeze %dma_wait3A_361 : memref<1x128xi32, #tpu.memory_space<vmem>> -> memref<128xi32, #tpu.memory_space<vmem>>
      %dma_wait3A_363 = arith.constant 0 : i32
      %dma_wait3A_364 = arith.constant 0 : i32
      %dma_wait3A_365 = tpu.memref_slice %arg3[%dma_wait3A_363, %dma_wait3A_364] : memref<10000x8xf32, #tpu.memory_space<hbm>> -> memref<10000x8xf32, #tpu.memory_space<hbm>>
      tpu.wait_indirect_dma semaphore(%arg11 : memref<!tpu.dma_semaphore, #tpu.memory_space<semaphore_mem>>) src(%dma_wait3A_365 : memref<10000x8xf32, #tpu.memory_space<hbm>>) dst(%dma_wait3A_359 : memref<128x8xf32, #tpu.memory_space<vmem>>)
      %add3A_366 = arith.constant 3 : i32
      %add3A_367 = arith.addi %mul3A_275, %add3A_366 : i32
      %dma_start3A_368 = arith.constant 3 : i32
      %dma_start3A_369 = arith.constant 0 : i32
      %dma_start3A_370 = arith.constant 0 : i32
      %dma_start3A_371 = tpu.memref_slice %arg8[%dma_start3A_368, %dma_start3A_369, %dma_start3A_370] : memref<10x128x8xf32, #tpu.memory_space<vmem>> -> memref<1x128x8xf32, #tpu.memory_space<vmem>>
      %dma_start3A_372 = tpu.memref_squeeze %dma_start3A_371 : memref<1x128x8xf32, #tpu.memory_space<vmem>> -> memref<128x8xf32, #tpu.memory_space<vmem>>
      %dma_start3A_373 = arith.constant 0 : i32
      %dma_start3A_374 = tpu.memref_slice %arg7[%add3A_367, %dma_start3A_373] : memref<80x128xi32, #tpu.memory_space<vmem>> -> memref<1x128xi32, #tpu.memory_space<vmem>>
      %dma_start3A_375 = tpu.memref_squeeze %dma_start3A_374 : memref<1x128xi32, #tpu.memory_space<vmem>> -> memref<128xi32, #tpu.memory_space<vmem>>
      %dma_start3A_376 = arith.constant 0 : i32
      %dma_start3A_377 = arith.constant 0 : i32
      %dma_start3A_378 = tpu.memref_slice %arg10[%dma_start3A_376, %dma_start3A_377] : memref<10240x8xf32, #tpu.memory_space<vmem_shared>> -> memref<10240x8xf32, #tpu.memory_space<vmem_shared>>
      tpu.enqueue_indirect_dma source(%dma_start3A_372 : memref<128x8xf32, #tpu.memory_space<vmem>>) target(%dma_start3A_378 : memref<10240x8xf32, #tpu.memory_space<vmem_shared>>) offsets(%dma_start3A_375 : memref<128xi32, #tpu.memory_space<vmem>>) semaphore(%arg13 : memref<!tpu.dma_semaphore, #tpu.memory_space<semaphore_mem>>) {add = true}
      %add3A_379 = arith.constant 4 : i32
      %add3A_380 = arith.addi %mul3A_275, %add3A_379 : i32
      %dma_wait3A_381 = arith.constant 4 : i32
      %dma_wait3A_382 = arith.constant 0 : i32
      %dma_wait3A_383 = arith.constant 0 : i32
      %dma_wait3A_384 = tpu.memref_slice %arg8[%dma_wait3A_381, %dma_wait3A_382, %dma_wait3A_383] : memref<10x128x8xf32, #tpu.memory_space<vmem>> -> memref<1x128x8xf32, #tpu.memory_space<vmem>>
      %dma_wait3A_385 = tpu.memref_squeeze %dma_wait3A_384 : memref<1x128x8xf32, #tpu.memory_space<vmem>> -> memref<128x8xf32, #tpu.memory_space<vmem>>
      %dma_wait3A_386 = arith.constant 0 : i32
      %dma_wait3A_387 = tpu.memref_slice %arg6[%add3A_380, %dma_wait3A_386] : memref<80x128xi32, #tpu.memory_space<vmem>> -> memref<1x128xi32, #tpu.memory_space<vmem>>
      %dma_wait3A_388 = tpu.memref_squeeze %dma_wait3A_387 : memref<1x128xi32, #tpu.memory_space<vmem>> -> memref<128xi32, #tpu.memory_space<vmem>>
      %dma_wait3A_389 = arith.constant 0 : i32
      %dma_wait3A_390 = arith.constant 0 : i32
      %dma_wait3A_391 = tpu.memref_slice %arg3[%dma_wait3A_389, %dma_wait3A_390] : memref<10000x8xf32, #tpu.memory_space<hbm>> -> memref<10000x8xf32, #tpu.memory_space<hbm>>
      tpu.wait_indirect_dma semaphore(%arg11 : memref<!tpu.dma_semaphore, #tpu.memory_space<semaphore_mem>>) src(%dma_wait3A_391 : memref<10000x8xf32, #tpu.memory_space<hbm>>) dst(%dma_wait3A_385 : memref<128x8xf32, #tpu.memory_space<vmem>>)
      %add3A_392 = arith.constant 4 : i32
      %add3A_393 = arith.addi %mul3A_275, %add3A_392 : i32
      %dma_start3A_394 = arith.constant 4 : i32
      %dma_start3A_395 = arith.constant 0 : i32
      %dma_start3A_396 = arith.constant 0 : i32
      %dma_start3A_397 = tpu.memref_slice %arg8[%dma_start3A_394, %dma_start3A_395, %dma_start3A_396] : memref<10x128x8xf32, #tpu.memory_space<vmem>> -> memref<1x128x8xf32, #tpu.memory_space<vmem>>
      %dma_start3A_398 = tpu.memref_squeeze %dma_start3A_397 : memref<1x128x8xf32, #tpu.memory_space<vmem>> -> memref<128x8xf32, #tpu.memory_space<vmem>>
      %dma_start3A_399 = arith.constant 0 : i32
      %dma_start3A_400 = tpu.memref_slice %arg7[%add3A_393, %dma_start3A_399] : memref<80x128xi32, #tpu.memory_space<vmem>> -> memref<1x128xi32, #tpu.memory_space<vmem>>
      %dma_start3A_401 = tpu.memref_squeeze %dma_start3A_400 : memref<1x128xi32, #tpu.memory_space<vmem>> -> memref<128xi32, #tpu.memory_space<vmem>>
      %dma_start3A_402 = arith.constant 0 : i32
      %dma_start3A_403 = arith.constant 0 : i32
      %dma_start3A_404 = tpu.memref_slice %arg10[%dma_start3A_402, %dma_start3A_403] : memref<10240x8xf32, #tpu.memory_space<vmem_shared>> -> memref<10240x8xf32, #tpu.memory_space<vmem_shared>>
      tpu.enqueue_indirect_dma source(%dma_start3A_398 : memref<128x8xf32, #tpu.memory_space<vmem>>) target(%dma_start3A_404 : memref<10240x8xf32, #tpu.memory_space<vmem_shared>>) offsets(%dma_start3A_401 : memref<128xi32, #tpu.memory_space<vmem>>) semaphore(%arg13 : memref<!tpu.dma_semaphore, #tpu.memory_space<semaphore_mem>>) {add = true}
      %add3A_405 = arith.constant 5 : i32
      %add3A_406 = arith.addi %mul3A_275, %add3A_405 : i32
      %dma_wait3A_407 = arith.constant 5 : i32
      %dma_wait3A_408 = arith.constant 0 : i32
      %dma_wait3A_409 = arith.constant 0 : i32
      %dma_wait3A_410 = tpu.memref_slice %arg8[%dma_wait3A_407, %dma_wait3A_408, %dma_wait3A_409] : memref<10x128x8xf32, #tpu.memory_space<vmem>> -> memref<1x128x8xf32, #tpu.memory_space<vmem>>
      %dma_wait3A_411 = tpu.memref_squeeze %dma_wait3A_410 : memref<1x128x8xf32, #tpu.memory_space<vmem>> -> memref<128x8xf32, #tpu.memory_space<vmem>>
      %dma_wait3A_412 = arith.constant 0 : i32
      %dma_wait3A_413 = tpu.memref_slice %arg6[%add3A_406, %dma_wait3A_412] : memref<80x128xi32, #tpu.memory_space<vmem>> -> memref<1x128xi32, #tpu.memory_space<vmem>>
      %dma_wait3A_414 = tpu.memref_squeeze %dma_wait3A_413 : memref<1x128xi32, #tpu.memory_space<vmem>> -> memref<128xi32, #tpu.memory_space<vmem>>
      %dma_wait3A_415 = arith.constant 0 : i32
      %dma_wait3A_416 = arith.constant 0 : i32
      %dma_wait3A_417 = tpu.memref_slice %arg3[%dma_wait3A_415, %dma_wait3A_416] : memref<10000x8xf32, #tpu.memory_space<hbm>> -> memref<10000x8xf32, #tpu.memory_space<hbm>>
      tpu.wait_indirect_dma semaphore(%arg11 : memref<!tpu.dma_semaphore, #tpu.memory_space<semaphore_mem>>) src(%dma_wait3A_417 : memref<10000x8xf32, #tpu.memory_space<hbm>>) dst(%dma_wait3A_411 : memref<128x8xf32, #tpu.memory_space<vmem>>)
      %add3A_418 = arith.constant 5 : i32
      %add3A_419 = arith.addi %mul3A_275, %add3A_418 : i32
      %dma_start3A_420 = arith.constant 5 : i32
      %dma_start3A_421 = arith.constant 0 : i32
      %dma_start3A_422 = arith.constant 0 : i32
      %dma_start3A_423 = tpu.memref_slice %arg8[%dma_start3A_420, %dma_start3A_421, %dma_start3A_422] : memref<10x128x8xf32, #tpu.memory_space<vmem>> -> memref<1x128x8xf32, #tpu.memory_space<vmem>>
      %dma_start3A_424 = tpu.memref_squeeze %dma_start3A_423 : memref<1x128x8xf32, #tpu.memory_space<vmem>> -> memref<128x8xf32, #tpu.memory_space<vmem>>
      %dma_start3A_425 = arith.constant 0 : i32
      %dma_start3A_426 = tpu.memref_slice %arg7[%add3A_419, %dma_start3A_425] : memref<80x128xi32, #tpu.memory_space<vmem>> -> memref<1x128xi32, #tpu.memory_space<vmem>>
      %dma_start3A_427 = tpu.memref_squeeze %dma_start3A_426 : memref<1x128xi32, #tpu.memory_space<vmem>> -> memref<128xi32, #tpu.memory_space<vmem>>
      %dma_start3A_428 = arith.constant 0 : i32
      %dma_start3A_429 = arith.constant 0 : i32
      %dma_start3A_430 = tpu.memref_slice %arg10[%dma_start3A_428, %dma_start3A_429] : memref<10240x8xf32, #tpu.memory_space<vmem_shared>> -> memref<10240x8xf32, #tpu.memory_space<vmem_shared>>
      tpu.enqueue_indirect_dma source(%dma_start3A_424 : memref<128x8xf32, #tpu.memory_space<vmem>>) target(%dma_start3A_430 : memref<10240x8xf32, #tpu.memory_space<vmem_shared>>) offsets(%dma_start3A_427 : memref<128xi32, #tpu.memory_space<vmem>>) semaphore(%arg13 : memref<!tpu.dma_semaphore, #tpu.memory_space<semaphore_mem>>) {add = true}
      %add3A_431 = arith.constant 6 : i32
      %add3A_432 = arith.addi %mul3A_275, %add3A_431 : i32
      %dma_wait3A_433 = arith.constant 6 : i32
      %dma_wait3A_434 = arith.constant 0 : i32
      %dma_wait3A_435 = arith.constant 0 : i32
      %dma_wait3A_436 = tpu.memref_slice %arg8[%dma_wait3A_433, %dma_wait3A_434, %dma_wait3A_435] : memref<10x128x8xf32, #tpu.memory_space<vmem>> -> memref<1x128x8xf32, #tpu.memory_space<vmem>>
      %dma_wait3A_437 = tpu.memref_squeeze %dma_wait3A_436 : memref<1x128x8xf32, #tpu.memory_space<vmem>> -> memref<128x8xf32, #tpu.memory_space<vmem>>
      %dma_wait3A_438 = arith.constant 0 : i32
      %dma_wait3A_439 = tpu.memref_slice %arg6[%add3A_432, %dma_wait3A_438] : memref<80x128xi32, #tpu.memory_space<vmem>> -> memref<1x128xi32, #tpu.memory_space<vmem>>
      %dma_wait3A_440 = tpu.memref_squeeze %dma_wait3A_439 : memref<1x128xi32, #tpu.memory_space<vmem>> -> memref<128xi32, #tpu.memory_space<vmem>>
      %dma_wait3A_441 = arith.constant 0 : i32
      %dma_wait3A_442 = arith.constant 0 : i32
      %dma_wait3A_443 = tpu.memref_slice %arg3[%dma_wait3A_441, %dma_wait3A_442] : memref<10000x8xf32, #tpu.memory_space<hbm>> -> memref<10000x8xf32, #tpu.memory_space<hbm>>
      tpu.wait_indirect_dma semaphore(%arg11 : memref<!tpu.dma_semaphore, #tpu.memory_space<semaphore_mem>>) src(%dma_wait3A_443 : memref<10000x8xf32, #tpu.memory_space<hbm>>) dst(%dma_wait3A_437 : memref<128x8xf32, #tpu.memory_space<vmem>>)
      %add3A_444 = arith.constant 6 : i32
      %add3A_445 = arith.addi %mul3A_275, %add3A_444 : i32
      %dma_start3A_446 = arith.constant 6 : i32
      %dma_start3A_447 = arith.constant 0 : i32
      %dma_start3A_448 = arith.constant 0 : i32
      %dma_start3A_449 = tpu.memref_slice %arg8[%dma_start3A_446, %dma_start3A_447, %dma_start3A_448] : memref<10x128x8xf32, #tpu.memory_space<vmem>> -> memref<1x128x8xf32, #tpu.memory_space<vmem>>
      %dma_start3A_450 = tpu.memref_squeeze %dma_start3A_449 : memref<1x128x8xf32, #tpu.memory_space<vmem>> -> memref<128x8xf32, #tpu.memory_space<vmem>>
      %dma_start3A_451 = arith.constant 0 : i32
      %dma_start3A_452 = tpu.memref_slice %arg7[%add3A_445, %dma_start3A_451] : memref<80x128xi32, #tpu.memory_space<vmem>> -> memref<1x128xi32, #tpu.memory_space<vmem>>
      %dma_start3A_453 = tpu.memref_squeeze %dma_start3A_452 : memref<1x128xi32, #tpu.memory_space<vmem>> -> memref<128xi32, #tpu.memory_space<vmem>>
      %dma_start3A_454 = arith.constant 0 : i32
      %dma_start3A_455 = arith.constant 0 : i32
      %dma_start3A_456 = tpu.memref_slice %arg10[%dma_start3A_454, %dma_start3A_455] : memref<10240x8xf32, #tpu.memory_space<vmem_shared>> -> memref<10240x8xf32, #tpu.memory_space<vmem_shared>>
      tpu.enqueue_indirect_dma source(%dma_start3A_450 : memref<128x8xf32, #tpu.memory_space<vmem>>) target(%dma_start3A_456 : memref<10240x8xf32, #tpu.memory_space<vmem_shared>>) offsets(%dma_start3A_453 : memref<128xi32, #tpu.memory_space<vmem>>) semaphore(%arg13 : memref<!tpu.dma_semaphore, #tpu.memory_space<semaphore_mem>>) {add = true}
      %add3A_457 = arith.constant 7 : i32
      %add3A_458 = arith.addi %mul3A_275, %add3A_457 : i32
      %dma_wait3A_459 = arith.constant 7 : i32
      %dma_wait3A_460 = arith.constant 0 : i32
      %dma_wait3A_461 = arith.constant 0 : i32
      %dma_wait3A_462 = tpu.memref_slice %arg8[%dma_wait3A_459, %dma_wait3A_460, %dma_wait3A_461] : memref<10x128x8xf32, #tpu.memory_space<vmem>> -> memref<1x128x8xf32, #tpu.memory_space<vmem>>
      %dma_wait3A_463 = tpu.memref_squeeze %dma_wait3A_462 : memref<1x128x8xf32, #tpu.memory_space<vmem>> -> memref<128x8xf32, #tpu.memory_space<vmem>>
      %dma_wait3A_464 = arith.constant 0 : i32
      %dma_wait3A_465 = tpu.memref_slice %arg6[%add3A_458, %dma_wait3A_464] : memref<80x128xi32, #tpu.memory_space<vmem>> -> memref<1x128xi32, #tpu.memory_space<vmem>>
      %dma_wait3A_466 = tpu.memref_squeeze %dma_wait3A_465 : memref<1x128xi32, #tpu.memory_space<vmem>> -> memref<128xi32, #tpu.memory_space<vmem>>
      %dma_wait3A_467 = arith.constant 0 : i32
      %dma_wait3A_468 = arith.constant 0 : i32
      %dma_wait3A_469 = tpu.memref_slice %arg3[%dma_wait3A_467, %dma_wait3A_468] : memref<10000x8xf32, #tpu.memory_space<hbm>> -> memref<10000x8xf32, #tpu.memory_space<hbm>>
      tpu.wait_indirect_dma semaphore(%arg11 : memref<!tpu.dma_semaphore, #tpu.memory_space<semaphore_mem>>) src(%dma_wait3A_469 : memref<10000x8xf32, #tpu.memory_space<hbm>>) dst(%dma_wait3A_463 : memref<128x8xf32, #tpu.memory_space<vmem>>)
      %add3A_470 = arith.constant 7 : i32
      %add3A_471 = arith.addi %mul3A_275, %add3A_470 : i32
      %dma_start3A_472 = arith.constant 7 : i32
      %dma_start3A_473 = arith.constant 0 : i32
      %dma_start3A_474 = arith.constant 0 : i32
      %dma_start3A_475 = tpu.memref_slice %arg8[%dma_start3A_472, %dma_start3A_473, %dma_start3A_474] : memref<10x128x8xf32, #tpu.memory_space<vmem>> -> memref<1x128x8xf32, #tpu.memory_space<vmem>>
      %dma_start3A_476 = tpu.memref_squeeze %dma_start3A_475 : memref<1x128x8xf32, #tpu.memory_space<vmem>> -> memref<128x8xf32, #tpu.memory_space<vmem>>
      %dma_start3A_477 = arith.constant 0 : i32
      %dma_start3A_478 = tpu.memref_slice %arg7[%add3A_471, %dma_start3A_477] : memref<80x128xi32, #tpu.memory_space<vmem>> -> memref<1x128xi32, #tpu.memory_space<vmem>>
      %dma_start3A_479 = tpu.memref_squeeze %dma_start3A_478 : memref<1x128xi32, #tpu.memory_space<vmem>> -> memref<128xi32, #tpu.memory_space<vmem>>
      %dma_start3A_480 = arith.constant 0 : i32
      %dma_start3A_481 = arith.constant 0 : i32
      %dma_start3A_482 = tpu.memref_slice %arg10[%dma_start3A_480, %dma_start3A_481] : memref<10240x8xf32, #tpu.memory_space<vmem_shared>> -> memref<10240x8xf32, #tpu.memory_space<vmem_shared>>
      tpu.enqueue_indirect_dma source(%dma_start3A_476 : memref<128x8xf32, #tpu.memory_space<vmem>>) target(%dma_start3A_482 : memref<10240x8xf32, #tpu.memory_space<vmem_shared>>) offsets(%dma_start3A_479 : memref<128xi32, #tpu.memory_space<vmem>>) semaphore(%arg13 : memref<!tpu.dma_semaphore, #tpu.memory_space<semaphore_mem>>) {add = true}
      %add3A_483 = arith.constant 8 : i32
      %add3A_484 = arith.addi %mul3A_275, %add3A_483 : i32
      %dma_wait3A_485 = arith.constant 8 : i32
      %dma_wait3A_486 = arith.constant 0 : i32
      %dma_wait3A_487 = arith.constant 0 : i32
      %dma_wait3A_488 = tpu.memref_slice %arg8[%dma_wait3A_485, %dma_wait3A_486, %dma_wait3A_487] : memref<10x128x8xf32, #tpu.memory_space<vmem>> -> memref<1x128x8xf32, #tpu.memory_space<vmem>>
      %dma_wait3A_489 = tpu.memref_squeeze %dma_wait3A_488 : memref<1x128x8xf32, #tpu.memory_space<vmem>> -> memref<128x8xf32, #tpu.memory_space<vmem>>
      %dma_wait3A_490 = arith.constant 0 : i32
      %dma_wait3A_491 = tpu.memref_slice %arg6[%add3A_484, %dma_wait3A_490] : memref<80x128xi32, #tpu.memory_space<vmem>> -> memref<1x128xi32, #tpu.memory_space<vmem>>
      %dma_wait3A_492 = tpu.memref_squeeze %dma_wait3A_491 : memref<1x128xi32, #tpu.memory_space<vmem>> -> memref<128xi32, #tpu.memory_space<vmem>>
      %dma_wait3A_493 = arith.constant 0 : i32
      %dma_wait3A_494 = arith.constant 0 : i32
      %dma_wait3A_495 = tpu.memref_slice %arg3[%dma_wait3A_493, %dma_wait3A_494] : memref<10000x8xf32, #tpu.memory_space<hbm>> -> memref<10000x8xf32, #tpu.memory_space<hbm>>
      tpu.wait_indirect_dma semaphore(%arg11 : memref<!tpu.dma_semaphore, #tpu.memory_space<semaphore_mem>>) src(%dma_wait3A_495 : memref<10000x8xf32, #tpu.memory_space<hbm>>) dst(%dma_wait3A_489 : memref<128x8xf32, #tpu.memory_space<vmem>>)
      %add3A_496 = arith.constant 8 : i32
      %add3A_497 = arith.addi %mul3A_275, %add3A_496 : i32
      %dma_start3A_498 = arith.constant 8 : i32
      %dma_start3A_499 = arith.constant 0 : i32
      %dma_start3A_500 = arith.constant 0 : i32
      %dma_start3A_501 = tpu.memref_slice %arg8[%dma_start3A_498, %dma_start3A_499, %dma_start3A_500] : memref<10x128x8xf32, #tpu.memory_space<vmem>> -> memref<1x128x8xf32, #tpu.memory_space<vmem>>
      %dma_start3A_502 = tpu.memref_squeeze %dma_start3A_501 : memref<1x128x8xf32, #tpu.memory_space<vmem>> -> memref<128x8xf32, #tpu.memory_space<vmem>>
      %dma_start3A_503 = arith.constant 0 : i32
      %dma_start3A_504 = tpu.memref_slice %arg7[%add3A_497, %dma_start3A_503] : memref<80x128xi32, #tpu.memory_space<vmem>> -> memref<1x128xi32, #tpu.memory_space<vmem>>
      %dma_start3A_505 = tpu.memref_squeeze %dma_start3A_504 : memref<1x128xi32, #tpu.memory_space<vmem>> -> memref<128xi32, #tpu.memory_space<vmem>>
      %dma_start3A_506 = arith.constant 0 : i32
      %dma_start3A_507 = arith.constant 0 : i32
      %dma_start3A_508 = tpu.memref_slice %arg10[%dma_start3A_506, %dma_start3A_507] : memref<10240x8xf32, #tpu.memory_space<vmem_shared>> -> memref<10240x8xf32, #tpu.memory_space<vmem_shared>>
      tpu.enqueue_indirect_dma source(%dma_start3A_502 : memref<128x8xf32, #tpu.memory_space<vmem>>) target(%dma_start3A_508 : memref<10240x8xf32, #tpu.memory_space<vmem_shared>>) offsets(%dma_start3A_505 : memref<128xi32, #tpu.memory_space<vmem>>) semaphore(%arg13 : memref<!tpu.dma_semaphore, #tpu.memory_space<semaphore_mem>>) {add = true}
      %add3A_509 = arith.constant 9 : i32
      %add3A_510 = arith.addi %mul3A_275, %add3A_509 : i32
      %dma_wait3A_511 = arith.constant 9 : i32
      %dma_wait3A_512 = arith.constant 0 : i32
      %dma_wait3A_513 = arith.constant 0 : i32
      %dma_wait3A_514 = tpu.memref_slice %arg8[%dma_wait3A_511, %dma_wait3A_512, %dma_wait3A_513] : memref<10x128x8xf32, #tpu.memory_space<vmem>> -> memref<1x128x8xf32, #tpu.memory_space<vmem>>
      %dma_wait3A_515 = tpu.memref_squeeze %dma_wait3A_514 : memref<1x128x8xf32, #tpu.memory_space<vmem>> -> memref<128x8xf32, #tpu.memory_space<vmem>>
      %dma_wait3A_516 = arith.constant 0 : i32
      %dma_wait3A_517 = tpu.memref_slice %arg6[%add3A_510, %dma_wait3A_516] : memref<80x128xi32, #tpu.memory_space<vmem>> -> memref<1x128xi32, #tpu.memory_space<vmem>>
      %dma_wait3A_518 = tpu.memref_squeeze %dma_wait3A_517 : memref<1x128xi32, #tpu.memory_space<vmem>> -> memref<128xi32, #tpu.memory_space<vmem>>
      %dma_wait3A_519 = arith.constant 0 : i32
      %dma_wait3A_520 = arith.constant 0 : i32
      %dma_wait3A_521 = tpu.memref_slice %arg3[%dma_wait3A_519, %dma_wait3A_520] : memref<10000x8xf32, #tpu.memory_space<hbm>> -> memref<10000x8xf32, #tpu.memory_space<hbm>>
      tpu.wait_indirect_dma semaphore(%arg11 : memref<!tpu.dma_semaphore, #tpu.memory_space<semaphore_mem>>) src(%dma_wait3A_521 : memref<10000x8xf32, #tpu.memory_space<hbm>>) dst(%dma_wait3A_515 : memref<128x8xf32, #tpu.memory_space<vmem>>)
      %add3A_522 = arith.constant 9 : i32
      %add3A_523 = arith.addi %mul3A_275, %add3A_522 : i32
      %dma_start3A_524 = arith.constant 9 : i32
      %dma_start3A_525 = arith.constant 0 : i32
      %dma_start3A_526 = arith.constant 0 : i32
      %dma_start3A_527 = tpu.memref_slice %arg8[%dma_start3A_524, %dma_start3A_525, %dma_start3A_526] : memref<10x128x8xf32, #tpu.memory_space<vmem>> -> memref<1x128x8xf32, #tpu.memory_space<vmem>>
      %dma_start3A_528 = tpu.memref_squeeze %dma_start3A_527 : memref<1x128x8xf32, #tpu.memory_space<vmem>> -> memref<128x8xf32, #tpu.memory_space<vmem>>
      %dma_start3A_529 = arith.constant 0 : i32
      %dma_start3A_530 = tpu.memref_slice %arg7[%add3A_523, %dma_start3A_529] : memref<80x128xi32, #tpu.memory_space<vmem>> -> memref<1x128xi32, #tpu.memory_space<vmem>>
      %dma_start3A_531 = tpu.memref_squeeze %dma_start3A_530 : memref<1x128xi32, #tpu.memory_space<vmem>> -> memref<128xi32, #tpu.memory_space<vmem>>
      %dma_start3A_532 = arith.constant 0 : i32
      %dma_start3A_533 = arith.constant 0 : i32
      %dma_start3A_534 = tpu.memref_slice %arg10[%dma_start3A_532, %dma_start3A_533] : memref<10240x8xf32, #tpu.memory_space<vmem_shared>> -> memref<10240x8xf32, #tpu.memory_space<vmem_shared>>
      tpu.enqueue_indirect_dma source(%dma_start3A_528 : memref<128x8xf32, #tpu.memory_space<vmem>>) target(%dma_start3A_534 : memref<10240x8xf32, #tpu.memory_space<vmem_shared>>) offsets(%dma_start3A_531 : memref<128xi32, #tpu.memory_space<vmem>>) semaphore(%arg13 : memref<!tpu.dma_semaphore, #tpu.memory_space<semaphore_mem>>) {add = true}
      %add3A_535 = arith.constant 0 : i32
      %add3A_536 = arith.addi %mul3A_275, %add3A_535 : i32
      %dma_wait3A_537 = arith.constant 0 : i32
      %dma_wait3A_538 = arith.constant 0 : i32
      %dma_wait3A_539 = arith.constant 0 : i32
      %dma_wait3A_540 = tpu.memref_slice %arg8[%dma_wait3A_537, %dma_wait3A_538, %dma_wait3A_539] : memref<10x128x8xf32, #tpu.memory_space<vmem>> -> memref<1x128x8xf32, #tpu.memory_space<vmem>>
      %dma_wait3A_541 = tpu.memref_squeeze %dma_wait3A_540 : memref<1x128x8xf32, #tpu.memory_space<vmem>> -> memref<128x8xf32, #tpu.memory_space<vmem>>
      %dma_wait3A_542 = arith.constant 0 : i32
      %dma_wait3A_543 = tpu.memref_slice %arg7[%add3A_536, %dma_wait3A_542] : memref<80x128xi32, #tpu.memory_space<vmem>> -> memref<1x128xi32, #tpu.memory_space<vmem>>
      %dma_wait3A_544 = tpu.memref_squeeze %dma_wait3A_543 : memref<1x128xi32, #tpu.memory_space<vmem>> -> memref<128xi32, #tpu.memory_space<vmem>>
      %dma_wait3A_545 = arith.constant 0 : i32
      %dma_wait3A_546 = arith.constant 0 : i32
      %dma_wait3A_547 = tpu.memref_slice %arg10[%dma_wait3A_545, %dma_wait3A_546] : memref<10240x8xf32, #tpu.memory_space<vmem_shared>> -> memref<10240x8xf32, #tpu.memory_space<vmem_shared>>
      tpu.wait_indirect_dma semaphore(%arg13 : memref<!tpu.dma_semaphore, #tpu.memory_space<semaphore_mem>>) src(%dma_wait3A_541 : memref<128x8xf32, #tpu.memory_space<vmem>>) dst(%dma_wait3A_547 : memref<10240x8xf32, #tpu.memory_space<vmem_shared>>)
      %add3A_548 = arith.constant 1 : i32
      %add3A_549 = arith.addi %mul3A_275, %add3A_548 : i32
      %dma_wait3A_550 = arith.constant 1 : i32
      %dma_wait3A_551 = arith.constant 0 : i32
      %dma_wait3A_552 = arith.constant 0 : i32
      %dma_wait3A_553 = tpu.memref_slice %arg8[%dma_wait3A_550, %dma_wait3A_551, %dma_wait3A_552] : memref<10x128x8xf32, #tpu.memory_space<vmem>> -> memref<1x128x8xf32, #tpu.memory_space<vmem>>
      %dma_wait3A_554 = tpu.memref_squeeze %dma_wait3A_553 : memref<1x128x8xf32, #tpu.memory_space<vmem>> -> memref<128x8xf32, #tpu.memory_space<vmem>>
      %dma_wait3A_555 = arith.constant 0 : i32
      %dma_wait3A_556 = tpu.memref_slice %arg7[%add3A_549, %dma_wait3A_555] : memref<80x128xi32, #tpu.memory_space<vmem>> -> memref<1x128xi32, #tpu.memory_space<vmem>>
      %dma_wait3A_557 = tpu.memref_squeeze %dma_wait3A_556 : memref<1x128xi32, #tpu.memory_space<vmem>> -> memref<128xi32, #tpu.memory_space<vmem>>
      %dma_wait3A_558 = arith.constant 0 : i32
      %dma_wait3A_559 = arith.constant 0 : i32
      %dma_wait3A_560 = tpu.memref_slice %arg10[%dma_wait3A_558, %dma_wait3A_559] : memref<10240x8xf32, #tpu.memory_space<vmem_shared>> -> memref<10240x8xf32, #tpu.memory_space<vmem_shared>>
      tpu.wait_indirect_dma semaphore(%arg13 : memref<!tpu.dma_semaphore, #tpu.memory_space<semaphore_mem>>) src(%dma_wait3A_554 : memref<128x8xf32, #tpu.memory_space<vmem>>) dst(%dma_wait3A_560 : memref<10240x8xf32, #tpu.memory_space<vmem_shared>>)
      %add3A_561 = arith.constant 2 : i32
      %add3A_562 = arith.addi %mul3A_275, %add3A_561 : i32
      %dma_wait3A_563 = arith.constant 2 : i32
      %dma_wait3A_564 = arith.constant 0 : i32
      %dma_wait3A_565 = arith.constant 0 : i32
      %dma_wait3A_566 = tpu.memref_slice %arg8[%dma_wait3A_563, %dma_wait3A_564, %dma_wait3A_565] : memref<10x128x8xf32, #tpu.memory_space<vmem>> -> memref<1x128x8xf32, #tpu.memory_space<vmem>>
      %dma_wait3A_567 = tpu.memref_squeeze %dma_wait3A_566 : memref<1x128x8xf32, #tpu.memory_space<vmem>> -> memref<128x8xf32, #tpu.memory_space<vmem>>
      %dma_wait3A_568 = arith.constant 0 : i32
      %dma_wait3A_569 = tpu.memref_slice %arg7[%add3A_562, %dma_wait3A_568] : memref<80x128xi32, #tpu.memory_space<vmem>> -> memref<1x128xi32, #tpu.memory_space<vmem>>
      %dma_wait3A_570 = tpu.memref_squeeze %dma_wait3A_569 : memref<1x128xi32, #tpu.memory_space<vmem>> -> memref<128xi32, #tpu.memory_space<vmem>>
      %dma_wait3A_571 = arith.constant 0 : i32
      %dma_wait3A_572 = arith.constant 0 : i32
      %dma_wait3A_573 = tpu.memref_slice %arg10[%dma_wait3A_571, %dma_wait3A_572] : memref<10240x8xf32, #tpu.memory_space<vmem_shared>> -> memref<10240x8xf32, #tpu.memory_space<vmem_shared>>
      tpu.wait_indirect_dma semaphore(%arg13 : memref<!tpu.dma_semaphore, #tpu.memory_space<semaphore_mem>>) src(%dma_wait3A_567 : memref<128x8xf32, #tpu.memory_space<vmem>>) dst(%dma_wait3A_573 : memref<10240x8xf32, #tpu.memory_space<vmem_shared>>)
      %add3A_574 = arith.constant 3 : i32
      %add3A_575 = arith.addi %mul3A_275, %add3A_574 : i32
      %dma_wait3A_576 = arith.constant 3 : i32
      %dma_wait3A_577 = arith.constant 0 : i32
      %dma_wait3A_578 = arith.constant 0 : i32
      %dma_wait3A_579 = tpu.memref_slice %arg8[%dma_wait3A_576, %dma_wait3A_577, %dma_wait3A_578] : memref<10x128x8xf32, #tpu.memory_space<vmem>> -> memref<1x128x8xf32, #tpu.memory_space<vmem>>
      %dma_wait3A_580 = tpu.memref_squeeze %dma_wait3A_579 : memref<1x128x8xf32, #tpu.memory_space<vmem>> -> memref<128x8xf32, #tpu.memory_space<vmem>>
      %dma_wait3A_581 = arith.constant 0 : i32
      %dma_wait3A_582 = tpu.memref_slice %arg7[%add3A_575, %dma_wait3A_581] : memref<80x128xi32, #tpu.memory_space<vmem>> -> memref<1x128xi32, #tpu.memory_space<vmem>>
      %dma_wait3A_583 = tpu.memref_squeeze %dma_wait3A_582 : memref<1x128xi32, #tpu.memory_space<vmem>> -> memref<128xi32, #tpu.memory_space<vmem>>
      %dma_wait3A_584 = arith.constant 0 : i32
      %dma_wait3A_585 = arith.constant 0 : i32
      %dma_wait3A_586 = tpu.memref_slice %arg10[%dma_wait3A_584, %dma_wait3A_585] : memref<10240x8xf32, #tpu.memory_space<vmem_shared>> -> memref<10240x8xf32, #tpu.memory_space<vmem_shared>>
      tpu.wait_indirect_dma semaphore(%arg13 : memref<!tpu.dma_semaphore, #tpu.memory_space<semaphore_mem>>) src(%dma_wait3A_580 : memref<128x8xf32, #tpu.memory_space<vmem>>) dst(%dma_wait3A_586 : memref<10240x8xf32, #tpu.memory_space<vmem_shared>>)
      %add3A_587 = arith.constant 4 : i32
      %add3A_588 = arith.addi %mul3A_275, %add3A_587 : i32
      %dma_wait3A_589 = arith.constant 4 : i32
      %dma_wait3A_590 = arith.constant 0 : i32
      %dma_wait3A_591 = arith.constant 0 : i32
      %dma_wait3A_592 = tpu.memref_slice %arg8[%dma_wait3A_589, %dma_wait3A_590, %dma_wait3A_591] : memref<10x128x8xf32, #tpu.memory_space<vmem>> -> memref<1x128x8xf32, #tpu.memory_space<vmem>>
      %dma_wait3A_593 = tpu.memref_squeeze %dma_wait3A_592 : memref<1x128x8xf32, #tpu.memory_space<vmem>> -> memref<128x8xf32, #tpu.memory_space<vmem>>
      %dma_wait3A_594 = arith.constant 0 : i32
      %dma_wait3A_595 = tpu.memref_slice %arg7[%add3A_588, %dma_wait3A_594] : memref<80x128xi32, #tpu.memory_space<vmem>> -> memref<1x128xi32, #tpu.memory_space<vmem>>
      %dma_wait3A_596 = tpu.memref_squeeze %dma_wait3A_595 : memref<1x128xi32, #tpu.memory_space<vmem>> -> memref<128xi32, #tpu.memory_space<vmem>>
      %dma_wait3A_597 = arith.constant 0 : i32
      %dma_wait3A_598 = arith.constant 0 : i32
      %dma_wait3A_599 = tpu.memref_slice %arg10[%dma_wait3A_597, %dma_wait3A_598] : memref<10240x8xf32, #tpu.memory_space<vmem_shared>> -> memref<10240x8xf32, #tpu.memory_space<vmem_shared>>
      tpu.wait_indirect_dma semaphore(%arg13 : memref<!tpu.dma_semaphore, #tpu.memory_space<semaphore_mem>>) src(%dma_wait3A_593 : memref<128x8xf32, #tpu.memory_space<vmem>>) dst(%dma_wait3A_599 : memref<10240x8xf32, #tpu.memory_space<vmem_shared>>)
      %add3A_600 = arith.constant 5 : i32
      %add3A_601 = arith.addi %mul3A_275, %add3A_600 : i32
      %dma_wait3A_602 = arith.constant 5 : i32
      %dma_wait3A_603 = arith.constant 0 : i32
      %dma_wait3A_604 = arith.constant 0 : i32
      %dma_wait3A_605 = tpu.memref_slice %arg8[%dma_wait3A_602, %dma_wait3A_603, %dma_wait3A_604] : memref<10x128x8xf32, #tpu.memory_space<vmem>> -> memref<1x128x8xf32, #tpu.memory_space<vmem>>
      %dma_wait3A_606 = tpu.memref_squeeze %dma_wait3A_605 : memref<1x128x8xf32, #tpu.memory_space<vmem>> -> memref<128x8xf32, #tpu.memory_space<vmem>>
      %dma_wait3A_607 = arith.constant 0 : i32
      %dma_wait3A_608 = tpu.memref_slice %arg7[%add3A_601, %dma_wait3A_607] : memref<80x128xi32, #tpu.memory_space<vmem>> -> memref<1x128xi32, #tpu.memory_space<vmem>>
      %dma_wait3A_609 = tpu.memref_squeeze %dma_wait3A_608 : memref<1x128xi32, #tpu.memory_space<vmem>> -> memref<128xi32, #tpu.memory_space<vmem>>
      %dma_wait3A_610 = arith.constant 0 : i32
      %dma_wait3A_611 = arith.constant 0 : i32
      %dma_wait3A_612 = tpu.memref_slice %arg10[%dma_wait3A_610, %dma_wait3A_611] : memref<10240x8xf32, #tpu.memory_space<vmem_shared>> -> memref<10240x8xf32, #tpu.memory_space<vmem_shared>>
      tpu.wait_indirect_dma semaphore(%arg13 : memref<!tpu.dma_semaphore, #tpu.memory_space<semaphore_mem>>) src(%dma_wait3A_606 : memref<128x8xf32, #tpu.memory_space<vmem>>) dst(%dma_wait3A_612 : memref<10240x8xf32, #tpu.memory_space<vmem_shared>>)
      %add3A_613 = arith.constant 6 : i32
      %add3A_614 = arith.addi %mul3A_275, %add3A_613 : i32
      %dma_wait3A_615 = arith.constant 6 : i32
      %dma_wait3A_616 = arith.constant 0 : i32
      %dma_wait3A_617 = arith.constant 0 : i32
      %dma_wait3A_618 = tpu.memref_slice %arg8[%dma_wait3A_615, %dma_wait3A_616, %dma_wait3A_617] : memref<10x128x8xf32, #tpu.memory_space<vmem>> -> memref<1x128x8xf32, #tpu.memory_space<vmem>>
      %dma_wait3A_619 = tpu.memref_squeeze %dma_wait3A_618 : memref<1x128x8xf32, #tpu.memory_space<vmem>> -> memref<128x8xf32, #tpu.memory_space<vmem>>
      %dma_wait3A_620 = arith.constant 0 : i32
      %dma_wait3A_621 = tpu.memref_slice %arg7[%add3A_614, %dma_wait3A_620] : memref<80x128xi32, #tpu.memory_space<vmem>> -> memref<1x128xi32, #tpu.memory_space<vmem>>
      %dma_wait3A_622 = tpu.memref_squeeze %dma_wait3A_621 : memref<1x128xi32, #tpu.memory_space<vmem>> -> memref<128xi32, #tpu.memory_space<vmem>>
      %dma_wait3A_623 = arith.constant 0 : i32
      %dma_wait3A_624 = arith.constant 0 : i32
      %dma_wait3A_625 = tpu.memref_slice %arg10[%dma_wait3A_623, %dma_wait3A_624] : memref<10240x8xf32, #tpu.memory_space<vmem_shared>> -> memref<10240x8xf32, #tpu.memory_space<vmem_shared>>
      tpu.wait_indirect_dma semaphore(%arg13 : memref<!tpu.dma_semaphore, #tpu.memory_space<semaphore_mem>>) src(%dma_wait3A_619 : memref<128x8xf32, #tpu.memory_space<vmem>>) dst(%dma_wait3A_625 : memref<10240x8xf32, #tpu.memory_space<vmem_shared>>)
      %add3A_626 = arith.constant 7 : i32
      %add3A_627 = arith.addi %mul3A_275, %add3A_626 : i32
      %dma_wait3A_628 = arith.constant 7 : i32
      %dma_wait3A_629 = arith.constant 0 : i32
      %dma_wait3A_630 = arith.constant 0 : i32
      %dma_wait3A_631 = tpu.memref_slice %arg8[%dma_wait3A_628, %dma_wait3A_629, %dma_wait3A_630] : memref<10x128x8xf32, #tpu.memory_space<vmem>> -> memref<1x128x8xf32, #tpu.memory_space<vmem>>
      %dma_wait3A_632 = tpu.memref_squeeze %dma_wait3A_631 : memref<1x128x8xf32, #tpu.memory_space<vmem>> -> memref<128x8xf32, #tpu.memory_space<vmem>>
      %dma_wait3A_633 = arith.constant 0 : i32
      %dma_wait3A_634 = tpu.memref_slice %arg7[%add3A_627, %dma_wait3A_633] : memref<80x128xi32, #tpu.memory_space<vmem>> -> memref<1x128xi32, #tpu.memory_space<vmem>>
      %dma_wait3A_635 = tpu.memref_squeeze %dma_wait3A_634 : memref<1x128xi32, #tpu.memory_space<vmem>> -> memref<128xi32, #tpu.memory_space<vmem>>
      %dma_wait3A_636 = arith.constant 0 : i32
      %dma_wait3A_637 = arith.constant 0 : i32
      %dma_wait3A_638 = tpu.memref_slice %arg10[%dma_wait3A_636, %dma_wait3A_637] : memref<10240x8xf32, #tpu.memory_space<vmem_shared>> -> memref<10240x8xf32, #tpu.memory_space<vmem_shared>>
      tpu.wait_indirect_dma semaphore(%arg13 : memref<!tpu.dma_semaphore, #tpu.memory_space<semaphore_mem>>) src(%dma_wait3A_632 : memref<128x8xf32, #tpu.memory_space<vmem>>) dst(%dma_wait3A_638 : memref<10240x8xf32, #tpu.memory_space<vmem_shared>>)
      %add3A_639 = arith.constant 8 : i32
      %add3A_640 = arith.addi %mul3A_275, %add3A_639 : i32
      %dma_wait3A_641 = arith.constant 8 : i32
      %dma_wait3A_642 = arith.constant 0 : i32
      %dma_wait3A_643 = arith.constant 0 : i32
      %dma_wait3A_644 = tpu.memref_slice %arg8[%dma_wait3A_641, %dma_wait3A_642, %dma_wait3A_643] : memref<10x128x8xf32, #tpu.memory_space<vmem>> -> memref<1x128x8xf32, #tpu.memory_space<vmem>>
      %dma_wait3A_645 = tpu.memref_squeeze %dma_wait3A_644 : memref<1x128x8xf32, #tpu.memory_space<vmem>> -> memref<128x8xf32, #tpu.memory_space<vmem>>
      %dma_wait3A_646 = arith.constant 0 : i32
      %dma_wait3A_647 = tpu.memref_slice %arg7[%add3A_640, %dma_wait3A_646] : memref<80x128xi32, #tpu.memory_space<vmem>> -> memref<1x128xi32, #tpu.memory_space<vmem>>
      %dma_wait3A_648 = tpu.memref_squeeze %dma_wait3A_647 : memref<1x128xi32, #tpu.memory_space<vmem>> -> memref<128xi32, #tpu.memory_space<vmem>>
      %dma_wait3A_649 = arith.constant 0 : i32
      %dma_wait3A_650 = arith.constant 0 : i32
      %dma_wait3A_651 = tpu.memref_slice %arg10[%dma_wait3A_649, %dma_wait3A_650] : memref<10240x8xf32, #tpu.memory_space<vmem_shared>> -> memref<10240x8xf32, #tpu.memory_space<vmem_shared>>
      tpu.wait_indirect_dma semaphore(%arg13 : memref<!tpu.dma_semaphore, #tpu.memory_space<semaphore_mem>>) src(%dma_wait3A_645 : memref<128x8xf32, #tpu.memory_space<vmem>>) dst(%dma_wait3A_651 : memref<10240x8xf32, #tpu.memory_space<vmem_shared>>)
      %add3A_652 = arith.constant 9 : i32
      %add3A_653 = arith.addi %mul3A_275, %add3A_652 : i32
      %dma_wait3A_654 = arith.constant 9 : i32
      %dma_wait3A_655 = arith.constant 0 : i32
      %dma_wait3A_656 = arith.constant 0 : i32
      %dma_wait3A_657 = tpu.memref_slice %arg8[%dma_wait3A_654, %dma_wait3A_655, %dma_wait3A_656] : memref<10x128x8xf32, #tpu.memory_space<vmem>> -> memref<1x128x8xf32, #tpu.memory_space<vmem>>
      %dma_wait3A_658 = tpu.memref_squeeze %dma_wait3A_657 : memref<1x128x8xf32, #tpu.memory_space<vmem>> -> memref<128x8xf32, #tpu.memory_space<vmem>>
      %dma_wait3A_659 = arith.constant 0 : i32
      %dma_wait3A_660 = tpu.memref_slice %arg7[%add3A_653, %dma_wait3A_659] : memref<80x128xi32, #tpu.memory_space<vmem>> -> memref<1x128xi32, #tpu.memory_space<vmem>>
      %dma_wait3A_661 = tpu.memref_squeeze %dma_wait3A_660 : memref<1x128xi32, #tpu.memory_space<vmem>> -> memref<128xi32, #tpu.memory_space<vmem>>
      %dma_wait3A_662 = arith.constant 0 : i32
      %dma_wait3A_663 = arith.constant 0 : i32
      %dma_wait3A_664 = tpu.memref_slice %arg10[%dma_wait3A_662, %dma_wait3A_663] : memref<10240x8xf32, #tpu.memory_space<vmem_shared>> -> memref<10240x8xf32, #tpu.memory_space<vmem_shared>>
      tpu.wait_indirect_dma semaphore(%arg13 : memref<!tpu.dma_semaphore, #tpu.memory_space<semaphore_mem>>) src(%dma_wait3A_658 : memref<128x8xf32, #tpu.memory_space<vmem>>) dst(%dma_wait3A_664 : memref<10240x8xf32, #tpu.memory_space<vmem_shared>>)
      %add3A_665 = arith.constant 2 : i32
      %add3A_666 = arith.addi %mul3A_139, %add3A_665 : i32
      %lt3A = arith.constant 8 : i32
      %lt3A_667 = arith.cmpi slt, %add3A_666, %lt3A : i32
      %convert_element_type3A = arith.extui %lt3A_667 : i1 to i32
      %cond3A = arith.constant 0 : i32
      %cond3A_668 = arith.cmpi ne, %convert_element_type3A, %cond3A : i32
      scf.if %cond3A_668 {
        %add3A_1063 = arith.constant 2 : i32
        %add3A_1064 = arith.addi %mul3A_139, %add3A_1063 : i32
        %mul3A_1065 = arith.constant 10 : i32
        %mul3A_1066 = arith.muli %add3A_1064, %mul3A_1065 : i32
        %add3A_1067 = arith.constant 0 : i32
        %add3A_1068 = arith.addi %mul3A_1066, %add3A_1067 : i32
        %dma_start3A_1069 = arith.constant 0 : i32
        %dma_start3A_1070 = arith.constant 0 : i32
        %dma_start3A_1071 = arith.constant 0 : i32
        %dma_start3A_1072 = tpu.memref_slice %arg8[%dma_start3A_1069, %dma_start3A_1070, %dma_start3A_1071] : memref<10x128x8xf32, #tpu.memory_space<vmem>> -> memref<1x128x8xf32, #tpu.memory_space<vmem>>
        %dma_start3A_1073 = tpu.memref_squeeze %dma_start3A_1072 : memref<1x128x8xf32, #tpu.memory_space<vmem>> -> memref<128x8xf32, #tpu.memory_space<vmem>>
        %dma_start3A_1074 = arith.constant 0 : i32
        %dma_start3A_1075 = tpu.memref_slice %arg6[%add3A_1068, %dma_start3A_1074] : memref<80x128xi32, #tpu.memory_space<vmem>> -> memref<1x128xi32, #tpu.memory_space<vmem>>
        %dma_start3A_1076 = tpu.memref_squeeze %dma_start3A_1075 : memref<1x128xi32, #tpu.memory_space<vmem>> -> memref<128xi32, #tpu.memory_space<vmem>>
        %dma_start3A_1077 = arith.constant 0 : i32
        %dma_start3A_1078 = arith.constant 0 : i32
        %dma_start3A_1079 = tpu.memref_slice %arg3[%dma_start3A_1077, %dma_start3A_1078] : memref<10000x8xf32, #tpu.memory_space<hbm>> -> memref<10000x8xf32, #tpu.memory_space<hbm>>
        tpu.enqueue_indirect_dma source(%dma_start3A_1079 : memref<10000x8xf32, #tpu.memory_space<hbm>>) target(%dma_start3A_1073 : memref<128x8xf32, #tpu.memory_space<vmem>>) offsets(%dma_start3A_1076 : memref<128xi32, #tpu.memory_space<vmem>>) semaphore(%arg11 : memref<!tpu.dma_semaphore, #tpu.memory_space<semaphore_mem>>)
        %add3A_1080 = arith.constant 1 : i32
        %add3A_1081 = arith.addi %mul3A_1066, %add3A_1080 : i32
        %dma_start3A_1082 = arith.constant 1 : i32
        %dma_start3A_1083 = arith.constant 0 : i32
        %dma_start3A_1084 = arith.constant 0 : i32
        %dma_start3A_1085 = tpu.memref_slice %arg8[%dma_start3A_1082, %dma_start3A_1083, %dma_start3A_1084] : memref<10x128x8xf32, #tpu.memory_space<vmem>> -> memref<1x128x8xf32, #tpu.memory_space<vmem>>
        %dma_start3A_1086 = tpu.memref_squeeze %dma_start3A_1085 : memref<1x128x8xf32, #tpu.memory_space<vmem>> -> memref<128x8xf32, #tpu.memory_space<vmem>>
        %dma_start3A_1087 = arith.constant 0 : i32
        %dma_start3A_1088 = tpu.memref_slice %arg6[%add3A_1081, %dma_start3A_1087] : memref<80x128xi32, #tpu.memory_space<vmem>> -> memref<1x128xi32, #tpu.memory_space<vmem>>
        %dma_start3A_1089 = tpu.memref_squeeze %dma_start3A_1088 : memref<1x128xi32, #tpu.memory_space<vmem>> -> memref<128xi32, #tpu.memory_space<vmem>>
        %dma_start3A_1090 = arith.constant 0 : i32
        %dma_start3A_1091 = arith.constant 0 : i32
        %dma_start3A_1092 = tpu.memref_slice %arg3[%dma_start3A_1090, %dma_start3A_1091] : memref<10000x8xf32, #tpu.memory_space<hbm>> -> memref<10000x8xf32, #tpu.memory_space<hbm>>
        tpu.enqueue_indirect_dma source(%dma_start3A_1092 : memref<10000x8xf32, #tpu.memory_space<hbm>>) target(%dma_start3A_1086 : memref<128x8xf32, #tpu.memory_space<vmem>>) offsets(%dma_start3A_1089 : memref<128xi32, #tpu.memory_space<vmem>>) semaphore(%arg11 : memref<!tpu.dma_semaphore, #tpu.memory_space<semaphore_mem>>)
        %add3A_1093 = arith.constant 2 : i32
        %add3A_1094 = arith.addi %mul3A_1066, %add3A_1093 : i32
        %dma_start3A_1095 = arith.constant 2 : i32
        %dma_start3A_1096 = arith.constant 0 : i32
        %dma_start3A_1097 = arith.constant 0 : i32
        %dma_start3A_1098 = tpu.memref_slice %arg8[%dma_start3A_1095, %dma_start3A_1096, %dma_start3A_1097] : memref<10x128x8xf32, #tpu.memory_space<vmem>> -> memref<1x128x8xf32, #tpu.memory_space<vmem>>
        %dma_start3A_1099 = tpu.memref_squeeze %dma_start3A_1098 : memref<1x128x8xf32, #tpu.memory_space<vmem>> -> memref<128x8xf32, #tpu.memory_space<vmem>>
        %dma_start3A_1100 = arith.constant 0 : i32
        %dma_start3A_1101 = tpu.memref_slice %arg6[%add3A_1094, %dma_start3A_1100] : memref<80x128xi32, #tpu.memory_space<vmem>> -> memref<1x128xi32, #tpu.memory_space<vmem>>
        %dma_start3A_1102 = tpu.memref_squeeze %dma_start3A_1101 : memref<1x128xi32, #tpu.memory_space<vmem>> -> memref<128xi32, #tpu.memory_space<vmem>>
        %dma_start3A_1103 = arith.constant 0 : i32
        %dma_start3A_1104 = arith.constant 0 : i32
        %dma_start3A_1105 = tpu.memref_slice %arg3[%dma_start3A_1103, %dma_start3A_1104] : memref<10000x8xf32, #tpu.memory_space<hbm>> -> memref<10000x8xf32, #tpu.memory_space<hbm>>
        tpu.enqueue_indirect_dma source(%dma_start3A_1105 : memref<10000x8xf32, #tpu.memory_space<hbm>>) target(%dma_start3A_1099 : memref<128x8xf32, #tpu.memory_space<vmem>>) offsets(%dma_start3A_1102 : memref<128xi32, #tpu.memory_space<vmem>>) semaphore(%arg11 : memref<!tpu.dma_semaphore, #tpu.memory_space<semaphore_mem>>)
        %add3A_1106 = arith.constant 3 : i32
        %add3A_1107 = arith.addi %mul3A_1066, %add3A_1106 : i32
        %dma_start3A_1108 = arith.constant 3 : i32
        %dma_start3A_1109 = arith.constant 0 : i32
        %dma_start3A_1110 = arith.constant 0 : i32
        %dma_start3A_1111 = tpu.memref_slice %arg8[%dma_start3A_1108, %dma_start3A_1109, %dma_start3A_1110] : memref<10x128x8xf32, #tpu.memory_space<vmem>> -> memref<1x128x8xf32, #tpu.memory_space<vmem>>
        %dma_start3A_1112 = tpu.memref_squeeze %dma_start3A_1111 : memref<1x128x8xf32, #tpu.memory_space<vmem>> -> memref<128x8xf32, #tpu.memory_space<vmem>>
        %dma_start3A_1113 = arith.constant 0 : i32
        %dma_start3A_1114 = tpu.memref_slice %arg6[%add3A_1107, %dma_start3A_1113] : memref<80x128xi32, #tpu.memory_space<vmem>> -> memref<1x128xi32, #tpu.memory_space<vmem>>
        %dma_start3A_1115 = tpu.memref_squeeze %dma_start3A_1114 : memref<1x128xi32, #tpu.memory_space<vmem>> -> memref<128xi32, #tpu.memory_space<vmem>>
        %dma_start3A_1116 = arith.constant 0 : i32
        %dma_start3A_1117 = arith.constant 0 : i32
        %dma_start3A_1118 = tpu.memref_slice %arg3[%dma_start3A_1116, %dma_start3A_1117] : memref<10000x8xf32, #tpu.memory_space<hbm>> -> memref<10000x8xf32, #tpu.memory_space<hbm>>
        tpu.enqueue_indirect_dma source(%dma_start3A_1118 : memref<10000x8xf32, #tpu.memory_space<hbm>>) target(%dma_start3A_1112 : memref<128x8xf32, #tpu.memory_space<vmem>>) offsets(%dma_start3A_1115 : memref<128xi32, #tpu.memory_space<vmem>>) semaphore(%arg11 : memref<!tpu.dma_semaphore, #tpu.memory_space<semaphore_mem>>)
        %add3A_1119 = arith.constant 4 : i32
        %add3A_1120 = arith.addi %mul3A_1066, %add3A_1119 : i32
        %dma_start3A_1121 = arith.constant 4 : i32
        %dma_start3A_1122 = arith.constant 0 : i32
        %dma_start3A_1123 = arith.constant 0 : i32
        %dma_start3A_1124 = tpu.memref_slice %arg8[%dma_start3A_1121, %dma_start3A_1122, %dma_start3A_1123] : memref<10x128x8xf32, #tpu.memory_space<vmem>> -> memref<1x128x8xf32, #tpu.memory_space<vmem>>
        %dma_start3A_1125 = tpu.memref_squeeze %dma_start3A_1124 : memref<1x128x8xf32, #tpu.memory_space<vmem>> -> memref<128x8xf32, #tpu.memory_space<vmem>>
        %dma_start3A_1126 = arith.constant 0 : i32
        %dma_start3A_1127 = tpu.memref_slice %arg6[%add3A_1120, %dma_start3A_1126] : memref<80x128xi32, #tpu.memory_space<vmem>> -> memref<1x128xi32, #tpu.memory_space<vmem>>
        %dma_start3A_1128 = tpu.memref_squeeze %dma_start3A_1127 : memref<1x128xi32, #tpu.memory_space<vmem>> -> memref<128xi32, #tpu.memory_space<vmem>>
        %dma_start3A_1129 = arith.constant 0 : i32
        %dma_start3A_1130 = arith.constant 0 : i32
        %dma_start3A_1131 = tpu.memref_slice %arg3[%dma_start3A_1129, %dma_start3A_1130] : memref<10000x8xf32, #tpu.memory_space<hbm>> -> memref<10000x8xf32, #tpu.memory_space<hbm>>
        tpu.enqueue_indirect_dma source(%dma_start3A_1131 : memref<10000x8xf32, #tpu.memory_space<hbm>>) target(%dma_start3A_1125 : memref<128x8xf32, #tpu.memory_space<vmem>>) offsets(%dma_start3A_1128 : memref<128xi32, #tpu.memory_space<vmem>>) semaphore(%arg11 : memref<!tpu.dma_semaphore, #tpu.memory_space<semaphore_mem>>)
        %add3A_1132 = arith.constant 5 : i32
        %add3A_1133 = arith.addi %mul3A_1066, %add3A_1132 : i32
        %dma_start3A_1134 = arith.constant 5 : i32
        %dma_start3A_1135 = arith.constant 0 : i32
        %dma_start3A_1136 = arith.constant 0 : i32
        %dma_start3A_1137 = tpu.memref_slice %arg8[%dma_start3A_1134, %dma_start3A_1135, %dma_start3A_1136] : memref<10x128x8xf32, #tpu.memory_space<vmem>> -> memref<1x128x8xf32, #tpu.memory_space<vmem>>
        %dma_start3A_1138 = tpu.memref_squeeze %dma_start3A_1137 : memref<1x128x8xf32, #tpu.memory_space<vmem>> -> memref<128x8xf32, #tpu.memory_space<vmem>>
        %dma_start3A_1139 = arith.constant 0 : i32
        %dma_start3A_1140 = tpu.memref_slice %arg6[%add3A_1133, %dma_start3A_1139] : memref<80x128xi32, #tpu.memory_space<vmem>> -> memref<1x128xi32, #tpu.memory_space<vmem>>
        %dma_start3A_1141 = tpu.memref_squeeze %dma_start3A_1140 : memref<1x128xi32, #tpu.memory_space<vmem>> -> memref<128xi32, #tpu.memory_space<vmem>>
        %dma_start3A_1142 = arith.constant 0 : i32
        %dma_start3A_1143 = arith.constant 0 : i32
        %dma_start3A_1144 = tpu.memref_slice %arg3[%dma_start3A_1142, %dma_start3A_1143] : memref<10000x8xf32, #tpu.memory_space<hbm>> -> memref<10000x8xf32, #tpu.memory_space<hbm>>
        tpu.enqueue_indirect_dma source(%dma_start3A_1144 : memref<10000x8xf32, #tpu.memory_space<hbm>>) target(%dma_start3A_1138 : memref<128x8xf32, #tpu.memory_space<vmem>>) offsets(%dma_start3A_1141 : memref<128xi32, #tpu.memory_space<vmem>>) semaphore(%arg11 : memref<!tpu.dma_semaphore, #tpu.memory_space<semaphore_mem>>)
        %add3A_1145 = arith.constant 6 : i32
        %add3A_1146 = arith.addi %mul3A_1066, %add3A_1145 : i32
        %dma_start3A_1147 = arith.constant 6 : i32
        %dma_start3A_1148 = arith.constant 0 : i32
        %dma_start3A_1149 = arith.constant 0 : i32
        %dma_start3A_1150 = tpu.memref_slice %arg8[%dma_start3A_1147, %dma_start3A_1148, %dma_start3A_1149] : memref<10x128x8xf32, #tpu.memory_space<vmem>> -> memref<1x128x8xf32, #tpu.memory_space<vmem>>
        %dma_start3A_1151 = tpu.memref_squeeze %dma_start3A_1150 : memref<1x128x8xf32, #tpu.memory_space<vmem>> -> memref<128x8xf32, #tpu.memory_space<vmem>>
        %dma_start3A_1152 = arith.constant 0 : i32
        %dma_start3A_1153 = tpu.memref_slice %arg6[%add3A_1146, %dma_start3A_1152] : memref<80x128xi32, #tpu.memory_space<vmem>> -> memref<1x128xi32, #tpu.memory_space<vmem>>
        %dma_start3A_1154 = tpu.memref_squeeze %dma_start3A_1153 : memref<1x128xi32, #tpu.memory_space<vmem>> -> memref<128xi32, #tpu.memory_space<vmem>>
        %dma_start3A_1155 = arith.constant 0 : i32
        %dma_start3A_1156 = arith.constant 0 : i32
        %dma_start3A_1157 = tpu.memref_slice %arg3[%dma_start3A_1155, %dma_start3A_1156] : memref<10000x8xf32, #tpu.memory_space<hbm>> -> memref<10000x8xf32, #tpu.memory_space<hbm>>
        tpu.enqueue_indirect_dma source(%dma_start3A_1157 : memref<10000x8xf32, #tpu.memory_space<hbm>>) target(%dma_start3A_1151 : memref<128x8xf32, #tpu.memory_space<vmem>>) offsets(%dma_start3A_1154 : memref<128xi32, #tpu.memory_space<vmem>>) semaphore(%arg11 : memref<!tpu.dma_semaphore, #tpu.memory_space<semaphore_mem>>)
        %add3A_1158 = arith.constant 7 : i32
        %add3A_1159 = arith.addi %mul3A_1066, %add3A_1158 : i32
        %dma_start3A_1160 = arith.constant 7 : i32
        %dma_start3A_1161 = arith.constant 0 : i32
        %dma_start3A_1162 = arith.constant 0 : i32
        %dma_start3A_1163 = tpu.memref_slice %arg8[%dma_start3A_1160, %dma_start3A_1161, %dma_start3A_1162] : memref<10x128x8xf32, #tpu.memory_space<vmem>> -> memref<1x128x8xf32, #tpu.memory_space<vmem>>
        %dma_start3A_1164 = tpu.memref_squeeze %dma_start3A_1163 : memref<1x128x8xf32, #tpu.memory_space<vmem>> -> memref<128x8xf32, #tpu.memory_space<vmem>>
        %dma_start3A_1165 = arith.constant 0 : i32
        %dma_start3A_1166 = tpu.memref_slice %arg6[%add3A_1159, %dma_start3A_1165] : memref<80x128xi32, #tpu.memory_space<vmem>> -> memref<1x128xi32, #tpu.memory_space<vmem>>
        %dma_start3A_1167 = tpu.memref_squeeze %dma_start3A_1166 : memref<1x128xi32, #tpu.memory_space<vmem>> -> memref<128xi32, #tpu.memory_space<vmem>>
        %dma_start3A_1168 = arith.constant 0 : i32
        %dma_start3A_1169 = arith.constant 0 : i32
        %dma_start3A_1170 = tpu.memref_slice %arg3[%dma_start3A_1168, %dma_start3A_1169] : memref<10000x8xf32, #tpu.memory_space<hbm>> -> memref<10000x8xf32, #tpu.memory_space<hbm>>
        tpu.enqueue_indirect_dma source(%dma_start3A_1170 : memref<10000x8xf32, #tpu.memory_space<hbm>>) target(%dma_start3A_1164 : memref<128x8xf32, #tpu.memory_space<vmem>>) offsets(%dma_start3A_1167 : memref<128xi32, #tpu.memory_space<vmem>>) semaphore(%arg11 : memref<!tpu.dma_semaphore, #tpu.memory_space<semaphore_mem>>)
        %add3A_1171 = arith.constant 8 : i32
        %add3A_1172 = arith.addi %mul3A_1066, %add3A_1171 : i32
        %dma_start3A_1173 = arith.constant 8 : i32
        %dma_start3A_1174 = arith.constant 0 : i32
        %dma_start3A_1175 = arith.constant 0 : i32
        %dma_start3A_1176 = tpu.memref_slice %arg8[%dma_start3A_1173, %dma_start3A_1174, %dma_start3A_1175] : memref<10x128x8xf32, #tpu.memory_space<vmem>> -> memref<1x128x8xf32, #tpu.memory_space<vmem>>
        %dma_start3A_1177 = tpu.memref_squeeze %dma_start3A_1176 : memref<1x128x8xf32, #tpu.memory_space<vmem>> -> memref<128x8xf32, #tpu.memory_space<vmem>>
        %dma_start3A_1178 = arith.constant 0 : i32
        %dma_start3A_1179 = tpu.memref_slice %arg6[%add3A_1172, %dma_start3A_1178] : memref<80x128xi32, #tpu.memory_space<vmem>> -> memref<1x128xi32, #tpu.memory_space<vmem>>
        %dma_start3A_1180 = tpu.memref_squeeze %dma_start3A_1179 : memref<1x128xi32, #tpu.memory_space<vmem>> -> memref<128xi32, #tpu.memory_space<vmem>>
        %dma_start3A_1181 = arith.constant 0 : i32
        %dma_start3A_1182 = arith.constant 0 : i32
        %dma_start3A_1183 = tpu.memref_slice %arg3[%dma_start3A_1181, %dma_start3A_1182] : memref<10000x8xf32, #tpu.memory_space<hbm>> -> memref<10000x8xf32, #tpu.memory_space<hbm>>
        tpu.enqueue_indirect_dma source(%dma_start3A_1183 : memref<10000x8xf32, #tpu.memory_space<hbm>>) target(%dma_start3A_1177 : memref<128x8xf32, #tpu.memory_space<vmem>>) offsets(%dma_start3A_1180 : memref<128xi32, #tpu.memory_space<vmem>>) semaphore(%arg11 : memref<!tpu.dma_semaphore, #tpu.memory_space<semaphore_mem>>)
        %add3A_1184 = arith.constant 9 : i32
        %add3A_1185 = arith.addi %mul3A_1066, %add3A_1184 : i32
        %dma_start3A_1186 = arith.constant 9 : i32
        %dma_start3A_1187 = arith.constant 0 : i32
        %dma_start3A_1188 = arith.constant 0 : i32
        %dma_start3A_1189 = tpu.memref_slice %arg8[%dma_start3A_1186, %dma_start3A_1187, %dma_start3A_1188] : memref<10x128x8xf32, #tpu.memory_space<vmem>> -> memref<1x128x8xf32, #tpu.memory_space<vmem>>
        %dma_start3A_1190 = tpu.memref_squeeze %dma_start3A_1189 : memref<1x128x8xf32, #tpu.memory_space<vmem>> -> memref<128x8xf32, #tpu.memory_space<vmem>>
        %dma_start3A_1191 = arith.constant 0 : i32
        %dma_start3A_1192 = tpu.memref_slice %arg6[%add3A_1185, %dma_start3A_1191] : memref<80x128xi32, #tpu.memory_space<vmem>> -> memref<1x128xi32, #tpu.memory_space<vmem>>
        %dma_start3A_1193 = tpu.memref_squeeze %dma_start3A_1192 : memref<1x128xi32, #tpu.memory_space<vmem>> -> memref<128xi32, #tpu.memory_space<vmem>>
        %dma_start3A_1194 = arith.constant 0 : i32
        %dma_start3A_1195 = arith.constant 0 : i32
        %dma_start3A_1196 = tpu.memref_slice %arg3[%dma_start3A_1194, %dma_start3A_1195] : memref<10000x8xf32, #tpu.memory_space<hbm>> -> memref<10000x8xf32, #tpu.memory_space<hbm>>
        tpu.enqueue_indirect_dma source(%dma_start3A_1196 : memref<10000x8xf32, #tpu.memory_space<hbm>>) target(%dma_start3A_1190 : memref<128x8xf32, #tpu.memory_space<vmem>>) offsets(%dma_start3A_1193 : memref<128xi32, #tpu.memory_space<vmem>>) semaphore(%arg11 : memref<!tpu.dma_semaphore, #tpu.memory_space<semaphore_mem>>)
      } else {
      }
      %add3A_669 = arith.constant 1 : i32
      %add3A_670 = arith.addi %mul3A_139, %add3A_669 : i32
      %mul3A_671 = arith.constant 10 : i32
      %mul3A_672 = arith.muli %add3A_670, %mul3A_671 : i32
      %add3A_673 = arith.constant 0 : i32
      %add3A_674 = arith.addi %mul3A_672, %add3A_673 : i32
      %dma_wait3A_675 = arith.constant 0 : i32
      %dma_wait3A_676 = arith.constant 0 : i32
      %dma_wait3A_677 = arith.constant 0 : i32
      %dma_wait3A_678 = tpu.memref_slice %arg9[%dma_wait3A_675, %dma_wait3A_676, %dma_wait3A_677] : memref<10x128x8xf32, #tpu.memory_space<vmem>> -> memref<1x128x8xf32, #tpu.memory_space<vmem>>
      %dma_wait3A_679 = tpu.memref_squeeze %dma_wait3A_678 : memref<1x128x8xf32, #tpu.memory_space<vmem>> -> memref<128x8xf32, #tpu.memory_space<vmem>>
      %dma_wait3A_680 = arith.constant 0 : i32
      %dma_wait3A_681 = tpu.memref_slice %arg6[%add3A_674, %dma_wait3A_680] : memref<80x128xi32, #tpu.memory_space<vmem>> -> memref<1x128xi32, #tpu.memory_space<vmem>>
      %dma_wait3A_682 = tpu.memref_squeeze %dma_wait3A_681 : memref<1x128xi32, #tpu.memory_space<vmem>> -> memref<128xi32, #tpu.memory_space<vmem>>
      %dma_wait3A_683 = arith.constant 0 : i32
      %dma_wait3A_684 = arith.constant 0 : i32
      %dma_wait3A_685 = tpu.memref_slice %arg3[%dma_wait3A_683, %dma_wait3A_684] : memref<10000x8xf32, #tpu.memory_space<hbm>> -> memref<10000x8xf32, #tpu.memory_space<hbm>>
      tpu.wait_indirect_dma semaphore(%arg12 : memref<!tpu.dma_semaphore, #tpu.memory_space<semaphore_mem>>) src(%dma_wait3A_685 : memref<10000x8xf32, #tpu.memory_space<hbm>>) dst(%dma_wait3A_679 : memref<128x8xf32, #tpu.memory_space<vmem>>)
      %add3A_686 = arith.constant 0 : i32
      %add3A_687 = arith.addi %mul3A_672, %add3A_686 : i32
      %dma_start3A_688 = arith.constant 0 : i32
      %dma_start3A_689 = arith.constant 0 : i32
      %dma_start3A_690 = arith.constant 0 : i32
      %dma_start3A_691 = tpu.memref_slice %arg9[%dma_start3A_688, %dma_start3A_689, %dma_start3A_690] : memref<10x128x8xf32, #tpu.memory_space<vmem>> -> memref<1x128x8xf32, #tpu.memory_space<vmem>>
      %dma_start3A_692 = tpu.memref_squeeze %dma_start3A_691 : memref<1x128x8xf32, #tpu.memory_space<vmem>> -> memref<128x8xf32, #tpu.memory_space<vmem>>
      %dma_start3A_693 = arith.constant 0 : i32
      %dma_start3A_694 = tpu.memref_slice %arg7[%add3A_687, %dma_start3A_693] : memref<80x128xi32, #tpu.memory_space<vmem>> -> memref<1x128xi32, #tpu.memory_space<vmem>>
      %dma_start3A_695 = tpu.memref_squeeze %dma_start3A_694 : memref<1x128xi32, #tpu.memory_space<vmem>> -> memref<128xi32, #tpu.memory_space<vmem>>
      %dma_start3A_696 = arith.constant 0 : i32
      %dma_start3A_697 = arith.constant 0 : i32
      %dma_start3A_698 = tpu.memref_slice %arg10[%dma_start3A_696, %dma_start3A_697] : memref<10240x8xf32, #tpu.memory_space<vmem_shared>> -> memref<10240x8xf32, #tpu.memory_space<vmem_shared>>
      tpu.enqueue_indirect_dma source(%dma_start3A_692 : memref<128x8xf32, #tpu.memory_space<vmem>>) target(%dma_start3A_698 : memref<10240x8xf32, #tpu.memory_space<vmem_shared>>) offsets(%dma_start3A_695 : memref<128xi32, #tpu.memory_space<vmem>>) semaphore(%arg14 : memref<!tpu.dma_semaphore, #tpu.memory_space<semaphore_mem>>) {add = true}
      %add3A_699 = arith.constant 1 : i32
      %add3A_700 = arith.addi %mul3A_672, %add3A_699 : i32
      %dma_wait3A_701 = arith.constant 1 : i32
      %dma_wait3A_702 = arith.constant 0 : i32
      %dma_wait3A_703 = arith.constant 0 : i32
      %dma_wait3A_704 = tpu.memref_slice %arg9[%dma_wait3A_701, %dma_wait3A_702, %dma_wait3A_703] : memref<10x128x8xf32, #tpu.memory_space<vmem>> -> memref<1x128x8xf32, #tpu.memory_space<vmem>>
      %dma_wait3A_705 = tpu.memref_squeeze %dma_wait3A_704 : memref<1x128x8xf32, #tpu.memory_space<vmem>> -> memref<128x8xf32, #tpu.memory_space<vmem>>
      %dma_wait3A_706 = arith.constant 0 : i32
      %dma_wait3A_707 = tpu.memref_slice %arg6[%add3A_700, %dma_wait3A_706] : memref<80x128xi32, #tpu.memory_space<vmem>> -> memref<1x128xi32, #tpu.memory_space<vmem>>
      %dma_wait3A_708 = tpu.memref_squeeze %dma_wait3A_707 : memref<1x128xi32, #tpu.memory_space<vmem>> -> memref<128xi32, #tpu.memory_space<vmem>>
      %dma_wait3A_709 = arith.constant 0 : i32
      %dma_wait3A_710 = arith.constant 0 : i32
      %dma_wait3A_711 = tpu.memref_slice %arg3[%dma_wait3A_709, %dma_wait3A_710] : memref<10000x8xf32, #tpu.memory_space<hbm>> -> memref<10000x8xf32, #tpu.memory_space<hbm>>
      tpu.wait_indirect_dma semaphore(%arg12 : memref<!tpu.dma_semaphore, #tpu.memory_space<semaphore_mem>>) src(%dma_wait3A_711 : memref<10000x8xf32, #tpu.memory_space<hbm>>) dst(%dma_wait3A_705 : memref<128x8xf32, #tpu.memory_space<vmem>>)
      %add3A_712 = arith.constant 1 : i32
      %add3A_713 = arith.addi %mul3A_672, %add3A_712 : i32
      %dma_start3A_714 = arith.constant 1 : i32
      %dma_start3A_715 = arith.constant 0 : i32
      %dma_start3A_716 = arith.constant 0 : i32
      %dma_start3A_717 = tpu.memref_slice %arg9[%dma_start3A_714, %dma_start3A_715, %dma_start3A_716] : memref<10x128x8xf32, #tpu.memory_space<vmem>> -> memref<1x128x8xf32, #tpu.memory_space<vmem>>
      %dma_start3A_718 = tpu.memref_squeeze %dma_start3A_717 : memref<1x128x8xf32, #tpu.memory_space<vmem>> -> memref<128x8xf32, #tpu.memory_space<vmem>>
      %dma_start3A_719 = arith.constant 0 : i32
      %dma_start3A_720 = tpu.memref_slice %arg7[%add3A_713, %dma_start3A_719] : memref<80x128xi32, #tpu.memory_space<vmem>> -> memref<1x128xi32, #tpu.memory_space<vmem>>
      %dma_start3A_721 = tpu.memref_squeeze %dma_start3A_720 : memref<1x128xi32, #tpu.memory_space<vmem>> -> memref<128xi32, #tpu.memory_space<vmem>>
      %dma_start3A_722 = arith.constant 0 : i32
      %dma_start3A_723 = arith.constant 0 : i32
      %dma_start3A_724 = tpu.memref_slice %arg10[%dma_start3A_722, %dma_start3A_723] : memref<10240x8xf32, #tpu.memory_space<vmem_shared>> -> memref<10240x8xf32, #tpu.memory_space<vmem_shared>>
      tpu.enqueue_indirect_dma source(%dma_start3A_718 : memref<128x8xf32, #tpu.memory_space<vmem>>) target(%dma_start3A_724 : memref<10240x8xf32, #tpu.memory_space<vmem_shared>>) offsets(%dma_start3A_721 : memref<128xi32, #tpu.memory_space<vmem>>) semaphore(%arg14 : memref<!tpu.dma_semaphore, #tpu.memory_space<semaphore_mem>>) {add = true}
      %add3A_725 = arith.constant 2 : i32
      %add3A_726 = arith.addi %mul3A_672, %add3A_725 : i32
      %dma_wait3A_727 = arith.constant 2 : i32
      %dma_wait3A_728 = arith.constant 0 : i32
      %dma_wait3A_729 = arith.constant 0 : i32
      %dma_wait3A_730 = tpu.memref_slice %arg9[%dma_wait3A_727, %dma_wait3A_728, %dma_wait3A_729] : memref<10x128x8xf32, #tpu.memory_space<vmem>> -> memref<1x128x8xf32, #tpu.memory_space<vmem>>
      %dma_wait3A_731 = tpu.memref_squeeze %dma_wait3A_730 : memref<1x128x8xf32, #tpu.memory_space<vmem>> -> memref<128x8xf32, #tpu.memory_space<vmem>>
      %dma_wait3A_732 = arith.constant 0 : i32
      %dma_wait3A_733 = tpu.memref_slice %arg6[%add3A_726, %dma_wait3A_732] : memref<80x128xi32, #tpu.memory_space<vmem>> -> memref<1x128xi32, #tpu.memory_space<vmem>>
      %dma_wait3A_734 = tpu.memref_squeeze %dma_wait3A_733 : memref<1x128xi32, #tpu.memory_space<vmem>> -> memref<128xi32, #tpu.memory_space<vmem>>
      %dma_wait3A_735 = arith.constant 0 : i32
      %dma_wait3A_736 = arith.constant 0 : i32
      %dma_wait3A_737 = tpu.memref_slice %arg3[%dma_wait3A_735, %dma_wait3A_736] : memref<10000x8xf32, #tpu.memory_space<hbm>> -> memref<10000x8xf32, #tpu.memory_space<hbm>>
      tpu.wait_indirect_dma semaphore(%arg12 : memref<!tpu.dma_semaphore, #tpu.memory_space<semaphore_mem>>) src(%dma_wait3A_737 : memref<10000x8xf32, #tpu.memory_space<hbm>>) dst(%dma_wait3A_731 : memref<128x8xf32, #tpu.memory_space<vmem>>)
      %add3A_738 = arith.constant 2 : i32
      %add3A_739 = arith.addi %mul3A_672, %add3A_738 : i32
      %dma_start3A_740 = arith.constant 2 : i32
      %dma_start3A_741 = arith.constant 0 : i32
      %dma_start3A_742 = arith.constant 0 : i32
      %dma_start3A_743 = tpu.memref_slice %arg9[%dma_start3A_740, %dma_start3A_741, %dma_start3A_742] : memref<10x128x8xf32, #tpu.memory_space<vmem>> -> memref<1x128x8xf32, #tpu.memory_space<vmem>>
      %dma_start3A_744 = tpu.memref_squeeze %dma_start3A_743 : memref<1x128x8xf32, #tpu.memory_space<vmem>> -> memref<128x8xf32, #tpu.memory_space<vmem>>
      %dma_start3A_745 = arith.constant 0 : i32
      %dma_start3A_746 = tpu.memref_slice %arg7[%add3A_739, %dma_start3A_745] : memref<80x128xi32, #tpu.memory_space<vmem>> -> memref<1x128xi32, #tpu.memory_space<vmem>>
      %dma_start3A_747 = tpu.memref_squeeze %dma_start3A_746 : memref<1x128xi32, #tpu.memory_space<vmem>> -> memref<128xi32, #tpu.memory_space<vmem>>
      %dma_start3A_748 = arith.constant 0 : i32
      %dma_start3A_749 = arith.constant 0 : i32
      %dma_start3A_750 = tpu.memref_slice %arg10[%dma_start3A_748, %dma_start3A_749] : memref<10240x8xf32, #tpu.memory_space<vmem_shared>> -> memref<10240x8xf32, #tpu.memory_space<vmem_shared>>
      tpu.enqueue_indirect_dma source(%dma_start3A_744 : memref<128x8xf32, #tpu.memory_space<vmem>>) target(%dma_start3A_750 : memref<10240x8xf32, #tpu.memory_space<vmem_shared>>) offsets(%dma_start3A_747 : memref<128xi32, #tpu.memory_space<vmem>>) semaphore(%arg14 : memref<!tpu.dma_semaphore, #tpu.memory_space<semaphore_mem>>) {add = true}
      %add3A_751 = arith.constant 3 : i32
      %add3A_752 = arith.addi %mul3A_672, %add3A_751 : i32
      %dma_wait3A_753 = arith.constant 3 : i32
      %dma_wait3A_754 = arith.constant 0 : i32
      %dma_wait3A_755 = arith.constant 0 : i32
      %dma_wait3A_756 = tpu.memref_slice %arg9[%dma_wait3A_753, %dma_wait3A_754, %dma_wait3A_755] : memref<10x128x8xf32, #tpu.memory_space<vmem>> -> memref<1x128x8xf32, #tpu.memory_space<vmem>>
      %dma_wait3A_757 = tpu.memref_squeeze %dma_wait3A_756 : memref<1x128x8xf32, #tpu.memory_space<vmem>> -> memref<128x8xf32, #tpu.memory_space<vmem>>
      %dma_wait3A_758 = arith.constant 0 : i32
      %dma_wait3A_759 = tpu.memref_slice %arg6[%add3A_752, %dma_wait3A_758] : memref<80x128xi32, #tpu.memory_space<vmem>> -> memref<1x128xi32, #tpu.memory_space<vmem>>
      %dma_wait3A_760 = tpu.memref_squeeze %dma_wait3A_759 : memref<1x128xi32, #tpu.memory_space<vmem>> -> memref<128xi32, #tpu.memory_space<vmem>>
      %dma_wait3A_761 = arith.constant 0 : i32
      %dma_wait3A_762 = arith.constant 0 : i32
      %dma_wait3A_763 = tpu.memref_slice %arg3[%dma_wait3A_761, %dma_wait3A_762] : memref<10000x8xf32, #tpu.memory_space<hbm>> -> memref<10000x8xf32, #tpu.memory_space<hbm>>
      tpu.wait_indirect_dma semaphore(%arg12 : memref<!tpu.dma_semaphore, #tpu.memory_space<semaphore_mem>>) src(%dma_wait3A_763 : memref<10000x8xf32, #tpu.memory_space<hbm>>) dst(%dma_wait3A_757 : memref<128x8xf32, #tpu.memory_space<vmem>>)
      %add3A_764 = arith.constant 3 : i32
      %add3A_765 = arith.addi %mul3A_672, %add3A_764 : i32
      %dma_start3A_766 = arith.constant 3 : i32
      %dma_start3A_767 = arith.constant 0 : i32
      %dma_start3A_768 = arith.constant 0 : i32
      %dma_start3A_769 = tpu.memref_slice %arg9[%dma_start3A_766, %dma_start3A_767, %dma_start3A_768] : memref<10x128x8xf32, #tpu.memory_space<vmem>> -> memref<1x128x8xf32, #tpu.memory_space<vmem>>
      %dma_start3A_770 = tpu.memref_squeeze %dma_start3A_769 : memref<1x128x8xf32, #tpu.memory_space<vmem>> -> memref<128x8xf32, #tpu.memory_space<vmem>>
      %dma_start3A_771 = arith.constant 0 : i32
      %dma_start3A_772 = tpu.memref_slice %arg7[%add3A_765, %dma_start3A_771] : memref<80x128xi32, #tpu.memory_space<vmem>> -> memref<1x128xi32, #tpu.memory_space<vmem>>
      %dma_start3A_773 = tpu.memref_squeeze %dma_start3A_772 : memref<1x128xi32, #tpu.memory_space<vmem>> -> memref<128xi32, #tpu.memory_space<vmem>>
      %dma_start3A_774 = arith.constant 0 : i32
      %dma_start3A_775 = arith.constant 0 : i32
      %dma_start3A_776 = tpu.memref_slice %arg10[%dma_start3A_774, %dma_start3A_775] : memref<10240x8xf32, #tpu.memory_space<vmem_shared>> -> memref<10240x8xf32, #tpu.memory_space<vmem_shared>>
      tpu.enqueue_indirect_dma source(%dma_start3A_770 : memref<128x8xf32, #tpu.memory_space<vmem>>) target(%dma_start3A_776 : memref<10240x8xf32, #tpu.memory_space<vmem_shared>>) offsets(%dma_start3A_773 : memref<128xi32, #tpu.memory_space<vmem>>) semaphore(%arg14 : memref<!tpu.dma_semaphore, #tpu.memory_space<semaphore_mem>>) {add = true}
      %add3A_777 = arith.constant 4 : i32
      %add3A_778 = arith.addi %mul3A_672, %add3A_777 : i32
      %dma_wait3A_779 = arith.constant 4 : i32
      %dma_wait3A_780 = arith.constant 0 : i32
      %dma_wait3A_781 = arith.constant 0 : i32
      %dma_wait3A_782 = tpu.memref_slice %arg9[%dma_wait3A_779, %dma_wait3A_780, %dma_wait3A_781] : memref<10x128x8xf32, #tpu.memory_space<vmem>> -> memref<1x128x8xf32, #tpu.memory_space<vmem>>
      %dma_wait3A_783 = tpu.memref_squeeze %dma_wait3A_782 : memref<1x128x8xf32, #tpu.memory_space<vmem>> -> memref<128x8xf32, #tpu.memory_space<vmem>>
      %dma_wait3A_784 = arith.constant 0 : i32
      %dma_wait3A_785 = tpu.memref_slice %arg6[%add3A_778, %dma_wait3A_784] : memref<80x128xi32, #tpu.memory_space<vmem>> -> memref<1x128xi32, #tpu.memory_space<vmem>>
      %dma_wait3A_786 = tpu.memref_squeeze %dma_wait3A_785 : memref<1x128xi32, #tpu.memory_space<vmem>> -> memref<128xi32, #tpu.memory_space<vmem>>
      %dma_wait3A_787 = arith.constant 0 : i32
      %dma_wait3A_788 = arith.constant 0 : i32
      %dma_wait3A_789 = tpu.memref_slice %arg3[%dma_wait3A_787, %dma_wait3A_788] : memref<10000x8xf32, #tpu.memory_space<hbm>> -> memref<10000x8xf32, #tpu.memory_space<hbm>>
      tpu.wait_indirect_dma semaphore(%arg12 : memref<!tpu.dma_semaphore, #tpu.memory_space<semaphore_mem>>) src(%dma_wait3A_789 : memref<10000x8xf32, #tpu.memory_space<hbm>>) dst(%dma_wait3A_783 : memref<128x8xf32, #tpu.memory_space<vmem>>)
      %add3A_790 = arith.constant 4 : i32
      %add3A_791 = arith.addi %mul3A_672, %add3A_790 : i32
      %dma_start3A_792 = arith.constant 4 : i32
      %dma_start3A_793 = arith.constant 0 : i32
      %dma_start3A_794 = arith.constant 0 : i32
      %dma_start3A_795 = tpu.memref_slice %arg9[%dma_start3A_792, %dma_start3A_793, %dma_start3A_794] : memref<10x128x8xf32, #tpu.memory_space<vmem>> -> memref<1x128x8xf32, #tpu.memory_space<vmem>>
      %dma_start3A_796 = tpu.memref_squeeze %dma_start3A_795 : memref<1x128x8xf32, #tpu.memory_space<vmem>> -> memref<128x8xf32, #tpu.memory_space<vmem>>
      %dma_start3A_797 = arith.constant 0 : i32
      %dma_start3A_798 = tpu.memref_slice %arg7[%add3A_791, %dma_start3A_797] : memref<80x128xi32, #tpu.memory_space<vmem>> -> memref<1x128xi32, #tpu.memory_space<vmem>>
      %dma_start3A_799 = tpu.memref_squeeze %dma_start3A_798 : memref<1x128xi32, #tpu.memory_space<vmem>> -> memref<128xi32, #tpu.memory_space<vmem>>
      %dma_start3A_800 = arith.constant 0 : i32
      %dma_start3A_801 = arith.constant 0 : i32
      %dma_start3A_802 = tpu.memref_slice %arg10[%dma_start3A_800, %dma_start3A_801] : memref<10240x8xf32, #tpu.memory_space<vmem_shared>> -> memref<10240x8xf32, #tpu.memory_space<vmem_shared>>
      tpu.enqueue_indirect_dma source(%dma_start3A_796 : memref<128x8xf32, #tpu.memory_space<vmem>>) target(%dma_start3A_802 : memref<10240x8xf32, #tpu.memory_space<vmem_shared>>) offsets(%dma_start3A_799 : memref<128xi32, #tpu.memory_space<vmem>>) semaphore(%arg14 : memref<!tpu.dma_semaphore, #tpu.memory_space<semaphore_mem>>) {add = true}
      %add3A_803 = arith.constant 5 : i32
      %add3A_804 = arith.addi %mul3A_672, %add3A_803 : i32
      %dma_wait3A_805 = arith.constant 5 : i32
      %dma_wait3A_806 = arith.constant 0 : i32
      %dma_wait3A_807 = arith.constant 0 : i32
      %dma_wait3A_808 = tpu.memref_slice %arg9[%dma_wait3A_805, %dma_wait3A_806, %dma_wait3A_807] : memref<10x128x8xf32, #tpu.memory_space<vmem>> -> memref<1x128x8xf32, #tpu.memory_space<vmem>>
      %dma_wait3A_809 = tpu.memref_squeeze %dma_wait3A_808 : memref<1x128x8xf32, #tpu.memory_space<vmem>> -> memref<128x8xf32, #tpu.memory_space<vmem>>
      %dma_wait3A_810 = arith.constant 0 : i32
      %dma_wait3A_811 = tpu.memref_slice %arg6[%add3A_804, %dma_wait3A_810] : memref<80x128xi32, #tpu.memory_space<vmem>> -> memref<1x128xi32, #tpu.memory_space<vmem>>
      %dma_wait3A_812 = tpu.memref_squeeze %dma_wait3A_811 : memref<1x128xi32, #tpu.memory_space<vmem>> -> memref<128xi32, #tpu.memory_space<vmem>>
      %dma_wait3A_813 = arith.constant 0 : i32
      %dma_wait3A_814 = arith.constant 0 : i32
      %dma_wait3A_815 = tpu.memref_slice %arg3[%dma_wait3A_813, %dma_wait3A_814] : memref<10000x8xf32, #tpu.memory_space<hbm>> -> memref<10000x8xf32, #tpu.memory_space<hbm>>
      tpu.wait_indirect_dma semaphore(%arg12 : memref<!tpu.dma_semaphore, #tpu.memory_space<semaphore_mem>>) src(%dma_wait3A_815 : memref<10000x8xf32, #tpu.memory_space<hbm>>) dst(%dma_wait3A_809 : memref<128x8xf32, #tpu.memory_space<vmem>>)
      %add3A_816 = arith.constant 5 : i32
      %add3A_817 = arith.addi %mul3A_672, %add3A_816 : i32
      %dma_start3A_818 = arith.constant 5 : i32
      %dma_start3A_819 = arith.constant 0 : i32
      %dma_start3A_820 = arith.constant 0 : i32
      %dma_start3A_821 = tpu.memref_slice %arg9[%dma_start3A_818, %dma_start3A_819, %dma_start3A_820] : memref<10x128x8xf32, #tpu.memory_space<vmem>> -> memref<1x128x8xf32, #tpu.memory_space<vmem>>
      %dma_start3A_822 = tpu.memref_squeeze %dma_start3A_821 : memref<1x128x8xf32, #tpu.memory_space<vmem>> -> memref<128x8xf32, #tpu.memory_space<vmem>>
      %dma_start3A_823 = arith.constant 0 : i32
      %dma_start3A_824 = tpu.memref_slice %arg7[%add3A_817, %dma_start3A_823] : memref<80x128xi32, #tpu.memory_space<vmem>> -> memref<1x128xi32, #tpu.memory_space<vmem>>
      %dma_start3A_825 = tpu.memref_squeeze %dma_start3A_824 : memref<1x128xi32, #tpu.memory_space<vmem>> -> memref<128xi32, #tpu.memory_space<vmem>>
      %dma_start3A_826 = arith.constant 0 : i32
      %dma_start3A_827 = arith.constant 0 : i32
      %dma_start3A_828 = tpu.memref_slice %arg10[%dma_start3A_826, %dma_start3A_827] : memref<10240x8xf32, #tpu.memory_space<vmem_shared>> -> memref<10240x8xf32, #tpu.memory_space<vmem_shared>>
      tpu.enqueue_indirect_dma source(%dma_start3A_822 : memref<128x8xf32, #tpu.memory_space<vmem>>) target(%dma_start3A_828 : memref<10240x8xf32, #tpu.memory_space<vmem_shared>>) offsets(%dma_start3A_825 : memref<128xi32, #tpu.memory_space<vmem>>) semaphore(%arg14 : memref<!tpu.dma_semaphore, #tpu.memory_space<semaphore_mem>>) {add = true}
      %add3A_829 = arith.constant 6 : i32
      %add3A_830 = arith.addi %mul3A_672, %add3A_829 : i32
      %dma_wait3A_831 = arith.constant 6 : i32
      %dma_wait3A_832 = arith.constant 0 : i32
      %dma_wait3A_833 = arith.constant 0 : i32
      %dma_wait3A_834 = tpu.memref_slice %arg9[%dma_wait3A_831, %dma_wait3A_832, %dma_wait3A_833] : memref<10x128x8xf32, #tpu.memory_space<vmem>> -> memref<1x128x8xf32, #tpu.memory_space<vmem>>
      %dma_wait3A_835 = tpu.memref_squeeze %dma_wait3A_834 : memref<1x128x8xf32, #tpu.memory_space<vmem>> -> memref<128x8xf32, #tpu.memory_space<vmem>>
      %dma_wait3A_836 = arith.constant 0 : i32
      %dma_wait3A_837 = tpu.memref_slice %arg6[%add3A_830, %dma_wait3A_836] : memref<80x128xi32, #tpu.memory_space<vmem>> -> memref<1x128xi32, #tpu.memory_space<vmem>>
      %dma_wait3A_838 = tpu.memref_squeeze %dma_wait3A_837 : memref<1x128xi32, #tpu.memory_space<vmem>> -> memref<128xi32, #tpu.memory_space<vmem>>
      %dma_wait3A_839 = arith.constant 0 : i32
      %dma_wait3A_840 = arith.constant 0 : i32
      %dma_wait3A_841 = tpu.memref_slice %arg3[%dma_wait3A_839, %dma_wait3A_840] : memref<10000x8xf32, #tpu.memory_space<hbm>> -> memref<10000x8xf32, #tpu.memory_space<hbm>>
      tpu.wait_indirect_dma semaphore(%arg12 : memref<!tpu.dma_semaphore, #tpu.memory_space<semaphore_mem>>) src(%dma_wait3A_841 : memref<10000x8xf32, #tpu.memory_space<hbm>>) dst(%dma_wait3A_835 : memref<128x8xf32, #tpu.memory_space<vmem>>)
      %add3A_842 = arith.constant 6 : i32
      %add3A_843 = arith.addi %mul3A_672, %add3A_842 : i32
      %dma_start3A_844 = arith.constant 6 : i32
      %dma_start3A_845 = arith.constant 0 : i32
      %dma_start3A_846 = arith.constant 0 : i32
      %dma_start3A_847 = tpu.memref_slice %arg9[%dma_start3A_844, %dma_start3A_845, %dma_start3A_846] : memref<10x128x8xf32, #tpu.memory_space<vmem>> -> memref<1x128x8xf32, #tpu.memory_space<vmem>>
      %dma_start3A_848 = tpu.memref_squeeze %dma_start3A_847 : memref<1x128x8xf32, #tpu.memory_space<vmem>> -> memref<128x8xf32, #tpu.memory_space<vmem>>
      %dma_start3A_849 = arith.constant 0 : i32
      %dma_start3A_850 = tpu.memref_slice %arg7[%add3A_843, %dma_start3A_849] : memref<80x128xi32, #tpu.memory_space<vmem>> -> memref<1x128xi32, #tpu.memory_space<vmem>>
      %dma_start3A_851 = tpu.memref_squeeze %dma_start3A_850 : memref<1x128xi32, #tpu.memory_space<vmem>> -> memref<128xi32, #tpu.memory_space<vmem>>
      %dma_start3A_852 = arith.constant 0 : i32
      %dma_start3A_853 = arith.constant 0 : i32
      %dma_start3A_854 = tpu.memref_slice %arg10[%dma_start3A_852, %dma_start3A_853] : memref<10240x8xf32, #tpu.memory_space<vmem_shared>> -> memref<10240x8xf32, #tpu.memory_space<vmem_shared>>
      tpu.enqueue_indirect_dma source(%dma_start3A_848 : memref<128x8xf32, #tpu.memory_space<vmem>>) target(%dma_start3A_854 : memref<10240x8xf32, #tpu.memory_space<vmem_shared>>) offsets(%dma_start3A_851 : memref<128xi32, #tpu.memory_space<vmem>>) semaphore(%arg14 : memref<!tpu.dma_semaphore, #tpu.memory_space<semaphore_mem>>) {add = true}
      %add3A_855 = arith.constant 7 : i32
      %add3A_856 = arith.addi %mul3A_672, %add3A_855 : i32
      %dma_wait3A_857 = arith.constant 7 : i32
      %dma_wait3A_858 = arith.constant 0 : i32
      %dma_wait3A_859 = arith.constant 0 : i32
      %dma_wait3A_860 = tpu.memref_slice %arg9[%dma_wait3A_857, %dma_wait3A_858, %dma_wait3A_859] : memref<10x128x8xf32, #tpu.memory_space<vmem>> -> memref<1x128x8xf32, #tpu.memory_space<vmem>>
      %dma_wait3A_861 = tpu.memref_squeeze %dma_wait3A_860 : memref<1x128x8xf32, #tpu.memory_space<vmem>> -> memref<128x8xf32, #tpu.memory_space<vmem>>
      %dma_wait3A_862 = arith.constant 0 : i32
      %dma_wait3A_863 = tpu.memref_slice %arg6[%add3A_856, %dma_wait3A_862] : memref<80x128xi32, #tpu.memory_space<vmem>> -> memref<1x128xi32, #tpu.memory_space<vmem>>
      %dma_wait3A_864 = tpu.memref_squeeze %dma_wait3A_863 : memref<1x128xi32, #tpu.memory_space<vmem>> -> memref<128xi32, #tpu.memory_space<vmem>>
      %dma_wait3A_865 = arith.constant 0 : i32
      %dma_wait3A_866 = arith.constant 0 : i32
      %dma_wait3A_867 = tpu.memref_slice %arg3[%dma_wait3A_865, %dma_wait3A_866] : memref<10000x8xf32, #tpu.memory_space<hbm>> -> memref<10000x8xf32, #tpu.memory_space<hbm>>
      tpu.wait_indirect_dma semaphore(%arg12 : memref<!tpu.dma_semaphore, #tpu.memory_space<semaphore_mem>>) src(%dma_wait3A_867 : memref<10000x8xf32, #tpu.memory_space<hbm>>) dst(%dma_wait3A_861 : memref<128x8xf32, #tpu.memory_space<vmem>>)
      %add3A_868 = arith.constant 7 : i32
      %add3A_869 = arith.addi %mul3A_672, %add3A_868 : i32
      %dma_start3A_870 = arith.constant 7 : i32
      %dma_start3A_871 = arith.constant 0 : i32
      %dma_start3A_872 = arith.constant 0 : i32
      %dma_start3A_873 = tpu.memref_slice %arg9[%dma_start3A_870, %dma_start3A_871, %dma_start3A_872] : memref<10x128x8xf32, #tpu.memory_space<vmem>> -> memref<1x128x8xf32, #tpu.memory_space<vmem>>
      %dma_start3A_874 = tpu.memref_squeeze %dma_start3A_873 : memref<1x128x8xf32, #tpu.memory_space<vmem>> -> memref<128x8xf32, #tpu.memory_space<vmem>>
      %dma_start3A_875 = arith.constant 0 : i32
      %dma_start3A_876 = tpu.memref_slice %arg7[%add3A_869, %dma_start3A_875] : memref<80x128xi32, #tpu.memory_space<vmem>> -> memref<1x128xi32, #tpu.memory_space<vmem>>
      %dma_start3A_877 = tpu.memref_squeeze %dma_start3A_876 : memref<1x128xi32, #tpu.memory_space<vmem>> -> memref<128xi32, #tpu.memory_space<vmem>>
      %dma_start3A_878 = arith.constant 0 : i32
      %dma_start3A_879 = arith.constant 0 : i32
      %dma_start3A_880 = tpu.memref_slice %arg10[%dma_start3A_878, %dma_start3A_879] : memref<10240x8xf32, #tpu.memory_space<vmem_shared>> -> memref<10240x8xf32, #tpu.memory_space<vmem_shared>>
      tpu.enqueue_indirect_dma source(%dma_start3A_874 : memref<128x8xf32, #tpu.memory_space<vmem>>) target(%dma_start3A_880 : memref<10240x8xf32, #tpu.memory_space<vmem_shared>>) offsets(%dma_start3A_877 : memref<128xi32, #tpu.memory_space<vmem>>) semaphore(%arg14 : memref<!tpu.dma_semaphore, #tpu.memory_space<semaphore_mem>>) {add = true}
      %add3A_881 = arith.constant 8 : i32
      %add3A_882 = arith.addi %mul3A_672, %add3A_881 : i32
      %dma_wait3A_883 = arith.constant 8 : i32
      %dma_wait3A_884 = arith.constant 0 : i32
      %dma_wait3A_885 = arith.constant 0 : i32
      %dma_wait3A_886 = tpu.memref_slice %arg9[%dma_wait3A_883, %dma_wait3A_884, %dma_wait3A_885] : memref<10x128x8xf32, #tpu.memory_space<vmem>> -> memref<1x128x8xf32, #tpu.memory_space<vmem>>
      %dma_wait3A_887 = tpu.memref_squeeze %dma_wait3A_886 : memref<1x128x8xf32, #tpu.memory_space<vmem>> -> memref<128x8xf32, #tpu.memory_space<vmem>>
      %dma_wait3A_888 = arith.constant 0 : i32
      %dma_wait3A_889 = tpu.memref_slice %arg6[%add3A_882, %dma_wait3A_888] : memref<80x128xi32, #tpu.memory_space<vmem>> -> memref<1x128xi32, #tpu.memory_space<vmem>>
      %dma_wait3A_890 = tpu.memref_squeeze %dma_wait3A_889 : memref<1x128xi32, #tpu.memory_space<vmem>> -> memref<128xi32, #tpu.memory_space<vmem>>
      %dma_wait3A_891 = arith.constant 0 : i32
      %dma_wait3A_892 = arith.constant 0 : i32
      %dma_wait3A_893 = tpu.memref_slice %arg3[%dma_wait3A_891, %dma_wait3A_892] : memref<10000x8xf32, #tpu.memory_space<hbm>> -> memref<10000x8xf32, #tpu.memory_space<hbm>>
      tpu.wait_indirect_dma semaphore(%arg12 : memref<!tpu.dma_semaphore, #tpu.memory_space<semaphore_mem>>) src(%dma_wait3A_893 : memref<10000x8xf32, #tpu.memory_space<hbm>>) dst(%dma_wait3A_887 : memref<128x8xf32, #tpu.memory_space<vmem>>)
      %add3A_894 = arith.constant 8 : i32
      %add3A_895 = arith.addi %mul3A_672, %add3A_894 : i32
      %dma_start3A_896 = arith.constant 8 : i32
      %dma_start3A_897 = arith.constant 0 : i32
      %dma_start3A_898 = arith.constant 0 : i32
      %dma_start3A_899 = tpu.memref_slice %arg9[%dma_start3A_896, %dma_start3A_897, %dma_start3A_898] : memref<10x128x8xf32, #tpu.memory_space<vmem>> -> memref<1x128x8xf32, #tpu.memory_space<vmem>>
      %dma_start3A_900 = tpu.memref_squeeze %dma_start3A_899 : memref<1x128x8xf32, #tpu.memory_space<vmem>> -> memref<128x8xf32, #tpu.memory_space<vmem>>
      %dma_start3A_901 = arith.constant 0 : i32
      %dma_start3A_902 = tpu.memref_slice %arg7[%add3A_895, %dma_start3A_901] : memref<80x128xi32, #tpu.memory_space<vmem>> -> memref<1x128xi32, #tpu.memory_space<vmem>>
      %dma_start3A_903 = tpu.memref_squeeze %dma_start3A_902 : memref<1x128xi32, #tpu.memory_space<vmem>> -> memref<128xi32, #tpu.memory_space<vmem>>
      %dma_start3A_904 = arith.constant 0 : i32
      %dma_start3A_905 = arith.constant 0 : i32
      %dma_start3A_906 = tpu.memref_slice %arg10[%dma_start3A_904, %dma_start3A_905] : memref<10240x8xf32, #tpu.memory_space<vmem_shared>> -> memref<10240x8xf32, #tpu.memory_space<vmem_shared>>
      tpu.enqueue_indirect_dma source(%dma_start3A_900 : memref<128x8xf32, #tpu.memory_space<vmem>>) target(%dma_start3A_906 : memref<10240x8xf32, #tpu.memory_space<vmem_shared>>) offsets(%dma_start3A_903 : memref<128xi32, #tpu.memory_space<vmem>>) semaphore(%arg14 : memref<!tpu.dma_semaphore, #tpu.memory_space<semaphore_mem>>) {add = true}
      %add3A_907 = arith.constant 9 : i32
      %add3A_908 = arith.addi %mul3A_672, %add3A_907 : i32
      %dma_wait3A_909 = arith.constant 9 : i32
      %dma_wait3A_910 = arith.constant 0 : i32
      %dma_wait3A_911 = arith.constant 0 : i32
      %dma_wait3A_912 = tpu.memref_slice %arg9[%dma_wait3A_909, %dma_wait3A_910, %dma_wait3A_911] : memref<10x128x8xf32, #tpu.memory_space<vmem>> -> memref<1x128x8xf32, #tpu.memory_space<vmem>>
      %dma_wait3A_913 = tpu.memref_squeeze %dma_wait3A_912 : memref<1x128x8xf32, #tpu.memory_space<vmem>> -> memref<128x8xf32, #tpu.memory_space<vmem>>
      %dma_wait3A_914 = arith.constant 0 : i32
      %dma_wait3A_915 = tpu.memref_slice %arg6[%add3A_908, %dma_wait3A_914] : memref<80x128xi32, #tpu.memory_space<vmem>> -> memref<1x128xi32, #tpu.memory_space<vmem>>
      %dma_wait3A_916 = tpu.memref_squeeze %dma_wait3A_915 : memref<1x128xi32, #tpu.memory_space<vmem>> -> memref<128xi32, #tpu.memory_space<vmem>>
      %dma_wait3A_917 = arith.constant 0 : i32
      %dma_wait3A_918 = arith.constant 0 : i32
      %dma_wait3A_919 = tpu.memref_slice %arg3[%dma_wait3A_917, %dma_wait3A_918] : memref<10000x8xf32, #tpu.memory_space<hbm>> -> memref<10000x8xf32, #tpu.memory_space<hbm>>
      tpu.wait_indirect_dma semaphore(%arg12 : memref<!tpu.dma_semaphore, #tpu.memory_space<semaphore_mem>>) src(%dma_wait3A_919 : memref<10000x8xf32, #tpu.memory_space<hbm>>) dst(%dma_wait3A_913 : memref<128x8xf32, #tpu.memory_space<vmem>>)
      %add3A_920 = arith.constant 9 : i32
      %add3A_921 = arith.addi %mul3A_672, %add3A_920 : i32
      %dma_start3A_922 = arith.constant 9 : i32
      %dma_start3A_923 = arith.constant 0 : i32
      %dma_start3A_924 = arith.constant 0 : i32
      %dma_start3A_925 = tpu.memref_slice %arg9[%dma_start3A_922, %dma_start3A_923, %dma_start3A_924] : memref<10x128x8xf32, #tpu.memory_space<vmem>> -> memref<1x128x8xf32, #tpu.memory_space<vmem>>
      %dma_start3A_926 = tpu.memref_squeeze %dma_start3A_925 : memref<1x128x8xf32, #tpu.memory_space<vmem>> -> memref<128x8xf32, #tpu.memory_space<vmem>>
      %dma_start3A_927 = arith.constant 0 : i32
      %dma_start3A_928 = tpu.memref_slice %arg7[%add3A_921, %dma_start3A_927] : memref<80x128xi32, #tpu.memory_space<vmem>> -> memref<1x128xi32, #tpu.memory_space<vmem>>
      %dma_start3A_929 = tpu.memref_squeeze %dma_start3A_928 : memref<1x128xi32, #tpu.memory_space<vmem>> -> memref<128xi32, #tpu.memory_space<vmem>>
      %dma_start3A_930 = arith.constant 0 : i32
      %dma_start3A_931 = arith.constant 0 : i32
      %dma_start3A_932 = tpu.memref_slice %arg10[%dma_start3A_930, %dma_start3A_931] : memref<10240x8xf32, #tpu.memory_space<vmem_shared>> -> memref<10240x8xf32, #tpu.memory_space<vmem_shared>>
      tpu.enqueue_indirect_dma source(%dma_start3A_926 : memref<128x8xf32, #tpu.memory_space<vmem>>) target(%dma_start3A_932 : memref<10240x8xf32, #tpu.memory_space<vmem_shared>>) offsets(%dma_start3A_929 : memref<128xi32, #tpu.memory_space<vmem>>) semaphore(%arg14 : memref<!tpu.dma_semaphore, #tpu.memory_space<semaphore_mem>>) {add = true}
      %add3A_933 = arith.constant 0 : i32
      %add3A_934 = arith.addi %mul3A_672, %add3A_933 : i32
      %dma_wait3A_935 = arith.constant 0 : i32
      %dma_wait3A_936 = arith.constant 0 : i32
      %dma_wait3A_937 = arith.constant 0 : i32
      %dma_wait3A_938 = tpu.memref_slice %arg9[%dma_wait3A_935, %dma_wait3A_936, %dma_wait3A_937] : memref<10x128x8xf32, #tpu.memory_space<vmem>> -> memref<1x128x8xf32, #tpu.memory_space<vmem>>
      %dma_wait3A_939 = tpu.memref_squeeze %dma_wait3A_938 : memref<1x128x8xf32, #tpu.memory_space<vmem>> -> memref<128x8xf32, #tpu.memory_space<vmem>>
      %dma_wait3A_940 = arith.constant 0 : i32
      %dma_wait3A_941 = tpu.memref_slice %arg7[%add3A_934, %dma_wait3A_940] : memref<80x128xi32, #tpu.memory_space<vmem>> -> memref<1x128xi32, #tpu.memory_space<vmem>>
      %dma_wait3A_942 = tpu.memref_squeeze %dma_wait3A_941 : memref<1x128xi32, #tpu.memory_space<vmem>> -> memref<128xi32, #tpu.memory_space<vmem>>
      %dma_wait3A_943 = arith.constant 0 : i32
      %dma_wait3A_944 = arith.constant 0 : i32
      %dma_wait3A_945 = tpu.memref_slice %arg10[%dma_wait3A_943, %dma_wait3A_944] : memref<10240x8xf32, #tpu.memory_space<vmem_shared>> -> memref<10240x8xf32, #tpu.memory_space<vmem_shared>>
      tpu.wait_indirect_dma semaphore(%arg14 : memref<!tpu.dma_semaphore, #tpu.memory_space<semaphore_mem>>) src(%dma_wait3A_939 : memref<128x8xf32, #tpu.memory_space<vmem>>) dst(%dma_wait3A_945 : memref<10240x8xf32, #tpu.memory_space<vmem_shared>>)
      %add3A_946 = arith.constant 1 : i32
      %add3A_947 = arith.addi %mul3A_672, %add3A_946 : i32
      %dma_wait3A_948 = arith.constant 1 : i32
      %dma_wait3A_949 = arith.constant 0 : i32
      %dma_wait3A_950 = arith.constant 0 : i32
      %dma_wait3A_951 = tpu.memref_slice %arg9[%dma_wait3A_948, %dma_wait3A_949, %dma_wait3A_950] : memref<10x128x8xf32, #tpu.memory_space<vmem>> -> memref<1x128x8xf32, #tpu.memory_space<vmem>>
      %dma_wait3A_952 = tpu.memref_squeeze %dma_wait3A_951 : memref<1x128x8xf32, #tpu.memory_space<vmem>> -> memref<128x8xf32, #tpu.memory_space<vmem>>
      %dma_wait3A_953 = arith.constant 0 : i32
      %dma_wait3A_954 = tpu.memref_slice %arg7[%add3A_947, %dma_wait3A_953] : memref<80x128xi32, #tpu.memory_space<vmem>> -> memref<1x128xi32, #tpu.memory_space<vmem>>
      %dma_wait3A_955 = tpu.memref_squeeze %dma_wait3A_954 : memref<1x128xi32, #tpu.memory_space<vmem>> -> memref<128xi32, #tpu.memory_space<vmem>>
      %dma_wait3A_956 = arith.constant 0 : i32
      %dma_wait3A_957 = arith.constant 0 : i32
      %dma_wait3A_958 = tpu.memref_slice %arg10[%dma_wait3A_956, %dma_wait3A_957] : memref<10240x8xf32, #tpu.memory_space<vmem_shared>> -> memref<10240x8xf32, #tpu.memory_space<vmem_shared>>
      tpu.wait_indirect_dma semaphore(%arg14 : memref<!tpu.dma_semaphore, #tpu.memory_space<semaphore_mem>>) src(%dma_wait3A_952 : memref<128x8xf32, #tpu.memory_space<vmem>>) dst(%dma_wait3A_958 : memref<10240x8xf32, #tpu.memory_space<vmem_shared>>)
      %add3A_959 = arith.constant 2 : i32
      %add3A_960 = arith.addi %mul3A_672, %add3A_959 : i32
      %dma_wait3A_961 = arith.constant 2 : i32
      %dma_wait3A_962 = arith.constant 0 : i32
      %dma_wait3A_963 = arith.constant 0 : i32
      %dma_wait3A_964 = tpu.memref_slice %arg9[%dma_wait3A_961, %dma_wait3A_962, %dma_wait3A_963] : memref<10x128x8xf32, #tpu.memory_space<vmem>> -> memref<1x128x8xf32, #tpu.memory_space<vmem>>
      %dma_wait3A_965 = tpu.memref_squeeze %dma_wait3A_964 : memref<1x128x8xf32, #tpu.memory_space<vmem>> -> memref<128x8xf32, #tpu.memory_space<vmem>>
      %dma_wait3A_966 = arith.constant 0 : i32
      %dma_wait3A_967 = tpu.memref_slice %arg7[%add3A_960, %dma_wait3A_966] : memref<80x128xi32, #tpu.memory_space<vmem>> -> memref<1x128xi32, #tpu.memory_space<vmem>>
      %dma_wait3A_968 = tpu.memref_squeeze %dma_wait3A_967 : memref<1x128xi32, #tpu.memory_space<vmem>> -> memref<128xi32, #tpu.memory_space<vmem>>
      %dma_wait3A_969 = arith.constant 0 : i32
      %dma_wait3A_970 = arith.constant 0 : i32
      %dma_wait3A_971 = tpu.memref_slice %arg10[%dma_wait3A_969, %dma_wait3A_970] : memref<10240x8xf32, #tpu.memory_space<vmem_shared>> -> memref<10240x8xf32, #tpu.memory_space<vmem_shared>>
      tpu.wait_indirect_dma semaphore(%arg14 : memref<!tpu.dma_semaphore, #tpu.memory_space<semaphore_mem>>) src(%dma_wait3A_965 : memref<128x8xf32, #tpu.memory_space<vmem>>) dst(%dma_wait3A_971 : memref<10240x8xf32, #tpu.memory_space<vmem_shared>>)
      %add3A_972 = arith.constant 3 : i32
      %add3A_973 = arith.addi %mul3A_672, %add3A_972 : i32
      %dma_wait3A_974 = arith.constant 3 : i32
      %dma_wait3A_975 = arith.constant 0 : i32
      %dma_wait3A_976 = arith.constant 0 : i32
      %dma_wait3A_977 = tpu.memref_slice %arg9[%dma_wait3A_974, %dma_wait3A_975, %dma_wait3A_976] : memref<10x128x8xf32, #tpu.memory_space<vmem>> -> memref<1x128x8xf32, #tpu.memory_space<vmem>>
      %dma_wait3A_978 = tpu.memref_squeeze %dma_wait3A_977 : memref<1x128x8xf32, #tpu.memory_space<vmem>> -> memref<128x8xf32, #tpu.memory_space<vmem>>
      %dma_wait3A_979 = arith.constant 0 : i32
      %dma_wait3A_980 = tpu.memref_slice %arg7[%add3A_973, %dma_wait3A_979] : memref<80x128xi32, #tpu.memory_space<vmem>> -> memref<1x128xi32, #tpu.memory_space<vmem>>
      %dma_wait3A_981 = tpu.memref_squeeze %dma_wait3A_980 : memref<1x128xi32, #tpu.memory_space<vmem>> -> memref<128xi32, #tpu.memory_space<vmem>>
      %dma_wait3A_982 = arith.constant 0 : i32
      %dma_wait3A_983 = arith.constant 0 : i32
      %dma_wait3A_984 = tpu.memref_slice %arg10[%dma_wait3A_982, %dma_wait3A_983] : memref<10240x8xf32, #tpu.memory_space<vmem_shared>> -> memref<10240x8xf32, #tpu.memory_space<vmem_shared>>
      tpu.wait_indirect_dma semaphore(%arg14 : memref<!tpu.dma_semaphore, #tpu.memory_space<semaphore_mem>>) src(%dma_wait3A_978 : memref<128x8xf32, #tpu.memory_space<vmem>>) dst(%dma_wait3A_984 : memref<10240x8xf32, #tpu.memory_space<vmem_shared>>)
      %add3A_985 = arith.constant 4 : i32
      %add3A_986 = arith.addi %mul3A_672, %add3A_985 : i32
      %dma_wait3A_987 = arith.constant 4 : i32
      %dma_wait3A_988 = arith.constant 0 : i32
      %dma_wait3A_989 = arith.constant 0 : i32
      %dma_wait3A_990 = tpu.memref_slice %arg9[%dma_wait3A_987, %dma_wait3A_988, %dma_wait3A_989] : memref<10x128x8xf32, #tpu.memory_space<vmem>> -> memref<1x128x8xf32, #tpu.memory_space<vmem>>
      %dma_wait3A_991 = tpu.memref_squeeze %dma_wait3A_990 : memref<1x128x8xf32, #tpu.memory_space<vmem>> -> memref<128x8xf32, #tpu.memory_space<vmem>>
      %dma_wait3A_992 = arith.constant 0 : i32
      %dma_wait3A_993 = tpu.memref_slice %arg7[%add3A_986, %dma_wait3A_992] : memref<80x128xi32, #tpu.memory_space<vmem>> -> memref<1x128xi32, #tpu.memory_space<vmem>>
      %dma_wait3A_994 = tpu.memref_squeeze %dma_wait3A_993 : memref<1x128xi32, #tpu.memory_space<vmem>> -> memref<128xi32, #tpu.memory_space<vmem>>
      %dma_wait3A_995 = arith.constant 0 : i32
      %dma_wait3A_996 = arith.constant 0 : i32
      %dma_wait3A_997 = tpu.memref_slice %arg10[%dma_wait3A_995, %dma_wait3A_996] : memref<10240x8xf32, #tpu.memory_space<vmem_shared>> -> memref<10240x8xf32, #tpu.memory_space<vmem_shared>>
      tpu.wait_indirect_dma semaphore(%arg14 : memref<!tpu.dma_semaphore, #tpu.memory_space<semaphore_mem>>) src(%dma_wait3A_991 : memref<128x8xf32, #tpu.memory_space<vmem>>) dst(%dma_wait3A_997 : memref<10240x8xf32, #tpu.memory_space<vmem_shared>>)
      %add3A_998 = arith.constant 5 : i32
      %add3A_999 = arith.addi %mul3A_672, %add3A_998 : i32
      %dma_wait3A_1000 = arith.constant 5 : i32
      %dma_wait3A_1001 = arith.constant 0 : i32
      %dma_wait3A_1002 = arith.constant 0 : i32
      %dma_wait3A_1003 = tpu.memref_slice %arg9[%dma_wait3A_1000, %dma_wait3A_1001, %dma_wait3A_1002] : memref<10x128x8xf32, #tpu.memory_space<vmem>> -> memref<1x128x8xf32, #tpu.memory_space<vmem>>
      %dma_wait3A_1004 = tpu.memref_squeeze %dma_wait3A_1003 : memref<1x128x8xf32, #tpu.memory_space<vmem>> -> memref<128x8xf32, #tpu.memory_space<vmem>>
      %dma_wait3A_1005 = arith.constant 0 : i32
      %dma_wait3A_1006 = tpu.memref_slice %arg7[%add3A_999, %dma_wait3A_1005] : memref<80x128xi32, #tpu.memory_space<vmem>> -> memref<1x128xi32, #tpu.memory_space<vmem>>
      %dma_wait3A_1007 = tpu.memref_squeeze %dma_wait3A_1006 : memref<1x128xi32, #tpu.memory_space<vmem>> -> memref<128xi32, #tpu.memory_space<vmem>>
      %dma_wait3A_1008 = arith.constant 0 : i32
      %dma_wait3A_1009 = arith.constant 0 : i32
      %dma_wait3A_1010 = tpu.memref_slice %arg10[%dma_wait3A_1008, %dma_wait3A_1009] : memref<10240x8xf32, #tpu.memory_space<vmem_shared>> -> memref<10240x8xf32, #tpu.memory_space<vmem_shared>>
      tpu.wait_indirect_dma semaphore(%arg14 : memref<!tpu.dma_semaphore, #tpu.memory_space<semaphore_mem>>) src(%dma_wait3A_1004 : memref<128x8xf32, #tpu.memory_space<vmem>>) dst(%dma_wait3A_1010 : memref<10240x8xf32, #tpu.memory_space<vmem_shared>>)
      %add3A_1011 = arith.constant 6 : i32
      %add3A_1012 = arith.addi %mul3A_672, %add3A_1011 : i32
      %dma_wait3A_1013 = arith.constant 6 : i32
      %dma_wait3A_1014 = arith.constant 0 : i32
      %dma_wait3A_1015 = arith.constant 0 : i32
      %dma_wait3A_1016 = tpu.memref_slice %arg9[%dma_wait3A_1013, %dma_wait3A_1014, %dma_wait3A_1015] : memref<10x128x8xf32, #tpu.memory_space<vmem>> -> memref<1x128x8xf32, #tpu.memory_space<vmem>>
      %dma_wait3A_1017 = tpu.memref_squeeze %dma_wait3A_1016 : memref<1x128x8xf32, #tpu.memory_space<vmem>> -> memref<128x8xf32, #tpu.memory_space<vmem>>
      %dma_wait3A_1018 = arith.constant 0 : i32
      %dma_wait3A_1019 = tpu.memref_slice %arg7[%add3A_1012, %dma_wait3A_1018] : memref<80x128xi32, #tpu.memory_space<vmem>> -> memref<1x128xi32, #tpu.memory_space<vmem>>
      %dma_wait3A_1020 = tpu.memref_squeeze %dma_wait3A_1019 : memref<1x128xi32, #tpu.memory_space<vmem>> -> memref<128xi32, #tpu.memory_space<vmem>>
      %dma_wait3A_1021 = arith.constant 0 : i32
      %dma_wait3A_1022 = arith.constant 0 : i32
      %dma_wait3A_1023 = tpu.memref_slice %arg10[%dma_wait3A_1021, %dma_wait3A_1022] : memref<10240x8xf32, #tpu.memory_space<vmem_shared>> -> memref<10240x8xf32, #tpu.memory_space<vmem_shared>>
      tpu.wait_indirect_dma semaphore(%arg14 : memref<!tpu.dma_semaphore, #tpu.memory_space<semaphore_mem>>) src(%dma_wait3A_1017 : memref<128x8xf32, #tpu.memory_space<vmem>>) dst(%dma_wait3A_1023 : memref<10240x8xf32, #tpu.memory_space<vmem_shared>>)
      %add3A_1024 = arith.constant 7 : i32
      %add3A_1025 = arith.addi %mul3A_672, %add3A_1024 : i32
      %dma_wait3A_1026 = arith.constant 7 : i32
      %dma_wait3A_1027 = arith.constant 0 : i32
      %dma_wait3A_1028 = arith.constant 0 : i32
      %dma_wait3A_1029 = tpu.memref_slice %arg9[%dma_wait3A_1026, %dma_wait3A_1027, %dma_wait3A_1028] : memref<10x128x8xf32, #tpu.memory_space<vmem>> -> memref<1x128x8xf32, #tpu.memory_space<vmem>>
      %dma_wait3A_1030 = tpu.memref_squeeze %dma_wait3A_1029 : memref<1x128x8xf32, #tpu.memory_space<vmem>> -> memref<128x8xf32, #tpu.memory_space<vmem>>
      %dma_wait3A_1031 = arith.constant 0 : i32
      %dma_wait3A_1032 = tpu.memref_slice %arg7[%add3A_1025, %dma_wait3A_1031] : memref<80x128xi32, #tpu.memory_space<vmem>> -> memref<1x128xi32, #tpu.memory_space<vmem>>
      %dma_wait3A_1033 = tpu.memref_squeeze %dma_wait3A_1032 : memref<1x128xi32, #tpu.memory_space<vmem>> -> memref<128xi32, #tpu.memory_space<vmem>>
      %dma_wait3A_1034 = arith.constant 0 : i32
      %dma_wait3A_1035 = arith.constant 0 : i32
      %dma_wait3A_1036 = tpu.memref_slice %arg10[%dma_wait3A_1034, %dma_wait3A_1035] : memref<10240x8xf32, #tpu.memory_space<vmem_shared>> -> memref<10240x8xf32, #tpu.memory_space<vmem_shared>>
      tpu.wait_indirect_dma semaphore(%arg14 : memref<!tpu.dma_semaphore, #tpu.memory_space<semaphore_mem>>) src(%dma_wait3A_1030 : memref<128x8xf32, #tpu.memory_space<vmem>>) dst(%dma_wait3A_1036 : memref<10240x8xf32, #tpu.memory_space<vmem_shared>>)
      %add3A_1037 = arith.constant 8 : i32
      %add3A_1038 = arith.addi %mul3A_672, %add3A_1037 : i32
      %dma_wait3A_1039 = arith.constant 8 : i32
      %dma_wait3A_1040 = arith.constant 0 : i32
      %dma_wait3A_1041 = arith.constant 0 : i32
      %dma_wait3A_1042 = tpu.memref_slice %arg9[%dma_wait3A_1039, %dma_wait3A_1040, %dma_wait3A_1041] : memref<10x128x8xf32, #tpu.memory_space<vmem>> -> memref<1x128x8xf32, #tpu.memory_space<vmem>>
      %dma_wait3A_1043 = tpu.memref_squeeze %dma_wait3A_1042 : memref<1x128x8xf32, #tpu.memory_space<vmem>> -> memref<128x8xf32, #tpu.memory_space<vmem>>
      %dma_wait3A_1044 = arith.constant 0 : i32
      %dma_wait3A_1045 = tpu.memref_slice %arg7[%add3A_1038, %dma_wait3A_1044] : memref<80x128xi32, #tpu.memory_space<vmem>> -> memref<1x128xi32, #tpu.memory_space<vmem>>
      %dma_wait3A_1046 = tpu.memref_squeeze %dma_wait3A_1045 : memref<1x128xi32, #tpu.memory_space<vmem>> -> memref<128xi32, #tpu.memory_space<vmem>>
      %dma_wait3A_1047 = arith.constant 0 : i32
      %dma_wait3A_1048 = arith.constant 0 : i32
      %dma_wait3A_1049 = tpu.memref_slice %arg10[%dma_wait3A_1047, %dma_wait3A_1048] : memref<10240x8xf32, #tpu.memory_space<vmem_shared>> -> memref<10240x8xf32, #tpu.memory_space<vmem_shared>>
      tpu.wait_indirect_dma semaphore(%arg14 : memref<!tpu.dma_semaphore, #tpu.memory_space<semaphore_mem>>) src(%dma_wait3A_1043 : memref<128x8xf32, #tpu.memory_space<vmem>>) dst(%dma_wait3A_1049 : memref<10240x8xf32, #tpu.memory_space<vmem_shared>>)
      %add3A_1050 = arith.constant 9 : i32
      %add3A_1051 = arith.addi %mul3A_672, %add3A_1050 : i32
      %dma_wait3A_1052 = arith.constant 9 : i32
      %dma_wait3A_1053 = arith.constant 0 : i32
      %dma_wait3A_1054 = arith.constant 0 : i32
      %dma_wait3A_1055 = tpu.memref_slice %arg9[%dma_wait3A_1052, %dma_wait3A_1053, %dma_wait3A_1054] : memref<10x128x8xf32, #tpu.memory_space<vmem>> -> memref<1x128x8xf32, #tpu.memory_space<vmem>>
      %dma_wait3A_1056 = tpu.memref_squeeze %dma_wait3A_1055 : memref<1x128x8xf32, #tpu.memory_space<vmem>> -> memref<128x8xf32, #tpu.memory_space<vmem>>
      %dma_wait3A_1057 = arith.constant 0 : i32
      %dma_wait3A_1058 = tpu.memref_slice %arg7[%add3A_1051, %dma_wait3A_1057] : memref<80x128xi32, #tpu.memory_space<vmem>> -> memref<1x128xi32, #tpu.memory_space<vmem>>
      %dma_wait3A_1059 = tpu.memref_squeeze %dma_wait3A_1058 : memref<1x128xi32, #tpu.memory_space<vmem>> -> memref<128xi32, #tpu.memory_space<vmem>>
      %dma_wait3A_1060 = arith.constant 0 : i32
      %dma_wait3A_1061 = arith.constant 0 : i32
      %dma_wait3A_1062 = tpu.memref_slice %arg10[%dma_wait3A_1060, %dma_wait3A_1061] : memref<10240x8xf32, #tpu.memory_space<vmem_shared>> -> memref<10240x8xf32, #tpu.memory_space<vmem_shared>>
      tpu.wait_indirect_dma semaphore(%arg14 : memref<!tpu.dma_semaphore, #tpu.memory_space<semaphore_mem>>) src(%dma_wait3A_1056 : memref<128x8xf32, #tpu.memory_space<vmem>>) dst(%dma_wait3A_1062 : memref<10240x8xf32, #tpu.memory_space<vmem_shared>>)
    }
    %scan3A_131 = arith.constant 4 : i32
    %barrier3A_132 = arith.constant 0 : index
    tpu.barrier barrier_id(%barrier3A_132)
    %mul3A_133 = arith.constant 640 : i32
    %mul3A_134 = arith.muli %arg1, %mul3A_133 : i32
    %mul3A_135 = arith.constant 640 : i32
    %mul3A_136 = arith.muli %arg1, %mul3A_135 : i32
    "tpu.region"() ({
      %run_scoped3A_137 = tpu.sem_alloc : memref<!tpu.dma_semaphore, #tpu.memory_space<semaphore_mem>>
      %dma_start3A_138 = arith.constant 0 : i32
      %dma_start3A_139 = tpu.memref_slice %arg5[%arg0, %mul3A_136, %dma_start3A_138] : memref<2x10240x8xf32, #tpu.memory_space<hbm>> -> memref<1x640x8xf32, #tpu.memory_space<hbm>>
      %dma_start3A_140 = tpu.memref_squeeze %dma_start3A_139 : memref<1x640x8xf32, #tpu.memory_space<hbm>> -> memref<640x8xf32, #tpu.memory_space<hbm>>
      %dma_start3A_141 = arith.constant 0 : i32
      %dma_start3A_142 = tpu.memref_slice %arg10[%mul3A_134, %dma_start3A_141] : memref<10240x8xf32, #tpu.memory_space<vmem_shared>> -> memref<640x8xf32, #tpu.memory_space<vmem_shared>>
      tpu.enqueue_dma source(%dma_start3A_142 : memref<640x8xf32, #tpu.memory_space<vmem_shared>>) target(%dma_start3A_140 : memref<640x8xf32, #tpu.memory_space<hbm>>) target_semaphore(%run_scoped3A_137 : memref<!tpu.dma_semaphore, #tpu.memory_space<semaphore_mem>>)
      %dma_wait3A = arith.constant 0 : i32
      %dma_wait3A_143 = tpu.memref_slice %arg5[%arg0, %mul3A_136, %dma_wait3A] : memref<2x10240x8xf32, #tpu.memory_space<hbm>> -> memref<1x640x8xf32, #tpu.memory_space<hbm>>
      %dma_wait3A_144 = tpu.memref_squeeze %dma_wait3A_143 : memref<1x640x8xf32, #tpu.memory_space<hbm>> -> memref<640x8xf32, #tpu.memory_space<hbm>>
      %dma_wait3A_145 = arith.constant 0 : i32
      %dma_wait3A_146 = tpu.memref_slice %arg10[%mul3A_134, %dma_wait3A_145] : memref<10240x8xf32, #tpu.memory_space<vmem_shared>> -> memref<640x8xf32, #tpu.memory_space<vmem_shared>>
      tpu.wait_dma2 semaphore(%run_scoped3A_137 : memref<!tpu.dma_semaphore, #tpu.memory_space<semaphore_mem>>) src(%dma_wait3A_146 : memref<640x8xf32, #tpu.memory_space<vmem_shared>>) dst(%dma_wait3A_144 : memref<640x8xf32, #tpu.memory_space<hbm>>)
      tpu.yield
    }) : () -> ()
    return
  }
}

module attributes {stable_mosaic.version = 14 : i64} {
  func.func @_tc1_body(%arg0: memref<2x10240xf32, #tpu.memory_space<vmem>>, %arg1: memref<10000x128xf32, #tpu.memory_space<vmem>>, %arg2: memref<128x32xf32, #tpu.memory_space<vmem>>, %arg3: memref<128x32xf32, #tpu.memory_space<vmem>>, %arg4: memref<1x32xf32, #tpu.memory_space<vmem>>, %arg5: memref<10000x32xf32, #tpu.memory_space<vmem>>, %arg6: memref<10000x32xf32, #tpu.memory_space<vmem>>, %arg7: memref<10000x1xf32, #tpu.memory_space<vmem>>) attributes {dimension_semantics = [], scalar_prefetch = 0 : i64, scratch_operands = 0 : i64, tpu.core_type = #tpu.core_type<tc>} {
    %get3A = arith.constant 0 : index
    %get3A_0 = arith.constant 0 : index
    %get3A_1 = vector.load %arg0[%get3A, %get3A_0] : memref<2x10240xf32, #tpu.memory_space<vmem>>, vector<2x10240xf32>
    %transpose3A = tpu.transpose %get3A_1, [1, 0] : vector<2x10240xf32> -> vector<10240x2xf32>
    %slice3A = vector.extract_strided_slice %transpose3A {offsets = [0, 0], sizes = [10000, 2], strides = [1, 1]} : vector<10240x2xf32> to vector<10000x2xf32>
    %reduce_sum3A = arith.constant dense<0.000000e+00> : vector<10000xf32>
    %reduce_sum3A_2 = vector.multi_reduction <add>, %slice3A, %reduce_sum3A [1] : vector<10000x2xf32> to vector<10000xf32>
    %broadcast_in_dim3A = vector.shape_cast %reduce_sum3A_2 : vector<10000xf32> to vector<10000x1xf32>
    %gt3A = arith.constant 0.000000e+00 : f32
    %gt3A_3 = vector.broadcast %gt3A : f32 to vector<10000x1xf32>
    %gt3A_4 = arith.cmpf ogt, %broadcast_in_dim3A, %gt3A_3 : vector<10000x1xf32>
    %max3A = arith.constant 1.000000e-30 : f32
    %max3A_5 = vector.broadcast %max3A : f32 to vector<10000x1xf32>
    %max3A_6 = arith.maximumf %broadcast_in_dim3A, %max3A_5 : vector<10000x1xf32>
    %rsqrt3A = math.rsqrt %max3A_6 : vector<10000x1xf32>
    %jit3A = arith.constant 0.000000e+00 : f32
    %broadcast_in_dim3A_7 = vector.broadcast %jit3A : f32 to vector<10000x1xf32>
    %select_n3A = arith.select %gt3A_4, %rsqrt3A, %broadcast_in_dim3A_7 : vector<10000x1xi1>, vector<10000x1xf32>
    %get3A_8 = arith.constant 0 : index
    %get3A_9 = arith.constant 0 : index
    %get3A_10 = vector.load %arg1[%get3A_8, %get3A_9] : memref<10000x128xf32, #tpu.memory_space<vmem>>, vector<10000x128xf32>
    %get3A_11 = arith.constant 0 : index
    %get3A_12 = arith.constant 0 : index
    %get3A_13 = vector.load %arg2[%get3A_11, %get3A_12] : memref<128x32xf32, #tpu.memory_space<vmem>>, vector<128x32xf32>
    %dot_general3A = arith.constant dense<0.000000e+00> : vector<10000x32xf32>
    %dot_general3A_14 = tpu.matmul %get3A_10, %get3A_13, %dot_general3A {dimension_numbers = #tpu.dot_dimension_numbers<[1], [0], [0], [1], [0, 0, 1, 1], [], []>, transpose_lhs_hint = false} : vector<10000x128xf32>, vector<128x32xf32>, vector<10000x32xf32> -> vector<10000x32xf32>
    %mul3A = vector.broadcast %select_n3A : vector<10000x1xf32> to vector<10000x32xf32>
    %mul3A_15 = arith.mulf %mul3A, %dot_general3A_14 : vector<10000x32xf32>
    %swap3A = arith.constant 0 : index
    %swap3A_16 = arith.constant 0 : index
    %swap3A_17 = vector.load %arg5[%swap3A, %swap3A_16] : memref<10000x32xf32, #tpu.memory_space<vmem>>, vector<10000x32xf32>
    tpu.vector_store %arg5[%swap3A, %swap3A_16], %mul3A_15 {strides = array<i32>} : memref<10000x32xf32, #tpu.memory_space<vmem>>, vector<10000x32xf32>,
    %get3A_18 = arith.constant 0 : index
    %get3A_19 = arith.constant 0 : index
    %get3A_20 = vector.load %arg3[%get3A_18, %get3A_19] : memref<128x32xf32, #tpu.memory_space<vmem>>, vector<128x32xf32>
    %dot_general3A_21 = arith.constant dense<0.000000e+00> : vector<10000x32xf32>
    %dot_general3A_22 = tpu.matmul %get3A_10, %get3A_20, %dot_general3A_21 {dimension_numbers = #tpu.dot_dimension_numbers<[1], [0], [0], [1], [0, 0, 1, 1], [], []>, transpose_lhs_hint = false} : vector<10000x128xf32>, vector<128x32xf32>, vector<10000x32xf32> -> vector<10000x32xf32>
    %get3A_23 = arith.constant 0 : index
    %get3A_24 = arith.constant 0 : index
    %get3A_25 = vector.load %arg4[%get3A_23, %get3A_24] : memref<1x32xf32, #tpu.memory_space<vmem>>, vector<1x32xf32>
    %add3A = vector.broadcast %get3A_25 : vector<1x32xf32> to vector<10000x32xf32>
    %add3A_26 = arith.addf %dot_general3A_22, %add3A : vector<10000x32xf32>
    %swap3A_27 = arith.constant 0 : index
    %swap3A_28 = arith.constant 0 : index
    %swap3A_29 = vector.load %arg6[%swap3A_27, %swap3A_28] : memref<10000x32xf32, #tpu.memory_space<vmem>>, vector<10000x32xf32>
    tpu.vector_store %arg6[%swap3A_27, %swap3A_28], %add3A_26 {strides = array<i32>} : memref<10000x32xf32, #tpu.memory_space<vmem>>, vector<10000x32xf32>,
    %swap3A_30 = arith.constant 0 : index
    %swap3A_31 = arith.constant 0 : index
    %swap3A_32 = vector.load %arg7[%swap3A_30, %swap3A_31] : memref<10000x1xf32, #tpu.memory_space<vmem>>, vector<10000x1xf32>
    tpu.vector_store %arg7[%swap3A_30, %swap3A_31], %select_n3A {strides = array<i32>} : memref<10000x1xf32, #tpu.memory_space<vmem>>, vector<10000x1xf32>,
    return
  }
}

module attributes {stable_mosaic.version = 14 : i64} {
  func.func @_tc2_body(%arg0: memref<2x10240x32xf32, #tpu.memory_space<vmem>>, %arg1: memref<10000x1xf32, #tpu.memory_space<vmem>>, %arg2: memref<10000x32xf32, #tpu.memory_space<vmem>>, %arg3: memref<32x2xf32, #tpu.memory_space<vmem>>, %arg4: memref<32x2xf32, #tpu.memory_space<vmem>>, %arg5: memref<1x2xf32, #tpu.memory_space<vmem>>, %arg6: memref<10000x8xf32, #tpu.memory_space<vmem>>, %arg7: memref<10000x8xf32, #tpu.memory_space<vmem>>) attributes {dimension_semantics = [], scalar_prefetch = 0 : i64, scratch_operands = 0 : i64, tpu.core_type = #tpu.core_type<tc>} {
    %get3A = arith.constant 0 : index
    %get3A_0 = arith.constant 0 : index
    %get3A_1 = vector.load %arg1[%get3A, %get3A_0] : memref<10000x1xf32, #tpu.memory_space<vmem>>, vector<10000x1xf32>
    %get3A_2 = arith.constant 0 : index
    %get3A_3 = arith.constant 0 : index
    %get3A_4 = arith.constant 0 : index
    %get3A_5 = vector.load %arg0[%get3A_2, %get3A_3, %get3A_4] : memref<2x10240x32xf32, #tpu.memory_space<vmem>>, vector<1x10000x32xf32>
    %get3A_6 = vector.shape_cast %get3A_5 : vector<1x10000x32xf32> to vector<10000x32xf32>
    %get3A_7 = arith.constant 1 : index
    %get3A_8 = arith.constant 0 : index
    %get3A_9 = arith.constant 0 : index
    %get3A_10 = vector.load %arg0[%get3A_7, %get3A_8, %get3A_9] : memref<2x10240x32xf32, #tpu.memory_space<vmem>>, vector<1x10000x32xf32>
    %get3A_11 = vector.shape_cast %get3A_10 : vector<1x10000x32xf32> to vector<10000x32xf32>
    %add3A = arith.addf %get3A_6, %get3A_11 : vector<10000x32xf32>
    %mul3A = vector.broadcast %get3A_1 : vector<10000x1xf32> to vector<10000x32xf32>
    %mul3A_12 = arith.mulf %mul3A, %add3A : vector<10000x32xf32>
    %get3A_13 = arith.constant 0 : index
    %get3A_14 = arith.constant 0 : index
    %get3A_15 = vector.load %arg2[%get3A_13, %get3A_14] : memref<10000x32xf32, #tpu.memory_space<vmem>>, vector<10000x32xf32>
    %add3A_16 = arith.addf %mul3A_12, %get3A_15 : vector<10000x32xf32>
    %max3A = arith.constant 0.000000e+00 : f32
    %max3A_17 = vector.broadcast %max3A : f32 to vector<10000x32xf32>
    %max3A_18 = arith.maximumf %add3A_16, %max3A_17 : vector<10000x32xf32>
    %broadcast_in_dim3A = arith.constant 0.000000e+00 : f32
    %broadcast_in_dim3A_19 = vector.broadcast %broadcast_in_dim3A : f32 to vector<32x6xf32>
    %get3A_20 = arith.constant 0 : index
    %get3A_21 = arith.constant 0 : index
    %get3A_22 = vector.load %arg3[%get3A_20, %get3A_21] : memref<32x2xf32, #tpu.memory_space<vmem>>, vector<32x2xf32>
    %concatenate3A = tpu.concatenate %get3A_22, %broadcast_in_dim3A_19 in 1 : vector<32x2xf32>, vector<32x6xf32> -> vector<32x8xf32>
    %get3A_23 = arith.constant 0 : index
    %get3A_24 = arith.constant 0 : index
    %get3A_25 = vector.load %arg4[%get3A_23, %get3A_24] : memref<32x2xf32, #tpu.memory_space<vmem>>, vector<32x2xf32>
    %concatenate3A_26 = tpu.concatenate %get3A_25, %broadcast_in_dim3A_19 in 1 : vector<32x2xf32>, vector<32x6xf32> -> vector<32x8xf32>
    %get3A_27 = arith.constant 0 : index
    %get3A_28 = arith.constant 0 : index
    %get3A_29 = vector.load %arg5[%get3A_27, %get3A_28] : memref<1x2xf32, #tpu.memory_space<vmem>>, vector<1x2xf32>
    %broadcast_in_dim3A_30 = arith.constant 0.000000e+00 : f32
    %broadcast_in_dim3A_31 = vector.broadcast %broadcast_in_dim3A_30 : f32 to vector<1x6xf32>
    %concatenate3A_32 = tpu.concatenate %get3A_29, %broadcast_in_dim3A_31 in 1 : vector<1x2xf32>, vector<1x6xf32> -> vector<1x8xf32>
    %dot_general3A = arith.constant dense<0.000000e+00> : vector<10000x8xf32>
    %dot_general3A_33 = tpu.matmul %max3A_18, %concatenate3A, %dot_general3A {dimension_numbers = #tpu.dot_dimension_numbers<[1], [0], [0], [1], [0, 0, 1, 1], [], []>, transpose_lhs_hint = false} : vector<10000x32xf32>, vector<32x8xf32>, vector<10000x8xf32> -> vector<10000x8xf32>
    %mul3A_34 = vector.broadcast %get3A_1 : vector<10000x1xf32> to vector<10000x8xf32>
    %mul3A_35 = arith.mulf %mul3A_34, %dot_general3A_33 : vector<10000x8xf32>
    %swap3A = arith.constant 0 : index
    %swap3A_36 = arith.constant 0 : index
    %swap3A_37 = vector.load %arg6[%swap3A, %swap3A_36] : memref<10000x8xf32, #tpu.memory_space<vmem>>, vector<10000x8xf32>
    tpu.vector_store %arg6[%swap3A, %swap3A_36], %mul3A_35 {strides = array<i32>} : memref<10000x8xf32, #tpu.memory_space<vmem>>, vector<10000x8xf32>,
    %dot_general3A_38 = arith.constant dense<0.000000e+00> : vector<10000x8xf32>
    %dot_general3A_39 = tpu.matmul %max3A_18, %concatenate3A_26, %dot_general3A_38 {dimension_numbers = #tpu.dot_dimension_numbers<[1], [0], [0], [1], [0, 0, 1, 1], [], []>, transpose_lhs_hint = false} : vector<10000x32xf32>, vector<32x8xf32>, vector<10000x8xf32> -> vector<10000x8xf32>
    %add3A_40 = vector.broadcast %concatenate3A_32 : vector<1x8xf32> to vector<10000x8xf32>
    %add3A_41 = arith.addf %dot_general3A_39, %add3A_40 : vector<10000x8xf32>
    %swap3A_42 = arith.constant 0 : index
    %swap3A_43 = arith.constant 0 : index
    %swap3A_44 = vector.load %arg7[%swap3A_42, %swap3A_43] : memref<10000x8xf32, #tpu.memory_space<vmem>>, vector<10000x8xf32>
    tpu.vector_store %arg7[%swap3A_42, %swap3A_43], %add3A_41 {strides = array<i32>} : memref<10000x8xf32, #tpu.memory_space<vmem>>, vector<10000x8xf32>,
    return
  }
}

module attributes {stable_mosaic.version = 14 : i64} {
  func.func @_tc3_body(%arg0: memref<2x10240x8xf32, #tpu.memory_space<vmem>>, %arg1: memref<10000x1xf32, #tpu.memory_space<vmem>>, %arg2: memref<10000x8xf32, #tpu.memory_space<vmem>>, %arg3: memref<10000x2xf32, #tpu.memory_space<vmem>>) attributes {dimension_semantics = [], scalar_prefetch = 0 : i64, scratch_operands = 0 : i64, tpu.core_type = #tpu.core_type<tc>} {
    %get3A = arith.constant 0 : index
    %get3A_0 = arith.constant 0 : index
    %get3A_1 = vector.load %arg1[%get3A, %get3A_0] : memref<10000x1xf32, #tpu.memory_space<vmem>>, vector<10000x1xf32>
    %get3A_2 = arith.constant 0 : index
    %get3A_3 = arith.constant 0 : index
    %get3A_4 = arith.constant 0 : index
    %get3A_5 = vector.load %arg0[%get3A_2, %get3A_3, %get3A_4] : memref<2x10240x8xf32, #tpu.memory_space<vmem>>, vector<1x10000x8xf32>
    %get3A_6 = vector.shape_cast %get3A_5 : vector<1x10000x8xf32> to vector<10000x8xf32>
    %get3A_7 = arith.constant 1 : index
    %get3A_8 = arith.constant 0 : index
    %get3A_9 = arith.constant 0 : index
    %get3A_10 = vector.load %arg0[%get3A_7, %get3A_8, %get3A_9] : memref<2x10240x8xf32, #tpu.memory_space<vmem>>, vector<1x10000x8xf32>
    %get3A_11 = vector.shape_cast %get3A_10 : vector<1x10000x8xf32> to vector<10000x8xf32>
    %add3A = arith.addf %get3A_6, %get3A_11 : vector<10000x8xf32>
    %mul3A = vector.broadcast %get3A_1 : vector<10000x1xf32> to vector<10000x8xf32>
    %mul3A_12 = arith.mulf %mul3A, %add3A : vector<10000x8xf32>
    %get3A_13 = arith.constant 0 : index
    %get3A_14 = arith.constant 0 : index
    %get3A_15 = vector.load %arg2[%get3A_13, %get3A_14] : memref<10000x8xf32, #tpu.memory_space<vmem>>, vector<10000x8xf32>
    %add3A_16 = arith.addf %mul3A_12, %get3A_15 : vector<10000x8xf32>
    %slice3A = vector.extract_strided_slice %add3A_16 {offsets = [0, 0], sizes = [10000, 2], strides = [1, 1]} : vector<10000x8xf32> to vector<10000x2xf32>
    %reduce_max3A = arith.constant dense<0xFF800000> : vector<10000xf32>
    %reduce_max3A_17 = vector.multi_reduction <maximumf>, %slice3A, %reduce_max3A [1] : vector<10000x2xf32> to vector<10000xf32>
    %broadcast_in_dim3A = vector.shape_cast %reduce_max3A_17 : vector<10000xf32> to vector<10000x1xf32>
    %sub3A = vector.broadcast %broadcast_in_dim3A : vector<10000x1xf32> to vector<10000x2xf32>
    %sub3A_18 = arith.subf %slice3A, %sub3A : vector<10000x2xf32>
    %exp3A = math.exp %sub3A_18 : vector<10000x2xf32>
    %reduce_sum3A = arith.constant dense<0.000000e+00> : vector<10000xf32>
    %reduce_sum3A_19 = vector.multi_reduction <add>, %exp3A, %reduce_sum3A [1] : vector<10000x2xf32> to vector<10000xf32>
    %broadcast_in_dim3A_20 = vector.shape_cast %reduce_sum3A_19 : vector<10000xf32> to vector<10000x1xf32>
    %log3A = math.log %broadcast_in_dim3A_20 : vector<10000x1xf32>
    %add3A_21 = arith.addf %broadcast_in_dim3A, %log3A : vector<10000x1xf32>
    %sub3A_22 = vector.broadcast %add3A_21 : vector<10000x1xf32> to vector<10000x2xf32>
    %sub3A_23 = arith.subf %slice3A, %sub3A_22 : vector<10000x2xf32>
    %swap3A = arith.constant 0 : index
    %swap3A_24 = arith.constant 0 : index
    %swap3A_25 = vector.load %arg3[%swap3A, %swap3A_24] : memref<10000x2xf32, #tpu.memory_space<vmem>>, vector<10000x2xf32>
    tpu.vector_store %arg3[%swap3A, %swap3A_24], %sub3A_23 {strides = array<i32>} : memref<10000x2xf32, #tpu.memory_space<vmem>>, vector<10000x2xf32>,
    return
  }
}

</mosaic_0001>

<sc_bundles>
// kernel: kernel.11.cloned.1.call-start
scs
__scs_entry_jumppad:
0x0: {  	(pc) =	sbr.rel $0x88, $3  }
0x1: {  	(tag) =	ssettag $0x0;
	lr =	simm.s32 $0x1  }
0x2: {  	[smem:$0x3F99] =	sst lr;
	_ =	strace $0xD0000000  }
0x3: {  	_ = 	snop  }
0x4: {  	_ = 	snop  }
0x5: {  	_ = 	snop  }
0x6: {  	_ = 	snop  }
0x7: {  	_ = 	snop  }
__scs_overlays_trampoline_lowered:
0x8: {  	[smem:$0x3FA8] =	sst s0  }
0x9: {  	[smem:$0x3FA9] =	sst s1  }
0xa: {  	[smem:$0x3FAA] =	sst s2  }
0xb: {  	[smem:$0x3FAB] =	sst s3  }
0xc: {  	[smem:$0x3FAC] =	sst s4  }
0xd: {  	[smem:$0x3FAD] =	sst s5  }
0xe: {  	[smem:$0x3FAE] =	sst s6  }
0xf: {  	[smem:$0x3FAF] =	sst s7  }
0x10: {  	[smem:$0x3FB0] =	sst s8  }
0x11: {  	[smem:$0x3FB1] =	sst s9;
	s0 =	simm.s32 @!p0 $0x0  }
0x12: {  	s1 =	sld [smem:$0x3F97];
	s0 =	simm.s32 @p0 $0x1  }
0x13: {  	[smem:$0x3FB2] =	sst s0;
	s0 =	simm.s32 @!p1 $0x0  }
0x14: {  	s2 =	sld [smem:$0x3F96];
	s0 =	simm.s32 @p1 $0x1  }
0x15: {  	[smem:$0x3FB3] =	sst s0;
	s0 =	simm.s32 @!p2 $0x0  }
0x16: {  	s3 =	sld [smem:$0x3FDB];
	s0 =	simm.s32 @p2 $0x1  }
0x17: {  	s4 =	simm.s32 $0x1BF5;
	[smem:$0x3FB5] =	sst s0  }
0x18: {  	s0 =	sld [smem:$0x3F98];
	_ =	swait.ge [sflag:s4], $0x0  }
0x19: {  	s7 =	sld [smem:$0x3F99]  }
0x1a: {  	s8 =	sadd.s32 $0xFFFFE003, lr  }
0x1b: {  	s9 =	sadd.s32 $0xFFFFFEF7, lr;
	s5 =	simm.s32 $0xFFFFFFFF;
	p2 =	slt.u32 s8, $0xFFFFF086  }
0x1c: {  	p1 =	slt.u32 s9, $0xF7A;
	s5 =	simm.s32 @!p2 $0x0  }
0x1d: {  	s5 =	simm.s32 @p1 $0x1;
	p0 =	seq.s32 s7, s2  }
0x1e: {  	s7 =	smul.u32 @!p0 $0xF7A, s2;
	p2 =	seq.s32 @!p0 s5, $0x0  }
0x1f: {  	s9 =	smul.u32 $0xF7A, s1;
	s8 =	simm.s32 @!p0 $0x1BF5;
	p2 =	por !p2, p0  }
0x20: {  	[sflag:s8] =	ssyncset.s32 @!p0 $0xFFFFF086;
	s6 =	sadd.s32 @!p0 s3, s7;
	s7 =	simm.s32 @!p0 $0x108  }
0x21: {  	s3 =	sadd.s32 s3, s9;
	s6 =	sadd.s32 @!p0 $0x88, s6;
	s7 =	simm.s32 @p2 $0x1082  }
0x22: {  	[simem:s7], [sflag:s8] =	dma.local @!p0 [hbm:s6], $0xF7A  }
0x23: {  	s9 =	sor.u32 $0xD0000000, s2;
	s6 =	simm.s32 $0x108;
	_ =	swait.ge @!p0 [sflag:s8], $0x0  }
0x24: {  	s3 =	sadd.s32 $0x88, s3;
	s6 =	simm.s32 @!p1 $0x1082;
	[sflag:s4] =	ssyncset.s32 $0xFFFFF086  }
0x25: {  	[simem:s6], [sflag:s4] =	dma.local [hbm:s3], $0xF7A  }
0x26: {  	[smem:$0x3F99] =	sst s1;
	(tag) =	ssettag s2;
	_ =	strace s9  }
0x27: {  	s1 =	sld [smem:$0x3FA9]  }
0x28: {  	s2 =	sld [smem:$0x3FAA]  }
0x29: {  	s4 =	sld [smem:$0x3FAC]  }
0x2a: {  	p0 =	seq.s32 s5, $0x0;
	s5 =	sld [smem:$0x3FAD]  }
0x2b: {  	s6 =	sld [smem:$0x3FAE]  }
0x2c: {  	s7 =	sld [smem:$0x3FAF]  }
0x2d: {  	s3 =	simm.s32 $0x108;
	s8 =	sld [smem:$0x3FB0]  }
0x2e: {  	s3 =	simm.s32 @!p0 $0x1082;
	s9 =	sld [smem:$0x3FB1]  }
0x2f: {  	lr =	sadd.s32 s0, s3;
	s0 =	sld [smem:$0x3FA8]  }
0x30: {  	s3 =	sld [smem:$0x3FAB]  }
0x31: {  	[smem:$0x3FB4] =	sst s10  }
0x32: {  	s10 =	sld [smem:$0x3FB2];
	_ =	sdelay $0x3  }
0x33: {  	p0 =	seq.s32 s10, $0x1;
	s10 =	sld [smem:$0x3FB4];
	_ =	sdelay $0x3  }
0x34: {  	[smem:$0x3FB4] =	sst s10  }
0x35: {  	s10 =	sld [smem:$0x3FB3];
	_ =	sdelay $0x3  }
0x36: {  	p1 =	seq.s32 s10, $0x1;
	s10 =	sld [smem:$0x3FB4];
	_ =	sdelay $0x3  }
0x37: {  	[smem:$0x3FB4] =	sst s10  }
0x38: {  	s10 =	sld [smem:$0x3FB5]  }
0x39: {  	_ = 	snop;
	(pc) =	sbr.ind lr, $3  }
0x3a: {  	_ = 	snop  }
0x3b: {  	_ = 	snop  }
0x3c: {  	p2 =	seq.s32 s10, $0x1;
	s10 =	sld [smem:$0x3FB4]  }
0x3d: {  	_ =	shalt  }
0x3e: {  	_ =	shalt  }
0x3f: {  	_ =	shalt  }
0x40: {  	_ =	shalt  }
0x41: {  	_ =	shalt  }
0x42: {  	_ =	shalt  }
0x43: {  	_ =	shalt  }
0x44: {  	_ =	shalt  }
0x45: {  	_ =	shalt  }
0x46: {  	_ =	shalt  }
0x47: {  	_ =	shalt  }
0x48: {  	_ =	shalt  }
0x49: {  	_ =	shalt  }
0x4a: {  	_ =	shalt  }
0x4b: {  	_ =	shalt  }
0x4c: {  	_ =	shalt  }
0x4d: {  	_ =	shalt  }
0x4e: {  	_ =	shalt  }
0x4f: {  	_ =	shalt  }
0x50: {  	_ =	shalt  }
0x51: {  	_ =	shalt  }
0x52: {  	_ =	shalt  }
0x53: {  	_ =	shalt  }
0x54: {  	_ =	shalt  }
0x55: {  	_ =	shalt  }
0x56: {  	_ =	shalt  }
0x57: {  	_ =	shalt  }
0x58: {  	_ =	shalt  }
0x59: {  	_ =	shalt  }
0x5a: {  	_ =	shalt  }
0x5b: {  	_ =	shalt  }
0x5c: {  	_ =	shalt  }
0x5d: {  	_ =	shalt  }
0x5e: {  	_ =	shalt  }
0x5f: {  	_ =	shalt  }
0x60: {  	_ =	shalt  }
0x61: {  	_ =	shalt  }
0x62: {  	_ =	shalt  }
0x63: {  	_ =	shalt  }
0x64: {  	_ =	shalt  }
0x65: {  	_ =	shalt  }
0x66: {  	_ =	shalt  }
0x67: {  	_ =	shalt  }
0x68: {  	_ =	shalt  }
0x69: {  	_ =	shalt  }
0x6a: {  	_ =	shalt  }
0x6b: {  	_ =	shalt  }
0x6c: {  	_ =	shalt  }
0x6d: {  	_ =	shalt  }
0x6e: {  	_ =	shalt  }
0x6f: {  	_ =	shalt  }
0x70: {  	_ =	shalt  }
0x71: {  	_ =	shalt  }
0x72: {  	_ =	shalt  }
0x73: {  	_ =	shalt  }
0x74: {  	_ =	shalt  }
0x75: {  	_ =	shalt  }
0x76: {  	_ =	shalt  }
0x77: {  	_ =	shalt  }
0x78: {  	_ =	shalt  }
0x79: {  	_ =	shalt  }
0x7a: {  	_ =	shalt  }
0x7b: {  	_ =	shalt  }
0x7c: {  	_ =	shalt  }
0x7d: {  	_ =	shalt  }
0x7e: {  	_ =	shalt  }
0x7f: {  	_ =	shalt  }
0x80: {  	_ =	shalt  }
0x81: {  	_ =	shalt  }
0x82: {  	_ =	shalt  }
0x83: {  	_ =	shalt  }
0x84: {  	_ =	shalt  }
0x85: {  	_ =	shalt  }
0x86: {  	_ =	shalt  }
0x87: {  	_ =	shalt  }
.Lfunc_end0:
.L_simem_size_0:
called_computation.1_lowered:
.L_overlay_start_0:
0x88: {  	s2 =	sld [smem:$0x3FD9]  }
0x89: {  	s3 =	sld [smem:$0x3FFE];
	_ =	sdelay $0x1  }
0x8a: {  	s1 =	srdreg.scid  }
0x8b: {  	s0 =	sand.u32 $0x1, s1  }
0x8c: {  	s16 =	sshll.u32 s0, $0xA;
	s2 =	sadd.s32 s3, s2  }
0x8d: {  	s2 =	sadd.s32 s2, s16  }
0x8e: {  	[smem:$0x3FC0] =	sst s2  }
0x8f: {  	_ = 	snop  }
0x90: {  	(tm) =	ssettm $0x1  }
0x91: {  	s17 =	sld [smem:$0x3FFB];
	_ =	sdelay $0x3  }
0x92: {  	_ =	strace s17  }
0x93: {  	s2 =	sld [smem:$0x3FFC];
	_ =	sdelay $0x3  }
0x94: {  	_ =	strace s2  }
0x95: {  	s2 =	sld [smem:$0x3FFD];
	_ =	sdelay $0x3  }
0x96: {  	_ =	strace s2  }
0x97: {  	_ =	strace $0x8FFFFFFF  }
0x98: {  	s18 =	sld [smem:$0x3FDB];
	_ =	sdelay $0x1  }
0x99: {  	s19 =	simm.s32 $_scs_section_size  }
0x9a: {  	s4 =	simm.s32 $_size__tile_overlayer_lowered;
	s5 =	simm.s32 $_tile_overlayer_lowered  }
0x9b: {  	s22 =	simm.s32 $0x1BFF;
	s21 =	sshll.u32 s5, $0x1;
	s2 =	sadd.s32 s19, s18  }
0x9c: {  	s6 =	simm.s32 $0x0;
	s20 =	sshll.u32 s4, $0x1;
	s4 =	sadd.s32 s21, s2  }
0x9d: {  	[timem:s6], [sflag:s22] =	dma.local [hbm:s4], s20  }
0x9e: {  	_ =	swait.ge [sflag:s22], s20  }
0x9f: {  	s3 =	ssub.s32 $0x0, s20;
	[sflag:s22] =	ssyncset.done $0x0  }
0xa0: {  	[sflag:s22] =	ssyncadd.s32 s3;
	_ =	sdelay $0x1  }
0xa1: {  	s23 =	simm.s32 $0x1B8B  }
0xa2: {  	_ =	swait.ge [sflag:s23], $0x1  }
0xa3: {  	[sflag:s23] =	ssyncset.done $0x0  }
0xa4: {  	s25 =	simm.s32 $0x1B8E;
	s24 =	sld [smem:$0x3FFE];
	[sflag:s23] =	ssyncadd.s32 $0xFFFFFFFF  }
0xa5: {  	s26 =	simm.s32 $execute0_lowered;
	[smem:$0x3FD2] =	sst s25  }
0xa6: {  	s4 =	sshll.u32 s26, $0x1;
	_ =	strace $0x80000049;
	[dreg:$0x1] =	wrdreg $0xFFFFFFFF  }
0xa7: {  	s28 =	simm.s32 $_size_execute0_lowered;
	s2 =	sadd.s32 s2, s4;
	[dreg:$0x0] =	wrdreg $0x0  }
0xa8: {  	s4 =	sshll.u32 s28, $0x1;
	[dreg:$0x2] =	wrdreg s2  }
0xa9: {  	[dreg:$0x3] =	wrdreg s4  }
0xaa: {  	[dreg:$0x4] =	wrdreg $0xC0  }
0xab: {  	_ =	task [dreg:s6], $0x5FFFF  }
0xac: {  	[dreg:$0x1] =	wrdreg $0xFFFFFFFF  }
0xad: {  	[dreg:$0x0] =	wrdreg $0x60  }
0xae: {  	[dreg:$0x2] =	wrdreg s24  }
0xaf: {  	[dreg:$0x3] =	wrdreg $0x150000  }
0xb0: {  	[dreg:$0x4] =	wrdreg $0x9  }
0xb1: {  	_ =	task.clear_ibuf [dreg:s6], $0x5FFFF;
	_ =	strace $0x90000049  }
0xb2: {  	s29 =	simm.s32 $0x9;
	_ =	strace $0x8000004B  }
0xb3: {  	_ =	swait.ge [sflag:s29], $0x1  }
0xb4: {  	[sflag:s29] =	ssyncadd.s32 $0xFFFFFFFF  }
0xb5: {  	_ =	strace $0x9000004B  }
0xb6: {  	_ =	sfence  }
0xb7: {  	s30 =	sld [smem:$0x0];
	_ =	sdelay $0x2  }
0xb8: {  	s31 =	sshll.u32 s1, $0xD;
	s1 =	sshrl.u32 s1, $0x2  }
0xb9: {  	s3 =	sand.u32 $0x4000, s31;
	s1 =	sadd.s32 s1, s30  }
0xba: {  	s0 =	sor.u32 s3, s0;
	s1 =	sshll.u32 s1, $0x11  }
0xbb: {  	s0 =	sor.u32 s1, s0  }
0xbc: {  	s0 =	sadd.s32 $0x8F2B, s0  }
0xbd: {  	[sflag:s0] =	ssyncadd.remote.s32 $0x1  }
0xbe: {  	_ =	sfence.sel $0xFFFF  }
0xbf: {  	[dreg:$0x0] =	wrdreg $0xFFFFFFFF;
	(pc) =	sbr.abs _section_cstart, $3  }
0xc0: {  	[dreg:$0x1] =	wrdreg $0xFFFFFFFF  }
0xc1: {  	_ =	task.clear_ibuf [dreg:s6], $0x2FFFF;
	_ =	strace $0x9FFFFFFF  }
0xc2: {  	(tm) =	ssettm $0x7FFFFFFF  }
0xc3: {  	_ =	shalt  }
tec
execute0_lowered:
.L_overlay_start_1:
0x0: {  	(tag) =	ssettag $0x1  }
0x1: {  	s0 =	srdreg.scid;
	s3 =	rddreg [dreg:$0x0]  }
0x2: {  	s7 =	stileid.u32;
	s2 =	rddreg [dreg:$0x1]  }
0x3: {  	s6 =	simm.s32 $0x0;
	s14 =	simm.s32 $0x80;
	s30 =	simm.s32 $0xD000  }
0x4: {  	s31 =	simm.s32 $0xE000;
	s13 =	simm.s32 $0x11000;
	s17 =	simm.s32 $0x12000  }
0x5: {  	s19 =	simm.s32 $0x13000;
	s21 =	simm.s32 $0x14000;
	s28 =	simm.s32 $0x2  }
0x6: {  	s9 =	simm.s32 $0x0;
	s20 =	simm.s32 $0x5000;
	s29 =	simm.s32 $0x9000  }
0x7: {  	s0 =	sand.u32 $0x1, s0;
	s1 =	sshll.u32 s7, $0x1;
	s5 =	smul.u32 $0x5000, s7  }
0x8: {  	[smem:$0x7FF] =	sst s6;
	s8 =	sadd.s32 $0x20200, s3;
	s24 =	sshll.u32 s7, $0x6  }
0x9: {  	s1 =	sor.u32 s0, s1;
	s4 =	smul.u32 $0x50000, s0;
	_ =	strace $0x8000004A  }
0xa: {  	s0 =	ssub.s32 $0x2, s0;
	[dreg:$0x3] =	wrdreg s8;
	s8 =	simm.s32 $0x5  }
0xb: {  	s1 =	smul.u32 $0x2800, s1;
	s23 =	sshrl.u32 s0, $0x1;
	s22 =	sadd.s32 s5, s4  }
0xc: {  	s4 =	sadd.s32 $0x16400, s3;
	s0 =	ssub.s32 s0, s23;
	s5 =	sadd.s32 s5, s2  }
0xd: {  	s1 =	sshrl.u32 s1, $0x3;
	s6 =	sshrl.u32 s22, $0x3;
	s0 =	smax.u32 s0, $0x1  }
0xe: {  	s7 =	sshrl.u32 s5, $0x3;
	s1 =	sadd.s32 s1, s3;
	[dreg:$0x8] =	wrdreg s0  }
0xf: {  	s3 =	sadd.s32 s6, s3;
	s6 =	sor.u32 $0x1C05, s24;
	[dreg:$0x9] =	wrdreg s7  }
0x10: {  	s23 =	simm.s32 $0x1;
	s25 =	sadd.s32 $0x2400, s1;
	[dreg:$0x4] =	wrdreg s6  }
0x11: {  	s5 =	simm.s32 $0x4;
	s1 =	sadd.s32 $0xC400, s1;
	[dreg:$0x5] =	wrdreg s25  }
0x12: {  	s22 =	simm.s32 $0x6000;
	s26 =	sadd.s32 $0x20C00, s3;
	[dreg:$0x6] =	wrdreg s1  }
0x13: {  	s0 =	simm.s32 $0x10000;
	s24 =	simm.s32 $0x7000;
	[dreg:$0x7] =	wrdreg s26  }
0x14: {  	s1 =	simm.s32 $0xF000;
	s25 =	simm.s32 $0x3;
	s26 =	simm.s32 $0x8000  }
.LBB2_1:
0x15: {  	[dreg:$0xa] =	wrdreg s9  }
0x16: {  	s3 =	rddreg [dreg:$0x3]  }
0x17: {  	[spmem:s7], [sflag:s6] =	dma.local [hbm:s3], $0xA00  }
0x18: {  	_ =	swait.ge [sflag:s8], $0xA00  }
0x19: {  	[sflag:s8] =	ssyncset.done $0x0  }
0x1a: {  	s12 =	simm.s32 $0x0;
	s15 =	rddreg [dreg:$0x5];
	[sflag:s8] =	ssyncadd.s32 $0xFFFFF600  }
0x1b: {  	[tilespmem:s12], [sflag:$0x5] =	stream.linear.gather [hbm4b:s15+s12], $0x2800, $0x38;
	[tilespmem:$0x1A000] =	vst v63  }
0x1c: {  	_ =	swait.ge [sflag:s8], $0x2800  }
0x1d: {  	[sflag:s8] =	ssyncset.done $0x0  }
0x1e: {  	s18 =	simm.s32 $0x2800;
	s16 =	rddreg [dreg:$0x6];
	[sflag:s8] =	ssyncadd.s32 $0xFFFFD800  }
0x1f: {  	[tilespmem:s18], [sflag:$0x5] =	stream.linear.gather [hbm4b:s16+s12], $0x2800, $0x38;
	[tilespmem:$0x1A000] =	vst v63  }
0x20: {  	_ =	swait.ge [sflag:s8], $0x2800  }
0x21: {  	[sflag:s8] =	ssyncset.done $0x0  }
0x22: {  	[sflag:s8] =	ssyncadd.s32 $0xFFFFD800  }
0x23: {  	s6 =	simm.s32 $0x5000;
	[bflag:$0x0] =	sbarrier.arrive $0xFFFF  }
0x24: {  	[tilespmem:s6], [sflag:$0x1] =	stream.indirect.gather [hbm4b:s4+s14], $0x20, s12, s14, $0xb8;
	[tilespmem:$0x1A000] =	vst v63  }
0x25: {  	s7 =	simm.s32 $0x6000  }
0x26: {  	[tilespmem:s7], [sflag:$0x1] =	stream.indirect.gather [hbm4b:s4+s14], $0x20, s14, s14, $0xb8;
	[tilespmem:$0x1A000] =	vst v63  }
0x27: {  	s9 =	simm.s32 $0x100;
	s8 =	simm.s32 $0x7000  }
0x28: {  	[tilespmem:s8], [sflag:$0x1] =	stream.indirect.gather [hbm4b:s4+s14], $0x20, s9, s14, $0xb8;
	[tilespmem:$0x1A000] =	vst v63  }
0x29: {  	s10 =	simm.s32 $0x180;
	s9 =	simm.s32 $0x8000  }
0x2a: {  	[tilespmem:s9], [sflag:$0x1] =	stream.indirect.gather [hbm4b:s4+s14], $0x20, s10, s14, $0xb8;
	[tilespmem:$0x1A000] =	vst v63  }
0x2b: {  	s11 =	simm.s32 $0x200;
	s10 =	simm.s32 $0x9000  }
0x2c: {  	[tilespmem:s10], [sflag:$0x1] =	stream.indirect.gather [hbm4b:s4+s14], $0x20, s11, s14, $0xb8;
	[tilespmem:$0x1A000] =	vst v63  }
0x2d: {  	s12 =	simm.s32 $0x280;
	s11 =	simm.s32 $0xA000  }
0x2e: {  	[tilespmem:s11], [sflag:$0x1] =	stream.indirect.gather [hbm4b:s4+s14], $0x20, s12, s14, $0xb8;
	[tilespmem:$0x1A000] =	vst v63  }
0x2f: {  	s15 =	simm.s32 $0x300;
	s12 =	simm.s32 $0xB000  }
0x30: {  	[tilespmem:s12], [sflag:$0x1] =	stream.indirect.gather [hbm4b:s4+s14], $0x20, s15, s14, $0xb8;
	[tilespmem:$0x1A000] =	vst v63  }
0x31: {  	s16 =	simm.s32 $0x380;
	s15 =	simm.s32 $0xC000  }
0x32: {  	[tilespmem:s15], [sflag:$0x1] =	stream.indirect.gather [hbm4b:s4+s14], $0x20, s16, s14, $0xb8;
	[tilespmem:$0x1A000] =	vst v63  }
0x33: {  	s18 =	simm.s32 $0x400  }
0x34: {  	[tilespmem:s30], [sflag:$0x2] =	stream.indirect.gather [hbm4b:s4+s14], $0x20, s18, s14, $0xb8;
	[tilespmem:$0x1A000] =	vst v63  }
0x35: {  	s16 =	simm.s32 $0x480  }
0x36: {  	[tilespmem:s31], [sflag:$0x2] =	stream.indirect.gather [hbm4b:s4+s14], $0x20, s16, s14, $0xb8;
	[tilespmem:$0x1A000] =	vst v63  }
0x37: {  	s18 =	simm.s32 $0x500  }
0x38: {  	[tilespmem:s1], [sflag:$0x2] =	stream.indirect.gather [hbm4b:s4+s14], $0x20, s18, s14, $0xb8;
	[tilespmem:$0x1A000] =	vst v63  }
0x39: {  	s16 =	simm.s32 $0x580  }
0x3a: {  	[tilespmem:s0], [sflag:$0x2] =	stream.indirect.gather [hbm4b:s4+s14], $0x20, s16, s14, $0xb8;
	[tilespmem:$0x1A000] =	vst v63  }
0x3b: {  	s18 =	simm.s32 $0x600  }
0x3c: {  	[tilespmem:s13], [sflag:$0x2] =	stream.indirect.gather [hbm4b:s4+s14], $0x20, s18, s14, $0xb8;
	[tilespmem:$0x1A000] =	vst v63  }
0x3d: {  	s16 =	simm.s32 $0x680  }
0x3e: {  	[tilespmem:s17], [sflag:$0x2] =	stream.indirect.gather [hbm4b:s4+s14], $0x20, s16, s14, $0xb8;
	[tilespmem:$0x1A000] =	vst v63  }
0x3f: {  	s18 =	simm.s32 $0x700  }
0x40: {  	[tilespmem:s19], [sflag:$0x2] =	stream.indirect.gather [hbm4b:s4+s14], $0x20, s18, s14, $0xb8;
	[tilespmem:$0x1A000] =	vst v63  }
0x41: {  	s16 =	simm.s32 $0x780  }
0x42: {  	[tilespmem:s21], [sflag:$0x2] =	stream.indirect.gather [hbm4b:s4+s14], $0x20, s16, s14, $0xb8;
	[tilespmem:$0x1A000] =	vst v63  }
0x43: {  	_ =	swait.ge [sflag:s23], $0x1000  }
0x44: {  	[sflag:s23] =	ssyncset.done $0x0  }
0x45: {  	s18 =	simm.s32 $0x2800;
	[sflag:s23] =	ssyncadd.s32 $0xFFFFF000  }
0x46: {  	[spmem:s2] =	stream.indirect.scatter.add.f32 [tilespmem:s6], [sflag:$0x3], $0x20, s18, s14, $0xb8;
	[tilespmem:$0x1A000] =	vst v63  }
0x47: {  	_ =	swait.ge [sflag:s23], $0x1000  }
0x48: {  	[sflag:s23] =	ssyncset.done $0x0  }
0x49: {  	s6 =	simm.s32 $0x2880;
	[sflag:s23] =	ssyncadd.s32 $0xFFFFF000  }
0x4a: {  	[spmem:s2] =	stream.indirect.scatter.add.f32 [tilespmem:s7], [sflag:$0x3], $0x20, s6, s14, $0xb8;
	[tilespmem:$0x1A000] =	vst v63  }
0x4b: {  	_ =	swait.ge [sflag:s23], $0x1000  }
0x4c: {  	[sflag:s23] =	ssyncset.done $0x0  }
0x4d: {  	s7 =	simm.s32 $0x2900;
	[sflag:s23] =	ssyncadd.s32 $0xFFFFF000  }
0x4e: {  	[spmem:s2] =	stream.indirect.scatter.add.f32 [tilespmem:s8], [sflag:$0x3], $0x20, s7, s14, $0xb8;
	[tilespmem:$0x1A000] =	vst v63  }
0x4f: {  	_ =	swait.ge [sflag:s23], $0x1000  }
0x50: {  	[sflag:s23] =	ssyncset.done $0x0  }
0x51: {  	s8 =	simm.s32 $0x2980;
	[sflag:s23] =	ssyncadd.s32 $0xFFFFF000  }
0x52: {  	[spmem:s2] =	stream.indirect.scatter.add.f32 [tilespmem:s9], [sflag:$0x3], $0x20, s8, s14, $0xb8;
	[tilespmem:$0x1A000] =	vst v63  }
0x53: {  	_ =	swait.ge [sflag:s23], $0x1000  }
0x54: {  	[sflag:s23] =	ssyncset.done $0x0  }
0x55: {  	s16 =	simm.s32 $0x2A00;
	[sflag:s23] =	ssyncadd.s32 $0xFFFFF000  }
0x56: {  	[spmem:s2] =	stream.indirect.scatter.add.f32 [tilespmem:s10], [sflag:$0x3], $0x20, s16, s14, $0xb8;
	[tilespmem:$0x1A000] =	vst v63  }
0x57: {  	_ =	swait.ge [sflag:s23], $0x1000  }
0x58: {  	[sflag:s23] =	ssyncset.done $0x0  }
0x59: {  	s18 =	simm.s32 $0x2A80;
	[sflag:s23] =	ssyncadd.s32 $0xFFFFF000  }
0x5a: {  	[spmem:s2] =	stream.indirect.scatter.add.f32 [tilespmem:s11], [sflag:$0x3], $0x20, s18, s14, $0xb8;
	[tilespmem:$0x1A000] =	vst v63  }
0x5b: {  	_ =	swait.ge [sflag:s23], $0x1000  }
0x5c: {  	[sflag:s23] =	ssyncset.done $0x0  }
0x5d: {  	s6 =	simm.s32 $0x2B00;
	[sflag:s23] =	ssyncadd.s32 $0xFFFFF000  }
0x5e: {  	[spmem:s2] =	stream.indirect.scatter.add.f32 [tilespmem:s12], [sflag:$0x3], $0x20, s6, s14, $0xb8;
	[tilespmem:$0x1A000] =	vst v63  }
0x5f: {  	_ =	swait.ge [sflag:s23], $0x1000  }
0x60: {  	[sflag:s23] =	ssyncset.done $0x0  }
0x61: {  	s7 =	simm.s32 $0x2B80;
	[sflag:s23] =	ssyncadd.s32 $0xFFFFF000  }
0x62: {  	[spmem:s2] =	stream.indirect.scatter.add.f32 [tilespmem:s15], [sflag:$0x3], $0x20, s7, s14, $0xb8;
	[tilespmem:$0x1A000] =	vst v63  }
0x63: {  	_ =	swait.ge [sflag:s25], $0x1000  }
0x64: {  	[sflag:s25] =	ssyncset.done $0x0  }
0x65: {  	[sflag:s25] =	ssyncadd.s32 $0xFFFFF000  }
0x66: {  	_ =	swait.ge [sflag:s25], $0x1000  }
0x67: {  	[sflag:s25] =	ssyncset.done $0x0  }
0x68: {  	[sflag:s25] =	ssyncadd.s32 $0xFFFFF000  }
0x69: {  	_ =	swait.ge [sflag:s25], $0x1000  }
0x6a: {  	[sflag:s25] =	ssyncset.done $0x0  }
0x6b: {  	[sflag:s25] =	ssyncadd.s32 $0xFFFFF000  }
0x6c: {  	_ =	swait.ge [sflag:s25], $0x1000  }
0x6d: {  	[sflag:s25] =	ssyncset.done $0x0  }
0x6e: {  	[sflag:s25] =	ssyncadd.s32 $0xFFFFF000  }
0x6f: {  	_ =	swait.ge [sflag:s25], $0x1000  }
0x70: {  	[sflag:s25] =	ssyncset.done $0x0  }
0x71: {  	[sflag:s25] =	ssyncadd.s32 $0xFFFFF000  }
0x72: {  	_ =	swait.ge [sflag:s25], $0x1000  }
0x73: {  	[sflag:s25] =	ssyncset.done $0x0  }
0x74: {  	[sflag:s25] =	ssyncadd.s32 $0xFFFFF000  }
0x75: {  	_ =	swait.ge [sflag:s25], $0x1000  }
0x76: {  	[sflag:s25] =	ssyncset.done $0x0  }
0x77: {  	[sflag:s25] =	ssyncadd.s32 $0xFFFFF000  }
0x78: {  	p0 =	por $0x0, $0x0;
	_ =	swait.ge [sflag:s25], $0x1000  }
0x79: {  	s3 =	simm.s32 @!p0 $0x5000;
	[sflag:s25] =	ssyncset.done $0x0  }
0x7a: {  	s8 =	simm.s32 @!p0 $0x800;
	s9 =	simm.s32 @!p0 $0x80;
	[sflag:s25] =	ssyncadd.s32 $0xFFFFF000  }
0x7b: {  	[tilespmem:s3], [sflag:$0x1] =	stream.indirect.gather @!p0 [hbm4b:s4+s9], $0x20, s8, s9, $0xb8;
	[tilespmem:$0x1A000] =	vst v63  }
0x7c: {  	s3 =	simm.s32 @!p0 $0x880;
	s8 =	simm.s32 @!p0 $0x6000  }
0x7d: {  	[tilespmem:s8], [sflag:$0x1] =	stream.indirect.gather @!p0 [hbm4b:s4+s9], $0x20, s3, s9, $0xb8;
	[tilespmem:$0x1A000] =	vst v63  }
0x7e: {  	s3 =	simm.s32 @!p0 $0x900;
	s8 =	simm.s32 @!p0 $0x7000  }
0x7f: {  	[tilespmem:s8], [sflag:$0x1] =	stream.indirect.gather @!p0 [hbm4b:s4+s9], $0x20, s3, s9, $0xb8;
	[tilespmem:$0x1A000] =	vst v63  }
0x80: {  	s3 =	simm.s32 @!p0 $0x980;
	s8 =	simm.s32 @!p0 $0x8000  }
0x81: {  	[tilespmem:s8], [sflag:$0x1] =	stream.indirect.gather @!p0 [hbm4b:s4+s9], $0x20, s3, s9, $0xb8;
	[tilespmem:$0x1A000] =	vst v63  }
0x82: {  	s3 =	simm.s32 @!p0 $0xA00;
	s8 =	simm.s32 @!p0 $0x9000  }
0x83: {  	[tilespmem:s8], [sflag:$0x1] =	stream.indirect.gather @!p0 [hbm4b:s4+s9], $0x20, s3, s9, $0xb8;
	[tilespmem:$0x1A000] =	vst v63  }
0x84: {  	s3 =	simm.s32 @!p0 $0xA80;
	s8 =	simm.s32 @!p0 $0xA000  }
0x85: {  	[tilespmem:s8], [sflag:$0x1] =	stream.indirect.gather @!p0 [hbm4b:s4+s9], $0x20, s3, s9, $0xb8;
	[tilespmem:$0x1A000] =	vst v63  }
0x86: {  	s3 =	simm.s32 @!p0 $0xB00;
	s8 =	simm.s32 @!p0 $0xB000  }
0x87: {  	[tilespmem:s8], [sflag:$0x1] =	stream.indirect.gather @!p0 [hbm4b:s4+s9], $0x20, s3, s9, $0xb8;
	[tilespmem:$0x1A000] =	vst v63  }
0x88: {  	s3 =	simm.s32 @!p0 $0xB80;
	s8 =	simm.s32 @!p0 $0xC000  }
0x89: {  	[tilespmem:s8], [sflag:$0x1] =	stream.indirect.gather @!p0 [hbm4b:s4+s9], $0x20, s3, s9, $0xb8;
	[tilespmem:$0x1A000] =	vst v63  }
0x8a: {  	_ =	swait.ge [sflag:s28], $0x1000  }
0x8b: {  	[sflag:s28] =	ssyncset.done $0x0  }
0x8c: {  	s8 =	simm.s32 $0x2C00;
	[sflag:s28] =	ssyncadd.s32 $0xFFFFF000  }
0x8d: {  	[spmem:s2] =	stream.indirect.scatter.add.f32 [tilespmem:s30], [sflag:$0x4], $0x20, s8, s14, $0xb8;
	[tilespmem:$0x1A000] =	vst v63  }
0x8e: {  	_ =	swait.ge [sflag:s28], $0x1000  }
0x8f: {  	[sflag:s28] =	ssyncset.done $0x0  }
0x90: {  	s9 =	simm.s32 $0x2C80;
	[sflag:s28] =	ssyncadd.s32 $0xFFFFF000  }
0x91: {  	[spmem:s2] =	stream.indirect.scatter.add.f32 [tilespmem:s31], [sflag:$0x4], $0x20, s9, s14, $0xb8;
	[tilespmem:$0x1A000] =	vst v63  }
0x92: {  	_ =	swait.ge [sflag:s28], $0x1000  }
0x93: {  	[sflag:s28] =	ssyncset.done $0x0  }
0x94: {  	s10 =	simm.s32 $0x2D00;
	[sflag:s28] =	ssyncadd.s32 $0xFFFFF000  }
0x95: {  	[spmem:s2] =	stream.indirect.scatter.add.f32 [tilespmem:s1], [sflag:$0x4], $0x20, s10, s14, $0xb8;
	[tilespmem:$0x1A000] =	vst v63  }
0x96: {  	_ =	swait.ge [sflag:s28], $0x1000  }
0x97: {  	[sflag:s28] =	ssyncset.done $0x0  }
0x98: {  	s11 =	simm.s32 $0x2D80;
	[sflag:s28] =	ssyncadd.s32 $0xFFFFF000  }
0x99: {  	[spmem:s2] =	stream.indirect.scatter.add.f32 [tilespmem:s0], [sflag:$0x4], $0x20, s11, s14, $0xb8;
	[tilespmem:$0x1A000] =	vst v63  }
0x9a: {  	_ =	swait.ge [sflag:s28], $0x1000  }
0x9b: {  	[sflag:s28] =	ssyncset.done $0x0  }
0x9c: {  	s12 =	simm.s32 $0x2E00;
	[sflag:s28] =	ssyncadd.s32 $0xFFFFF000  }
0x9d: {  	[spmem:s2] =	stream.indirect.scatter.add.f32 [tilespmem:s13], [sflag:$0x4], $0x20, s12, s14, $0xb8;
	[tilespmem:$0x1A000] =	vst v63  }
0x9e: {  	_ =	swait.ge [sflag:s28], $0x1000  }
0x9f: {  	[sflag:s28] =	ssyncset.done $0x0  }
0xa0: {  	s15 =	simm.s32 $0x2E80;
	[sflag:s28] =	ssyncadd.s32 $0xFFFFF000  }
0xa1: {  	[spmem:s2] =	stream.indirect.scatter.add.f32 [tilespmem:s17], [sflag:$0x4], $0x20, s15, s14, $0xb8;
	[tilespmem:$0x1A000] =	vst v63  }
0xa2: {  	_ =	swait.ge [sflag:s28], $0x1000  }
0xa3: {  	[sflag:s28] =	ssyncset.done $0x0  }
0xa4: {  	s16 =	simm.s32 $0x2F00;
	[sflag:s28] =	ssyncadd.s32 $0xFFFFF000  }
0xa5: {  	[spmem:s2] =	stream.indirect.scatter.add.f32 [tilespmem:s19], [sflag:$0x4], $0x20, s16, s14, $0xb8;
	[tilespmem:$0x1A000] =	vst v63  }
0xa6: {  	_ =	swait.ge [sflag:s28], $0x1000  }
0xa7: {  	[sflag:s28] =	ssyncset.done $0x0  }
0xa8: {  	s18 =	simm.s32 $0x2F80;
	[sflag:s28] =	ssyncadd.s32 $0xFFFFF000  }
0xa9: {  	[spmem:s2] =	stream.indirect.scatter.add.f32 [tilespmem:s21], [sflag:$0x4], $0x20, s18, s14, $0xb8;
	[tilespmem:$0x1A000] =	vst v63  }
0xaa: {  	_ =	swait.ge [sflag:s5], $0x1000  }
0xab: {  	[sflag:s5] =	ssyncset.done $0x0  }
0xac: {  	[sflag:s5] =	ssyncadd.s32 $0xFFFFF000  }
0xad: {  	_ =	swait.ge [sflag:s5], $0x1000  }
0xae: {  	[sflag:s5] =	ssyncset.done $0x0  }
0xaf: {  	[sflag:s5] =	ssyncadd.s32 $0xFFFFF000  }
0xb0: {  	_ =	swait.ge [sflag:s5], $0x1000  }
0xb1: {  	[sflag:s5] =	ssyncset.done $0x0  }
0xb2: {  	[sflag:s5] =	ssyncadd.s32 $0xFFFFF000  }
0xb3: {  	_ =	swait.ge [sflag:s5], $0x1000  }
0xb4: {  	[sflag:s5] =	ssyncset.done $0x0  }
0xb5: {  	[sflag:s5] =	ssyncadd.s32 $0xFFFFF000  }
0xb6: {  	_ =	swait.ge [sflag:s5], $0x1000  }
0xb7: {  	[sflag:s5] =	ssyncset.done $0x0  }
0xb8: {  	[sflag:s5] =	ssyncadd.s32 $0xFFFFF000  }
0xb9: {  	_ =	swait.ge [sflag:s5], $0x1000  }
0xba: {  	[sflag:s5] =	ssyncset.done $0x0  }
0xbb: {  	[sflag:s5] =	ssyncadd.s32 $0xFFFFF000  }
0xbc: {  	_ =	swait.ge [sflag:s5], $0x1000  }
0xbd: {  	[sflag:s5] =	ssyncset.done $0x0  }
0xbe: {  	[sflag:s5] =	ssyncadd.s32 $0xFFFFF000  }
0xbf: {  	s8 =	simm.s32 $0x800;
	_ =	swait.ge [sflag:s5], $0x1000  }
0xc0: {  	s9 =	simm.s32 $0x2000;
	s10 =	simm.s32 $0x4000;
	[sflag:s5] =	ssyncset.done $0x0  }
.LBB2_2:
0xc1: {  	s6 =	sadd.s32 $0x400, s8  }
0xc2: {  	[sflag:s5] =	ssyncadd.s32 $0xFFFFF000;
	s3 =	smov.u32 s10;
	s10 =	sadd.s32 $0x2000, s10  }
0xc3: {  	[tilespmem:s30], [sflag:$0x2] =	stream.indirect.gather [hbm4b:s4+s14], $0x20, s6, s14, $0xb8;
	[tilespmem:$0x1A000] =	vst v63  }
0xc4: {  	p0 =	sne.s32 s10, $0xA000;
	s6 =	sadd.s32 $0x480, s8  }
0xc5: {  	[tilespmem:s31], [sflag:$0x2] =	stream.indirect.gather [hbm4b:s4+s14], $0x20, s6, s14, $0xb8;
	[tilespmem:$0x1A000] =	vst v63  }
0xc6: {  	s6 =	sadd.s32 $0x500, s8  }
0xc7: {  	[tilespmem:s1], [sflag:$0x2] =	stream.indirect.gather [hbm4b:s4+s14], $0x20, s6, s14, $0xb8;
	[tilespmem:$0x1A000] =	vst v63  }
0xc8: {  	s6 =	sadd.s32 $0x580, s8  }
0xc9: {  	[tilespmem:s0], [sflag:$0x2] =	stream.indirect.gather [hbm4b:s4+s14], $0x20, s6, s14, $0xb8;
	[tilespmem:$0x1A000] =	vst v63  }
0xca: {  	s6 =	sadd.s32 $0x600, s8  }
0xcb: {  	[tilespmem:s13], [sflag:$0x2] =	stream.indirect.gather [hbm4b:s4+s14], $0x20, s6, s14, $0xb8;
	[tilespmem:$0x1A000] =	vst v63  }
0xcc: {  	s6 =	sadd.s32 $0x680, s8  }
0xcd: {  	[tilespmem:s17], [sflag:$0x2] =	stream.indirect.gather [hbm4b:s4+s14], $0x20, s6, s14, $0xb8;
	[tilespmem:$0x1A000] =	vst v63  }
0xce: {  	s6 =	sadd.s32 $0x700, s8  }
0xcf: {  	[tilespmem:s19], [sflag:$0x2] =	stream.indirect.gather [hbm4b:s4+s14], $0x20, s6, s14, $0xb8;
	[tilespmem:$0x1A000] =	vst v63  }
0xd0: {  	s6 =	sadd.s32 $0x780, s8  }
0xd1: {  	[tilespmem:s21], [sflag:$0x2] =	stream.indirect.gather [hbm4b:s4+s14], $0x20, s6, s14, $0xb8;
	[tilespmem:$0x1A000] =	vst v63  }
0xd2: {  	_ =	swait.ge [sflag:s23], $0x1000  }
0xd3: {  	[sflag:s23] =	ssyncset.done $0x0  }
0xd4: {  	s6 =	sadd.s32 $0x2800, s8;
	[sflag:s23] =	ssyncadd.s32 $0xFFFFF000  }
0xd5: {  	[spmem:s2] =	stream.indirect.scatter.add.f32 [tilespmem:s20], [sflag:$0x3], $0x20, s6, s14, $0xb8;
	[tilespmem:$0x1A000] =	vst v63  }
0xd6: {  	_ =	swait.ge [sflag:s23], $0x1000  }
0xd7: {  	[sflag:s23] =	ssyncset.done $0x0  }
0xd8: {  	s6 =	sadd.s32 $0x2880, s8;
	[sflag:s23] =	ssyncadd.s32 $0xFFFFF000  }
0xd9: {  	[spmem:s2] =	stream.indirect.scatter.add.f32 [tilespmem:s22], [sflag:$0x3], $0x20, s6, s14, $0xb8;
	[tilespmem:$0x1A000] =	vst v63  }
0xda: {  	_ =	swait.ge [sflag:s23], $0x1000  }
0xdb: {  	[sflag:s23] =	ssyncset.done $0x0  }
0xdc: {  	s6 =	sadd.s32 $0x2900, s8;
	[sflag:s23] =	ssyncadd.s32 $0xFFFFF000  }
0xdd: {  	[spmem:s2] =	stream.indirect.scatter.add.f32 [tilespmem:s24], [sflag:$0x3], $0x20, s6, s14, $0xb8;
	[tilespmem:$0x1A000] =	vst v63  }
0xde: {  	_ =	swait.ge [sflag:s23], $0x1000  }
0xdf: {  	[sflag:s23] =	ssyncset.done $0x0  }
0xe0: {  	s6 =	sadd.s32 $0x2980, s8;
	[sflag:s23] =	ssyncadd.s32 $0xFFFFF000  }
0xe1: {  	[spmem:s2] =	stream.indirect.scatter.add.f32 [tilespmem:s26], [sflag:$0x3], $0x20, s6, s14, $0xb8;
	[tilespmem:$0x1A000] =	vst v63  }
0xe2: {  	_ =	swait.ge [sflag:s23], $0x1000  }
0xe3: {  	[sflag:s23] =	ssyncset.done $0x0  }
0xe4: {  	s6 =	sadd.s32 $0x2A00, s8;
	[sflag:s23] =	ssyncadd.s32 $0xFFFFF000  }
0xe5: {  	[spmem:s2] =	stream.indirect.scatter.add.f32 [tilespmem:s29], [sflag:$0x3], $0x20, s6, s14, $0xb8;
	[tilespmem:$0x1A000] =	vst v63  }
0xe6: {  	_ =	swait.ge [sflag:s23], $0x1000  }
0xe7: {  	[sflag:s23] =	ssyncset.done $0x0  }
0xe8: {  	s7 =	simm.s32 $0xA000;
	s6 =	sadd.s32 $0x2A80, s8;
	[sflag:s23] =	ssyncadd.s32 $0xFFFFF000  }
0xe9: {  	[spmem:s2] =	stream.indirect.scatter.add.f32 [tilespmem:s7], [sflag:$0x3], $0x20, s6, s14, $0xb8;
	[tilespmem:$0x1A000] =	vst v63  }
0xea: {  	_ =	swait.ge [sflag:s23], $0x1000  }
0xeb: {  	[sflag:s23] =	ssyncset.done $0x0  }
0xec: {  	s6 =	sadd.s32 $0x2B00, s8;
	s7 =	simm.s32 $0xB000;
	[sflag:s23] =	ssyncadd.s32 $0xFFFFF000  }
0xed: {  	[spmem:s2] =	stream.indirect.scatter.add.f32 [tilespmem:s7], [sflag:$0x3], $0x20, s6, s14, $0xb8;
	[tilespmem:$0x1A000] =	vst v63  }
0xee: {  	_ =	swait.ge [sflag:s23], $0x1000  }
0xef: {  	[sflag:s23] =	ssyncset.done $0x0  }
0xf0: {  	s6 =	sadd.s32 $0x2B80, s8;
	s7 =	simm.s32 $0xC000;
	[sflag:s23] =	ssyncadd.s32 $0xFFFFF000  }
0xf1: {  	[spmem:s2] =	stream.indirect.scatter.add.f32 [tilespmem:s7], [sflag:$0x3], $0x20, s6, s14, $0xb8;
	[tilespmem:$0x1A000] =	vst v63  }
0xf2: {  	_ =	swait.ge [sflag:s25], $0x1000  }
0xf3: {  	[sflag:s25] =	ssyncset.done $0x0  }
0xf4: {  	[sflag:s25] =	ssyncadd.s32 $0xFFFFF000  }
0xf5: {  	_ =	swait.ge [sflag:s25], $0x1000  }
0xf6: {  	[sflag:s25] =	ssyncset.done $0x0  }
0xf7: {  	[sflag:s25] =	ssyncadd.s32 $0xFFFFF000  }
0xf8: {  	_ =	swait.ge [sflag:s25], $0x1000  }
0xf9: {  	[sflag:s25] =	ssyncset.done $0x0  }
0xfa: {  	[sflag:s25] =	ssyncadd.s32 $0xFFFFF000  }
0xfb: {  	_ =	swait.ge [sflag:s25], $0x1000  }
0xfc: {  	[sflag:s25] =	ssyncset.done $0x0  }
0xfd: {  	[sflag:s25] =	ssyncadd.s32 $0xFFFFF000  }
0xfe: {  	_ =	swait.ge [sflag:s25], $0x1000  }
0xff: {  	[sflag:s25] =	ssyncset.done $0x0  }
0x100: {  	[sflag:s25] =	ssyncadd.s32 $0xFFFFF000  }
0x101: {  	_ =	swait.ge [sflag:s25], $0x1000  }
0x102: {  	[sflag:s25] =	ssyncset.done $0x0  }
0x103: {  	[sflag:s25] =	ssyncadd.s32 $0xFFFFF000  }
0x104: {  	_ =	swait.ge [sflag:s25], $0x1000  }
0x105: {  	[sflag:s25] =	ssyncset.done $0x0  }
0x106: {  	[sflag:s25] =	ssyncadd.s32 $0xFFFFF000  }
0x107: {  	p1 =	seq.s32 s9, $0x8000;
	_ =	swait.ge [sflag:s25], $0x1000  }
0x108: {  	s6 =	sshra.s32 @!p1 s9, $0x2;
	s9 =	simm.s32 @!p1 $0x5000;
	[sflag:s25] =	ssyncset.done $0x0  }
0x109: {  	s12 =	simm.s32 @!p1 $0x80;
	s11 =	sadd.s32 @!p1 $0x800, s6;
	[sflag:s25] =	ssyncadd.s32 $0xFFFFF000  }
0x10a: {  	[tilespmem:s9], [sflag:$0x1] =	stream.indirect.gather @!p1 [hbm4b:s4+s12], $0x20, s11, s12, $0xb8;
	[tilespmem:$0x1A000] =	vst v63  }
0x10b: {  	s7 =	sadd.s32 @!p1 $0x900, s6;
	s9 =	sadd.s32 @!p1 $0x880, s6;
	s11 =	simm.s32 @!p1 $0x6000  }
0x10c: {  	[tilespmem:s11], [sflag:$0x1] =	stream.indirect.gather @!p1 [hbm4b:s4+s12], $0x20, s9, s12, $0xb8;
	[tilespmem:$0x1A000] =	vst v63  }
0x10d: {  	s15 =	sadd.s32 @!p1 $0xA00, s6;
	s9 =	simm.s32 @!p1 $0x7000;
	s11 =	sadd.s32 @!p1 $0x980, s6  }
0x10e: {  	[tilespmem:s9], [sflag:$0x1] =	stream.indirect.gather @!p1 [hbm4b:s4+s12], $0x20, s7, s12, $0xb8;
	[tilespmem:$0x1A000] =	vst v63  }
0x10f: {  	s16 =	sadd.s32 @!p1 $0xA80, s6;
	s18 =	sadd.s32 @!p1 $0xB00, s6;
	s7 =	simm.s32 @!p1 $0x8000  }
0x110: {  	[tilespmem:s7], [sflag:$0x1] =	stream.indirect.gather @!p1 [hbm4b:s4+s12], $0x20, s11, s12, $0xb8;
	[tilespmem:$0x1A000] =	vst v63  }
0x111: {  	s6 =	sadd.s32 @!p1 $0xB80, s6;
	s9 =	smov.u32 s3;
	s7 =	simm.s32 @!p1 $0x9000  }
0x112: {  	[tilespmem:s7], [sflag:$0x1] =	stream.indirect.gather @!p1 [hbm4b:s4+s12], $0x20, s15, s12, $0xb8;
	[tilespmem:$0x1A000] =	vst v63  }
0x113: {  	s3 =	simm.s32 @!p1 $0xA000  }
0x114: {  	[tilespmem:s3], [sflag:$0x1] =	stream.indirect.gather @!p1 [hbm4b:s4+s12], $0x20, s16, s12, $0xb8;
	[tilespmem:$0x1A000] =	vst v63  }
0x115: {  	s3 =	simm.s32 @!p1 $0xB000  }
0x116: {  	[tilespmem:s3], [sflag:$0x1] =	stream.indirect.gather @!p1 [hbm4b:s4+s12], $0x20, s18, s12, $0xb8;
	[tilespmem:$0x1A000] =	vst v63  }
0x117: {  	s3 =	simm.s32 @!p1 $0xC000  }
0x118: {  	[tilespmem:s3], [sflag:$0x1] =	stream.indirect.gather @!p1 [hbm4b:s4+s12], $0x20, s6, s12, $0xb8;
	[tilespmem:$0x1A000] =	vst v63  }
0x119: {  	_ =	swait.ge [sflag:s28], $0x1000  }
0x11a: {  	[sflag:s28] =	ssyncset.done $0x0  }
0x11b: {  	s3 =	sadd.s32 $0x2C00, s8;
	[sflag:s28] =	ssyncadd.s32 $0xFFFFF000  }
0x11c: {  	[spmem:s2] =	stream.indirect.scatter.add.f32 [tilespmem:s30], [sflag:$0x4], $0x20, s3, s14, $0xb8;
	[tilespmem:$0x1A000] =	vst v63  }
0x11d: {  	_ =	swait.ge [sflag:s28], $0x1000  }
0x11e: {  	[sflag:s28] =	ssyncset.done $0x0  }
0x11f: {  	s3 =	sadd.s32 $0x2C80, s8;
	[sflag:s28] =	ssyncadd.s32 $0xFFFFF000  }
0x120: {  	[spmem:s2] =	stream.indirect.scatter.add.f32 [tilespmem:s31], [sflag:$0x4], $0x20, s3, s14, $0xb8;
	[tilespmem:$0x1A000] =	vst v63  }
0x121: {  	_ =	swait.ge [sflag:s28], $0x1000  }
0x122: {  	[sflag:s28] =	ssyncset.done $0x0  }
0x123: {  	s3 =	sadd.s32 $0x2D00, s8;
	[sflag:s28] =	ssyncadd.s32 $0xFFFFF000  }
0x124: {  	[spmem:s2] =	stream.indirect.scatter.add.f32 [tilespmem:s1], [sflag:$0x4], $0x20, s3, s14, $0xb8;
	[tilespmem:$0x1A000] =	vst v63  }
0x125: {  	_ =	swait.ge [sflag:s28], $0x1000  }
0x126: {  	[sflag:s28] =	ssyncset.done $0x0  }
0x127: {  	s3 =	sadd.s32 $0x2D80, s8;
	[sflag:s28] =	ssyncadd.s32 $0xFFFFF000  }
0x128: {  	[spmem:s2] =	stream.indirect.scatter.add.f32 [tilespmem:s0], [sflag:$0x4], $0x20, s3, s14, $0xb8;
	[tilespmem:$0x1A000] =	vst v63  }
0x129: {  	_ =	swait.ge [sflag:s28], $0x1000  }
0x12a: {  	[sflag:s28] =	ssyncset.done $0x0  }
0x12b: {  	s3 =	sadd.s32 $0x2E00, s8;
	[sflag:s28] =	ssyncadd.s32 $0xFFFFF000  }
0x12c: {  	[spmem:s2] =	stream.indirect.scatter.add.f32 [tilespmem:s13], [sflag:$0x4], $0x20, s3, s14, $0xb8;
	[tilespmem:$0x1A000] =	vst v63  }
0x12d: {  	_ =	swait.ge [sflag:s28], $0x1000  }
0x12e: {  	[sflag:s28] =	ssyncset.done $0x0  }
0x12f: {  	s3 =	sadd.s32 $0x2E80, s8;
	[sflag:s28] =	ssyncadd.s32 $0xFFFFF000  }
0x130: {  	[spmem:s2] =	stream.indirect.scatter.add.f32 [tilespmem:s17], [sflag:$0x4], $0x20, s3, s14, $0xb8;
	[tilespmem:$0x1A000] =	vst v63  }
0x131: {  	_ =	swait.ge [sflag:s28], $0x1000  }
0x132: {  	[sflag:s28] =	ssyncset.done $0x0  }
0x133: {  	s3 =	sadd.s32 $0x2F00, s8;
	[sflag:s28] =	ssyncadd.s32 $0xFFFFF000  }
0x134: {  	[spmem:s2] =	stream.indirect.scatter.add.f32 [tilespmem:s19], [sflag:$0x4], $0x20, s3, s14, $0xb8;
	[tilespmem:$0x1A000] =	vst v63  }
0x135: {  	_ =	swait.ge [sflag:s28], $0x1000  }
0x136: {  	[sflag:s28] =	ssyncset.done $0x0  }
0x137: {  	s3 =	sadd.s32 $0x2F80, s8;
	[sflag:s28] =	ssyncadd.s32 $0xFFFFF000  }
0x138: {  	[spmem:s2] =	stream.indirect.scatter.add.f32 [tilespmem:s21], [sflag:$0x4], $0x20, s3, s14, $0xb8;
	[tilespmem:$0x1A000] =	vst v63  }
0x139: {  	_ =	swait.ge [sflag:s5], $0x1000  }
0x13a: {  	[sflag:s5] =	ssyncset.done $0x0  }
0x13b: {  	[sflag:s5] =	ssyncadd.s32 $0xFFFFF000  }
0x13c: {  	_ =	swait.ge [sflag:s5], $0x1000  }
0x13d: {  	[sflag:s5] =	ssyncset.done $0x0  }
0x13e: {  	[sflag:s5] =	ssyncadd.s32 $0xFFFFF000  }
0x13f: {  	_ =	swait.ge [sflag:s5], $0x1000  }
0x140: {  	[sflag:s5] =	ssyncset.done $0x0  }
0x141: {  	[sflag:s5] =	ssyncadd.s32 $0xFFFFF000  }
0x142: {  	_ =	swait.ge [sflag:s5], $0x1000  }
0x143: {  	[sflag:s5] =	ssyncset.done $0x0  }
0x144: {  	[sflag:s5] =	ssyncadd.s32 $0xFFFFF000  }
0x145: {  	_ =	swait.ge [sflag:s5], $0x1000  }
0x146: {  	[sflag:s5] =	ssyncset.done $0x0  }
0x147: {  	[sflag:s5] =	ssyncadd.s32 $0xFFFFF000  }
0x148: {  	_ =	swait.ge [sflag:s5], $0x1000  }
0x149: {  	[sflag:s5] =	ssyncset.done $0x0  }
0x14a: {  	[sflag:s5] =	ssyncadd.s32 $0xFFFFF000  }
.Ltmp0:
0x14b: {  	_ =	swait.ge [sflag:s5], $0x1000;
	(pc) =	sbr.rel @p0 .LBB2_2-.Ltmp0, $4  }
0x14c: {  	[sflag:s5] =	ssyncset.done $0x0  }
0x14d: {  	[sflag:s5] =	ssyncadd.s32 $0xFFFFF000  }
0x14e: {  	_ =	swait.ge [sflag:s5], $0x1000  }
0x14f: {  	s8 =	sshra.s32 s9, $0x2;
	[sflag:s5] =	ssyncset.done $0x0  }
0x150: {  	s3 =	sadd.s32 $0x400, s8;
	[sflag:s5] =	ssyncadd.s32 $0xFFFFF000  }
0x151: {  	[tilespmem:s30], [sflag:$0x2] =	stream.indirect.gather [hbm4b:s4+s14], $0x20, s3, s14, $0xb8;
	[tilespmem:$0x1A000] =	vst v63  }
0x152: {  	s15 =	sadd.s32 $0x480, s8  }
0x153: {  	[tilespmem:s31], [sflag:$0x2] =	stream.indirect.gather [hbm4b:s4+s14], $0x20, s15, s14, $0xb8;
	[tilespmem:$0x1A000] =	vst v63  }
0x154: {  	s16 =	sadd.s32 $0x500, s8  }
0x155: {  	[tilespmem:s1], [sflag:$0x2] =	stream.indirect.gather [hbm4b:s4+s14], $0x20, s16, s14, $0xb8;
	[tilespmem:$0x1A000] =	vst v63  }
0x156: {  	s18 =	sadd.s32 $0x580, s8  }
0x157: {  	[tilespmem:s0], [sflag:$0x2] =	stream.indirect.gather [hbm4b:s4+s14], $0x20, s18, s14, $0xb8;
	[tilespmem:$0x1A000] =	vst v63  }
0x158: {  	s6 =	sadd.s32 $0x600, s8  }
0x159: {  	[tilespmem:s13], [sflag:$0x2] =	stream.indirect.gather [hbm4b:s4+s14], $0x20, s6, s14, $0xb8;
	[tilespmem:$0x1A000] =	vst v63  }
0x15a: {  	s7 =	sadd.s32 $0x680, s8  }
0x15b: {  	[tilespmem:s17], [sflag:$0x2] =	stream.indirect.gather [hbm4b:s4+s14], $0x20, s7, s14, $0xb8;
	[tilespmem:$0x1A000] =	vst v63  }
0x15c: {  	s10 =	sadd.s32 $0x700, s8  }
0x15d: {  	[tilespmem:s19], [sflag:$0x2] =	stream.indirect.gather [hbm4b:s4+s14], $0x20, s10, s14, $0xb8;
	[tilespmem:$0x1A000] =	vst v63  }
0x15e: {  	s11 =	sadd.s32 $0x780, s8  }
0x15f: {  	[tilespmem:s21], [sflag:$0x2] =	stream.indirect.gather [hbm4b:s4+s14], $0x20, s11, s14, $0xb8;
	[tilespmem:$0x1A000] =	vst v63  }
0x160: {  	_ =	swait.ge [sflag:s23], $0x1000  }
0x161: {  	[sflag:s23] =	ssyncset.done $0x0  }
0x162: {  	s12 =	sadd.s32 $0x2800, s8;
	[sflag:s23] =	ssyncadd.s32 $0xFFFFF000  }
0x163: {  	[spmem:s2] =	stream.indirect.scatter.add.f32 [tilespmem:s20], [sflag:$0x3], $0x20, s12, s14, $0xb8;
	[tilespmem:$0x1A000] =	vst v63  }
0x164: {  	_ =	swait.ge [sflag:s23], $0x1000  }
0x165: {  	[sflag:s23] =	ssyncset.done $0x0  }
0x166: {  	s15 =	sadd.s32 $0x2880, s8;
	[sflag:s23] =	ssyncadd.s32 $0xFFFFF000  }
0x167: {  	[spmem:s2] =	stream.indirect.scatter.add.f32 [tilespmem:s22], [sflag:$0x3], $0x20, s15, s14, $0xb8;
	[tilespmem:$0x1A000] =	vst v63  }
0x168: {  	_ =	swait.ge [sflag:s23], $0x1000  }
0x169: {  	[sflag:s23] =	ssyncset.done $0x0  }
0x16a: {  	s16 =	sadd.s32 $0x2900, s8;
	[sflag:s23] =	ssyncadd.s32 $0xFFFFF000  }
0x16b: {  	[spmem:s2] =	stream.indirect.scatter.add.f32 [tilespmem:s24], [sflag:$0x3], $0x20, s16, s14, $0xb8;
	[tilespmem:$0x1A000] =	vst v63  }
0x16c: {  	_ =	swait.ge [sflag:s23], $0x1000  }
0x16d: {  	[sflag:s23] =	ssyncset.done $0x0  }
0x16e: {  	s18 =	sadd.s32 $0x2980, s8;
	[sflag:s23] =	ssyncadd.s32 $0xFFFFF000  }
0x16f: {  	[spmem:s2] =	stream.indirect.scatter.add.f32 [tilespmem:s26], [sflag:$0x3], $0x20, s18, s14, $0xb8;
	[tilespmem:$0x1A000] =	vst v63  }
0x170: {  	_ =	swait.ge [sflag:s23], $0x1000  }
0x171: {  	[sflag:s23] =	ssyncset.done $0x0  }
0x172: {  	s6 =	sadd.s32 $0x2A00, s8;
	[sflag:s23] =	ssyncadd.s32 $0xFFFFF000  }
0x173: {  	[spmem:s2] =	stream.indirect.scatter.add.f32 [tilespmem:s29], [sflag:$0x3], $0x20, s6, s14, $0xb8;
	[tilespmem:$0x1A000] =	vst v63  }
0x174: {  	_ =	swait.ge [sflag:s23], $0x1000  }
0x175: {  	[sflag:s23] =	ssyncset.done $0x0  }
0x176: {  	s7 =	sadd.s32 $0x2A80, s8;
	s6 =	simm.s32 $0xA000;
	[sflag:s23] =	ssyncadd.s32 $0xFFFFF000  }
0x177: {  	[spmem:s2] =	stream.indirect.scatter.add.f32 [tilespmem:s6], [sflag:$0x3], $0x20, s7, s14, $0xb8;
	[tilespmem:$0x1A000] =	vst v63  }
0x178: {  	_ =	swait.ge [sflag:s23], $0x1000  }
0x179: {  	[sflag:s23] =	ssyncset.done $0x0  }
0x17a: {  	s10 =	sadd.s32 $0x2B00, s8;
	s11 =	simm.s32 $0xB000;
	[sflag:s23] =	ssyncadd.s32 $0xFFFFF000  }
0x17b: {  	[spmem:s2] =	stream.indirect.scatter.add.f32 [tilespmem:s11], [sflag:$0x3], $0x20, s10, s14, $0xb8;
	[tilespmem:$0x1A000] =	vst v63  }
0x17c: {  	_ =	swait.ge [sflag:s23], $0x1000  }
0x17d: {  	[sflag:s23] =	ssyncset.done $0x0  }
0x17e: {  	s12 =	sadd.s32 $0x2B80, s8;
	s15 =	simm.s32 $0xC000;
	[sflag:s23] =	ssyncadd.s32 $0xFFFFF000  }
0x17f: {  	[spmem:s2] =	stream.indirect.scatter.add.f32 [tilespmem:s15], [sflag:$0x3], $0x20, s12, s14, $0xb8;
	[tilespmem:$0x1A000] =	vst v63  }
0x180: {  	_ =	swait.ge [sflag:s25], $0x1000  }
0x181: {  	[sflag:s25] =	ssyncset.done $0x0  }
0x182: {  	[sflag:s25] =	ssyncadd.s32 $0xFFFFF000  }
0x183: {  	_ =	swait.ge [sflag:s25], $0x1000  }
0x184: {  	[sflag:s25] =	ssyncset.done $0x0  }
0x185: {  	[sflag:s25] =	ssyncadd.s32 $0xFFFFF000  }
0x186: {  	_ =	swait.ge [sflag:s25], $0x1000  }
0x187: {  	[sflag:s25] =	ssyncset.done $0x0  }
0x188: {  	[sflag:s25] =	ssyncadd.s32 $0xFFFFF000  }
0x189: {  	_ =	swait.ge [sflag:s25], $0x1000  }
0x18a: {  	[sflag:s25] =	ssyncset.done $0x0  }
0x18b: {  	[sflag:s25] =	ssyncadd.s32 $0xFFFFF000  }
0x18c: {  	_ =	swait.ge [sflag:s25], $0x1000  }
0x18d: {  	[sflag:s25] =	ssyncset.done $0x0  }
0x18e: {  	[sflag:s25] =	ssyncadd.s32 $0xFFFFF000  }
0x18f: {  	_ =	swait.ge [sflag:s25], $0x1000  }
0x190: {  	[sflag:s25] =	ssyncset.done $0x0  }
0x191: {  	[sflag:s25] =	ssyncadd.s32 $0xFFFFF000  }
0x192: {  	_ =	swait.ge [sflag:s25], $0x1000  }
0x193: {  	[sflag:s25] =	ssyncset.done $0x0  }
0x194: {  	[sflag:s25] =	ssyncadd.s32 $0xFFFFF000  }
0x195: {  	p0 =	seq.s32 s9, $0x8000;
	_ =	swait.ge [sflag:s25], $0x1000  }
0x196: {  	s3 =	sshra.s32 @!p0 s9, $0x2;
	s9 =	simm.s32 @!p0 $0x80;
	[sflag:s25] =	ssyncset.done $0x0  }
0x197: {  	s6 =	simm.s32 @!p0 $0x5000;
	s7 =	sadd.s32 @!p0 $0x800, s3;
	[sflag:s25] =	ssyncadd.s32 $0xFFFFF000  }
0x198: {  	[tilespmem:s6], [sflag:$0x1] =	stream.indirect.gather @!p0 [hbm4b:s4+s9], $0x20, s7, s9, $0xb8;
	[tilespmem:$0x1A000] =	vst v63  }
0x199: {  	s6 =	sadd.s32 @!p0 $0x880, s3;
	s7 =	simm.s32 @!p0 $0x6000  }
0x19a: {  	[tilespmem:s7], [sflag:$0x1] =	stream.indirect.gather @!p0 [hbm4b:s4+s9], $0x20, s6, s9, $0xb8;
	[tilespmem:$0x1A000] =	vst v63  }
0x19b: {  	s6 =	sadd.s32 @!p0 $0x900, s3;
	s7 =	simm.s32 @!p0 $0x7000  }
0x19c: {  	[tilespmem:s7], [sflag:$0x1] =	stream.indirect.gather @!p0 [hbm4b:s4+s9], $0x20, s6, s9, $0xb8;
	[tilespmem:$0x1A000] =	vst v63  }
0x19d: {  	s6 =	sadd.s32 @!p0 $0x980, s3;
	s7 =	simm.s32 @!p0 $0x8000  }
0x19e: {  	[tilespmem:s7], [sflag:$0x1] =	stream.indirect.gather @!p0 [hbm4b:s4+s9], $0x20, s6, s9, $0xb8;
	[tilespmem:$0x1A000] =	vst v63  }
0x19f: {  	s6 =	sadd.s32 @!p0 $0xA00, s3;
	s7 =	simm.s32 @!p0 $0x9000  }
0x1a0: {  	[tilespmem:s7], [sflag:$0x1] =	stream.indirect.gather @!p0 [hbm4b:s4+s9], $0x20, s6, s9, $0xb8;
	[tilespmem:$0x1A000] =	vst v63  }
0x1a1: {  	s6 =	sadd.s32 @!p0 $0xA80, s3;
	s7 =	simm.s32 @!p0 $0xA000  }
0x1a2: {  	[tilespmem:s7], [sflag:$0x1] =	stream.indirect.gather @!p0 [hbm4b:s4+s9], $0x20, s6, s9, $0xb8;
	[tilespmem:$0x1A000] =	vst v63  }
0x1a3: {  	s6 =	sadd.s32 @!p0 $0xB00, s3;
	s7 =	simm.s32 @!p0 $0xB000  }
0x1a4: {  	[tilespmem:s7], [sflag:$0x1] =	stream.indirect.gather @!p0 [hbm4b:s4+s9], $0x20, s6, s9, $0xb8;
	[tilespmem:$0x1A000] =	vst v63  }
0x1a5: {  	s3 =	sadd.s32 @!p0 $0xB80, s3;
	s6 =	simm.s32 @!p0 $0xC000  }
0x1a6: {  	[tilespmem:s6], [sflag:$0x1] =	stream.indirect.gather @!p0 [hbm4b:s4+s9], $0x20, s3, s9, $0xb8;
	[tilespmem:$0x1A000] =	vst v63  }
0x1a7: {  	_ =	swait.ge [sflag:s28], $0x1000  }
0x1a8: {  	[sflag:s28] =	ssyncset.done $0x0  }
0x1a9: {  	s16 =	sadd.s32 $0x2C00, s8;
	[sflag:s28] =	ssyncadd.s32 $0xFFFFF000  }
0x1aa: {  	[spmem:s2] =	stream.indirect.scatter.add.f32 [tilespmem:s30], [sflag:$0x4], $0x20, s16, s14, $0xb8;
	[tilespmem:$0x1A000] =	vst v63  }
0x1ab: {  	_ =	swait.ge [sflag:s28], $0x1000  }
0x1ac: {  	[sflag:s28] =	ssyncset.done $0x0  }
0x1ad: {  	s18 =	sadd.s32 $0x2C80, s8;
	[sflag:s28] =	ssyncadd.s32 $0xFFFFF000  }
0x1ae: {  	[spmem:s2] =	stream.indirect.scatter.add.f32 [tilespmem:s31], [sflag:$0x4], $0x20, s18, s14, $0xb8;
	[tilespmem:$0x1A000] =	vst v63  }
0x1af: {  	_ =	swait.ge [sflag:s28], $0x1000  }
0x1b0: {  	[sflag:s28] =	ssyncset.done $0x0  }
0x1b1: {  	s6 =	sadd.s32 $0x2D00, s8;
	[sflag:s28] =	ssyncadd.s32 $0xFFFFF000  }
0x1b2: {  	[spmem:s2] =	stream.indirect.scatter.add.f32 [tilespmem:s1], [sflag:$0x4], $0x20, s6, s14, $0xb8;
	[tilespmem:$0x1A000] =	vst v63  }
0x1b3: {  	_ =	swait.ge [sflag:s28], $0x1000  }
0x1b4: {  	[sflag:s28] =	ssyncset.done $0x0  }
0x1b5: {  	s7 =	sadd.s32 $0x2D80, s8;
	[sflag:s28] =	ssyncadd.s32 $0xFFFFF000  }
0x1b6: {  	[spmem:s2] =	stream.indirect.scatter.add.f32 [tilespmem:s0], [sflag:$0x4], $0x20, s7, s14, $0xb8;
	[tilespmem:$0x1A000] =	vst v63  }
0x1b7: {  	_ =	swait.ge [sflag:s28], $0x1000  }
0x1b8: {  	[sflag:s28] =	ssyncset.done $0x0  }
0x1b9: {  	s9 =	sadd.s32 $0x2E00, s8;
	[sflag:s28] =	ssyncadd.s32 $0xFFFFF000  }
0x1ba: {  	[spmem:s2] =	stream.indirect.scatter.add.f32 [tilespmem:s13], [sflag:$0x4], $0x20, s9, s14, $0xb8;
	[tilespmem:$0x1A000] =	vst v63  }
0x1bb: {  	_ =	swait.ge [sflag:s28], $0x1000  }
0x1bc: {  	[sflag:s28] =	ssyncset.done $0x0  }
0x1bd: {  	s10 =	sadd.s32 $0x2E80, s8;
	[sflag:s28] =	ssyncadd.s32 $0xFFFFF000  }
0x1be: {  	[spmem:s2] =	stream.indirect.scatter.add.f32 [tilespmem:s17], [sflag:$0x4], $0x20, s10, s14, $0xb8;
	[tilespmem:$0x1A000] =	vst v63  }
0x1bf: {  	_ =	swait.ge [sflag:s28], $0x1000  }
0x1c0: {  	[sflag:s28] =	ssyncset.done $0x0  }
0x1c1: {  	s11 =	sadd.s32 $0x2F00, s8;
	[sflag:s28] =	ssyncadd.s32 $0xFFFFF000  }
0x1c2: {  	[spmem:s2] =	stream.indirect.scatter.add.f32 [tilespmem:s19], [sflag:$0x4], $0x20, s11, s14, $0xb8;
	[tilespmem:$0x1A000] =	vst v63  }
0x1c3: {  	_ =	swait.ge [sflag:s28], $0x1000  }
0x1c4: {  	[sflag:s28] =	ssyncset.done $0x0  }
0x1c5: {  	s12 =	sadd.s32 $0x2F80, s8;
	[sflag:s28] =	ssyncadd.s32 $0xFFFFF000  }
0x1c6: {  	[spmem:s2] =	stream.indirect.scatter.add.f32 [tilespmem:s21], [sflag:$0x4], $0x20, s12, s14, $0xb8;
	[tilespmem:$0x1A000] =	vst v63  }
0x1c7: {  	_ =	swait.ge [sflag:s5], $0x1000  }
0x1c8: {  	[sflag:s5] =	ssyncset.done $0x0  }
0x1c9: {  	[sflag:s5] =	ssyncadd.s32 $0xFFFFF000  }
0x1ca: {  	_ =	swait.ge [sflag:s5], $0x1000  }
0x1cb: {  	[sflag:s5] =	ssyncset.done $0x0  }
0x1cc: {  	[sflag:s5] =	ssyncadd.s32 $0xFFFFF000  }
0x1cd: {  	_ =	swait.ge [sflag:s5], $0x1000  }
0x1ce: {  	[sflag:s5] =	ssyncset.done $0x0  }
0x1cf: {  	[sflag:s5] =	ssyncadd.s32 $0xFFFFF000  }
0x1d0: {  	_ =	swait.ge [sflag:s5], $0x1000  }
0x1d1: {  	[sflag:s5] =	ssyncset.done $0x0  }
0x1d2: {  	[sflag:s5] =	ssyncadd.s32 $0xFFFFF000  }
0x1d3: {  	_ =	swait.ge [sflag:s5], $0x1000  }
0x1d4: {  	[sflag:s5] =	ssyncset.done $0x0  }
0x1d5: {  	[sflag:s5] =	ssyncadd.s32 $0xFFFFF000  }
0x1d6: {  	_ =	swait.ge [sflag:s5], $0x1000  }
0x1d7: {  	[sflag:s5] =	ssyncset.done $0x0  }
0x1d8: {  	[sflag:s5] =	ssyncadd.s32 $0xFFFFF000  }
0x1d9: {  	_ =	swait.ge [sflag:s5], $0x1000  }
0x1da: {  	[sflag:s5] =	ssyncset.done $0x0  }
0x1db: {  	[sflag:s5] =	ssyncadd.s32 $0xFFFFF000  }
0x1dc: {  	_ =	swait.ge [sflag:s5], $0x1000  }
0x1dd: {  	[sflag:s5] =	ssyncset.done $0x0  }
0x1de: {  	[sflag:s5] =	ssyncadd.s32 $0xFFFFF000  }
0x1df: {  	[bflag:$0x0] =	sbarrier.arrive $0xFFFF  }
0x1e0: {  	s6 =	rddreg [dreg:$0x4]  }
0x1e1: {  	s15 =	rddreg [dreg:$0x7]  }
0x1e2: {  	s8 =	simm.s32 $0x5;
	s7 =	rddreg [dreg:$0x9]  }
0x1e3: {  	[hbm:s15], [sflag:s6] =	dma.local [spmem:s7], $0xA00  }
0x1e4: {  	_ =	swait.ge [sflag:s8], $0xA00  }
0x1e5: {  	s16 =	rddreg [dreg:$0xa]  }
0x1e6: {  	s18 =	rddreg [dreg:$0x8];
	s9 =	sadd.s32 $0x1, s16  }
0x1e7: {  	p0 =	sne.s32 s9, s18  }
.Ltmp1:
0x1e8: {  	_ = 	snop;
	(pc) =	sbr.rel @p0 .LBB2_1-.Ltmp1, $3  }
0x1e9: {  	_ =	sdelay $0x1  }
0x1ea: {  	[sflag:s8] =	ssyncset.done $0x0  }
0x1eb: {  	[sflag:s8] =	ssyncadd.s32 $0xFFFFF600  }
0x1ec: {  	_ =	sfence.sel $0x180000  }
0x1ed: {  	[bflag:$0x0] =	sbarrier.arrive $0xFFFF  }
0x1ee: {  	_ =	strace $0x9000004A  }
0x1ef: {  	s0 =	stileid.u32;
	[bflag:$0x2] =	sbarrier.arrive $0xFFFF  }
0x1f0: {  	p0 =	sne.s32 s0, $0x0;
	s0 =	rddreg [dreg:$0x2]  }
0x1f1: {  	s0 =	sadd.s32 @!p0 $0x100000, s0  }
0x1f2: {  	[sflag:s0] =	ssyncadd.tile.s32 @!p0 $0x1;
	_ =	shalt  }
.Lfunc_end2:
_tile_overlayer_lowered:
.L_overlay_start_2:
0x1f3: {  	(tag) =	ssettag $0x2  }
0x1f4: {  	s0 =	rddreg [dreg:$0x0];
	s2 =	stileid.u32  }
0x1f5: {  	s1 =	rddreg [dreg:$0x1];
	p0 =	sne.s32 s2, $0x0  }
0x1f6: {  	s3 =	rddreg [dreg:$0x2];
	[bflag:$0x3] =	sbarrier.arrive $0xFFFF;
	s2 =	simm.s32 @!p0 $0x1C05  }
0x1f7: {  	[timem:s3], [sflag:s2] =	dma.local @!p0 [hbm:s0], s1  }
0x1f8: {  	s0 =	simm.s32 @!p0 $0x5  }
0x1f9: {  	_ =	swait.ge @!p0 [sflag:s0], s1  }
0x1fa: {  	s1 =	ssub.s32 @!p0 $0x0, s1;
	[sflag:s0] =	ssyncset.done @!p0 $0x0  }
0x1fb: {  	[sflag:s0] =	ssyncadd.s32 @!p0 s1  }
0x1fc: {  	[bflag:$0x3] =	sbarrier.arrive $0xFFFF  }
0x1fd: {  	_ =	shalt  }

// kernel: kernel.14.cloned.1.call-start
scs
__scs_entry_jumppad:
0x0: {  	(pc) =	sbr.rel $0x88, $3  }
0x1: {  	(tag) =	ssettag $0x0;
	lr =	simm.s32 $0x1  }
0x2: {  	[smem:$0x3F99] =	sst lr;
	_ =	strace $0xD0000000  }
0x3: {  	_ = 	snop  }
0x4: {  	_ = 	snop  }
0x5: {  	_ = 	snop  }
0x6: {  	_ = 	snop  }
0x7: {  	_ = 	snop  }
__scs_overlays_trampoline_lowered:
0x8: {  	[smem:$0x3FA8] =	sst s0  }
0x9: {  	[smem:$0x3FA9] =	sst s1  }
0xa: {  	[smem:$0x3FAA] =	sst s2  }
0xb: {  	[smem:$0x3FAB] =	sst s3  }
0xc: {  	[smem:$0x3FAC] =	sst s4  }
0xd: {  	[smem:$0x3FAD] =	sst s5  }
0xe: {  	[smem:$0x3FAE] =	sst s6  }
0xf: {  	[smem:$0x3FAF] =	sst s7  }
0x10: {  	[smem:$0x3FB0] =	sst s8  }
0x11: {  	[smem:$0x3FB1] =	sst s9;
	s0 =	simm.s32 @!p0 $0x0  }
0x12: {  	s1 =	sld [smem:$0x3F97];
	s0 =	simm.s32 @p0 $0x1  }
0x13: {  	[smem:$0x3FB2] =	sst s0;
	s0 =	simm.s32 @!p1 $0x0  }
0x14: {  	s2 =	sld [smem:$0x3F96];
	s0 =	simm.s32 @p1 $0x1  }
0x15: {  	[smem:$0x3FB3] =	sst s0;
	s0 =	simm.s32 @!p2 $0x0  }
0x16: {  	s3 =	sld [smem:$0x3FDB];
	s0 =	simm.s32 @p2 $0x1  }
0x17: {  	s4 =	simm.s32 $0x1BF5;
	[smem:$0x3FB5] =	sst s0  }
0x18: {  	s0 =	sld [smem:$0x3F98];
	_ =	swait.ge [sflag:s4], $0x0  }
0x19: {  	s7 =	sld [smem:$0x3F99]  }
0x1a: {  	s8 =	sadd.s32 $0xFFFFE003, lr  }
0x1b: {  	s9 =	sadd.s32 $0xFFFFFEF7, lr;
	s5 =	simm.s32 $0xFFFFFFFF;
	p2 =	slt.u32 s8, $0xFFFFF086  }
0x1c: {  	p1 =	slt.u32 s9, $0xF7A;
	s5 =	simm.s32 @!p2 $0x0  }
0x1d: {  	s5 =	simm.s32 @p1 $0x1;
	p0 =	seq.s32 s7, s2  }
0x1e: {  	s7 =	smul.u32 @!p0 $0xF7A, s2;
	p2 =	seq.s32 @!p0 s5, $0x0  }
0x1f: {  	s9 =	smul.u32 $0xF7A, s1;
	s8 =	simm.s32 @!p0 $0x1BF5;
	p2 =	por !p2, p0  }
0x20: {  	[sflag:s8] =	ssyncset.s32 @!p0 $0xFFFFF086;
	s6 =	sadd.s32 @!p0 s3, s7;
	s7 =	simm.s32 @!p0 $0x108  }
0x21: {  	s3 =	sadd.s32 s3, s9;
	s6 =	sadd.s32 @!p0 $0x88, s6;
	s7 =	simm.s32 @p2 $0x1082  }
0x22: {  	[simem:s7], [sflag:s8] =	dma.local @!p0 [hbm:s6], $0xF7A  }
0x23: {  	s9 =	sor.u32 $0xD0000000, s2;
	s6 =	simm.s32 $0x108;
	_ =	swait.ge @!p0 [sflag:s8], $0x0  }
0x24: {  	s3 =	sadd.s32 $0x88, s3;
	s6 =	simm.s32 @!p1 $0x1082;
	[sflag:s4] =	ssyncset.s32 $0xFFFFF086  }
0x25: {  	[simem:s6], [sflag:s4] =	dma.local [hbm:s3], $0xF7A  }
0x26: {  	[smem:$0x3F99] =	sst s1;
	(tag) =	ssettag s2;
	_ =	strace s9  }
0x27: {  	s1 =	sld [smem:$0x3FA9]  }
0x28: {  	s2 =	sld [smem:$0x3FAA]  }
0x29: {  	s4 =	sld [smem:$0x3FAC]  }
0x2a: {  	p0 =	seq.s32 s5, $0x0;
	s5 =	sld [smem:$0x3FAD]  }
0x2b: {  	s6 =	sld [smem:$0x3FAE]  }
0x2c: {  	s7 =	sld [smem:$0x3FAF]  }
0x2d: {  	s3 =	simm.s32 $0x108;
	s8 =	sld [smem:$0x3FB0]  }
0x2e: {  	s3 =	simm.s32 @!p0 $0x1082;
	s9 =	sld [smem:$0x3FB1]  }
0x2f: {  	lr =	sadd.s32 s0, s3;
	s0 =	sld [smem:$0x3FA8]  }
0x30: {  	s3 =	sld [smem:$0x3FAB]  }
0x31: {  	[smem:$0x3FB4] =	sst s10  }
0x32: {  	s10 =	sld [smem:$0x3FB2];
	_ =	sdelay $0x3  }
0x33: {  	p0 =	seq.s32 s10, $0x1;
	s10 =	sld [smem:$0x3FB4];
	_ =	sdelay $0x3  }
0x34: {  	[smem:$0x3FB4] =	sst s10  }
0x35: {  	s10 =	sld [smem:$0x3FB3];
	_ =	sdelay $0x3  }
0x36: {  	p1 =	seq.s32 s10, $0x1;
	s10 =	sld [smem:$0x3FB4];
	_ =	sdelay $0x3  }
0x37: {  	[smem:$0x3FB4] =	sst s10  }
0x38: {  	s10 =	sld [smem:$0x3FB5]  }
0x39: {  	_ = 	snop;
	(pc) =	sbr.ind lr, $3  }
0x3a: {  	_ = 	snop  }
0x3b: {  	_ = 	snop  }
0x3c: {  	p2 =	seq.s32 s10, $0x1;
	s10 =	sld [smem:$0x3FB4]  }
0x3d: {  	_ =	shalt  }
0x3e: {  	_ =	shalt  }
0x3f: {  	_ =	shalt  }
0x40: {  	_ =	shalt  }
0x41: {  	_ =	shalt  }
0x42: {  	_ =	shalt  }
0x43: {  	_ =	shalt  }
0x44: {  	_ =	shalt  }
0x45: {  	_ =	shalt  }
0x46: {  	_ =	shalt  }
0x47: {  	_ =	shalt  }
0x48: {  	_ =	shalt  }
0x49: {  	_ =	shalt  }
0x4a: {  	_ =	shalt  }
0x4b: {  	_ =	shalt  }
0x4c: {  	_ =	shalt  }
0x4d: {  	_ =	shalt  }
0x4e: {  	_ =	shalt  }
0x4f: {  	_ =	shalt  }
0x50: {  	_ =	shalt  }
0x51: {  	_ =	shalt  }
0x52: {  	_ =	shalt  }
0x53: {  	_ =	shalt  }
0x54: {  	_ =	shalt  }
0x55: {  	_ =	shalt  }
0x56: {  	_ =	shalt  }
0x57: {  	_ =	shalt  }
0x58: {  	_ =	shalt  }
0x59: {  	_ =	shalt  }
0x5a: {  	_ =	shalt  }
0x5b: {  	_ =	shalt  }
0x5c: {  	_ =	shalt  }
0x5d: {  	_ =	shalt  }
0x5e: {  	_ =	shalt  }
0x5f: {  	_ =	shalt  }
0x60: {  	_ =	shalt  }
0x61: {  	_ =	shalt  }
0x62: {  	_ =	shalt  }
0x63: {  	_ =	shalt  }
0x64: {  	_ =	shalt  }
0x65: {  	_ =	shalt  }
0x66: {  	_ =	shalt  }
0x67: {  	_ =	shalt  }
0x68: {  	_ =	shalt  }
0x69: {  	_ =	shalt  }
0x6a: {  	_ =	shalt  }
0x6b: {  	_ =	shalt  }
0x6c: {  	_ =	shalt  }
0x6d: {  	_ =	shalt  }
0x6e: {  	_ =	shalt  }
0x6f: {  	_ =	shalt  }
0x70: {  	_ =	shalt  }
0x71: {  	_ =	shalt  }
0x72: {  	_ =	shalt  }
0x73: {  	_ =	shalt  }
0x74: {  	_ =	shalt  }
0x75: {  	_ =	shalt  }
0x76: {  	_ =	shalt  }
0x77: {  	_ =	shalt  }
0x78: {  	_ =	shalt  }
0x79: {  	_ =	shalt  }
0x7a: {  	_ =	shalt  }
0x7b: {  	_ =	shalt  }
0x7c: {  	_ =	shalt  }
0x7d: {  	_ =	shalt  }
0x7e: {  	_ =	shalt  }
0x7f: {  	_ =	shalt  }
0x80: {  	_ =	shalt  }
0x81: {  	_ =	shalt  }
0x82: {  	_ =	shalt  }
0x83: {  	_ =	shalt  }
0x84: {  	_ =	shalt  }
0x85: {  	_ =	shalt  }
0x86: {  	_ =	shalt  }
0x87: {  	_ =	shalt  }
.Lfunc_end0:
.L_simem_size_0:
called_computation.2_lowered:
.L_overlay_start_0:
0x88: {  	s2 =	sld [smem:$0x3FD9]  }
0x89: {  	s3 =	sld [smem:$0x3FFE];
	_ =	sdelay $0x1  }
0x8a: {  	s1 =	srdreg.scid  }
0x8b: {  	s0 =	sand.u32 $0x1, s1  }
0x8c: {  	s17 =	sshll.u32 s0, $0xA;
	s2 =	sadd.s32 s3, s2  }
0x8d: {  	s2 =	sadd.s32 s2, s17  }
0x8e: {  	[smem:$0x3FC0] =	sst s2  }
0x8f: {  	_ = 	snop  }
0x90: {  	s2 =	sld [smem:$0x3FD0];
	(tm) =	ssettm $0x1  }
0x91: {  	s18 =	sld [smem:$0x3FFB];
	_ =	sdelay $0x3  }
0x92: {  	_ =	strace s18  }
0x93: {  	s3 =	sld [smem:$0x3FFC];
	_ =	sdelay $0x3  }
0x94: {  	_ =	strace s3  }
0x95: {  	s3 =	sld [smem:$0x3FFD];
	_ =	sdelay $0x3  }
0x96: {  	_ =	strace s3  }
0x97: {  	_ =	strace $0x8FFFFFFF  }
0x98: {  	s19 =	sld [smem:$0x3FDB];
	_ =	sdelay $0x1  }
0x99: {  	s4 =	simm.s32 $_scs_section_size  }
0x9a: {  	s5 =	simm.s32 $_size__tile_overlayer_lowered;
	s6 =	simm.s32 $_tile_overlayer_lowered  }
0x9b: {  	s22 =	simm.s32 $0x1BFF;
	s21 =	sshll.u32 s6, $0x1;
	s3 =	sadd.s32 s4, s19  }
0x9c: {  	s7 =	simm.s32 $0x0;
	s20 =	sshll.u32 s5, $0x1;
	s5 =	sadd.s32 s21, s3  }
0x9d: {  	[timem:s7], [sflag:s22] =	dma.local [hbm:s5], s20  }
0x9e: {  	_ =	swait.ge [sflag:s22], s20  }
0x9f: {  	s4 =	ssub.s32 $0x0, s20;
	[sflag:s22] =	ssyncset.done $0x0  }
0xa0: {  	[sflag:s22] =	ssyncadd.s32 s4;
	_ =	sdelay $0x1  }
0xa1: {  	s23 =	simm.s32 $0x1B8B  }
0xa2: {  	_ =	swait.ge [sflag:s23], $0x1  }
0xa3: {  	[sflag:s23] =	ssyncset.done $0x0  }
0xa4: {  	s25 =	simm.s32 $0x1B8E;
	s24 =	sld [smem:$0x3FFE];
	[sflag:s23] =	ssyncadd.s32 $0xFFFFFFFF  }
0xa5: {  	s26 =	simm.s32 $execute0_lowered;
	[smem:$0x3FD2] =	sst s25  }
0xa6: {  	s5 =	sshll.u32 s26, $0x1;
	_ =	strace $0x8000004C;
	[dreg:$0x1] =	wrdreg $0xFFFFFFFF  }
0xa7: {  	s28 =	simm.s32 $_size_execute0_lowered;
	s3 =	sadd.s32 s3, s5;
	[dreg:$0x0] =	wrdreg $0x0  }
0xa8: {  	s5 =	sshll.u32 s28, $0x1;
	[dreg:$0x2] =	wrdreg s3  }
0xa9: {  	[dreg:$0x3] =	wrdreg s5  }
0xaa: {  	[dreg:$0x4] =	wrdreg $0xC0  }
0xab: {  	_ =	task [dreg:s7], $0x5FFFF  }
0xac: {  	[dreg:$0x1] =	wrdreg $0xFFFFFFFF  }
0xad: {  	[dreg:$0x0] =	wrdreg $0x60  }
0xae: {  	[dreg:$0x2] =	wrdreg s24  }
0xaf: {  	[dreg:$0x3] =	wrdreg s2  }
0xb0: {  	[dreg:$0x4] =	wrdreg $0xA0000  }
0xb1: {  	[dreg:$0x5] =	wrdreg $0x9  }
0xb2: {  	_ =	task.clear_ibuf [dreg:s7], $0x6FFFF;
	_ =	strace $0x9000004C  }
0xb3: {  	s29 =	simm.s32 $0x9;
	_ =	strace $0x8000004E  }
0xb4: {  	_ =	swait.ge [sflag:s29], $0x1  }
0xb5: {  	[sflag:s29] =	ssyncadd.s32 $0xFFFFFFFF  }
0xb6: {  	_ =	strace $0x9000004E  }
0xb7: {  	_ =	sfence  }
0xb8: {  	s30 =	sld [smem:$0x0];
	_ =	sdelay $0x2  }
0xb9: {  	s31 =	sshll.u32 s1, $0xD;
	s1 =	sshrl.u32 s1, $0x2  }
0xba: {  	s3 =	sand.u32 $0x4000, s31;
	s1 =	sadd.s32 s1, s30  }
0xbb: {  	s0 =	sor.u32 s3, s0;
	s1 =	sshll.u32 s1, $0x11  }
0xbc: {  	s0 =	sor.u32 s1, s0  }
0xbd: {  	s0 =	sadd.s32 $0x8F2B, s0  }
0xbe: {  	[sflag:s0] =	ssyncadd.remote.s32 $0x1  }
0xbf: {  	_ =	sfence.sel $0xFFFF  }
0xc0: {  	[dreg:$0x0] =	wrdreg $0xFFFFFFFF;
	(pc) =	sbr.abs _section_cstart, $3  }
0xc1: {  	[dreg:$0x1] =	wrdreg $0xFFFFFFFF  }
0xc2: {  	_ =	task.clear_ibuf [dreg:s7], $0x2FFFF;
	_ =	strace $0x9FFFFFFF  }
0xc3: {  	(tm) =	ssettm $0x7FFFFFFF  }
tec
execute0_lowered:
.L_overlay_start_1:
0x0: {  	(tag) =	ssettag $0x1  }
0x1: {  	s0 =	srdreg.scid;
	s2 =	rddreg [dreg:$0x0]  }
0x2: {  	s7 =	stileid.u32;
	s3 =	rddreg [dreg:$0x2]  }
0x3: {  	s6 =	simm.s32 $0x0;
	s12 =	simm.s32 $0x5;
	s14 =	simm.s32 $0x80  }
0x4: {  	s13 =	simm.s32 $0x7C00;
	s17 =	simm.s32 $0x8000;
	s19 =	simm.s32 $0x8400  }
0x5: {  	s21 =	simm.s32 $0x8800;
	s28 =	simm.s32 $0x9400;
	s30 =	simm.s32 $0x9800  }
0x6: {  	s8 =	simm.s32 $0x3;
	s9 =	simm.s32 $0x2;
	s10 =	simm.s32 $0x4  }
0x7: {  	s29 =	simm.s32 $0x5000;
	s31 =	simm.s32 $0x5400;
	s0 =	sand.u32 $0x1, s0  }
0x8: {  	s1 =	sshll.u32 s7, $0x1;
	s4 =	smul.u32 $0x1400, s7;
	[smem:$0x7FF] =	sst s6  }
0x9: {  	s24 =	sshll.u32 s7, $0x6;
	s7 =	simm.s32 $0x1;
	s1 =	sor.u32 s0, s1  }
0xa: {  	s5 =	smul.u32 $0x14000, s0;
	_ =	strace $0x8000004D;
	s0 =	ssub.s32 $0x2, s0  }
0xb: {  	s6 =	sor.u32 $0x1C05, s24;
	s1 =	smul.u32 $0x2800, s1;
	s23 =	sshrl.u32 s0, $0x1  }
0xc: {  	[dreg:$0x4] =	wrdreg s6;
	s5 =	sadd.s32 s4, s5;
	s0 =	ssub.s32 s0, s23  }
0xd: {  	s4 =	sadd.s32 s4, s3;
	s23 =	simm.s32 $0x8C00;
	s1 =	sshrl.u32 s1, $0x3  }
0xe: {  	s22 =	sshrl.u32 s5, $0x3;
	s5 =	sadd.s32 $0x16400, s2;
	s0 =	smax.u32 s0, $0x1  }
0xf: {  	s11 =	sshrl.u32 s4, $0x3;
	s1 =	sadd.s32 s1, s2;
	[dreg:$0x8] =	wrdreg s0  }
0x10: {  	s2 =	sadd.s32 s22, s2;
	[dreg:$0x9] =	wrdreg s11;
	s25 =	sadd.s32 $0x2400, s1  }
0x11: {  	s0 =	simm.s32 $0x0;
	s1 =	sadd.s32 $0xC400, s1;
	[dreg:$0x5] =	wrdreg s25  }
0x12: {  	s26 =	sadd.s32 $0x18C00, s2;
	s2 =	simm.s32 $0x7800;
	[dreg:$0x6] =	wrdreg s1  }
0x13: {  	[dreg:$0x7] =	wrdreg s26;
	s25 =	simm.s32 $0x9000;
	s1 =	simm.s32 $0x9C00  }
.LBB2_1:
0x14: {  	[dreg:$0xa] =	wrdreg s0  }
0x15: {  	s4 =	rddreg [dreg:$0x1]  }
0x16: {  	[spmem:s11], [sflag:s6] =	dma.local [hbm:s4], $0x280  }
0x17: {  	_ =	swait.ge [sflag:s12], $0x280  }
0x18: {  	[sflag:s12] =	ssyncset.done $0x0  }
0x19: {  	s22 =	simm.s32 $0x0;
	s24 =	rddreg [dreg:$0x5];
	[sflag:s12] =	ssyncadd.s32 $0xFFFFFD80  }
0x1a: {  	[tilespmem:s22], [sflag:$0x5] =	stream.linear.gather [hbm4b:s24+s22], $0x2800, $0x38;
	[tilespmem:$0xB400] =	vst v63  }
0x1b: {  	_ =	swait.ge [sflag:s12], $0x2800  }
0x1c: {  	[sflag:s12] =	ssyncset.done $0x0  }
0x1d: {  	s0 =	simm.s32 $0x2800;
	s26 =	rddreg [dreg:$0x6];
	[sflag:s12] =	ssyncadd.s32 $0xFFFFD800  }
0x1e: {  	[tilespmem:s0], [sflag:$0x5] =	stream.linear.gather [hbm4b:s26+s22], $0x2800, $0x38;
	[tilespmem:$0xB400] =	vst v63  }
0x1f: {  	_ =	swait.ge [sflag:s12], $0x2800  }
0x20: {  	[sflag:s12] =	ssyncset.done $0x0  }
0x21: {  	[sflag:s12] =	ssyncadd.s32 $0xFFFFD800  }
0x22: {  	s6 =	simm.s32 $0x5000;
	[bflag:$0x0] =	sbarrier.arrive $0xFFFF  }
0x23: {  	[tilespmem:s6], [sflag:$0x1] =	stream.indirect.gather [hbm4b:s5+s14], $0x8, s22, s14, $0xb8;
	[tilespmem:$0xB400] =	vst v63  }
0x24: {  	s11 =	simm.s32 $0x5400  }
0x25: {  	[tilespmem:s11], [sflag:$0x1] =	stream.indirect.gather [hbm4b:s5+s14], $0x8, s14, s14, $0xb8;
	[tilespmem:$0xB400] =	vst v63  }
0x26: {  	s15 =	simm.s32 $0x100;
	s12 =	simm.s32 $0x5800  }
0x27: {  	[tilespmem:s12], [sflag:$0x1] =	stream.indirect.gather [hbm4b:s5+s14], $0x8, s15, s14, $0xb8;
	[tilespmem:$0xB400] =	vst v63  }
0x28: {  	s16 =	simm.s32 $0x180;
	s15 =	simm.s32 $0x5C00  }
0x29: {  	[tilespmem:s15], [sflag:$0x1] =	stream.indirect.gather [hbm4b:s5+s14], $0x8, s16, s14, $0xb8;
	[tilespmem:$0xB400] =	vst v63  }
0x2a: {  	s18 =	simm.s32 $0x200;
	s16 =	simm.s32 $0x6000  }
0x2b: {  	[tilespmem:s16], [sflag:$0x1] =	stream.indirect.gather [hbm4b:s5+s14], $0x8, s18, s14, $0xb8;
	[tilespmem:$0xB400] =	vst v63  }
0x2c: {  	s20 =	simm.s32 $0x280;
	s18 =	simm.s32 $0x6400  }
0x2d: {  	[tilespmem:s18], [sflag:$0x1] =	stream.indirect.gather [hbm4b:s5+s14], $0x8, s20, s14, $0xb8;
	[tilespmem:$0xB400] =	vst v63  }
0x2e: {  	s22 =	simm.s32 $0x300;
	s20 =	simm.s32 $0x6800  }
0x2f: {  	[tilespmem:s20], [sflag:$0x1] =	stream.indirect.gather [hbm4b:s5+s14], $0x8, s22, s14, $0xb8;
	[tilespmem:$0xB400] =	vst v63  }
0x30: {  	s24 =	simm.s32 $0x380;
	s22 =	simm.s32 $0x6C00  }
0x31: {  	[tilespmem:s22], [sflag:$0x1] =	stream.indirect.gather [hbm4b:s5+s14], $0x8, s24, s14, $0xb8;
	[tilespmem:$0xB400] =	vst v63  }
0x32: {  	s26 =	simm.s32 $0x400;
	s24 =	simm.s32 $0x7000  }
0x33: {  	[tilespmem:s24], [sflag:$0x1] =	stream.indirect.gather [hbm4b:s5+s14], $0x8, s26, s14, $0xb8;
	[tilespmem:$0xB400] =	vst v63  }
0x34: {  	s4 =	simm.s32 $0x480;
	s26 =	simm.s32 $0x7400  }
0x35: {  	[tilespmem:s26], [sflag:$0x1] =	stream.indirect.gather [hbm4b:s5+s14], $0x8, s4, s14, $0xb8;
	[tilespmem:$0xB400] =	vst v63  }
0x36: {  	s0 =	simm.s32 $0x500  }
0x37: {  	[tilespmem:s2], [sflag:$0x2] =	stream.indirect.gather [hbm4b:s5+s14], $0x8, s0, s14, $0xb8;
	[tilespmem:$0xB400] =	vst v63  }
0x38: {  	s0 =	simm.s32 $0x580  }
0x39: {  	[tilespmem:s13], [sflag:$0x2] =	stream.indirect.gather [hbm4b:s5+s14], $0x8, s0, s14, $0xb8;
	[tilespmem:$0xB400] =	vst v63  }
0x3a: {  	s0 =	simm.s32 $0x600  }
0x3b: {  	[tilespmem:s17], [sflag:$0x2] =	stream.indirect.gather [hbm4b:s5+s14], $0x8, s0, s14, $0xb8;
	[tilespmem:$0xB400] =	vst v63  }
0x3c: {  	s0 =	simm.s32 $0x680  }
0x3d: {  	[tilespmem:s19], [sflag:$0x2] =	stream.indirect.gather [hbm4b:s5+s14], $0x8, s0, s14, $0xb8;
	[tilespmem:$0xB400] =	vst v63  }
0x3e: {  	s0 =	simm.s32 $0x700  }
0x3f: {  	[tilespmem:s21], [sflag:$0x2] =	stream.indirect.gather [hbm4b:s5+s14], $0x8, s0, s14, $0xb8;
	[tilespmem:$0xB400] =	vst v63  }
0x40: {  	s0 =	simm.s32 $0x780  }
0x41: {  	[tilespmem:s23], [sflag:$0x2] =	stream.indirect.gather [hbm4b:s5+s14], $0x8, s0, s14, $0xb8;
	[tilespmem:$0xB400] =	vst v63  }
0x42: {  	s0 =	simm.s32 $0x800  }
0x43: {  	[tilespmem:s25], [sflag:$0x2] =	stream.indirect.gather [hbm4b:s5+s14], $0x8, s0, s14, $0xb8;
	[tilespmem:$0xB400] =	vst v63  }
0x44: {  	s0 =	simm.s32 $0x880  }
0x45: {  	[tilespmem:s28], [sflag:$0x2] =	stream.indirect.gather [hbm4b:s5+s14], $0x8, s0, s14, $0xb8;
	[tilespmem:$0xB400] =	vst v63  }
0x46: {  	s0 =	simm.s32 $0x900  }
0x47: {  	[tilespmem:s30], [sflag:$0x2] =	stream.indirect.gather [hbm4b:s5+s14], $0x8, s0, s14, $0xb8;
	[tilespmem:$0xB400] =	vst v63  }
0x48: {  	s0 =	simm.s32 $0x980  }
0x49: {  	[tilespmem:s1], [sflag:$0x2] =	stream.indirect.gather [hbm4b:s5+s14], $0x8, s0, s14, $0xb8;
	[tilespmem:$0xB400] =	vst v63  }
0x4a: {  	_ =	swait.ge [sflag:s7], $0x400  }
0x4b: {  	[sflag:s7] =	ssyncset.done $0x0  }
0x4c: {  	s0 =	simm.s32 $0x2800;
	[sflag:s7] =	ssyncadd.s32 $0xFFFFFC00  }
0x4d: {  	[spmem:s3] =	stream.indirect.scatter.add.f32 [tilespmem:s6], [sflag:$0x3], $0x8, s0, s14, $0xb8;
	[tilespmem:$0xB400] =	vst v63  }
0x4e: {  	_ =	swait.ge [sflag:s7], $0x400  }
0x4f: {  	[sflag:s7] =	ssyncset.done $0x0  }
0x50: {  	s6 =	simm.s32 $0x2880;
	[sflag:s7] =	ssyncadd.s32 $0xFFFFFC00  }
0x51: {  	[spmem:s3] =	stream.indirect.scatter.add.f32 [tilespmem:s11], [sflag:$0x3], $0x8, s6, s14, $0xb8;
	[tilespmem:$0xB400] =	vst v63  }
0x52: {  	_ =	swait.ge [sflag:s7], $0x400  }
0x53: {  	[sflag:s7] =	ssyncset.done $0x0  }
0x54: {  	s11 =	simm.s32 $0x2900;
	[sflag:s7] =	ssyncadd.s32 $0xFFFFFC00  }
0x55: {  	[spmem:s3] =	stream.indirect.scatter.add.f32 [tilespmem:s12], [sflag:$0x3], $0x8, s11, s14, $0xb8;
	[tilespmem:$0xB400] =	vst v63  }
0x56: {  	_ =	swait.ge [sflag:s7], $0x400  }
0x57: {  	[sflag:s7] =	ssyncset.done $0x0  }
0x58: {  	s12 =	simm.s32 $0x2980;
	[sflag:s7] =	ssyncadd.s32 $0xFFFFFC00  }
0x59: {  	[spmem:s3] =	stream.indirect.scatter.add.f32 [tilespmem:s15], [sflag:$0x3], $0x8, s12, s14, $0xb8;
	[tilespmem:$0xB400] =	vst v63  }
0x5a: {  	_ =	swait.ge [sflag:s7], $0x400  }
0x5b: {  	[sflag:s7] =	ssyncset.done $0x0  }
0x5c: {  	s15 =	simm.s32 $0x2A00;
	[sflag:s7] =	ssyncadd.s32 $0xFFFFFC00  }
0x5d: {  	[spmem:s3] =	stream.indirect.scatter.add.f32 [tilespmem:s16], [sflag:$0x3], $0x8, s15, s14, $0xb8;
	[tilespmem:$0xB400] =	vst v63  }
0x5e: {  	_ =	swait.ge [sflag:s7], $0x400  }
0x5f: {  	[sflag:s7] =	ssyncset.done $0x0  }
0x60: {  	s16 =	simm.s32 $0x2A80;
	[sflag:s7] =	ssyncadd.s32 $0xFFFFFC00  }
0x61: {  	[spmem:s3] =	stream.indirect.scatter.add.f32 [tilespmem:s18], [sflag:$0x3], $0x8, s16, s14, $0xb8;
	[tilespmem:$0xB400] =	vst v63  }
0x62: {  	_ =	swait.ge [sflag:s7], $0x400  }
0x63: {  	[sflag:s7] =	ssyncset.done $0x0  }
0x64: {  	s18 =	simm.s32 $0x2B00;
	[sflag:s7] =	ssyncadd.s32 $0xFFFFFC00  }
0x65: {  	[spmem:s3] =	stream.indirect.scatter.add.f32 [tilespmem:s20], [sflag:$0x3], $0x8, s18, s14, $0xb8;
	[tilespmem:$0xB400] =	vst v63  }
0x66: {  	_ =	swait.ge [sflag:s7], $0x400  }
0x67: {  	[sflag:s7] =	ssyncset.done $0x0  }
0x68: {  	s20 =	simm.s32 $0x2B80;
	[sflag:s7] =	ssyncadd.s32 $0xFFFFFC00  }
0x69: {  	[spmem:s3] =	stream.indirect.scatter.add.f32 [tilespmem:s22], [sflag:$0x3], $0x8, s20, s14, $0xb8;
	[tilespmem:$0xB400] =	vst v63  }
0x6a: {  	_ =	swait.ge [sflag:s7], $0x400  }
0x6b: {  	[sflag:s7] =	ssyncset.done $0x0  }
0x6c: {  	s22 =	simm.s32 $0x2C00;
	[sflag:s7] =	ssyncadd.s32 $0xFFFFFC00  }
0x6d: {  	[spmem:s3] =	stream.indirect.scatter.add.f32 [tilespmem:s24], [sflag:$0x3], $0x8, s22, s14, $0xb8;
	[tilespmem:$0xB400] =	vst v63  }
0x6e: {  	_ =	swait.ge [sflag:s7], $0x400  }
0x6f: {  	[sflag:s7] =	ssyncset.done $0x0  }
0x70: {  	s24 =	simm.s32 $0x2C80;
	[sflag:s7] =	ssyncadd.s32 $0xFFFFFC00  }
0x71: {  	[spmem:s3] =	stream.indirect.scatter.add.f32 [tilespmem:s26], [sflag:$0x3], $0x8, s24, s14, $0xb8;
	[tilespmem:$0xB400] =	vst v63  }
0x72: {  	_ =	swait.ge [sflag:s8], $0x400  }
0x73: {  	[sflag:s8] =	ssyncset.done $0x0  }
0x74: {  	[sflag:s8] =	ssyncadd.s32 $0xFFFFFC00  }
0x75: {  	_ =	swait.ge [sflag:s8], $0x400  }
0x76: {  	[sflag:s8] =	ssyncset.done $0x0  }
0x77: {  	[sflag:s8] =	ssyncadd.s32 $0xFFFFFC00  }
0x78: {  	_ =	swait.ge [sflag:s8], $0x400  }
0x79: {  	[sflag:s8] =	ssyncset.done $0x0  }
0x7a: {  	[sflag:s8] =	ssyncadd.s32 $0xFFFFFC00  }
0x7b: {  	_ =	swait.ge [sflag:s8], $0x400  }
0x7c: {  	[sflag:s8] =	ssyncset.done $0x0  }
0x7d: {  	[sflag:s8] =	ssyncadd.s32 $0xFFFFFC00  }
0x7e: {  	_ =	swait.ge [sflag:s8], $0x400  }
0x7f: {  	[sflag:s8] =	ssyncset.done $0x0  }
0x80: {  	[sflag:s8] =	ssyncadd.s32 $0xFFFFFC00  }
0x81: {  	_ =	swait.ge [sflag:s8], $0x400  }
0x82: {  	[sflag:s8] =	ssyncset.done $0x0  }
0x83: {  	[sflag:s8] =	ssyncadd.s32 $0xFFFFFC00  }
0x84: {  	_ =	swait.ge [sflag:s8], $0x400  }
0x85: {  	[sflag:s8] =	ssyncset.done $0x0  }
0x86: {  	[sflag:s8] =	ssyncadd.s32 $0xFFFFFC00  }
0x87: {  	_ =	swait.ge [sflag:s8], $0x400  }
0x88: {  	[sflag:s8] =	ssyncset.done $0x0  }
0x89: {  	[sflag:s8] =	ssyncadd.s32 $0xFFFFFC00  }
0x8a: {  	_ =	swait.ge [sflag:s8], $0x400  }
0x8b: {  	[sflag:s8] =	ssyncset.done $0x0  }
0x8c: {  	[sflag:s8] =	ssyncadd.s32 $0xFFFFFC00  }
0x8d: {  	p0 =	por $0x0, $0x0;
	_ =	swait.ge [sflag:s8], $0x400  }
0x8e: {  	s4 =	simm.s32 @!p0 $0x5000;
	[sflag:s8] =	ssyncset.done $0x0  }
0x8f: {  	s6 =	simm.s32 @!p0 $0xA00;
	s11 =	simm.s32 @!p0 $0x80;
	[sflag:s8] =	ssyncadd.s32 $0xFFFFFC00  }
0x90: {  	[tilespmem:s4], [sflag:$0x1] =	stream.indirect.gather @!p0 [hbm4b:s5+s11], $0x8, s6, s11, $0xb8;
	[tilespmem:$0xB400] =	vst v63  }
0x91: {  	s4 =	simm.s32 @!p0 $0xA80;
	s6 =	simm.s32 @!p0 $0x5400  }
0x92: {  	[tilespmem:s6], [sflag:$0x1] =	stream.indirect.gather @!p0 [hbm4b:s5+s11], $0x8, s4, s11, $0xb8;
	[tilespmem:$0xB400] =	vst v63  }
0x93: {  	s4 =	simm.s32 @!p0 $0xB00;
	s6 =	simm.s32 @!p0 $0x5800  }
0x94: {  	[tilespmem:s6], [sflag:$0x1] =	stream.indirect.gather @!p0 [hbm4b:s5+s11], $0x8, s4, s11, $0xb8;
	[tilespmem:$0xB400] =	vst v63  }
0x95: {  	s4 =	simm.s32 @!p0 $0xB80;
	s6 =	simm.s32 @!p0 $0x5C00  }
0x96: {  	[tilespmem:s6], [sflag:$0x1] =	stream.indirect.gather @!p0 [hbm4b:s5+s11], $0x8, s4, s11, $0xb8;
	[tilespmem:$0xB400] =	vst v63  }
0x97: {  	s4 =	simm.s32 @!p0 $0xC00;
	s6 =	simm.s32 @!p0 $0x6000  }
0x98: {  	[tilespmem:s6], [sflag:$0x1] =	stream.indirect.gather @!p0 [hbm4b:s5+s11], $0x8, s4, s11, $0xb8;
	[tilespmem:$0xB400] =	vst v63  }
0x99: {  	s4 =	simm.s32 @!p0 $0xC80;
	s6 =	simm.s32 @!p0 $0x6400  }
0x9a: {  	[tilespmem:s6], [sflag:$0x1] =	stream.indirect.gather @!p0 [hbm4b:s5+s11], $0x8, s4, s11, $0xb8;
	[tilespmem:$0xB400] =	vst v63  }
0x9b: {  	s4 =	simm.s32 @!p0 $0xD00;
	s6 =	simm.s32 @!p0 $0x6800  }
0x9c: {  	[tilespmem:s6], [sflag:$0x1] =	stream.indirect.gather @!p0 [hbm4b:s5+s11], $0x8, s4, s11, $0xb8;
	[tilespmem:$0xB400] =	vst v63  }
0x9d: {  	s4 =	simm.s32 @!p0 $0xD80;
	s6 =	simm.s32 @!p0 $0x6C00  }
0x9e: {  	[tilespmem:s6], [sflag:$0x1] =	stream.indirect.gather @!p0 [hbm4b:s5+s11], $0x8, s4, s11, $0xb8;
	[tilespmem:$0xB400] =	vst v63  }
0x9f: {  	s4 =	simm.s32 @!p0 $0xE00;
	s6 =	simm.s32 @!p0 $0x7000  }
0xa0: {  	[tilespmem:s6], [sflag:$0x1] =	stream.indirect.gather @!p0 [hbm4b:s5+s11], $0x8, s4, s11, $0xb8;
	[tilespmem:$0xB400] =	vst v63  }
0xa1: {  	s4 =	simm.s32 @!p0 $0xE80;
	s6 =	simm.s32 @!p0 $0x7400  }
0xa2: {  	[tilespmem:s6], [sflag:$0x1] =	stream.indirect.gather @!p0 [hbm4b:s5+s11], $0x8, s4, s11, $0xb8;
	[tilespmem:$0xB400] =	vst v63  }
0xa3: {  	_ =	swait.ge [sflag:s9], $0x400  }
0xa4: {  	[sflag:s9] =	ssyncset.done $0x0  }
0xa5: {  	s6 =	simm.s32 $0x2D00;
	[sflag:s9] =	ssyncadd.s32 $0xFFFFFC00  }
0xa6: {  	[spmem:s3] =	stream.indirect.scatter.add.f32 [tilespmem:s2], [sflag:$0x4], $0x8, s6, s14, $0xb8;
	[tilespmem:$0xB400] =	vst v63  }
0xa7: {  	_ =	swait.ge [sflag:s9], $0x400  }
0xa8: {  	[sflag:s9] =	ssyncset.done $0x0  }
0xa9: {  	s11 =	simm.s32 $0x2D80;
	[sflag:s9] =	ssyncadd.s32 $0xFFFFFC00  }
0xaa: {  	[spmem:s3] =	stream.indirect.scatter.add.f32 [tilespmem:s13], [sflag:$0x4], $0x8, s11, s14, $0xb8;
	[tilespmem:$0xB400] =	vst v63  }
0xab: {  	_ =	swait.ge [sflag:s9], $0x400  }
0xac: {  	[sflag:s9] =	ssyncset.done $0x0  }
0xad: {  	s12 =	simm.s32 $0x2E00;
	[sflag:s9] =	ssyncadd.s32 $0xFFFFFC00  }
0xae: {  	[spmem:s3] =	stream.indirect.scatter.add.f32 [tilespmem:s17], [sflag:$0x4], $0x8, s12, s14, $0xb8;
	[tilespmem:$0xB400] =	vst v63  }
0xaf: {  	_ =	swait.ge [sflag:s9], $0x400  }
0xb0: {  	[sflag:s9] =	ssyncset.done $0x0  }
0xb1: {  	s15 =	simm.s32 $0x2E80;
	[sflag:s9] =	ssyncadd.s32 $0xFFFFFC00  }
0xb2: {  	[spmem:s3] =	stream.indirect.scatter.add.f32 [tilespmem:s19], [sflag:$0x4], $0x8, s15, s14, $0xb8;
	[tilespmem:$0xB400] =	vst v63  }
0xb3: {  	_ =	swait.ge [sflag:s9], $0x400  }
0xb4: {  	[sflag:s9] =	ssyncset.done $0x0  }
0xb5: {  	s16 =	simm.s32 $0x2F00;
	[sflag:s9] =	ssyncadd.s32 $0xFFFFFC00  }
0xb6: {  	[spmem:s3] =	stream.indirect.scatter.add.f32 [tilespmem:s21], [sflag:$0x4], $0x8, s16, s14, $0xb8;
	[tilespmem:$0xB400] =	vst v63  }
0xb7: {  	_ =	swait.ge [sflag:s9], $0x400  }
0xb8: {  	[sflag:s9] =	ssyncset.done $0x0  }
0xb9: {  	s18 =	simm.s32 $0x2F80;
	[sflag:s9] =	ssyncadd.s32 $0xFFFFFC00  }
0xba: {  	[spmem:s3] =	stream.indirect.scatter.add.f32 [tilespmem:s23], [sflag:$0x4], $0x8, s18, s14, $0xb8;
	[tilespmem:$0xB400] =	vst v63  }
0xbb: {  	_ =	swait.ge [sflag:s9], $0x400  }
0xbc: {  	[sflag:s9] =	ssyncset.done $0x0  }
0xbd: {  	s20 =	simm.s32 $0x3000;
	[sflag:s9] =	ssyncadd.s32 $0xFFFFFC00  }
0xbe: {  	[spmem:s3] =	stream.indirect.scatter.add.f32 [tilespmem:s25], [sflag:$0x4], $0x8, s20, s14, $0xb8;
	[tilespmem:$0xB400] =	vst v63  }
0xbf: {  	_ =	swait.ge [sflag:s9], $0x400  }
0xc0: {  	[sflag:s9] =	ssyncset.done $0x0  }
0xc1: {  	s22 =	simm.s32 $0x3080;
	[sflag:s9] =	ssyncadd.s32 $0xFFFFFC00  }
0xc2: {  	[spmem:s3] =	stream.indirect.scatter.add.f32 [tilespmem:s28], [sflag:$0x4], $0x8, s22, s14, $0xb8;
	[tilespmem:$0xB400] =	vst v63  }
0xc3: {  	_ =	swait.ge [sflag:s9], $0x400  }
0xc4: {  	[sflag:s9] =	ssyncset.done $0x0  }
0xc5: {  	s24 =	simm.s32 $0x3100;
	[sflag:s9] =	ssyncadd.s32 $0xFFFFFC00  }
0xc6: {  	[spmem:s3] =	stream.indirect.scatter.add.f32 [tilespmem:s30], [sflag:$0x4], $0x8, s24, s14, $0xb8;
	[tilespmem:$0xB400] =	vst v63  }
0xc7: {  	_ =	swait.ge [sflag:s9], $0x400  }
0xc8: {  	[sflag:s9] =	ssyncset.done $0x0  }
0xc9: {  	s26 =	simm.s32 $0x3180;
	[sflag:s9] =	ssyncadd.s32 $0xFFFFFC00  }
0xca: {  	[spmem:s3] =	stream.indirect.scatter.add.f32 [tilespmem:s1], [sflag:$0x4], $0x8, s26, s14, $0xb8;
	[tilespmem:$0xB400] =	vst v63  }
0xcb: {  	_ =	swait.ge [sflag:s10], $0x400  }
0xcc: {  	[sflag:s10] =	ssyncset.done $0x0  }
0xcd: {  	[sflag:s10] =	ssyncadd.s32 $0xFFFFFC00  }
0xce: {  	_ =	swait.ge [sflag:s10], $0x400  }
0xcf: {  	[sflag:s10] =	ssyncset.done $0x0  }
0xd0: {  	[sflag:s10] =	ssyncadd.s32 $0xFFFFFC00  }
0xd1: {  	_ =	swait.ge [sflag:s10], $0x400  }
0xd2: {  	[sflag:s10] =	ssyncset.done $0x0  }
0xd3: {  	[sflag:s10] =	ssyncadd.s32 $0xFFFFFC00  }
0xd4: {  	_ =	swait.ge [sflag:s10], $0x400  }
0xd5: {  	[sflag:s10] =	ssyncset.done $0x0  }
0xd6: {  	[sflag:s10] =	ssyncadd.s32 $0xFFFFFC00  }
0xd7: {  	_ =	swait.ge [sflag:s10], $0x400  }
0xd8: {  	[sflag:s10] =	ssyncset.done $0x0  }
0xd9: {  	[sflag:s10] =	ssyncadd.s32 $0xFFFFFC00  }
0xda: {  	_ =	swait.ge [sflag:s10], $0x400  }
0xdb: {  	[sflag:s10] =	ssyncset.done $0x0  }
0xdc: {  	[sflag:s10] =	ssyncadd.s32 $0xFFFFFC00  }
0xdd: {  	_ =	swait.ge [sflag:s10], $0x400  }
0xde: {  	[sflag:s10] =	ssyncset.done $0x0  }
0xdf: {  	[sflag:s10] =	ssyncadd.s32 $0xFFFFFC00  }
0xe0: {  	_ =	swait.ge [sflag:s10], $0x400  }
0xe1: {  	[sflag:s10] =	ssyncset.done $0x0  }
0xe2: {  	[sflag:s10] =	ssyncadd.s32 $0xFFFFFC00  }
0xe3: {  	_ =	swait.ge [sflag:s10], $0x400  }
0xe4: {  	[sflag:s10] =	ssyncset.done $0x0  }
0xe5: {  	[sflag:s10] =	ssyncadd.s32 $0xFFFFFC00  }
0xe6: {  	s0 =	simm.s32 $0x5800;
	s6 =	simm.s32 $0xA00;
	_ =	swait.ge [sflag:s10], $0x400  }
0xe7: {  	s11 =	simm.s32 $0x2800;
	s12 =	simm.s32 $0x5000;
	[sflag:s10] =	ssyncset.done $0x0  }
.LBB2_2:
0xe8: {  	s15 =	sadd.s32 $0x500, s6  }
0xe9: {  	[sflag:s10] =	ssyncadd.s32 $0xFFFFFC00;
	s4 =	smov.u32 s12;
	s12 =	sadd.s32 $0x2800, s12  }
0xea: {  	[tilespmem:s2], [sflag:$0x2] =	stream.indirect.gather [hbm4b:s5+s14], $0x8, s15, s14, $0xb8;
	[tilespmem:$0xB400] =	vst v63  }
0xeb: {  	p0 =	sne.s32 s12, $0xA000;
	s15 =	sadd.s32 $0x580, s6  }
0xec: {  	[tilespmem:s13], [sflag:$0x2] =	stream.indirect.gather [hbm4b:s5+s14], $0x8, s15, s14, $0xb8;
	[tilespmem:$0xB400] =	vst v63  }
0xed: {  	s15 =	sadd.s32 $0x600, s6  }
0xee: {  	[tilespmem:s17], [sflag:$0x2] =	stream.indirect.gather [hbm4b:s5+s14], $0x8, s15, s14, $0xb8;
	[tilespmem:$0xB400] =	vst v63  }
0xef: {  	s15 =	sadd.s32 $0x680, s6  }
0xf0: {  	[tilespmem:s19], [sflag:$0x2] =	stream.indirect.gather [hbm4b:s5+s14], $0x8, s15, s14, $0xb8;
	[tilespmem:$0xB400] =	vst v63  }
0xf1: {  	s15 =	sadd.s32 $0x700, s6  }
0xf2: {  	[tilespmem:s21], [sflag:$0x2] =	stream.indirect.gather [hbm4b:s5+s14], $0x8, s15, s14, $0xb8;
	[tilespmem:$0xB400] =	vst v63  }
0xf3: {  	s15 =	sadd.s32 $0x780, s6  }
0xf4: {  	[tilespmem:s23], [sflag:$0x2] =	stream.indirect.gather [hbm4b:s5+s14], $0x8, s15, s14, $0xb8;
	[tilespmem:$0xB400] =	vst v63  }
0xf5: {  	s15 =	sadd.s32 $0x800, s6  }
0xf6: {  	[tilespmem:s25], [sflag:$0x2] =	stream.indirect.gather [hbm4b:s5+s14], $0x8, s15, s14, $0xb8;
	[tilespmem:$0xB400] =	vst v63  }
0xf7: {  	s15 =	sadd.s32 $0x880, s6  }
0xf8: {  	[tilespmem:s28], [sflag:$0x2] =	stream.indirect.gather [hbm4b:s5+s14], $0x8, s15, s14, $0xb8;
	[tilespmem:$0xB400] =	vst v63  }
0xf9: {  	s15 =	sadd.s32 $0x900, s6  }
0xfa: {  	[tilespmem:s30], [sflag:$0x2] =	stream.indirect.gather [hbm4b:s5+s14], $0x8, s15, s14, $0xb8;
	[tilespmem:$0xB400] =	vst v63  }
0xfb: {  	s15 =	sadd.s32 $0x980, s6  }
0xfc: {  	[tilespmem:s1], [sflag:$0x2] =	stream.indirect.gather [hbm4b:s5+s14], $0x8, s15, s14, $0xb8;
	[tilespmem:$0xB400] =	vst v63  }
0xfd: {  	_ =	swait.ge [sflag:s7], $0x400  }
0xfe: {  	[sflag:s7] =	ssyncset.done $0x0  }
0xff: {  	s15 =	sadd.s32 $0x2800, s6;
	[sflag:s7] =	ssyncadd.s32 $0xFFFFFC00  }
0x100: {  	[spmem:s3] =	stream.indirect.scatter.add.f32 [tilespmem:s29], [sflag:$0x3], $0x8, s15, s14, $0xb8;
	[tilespmem:$0xB400] =	vst v63  }
0x101: {  	_ =	swait.ge [sflag:s7], $0x400  }
0x102: {  	[sflag:s7] =	ssyncset.done $0x0  }
0x103: {  	s15 =	sadd.s32 $0x2880, s6;
	[sflag:s7] =	ssyncadd.s32 $0xFFFFFC00  }
0x104: {  	[spmem:s3] =	stream.indirect.scatter.add.f32 [tilespmem:s31], [sflag:$0x3], $0x8, s15, s14, $0xb8;
	[tilespmem:$0xB400] =	vst v63  }
0x105: {  	_ =	swait.ge [sflag:s7], $0x400  }
0x106: {  	[sflag:s7] =	ssyncset.done $0x0  }
0x107: {  	s15 =	sadd.s32 $0x2900, s6;
	[sflag:s7] =	ssyncadd.s32 $0xFFFFFC00  }
0x108: {  	[spmem:s3] =	stream.indirect.scatter.add.f32 [tilespmem:s0], [sflag:$0x3], $0x8, s15, s14, $0xb8;
	[tilespmem:$0xB400] =	vst v63  }
0x109: {  	_ =	swait.ge [sflag:s7], $0x400  }
0x10a: {  	[sflag:s7] =	ssyncset.done $0x0  }
0x10b: {  	s16 =	simm.s32 $0x5C00;
	s15 =	sadd.s32 $0x2980, s6;
	[sflag:s7] =	ssyncadd.s32 $0xFFFFFC00  }
0x10c: {  	[spmem:s3] =	stream.indirect.scatter.add.f32 [tilespmem:s16], [sflag:$0x3], $0x8, s15, s14, $0xb8;
	[tilespmem:$0xB400] =	vst v63  }
0x10d: {  	_ =	swait.ge [sflag:s7], $0x400  }
0x10e: {  	[sflag:s7] =	ssyncset.done $0x0  }
0x10f: {  	s15 =	sadd.s32 $0x2A00, s6;
	s16 =	simm.s32 $0x6000;
	[sflag:s7] =	ssyncadd.s32 $0xFFFFFC00  }
0x110: {  	[spmem:s3] =	stream.indirect.scatter.add.f32 [tilespmem:s16], [sflag:$0x3], $0x8, s15, s14, $0xb8;
	[tilespmem:$0xB400] =	vst v63  }
0x111: {  	_ =	swait.ge [sflag:s7], $0x400  }
0x112: {  	[sflag:s7] =	ssyncset.done $0x0  }
0x113: {  	s15 =	sadd.s32 $0x2A80, s6;
	s16 =	simm.s32 $0x6400;
	[sflag:s7] =	ssyncadd.s32 $0xFFFFFC00  }
0x114: {  	[spmem:s3] =	stream.indirect.scatter.add.f32 [tilespmem:s16], [sflag:$0x3], $0x8, s15, s14, $0xb8;
	[tilespmem:$0xB400] =	vst v63  }
0x115: {  	_ =	swait.ge [sflag:s7], $0x400  }
0x116: {  	[sflag:s7] =	ssyncset.done $0x0  }
0x117: {  	s15 =	sadd.s32 $0x2B00, s6;
	s16 =	simm.s32 $0x6800;
	[sflag:s7] =	ssyncadd.s32 $0xFFFFFC00  }
0x118: {  	[spmem:s3] =	stream.indirect.scatter.add.f32 [tilespmem:s16], [sflag:$0x3], $0x8, s15, s14, $0xb8;
	[tilespmem:$0xB400] =	vst v63  }
0x119: {  	_ =	swait.ge [sflag:s7], $0x400  }
0x11a: {  	[sflag:s7] =	ssyncset.done $0x0  }
0x11b: {  	s15 =	sadd.s32 $0x2B80, s6;
	s16 =	simm.s32 $0x6C00;
	[sflag:s7] =	ssyncadd.s32 $0xFFFFFC00  }
0x11c: {  	[spmem:s3] =	stream.indirect.scatter.add.f32 [tilespmem:s16], [sflag:$0x3], $0x8, s15, s14, $0xb8;
	[tilespmem:$0xB400] =	vst v63  }
0x11d: {  	_ =	swait.ge [sflag:s7], $0x400  }
0x11e: {  	[sflag:s7] =	ssyncset.done $0x0  }
0x11f: {  	s15 =	sadd.s32 $0x2C00, s6;
	s16 =	simm.s32 $0x7000;
	[sflag:s7] =	ssyncadd.s32 $0xFFFFFC00  }
0x120: {  	[spmem:s3] =	stream.indirect.scatter.add.f32 [tilespmem:s16], [sflag:$0x3], $0x8, s15, s14, $0xb8;
	[tilespmem:$0xB400] =	vst v63  }
0x121: {  	_ =	swait.ge [sflag:s7], $0x400  }
0x122: {  	[sflag:s7] =	ssyncset.done $0x0  }
0x123: {  	s15 =	sadd.s32 $0x2C80, s6;
	s16 =	simm.s32 $0x7400;
	[sflag:s7] =	ssyncadd.s32 $0xFFFFFC00  }
0x124: {  	[spmem:s3] =	stream.indirect.scatter.add.f32 [tilespmem:s16], [sflag:$0x3], $0x8, s15, s14, $0xb8;
	[tilespmem:$0xB400] =	vst v63  }
0x125: {  	_ =	swait.ge [sflag:s8], $0x400  }
0x126: {  	[sflag:s8] =	ssyncset.done $0x0  }
0x127: {  	[sflag:s8] =	ssyncadd.s32 $0xFFFFFC00  }
0x128: {  	_ =	swait.ge [sflag:s8], $0x400  }
0x129: {  	[sflag:s8] =	ssyncset.done $0x0  }
0x12a: {  	[sflag:s8] =	ssyncadd.s32 $0xFFFFFC00  }
0x12b: {  	_ =	swait.ge [sflag:s8], $0x400  }
0x12c: {  	[sflag:s8] =	ssyncset.done $0x0  }
0x12d: {  	[sflag:s8] =	ssyncadd.s32 $0xFFFFFC00  }
0x12e: {  	_ =	swait.ge [sflag:s8], $0x400  }
0x12f: {  	[sflag:s8] =	ssyncset.done $0x0  }
0x130: {  	[sflag:s8] =	ssyncadd.s32 $0xFFFFFC00  }
0x131: {  	_ =	swait.ge [sflag:s8], $0x400  }
0x132: {  	[sflag:s8] =	ssyncset.done $0x0  }
0x133: {  	[sflag:s8] =	ssyncadd.s32 $0xFFFFFC00  }
0x134: {  	_ =	swait.ge [sflag:s8], $0x400  }
0x135: {  	[sflag:s8] =	ssyncset.done $0x0  }
0x136: {  	[sflag:s8] =	ssyncadd.s32 $0xFFFFFC00  }
0x137: {  	_ =	swait.ge [sflag:s8], $0x400  }
0x138: {  	[sflag:s8] =	ssyncset.done $0x0  }
0x139: {  	[sflag:s8] =	ssyncadd.s32 $0xFFFFFC00  }
0x13a: {  	_ =	swait.ge [sflag:s8], $0x400  }
0x13b: {  	[sflag:s8] =	ssyncset.done $0x0  }
0x13c: {  	[sflag:s8] =	ssyncadd.s32 $0xFFFFFC00  }
0x13d: {  	_ =	swait.ge [sflag:s8], $0x400  }
0x13e: {  	[sflag:s8] =	ssyncset.done $0x0  }
0x13f: {  	[sflag:s8] =	ssyncadd.s32 $0xFFFFFC00  }
0x140: {  	p1 =	seq.s32 s11, $0x7800;
	_ =	swait.ge [sflag:s8], $0x400  }
0x141: {  	s11 =	sshra.s32 @!p1 s11, $0x2;
	s15 =	simm.s32 @!p1 $0x5000;
	[sflag:s8] =	ssyncset.done $0x0  }
0x142: {  	s18 =	simm.s32 @!p1 $0x80;
	s16 =	sadd.s32 @!p1 $0xA00, s11;
	[sflag:s8] =	ssyncadd.s32 $0xFFFFFC00  }
0x143: {  	[tilespmem:s15], [sflag:$0x1] =	stream.indirect.gather @!p1 [hbm4b:s5+s18], $0x8, s16, s18, $0xb8;
	[tilespmem:$0xB400] =	vst v63  }
0x144: {  	s20 =	sadd.s32 @!p1 $0xB00, s11;
	s15 =	sadd.s32 @!p1 $0xA80, s11;
	s16 =	simm.s32 @!p1 $0x5400  }
0x145: {  	[tilespmem:s16], [sflag:$0x1] =	stream.indirect.gather @!p1 [hbm4b:s5+s18], $0x8, s15, s18, $0xb8;
	[tilespmem:$0xB400] =	vst v63  }
0x146: {  	s22 =	sadd.s32 @!p1 $0xC00, s11;
	s15 =	simm.s32 @!p1 $0x5800;
	s16 =	sadd.s32 @!p1 $0xB80, s11  }
0x147: {  	[tilespmem:s15], [sflag:$0x1] =	stream.indirect.gather @!p1 [hbm4b:s5+s18], $0x8, s20, s18, $0xb8;
	[tilespmem:$0xB400] =	vst v63  }
0x148: {  	s24 =	sadd.s32 @!p1 $0xD00, s11;
	s15 =	simm.s32 @!p1 $0x5C00;
	s20 =	sadd.s32 @!p1 $0xC80, s11  }
0x149: {  	[tilespmem:s15], [sflag:$0x1] =	stream.indirect.gather @!p1 [hbm4b:s5+s18], $0x8, s16, s18, $0xb8;
	[tilespmem:$0xB400] =	vst v63  }
0x14a: {  	s26 =	sadd.s32 @!p1 $0xE00, s11;
	s15 =	simm.s32 @!p1 $0x6000;
	s16 =	sadd.s32 @!p1 $0xD80, s11  }
0x14b: {  	[tilespmem:s15], [sflag:$0x1] =	stream.indirect.gather @!p1 [hbm4b:s5+s18], $0x8, s22, s18, $0xb8;
	[tilespmem:$0xB400] =	vst v63  }
0x14c: {  	s15 =	simm.s32 @!p1 $0x6400;
	s22 =	sadd.s32 @!p1 $0xE80, s11;
	s11 =	smov.u32 s4  }
0x14d: {  	[tilespmem:s15], [sflag:$0x1] =	stream.indirect.gather @!p1 [hbm4b:s5+s18], $0x8, s20, s18, $0xb8;
	[tilespmem:$0xB400] =	vst v63  }
0x14e: {  	s4 =	simm.s32 @!p1 $0x6800  }
0x14f: {  	[tilespmem:s4], [sflag:$0x1] =	stream.indirect.gather @!p1 [hbm4b:s5+s18], $0x8, s24, s18, $0xb8;
	[tilespmem:$0xB400] =	vst v63  }
0x150: {  	s4 =	simm.s32 @!p1 $0x6C00  }
0x151: {  	[tilespmem:s4], [sflag:$0x1] =	stream.indirect.gather @!p1 [hbm4b:s5+s18], $0x8, s16, s18, $0xb8;
	[tilespmem:$0xB400] =	vst v63  }
0x152: {  	s4 =	simm.s32 @!p1 $0x7000  }
0x153: {  	[tilespmem:s4], [sflag:$0x1] =	stream.indirect.gather @!p1 [hbm4b:s5+s18], $0x8, s26, s18, $0xb8;
	[tilespmem:$0xB400] =	vst v63  }
0x154: {  	s4 =	simm.s32 @!p1 $0x7400  }
0x155: {  	[tilespmem:s4], [sflag:$0x1] =	stream.indirect.gather @!p1 [hbm4b:s5+s18], $0x8, s22, s18, $0xb8;
	[tilespmem:$0xB400] =	vst v63  }
0x156: {  	_ =	swait.ge [sflag:s9], $0x400  }
0x157: {  	[sflag:s9] =	ssyncset.done $0x0  }
0x158: {  	s4 =	sadd.s32 $0x2D00, s6;
	[sflag:s9] =	ssyncadd.s32 $0xFFFFFC00  }
0x159: {  	[spmem:s3] =	stream.indirect.scatter.add.f32 [tilespmem:s2], [sflag:$0x4], $0x8, s4, s14, $0xb8;
	[tilespmem:$0xB400] =	vst v63  }
0x15a: {  	_ =	swait.ge [sflag:s9], $0x400  }
0x15b: {  	[sflag:s9] =	ssyncset.done $0x0  }
0x15c: {  	s4 =	sadd.s32 $0x2D80, s6;
	[sflag:s9] =	ssyncadd.s32 $0xFFFFFC00  }
0x15d: {  	[spmem:s3] =	stream.indirect.scatter.add.f32 [tilespmem:s13], [sflag:$0x4], $0x8, s4, s14, $0xb8;
	[tilespmem:$0xB400] =	vst v63  }
0x15e: {  	_ =	swait.ge [sflag:s9], $0x400  }
0x15f: {  	[sflag:s9] =	ssyncset.done $0x0  }
0x160: {  	s4 =	sadd.s32 $0x2E00, s6;
	[sflag:s9] =	ssyncadd.s32 $0xFFFFFC00  }
0x161: {  	[spmem:s3] =	stream.indirect.scatter.add.f32 [tilespmem:s17], [sflag:$0x4], $0x8, s4, s14, $0xb8;
	[tilespmem:$0xB400] =	vst v63  }
0x162: {  	_ =	swait.ge [sflag:s9], $0x400  }
0x163: {  	[sflag:s9] =	ssyncset.done $0x0  }
0x164: {  	s4 =	sadd.s32 $0x2E80, s6;
	[sflag:s9] =	ssyncadd.s32 $0xFFFFFC00  }
0x165: {  	[spmem:s3] =	stream.indirect.scatter.add.f32 [tilespmem:s19], [sflag:$0x4], $0x8, s4, s14, $0xb8;
	[tilespmem:$0xB400] =	vst v63  }
0x166: {  	_ =	swait.ge [sflag:s9], $0x400  }
0x167: {  	[sflag:s9] =	ssyncset.done $0x0  }
0x168: {  	s4 =	sadd.s32 $0x2F00, s6;
	[sflag:s9] =	ssyncadd.s32 $0xFFFFFC00  }
0x169: {  	[spmem:s3] =	stream.indirect.scatter.add.f32 [tilespmem:s21], [sflag:$0x4], $0x8, s4, s14, $0xb8;
	[tilespmem:$0xB400] =	vst v63  }
0x16a: {  	_ =	swait.ge [sflag:s9], $0x400  }
0x16b: {  	[sflag:s9] =	ssyncset.done $0x0  }
0x16c: {  	s4 =	sadd.s32 $0x2F80, s6;
	[sflag:s9] =	ssyncadd.s32 $0xFFFFFC00  }
0x16d: {  	[spmem:s3] =	stream.indirect.scatter.add.f32 [tilespmem:s23], [sflag:$0x4], $0x8, s4, s14, $0xb8;
	[tilespmem:$0xB400] =	vst v63  }
0x16e: {  	_ =	swait.ge [sflag:s9], $0x400  }
0x16f: {  	[sflag:s9] =	ssyncset.done $0x0  }
0x170: {  	s4 =	sadd.s32 $0x3000, s6;
	[sflag:s9] =	ssyncadd.s32 $0xFFFFFC00  }
0x171: {  	[spmem:s3] =	stream.indirect.scatter.add.f32 [tilespmem:s25], [sflag:$0x4], $0x8, s4, s14, $0xb8;
	[tilespmem:$0xB400] =	vst v63  }
0x172: {  	_ =	swait.ge [sflag:s9], $0x400  }
0x173: {  	[sflag:s9] =	ssyncset.done $0x0  }
0x174: {  	s4 =	sadd.s32 $0x3080, s6;
	[sflag:s9] =	ssyncadd.s32 $0xFFFFFC00  }
0x175: {  	[spmem:s3] =	stream.indirect.scatter.add.f32 [tilespmem:s28], [sflag:$0x4], $0x8, s4, s14, $0xb8;
	[tilespmem:$0xB400] =	vst v63  }
0x176: {  	_ =	swait.ge [sflag:s9], $0x400  }
0x177: {  	[sflag:s9] =	ssyncset.done $0x0  }
0x178: {  	s4 =	sadd.s32 $0x3100, s6;
	[sflag:s9] =	ssyncadd.s32 $0xFFFFFC00  }
0x179: {  	[spmem:s3] =	stream.indirect.scatter.add.f32 [tilespmem:s30], [sflag:$0x4], $0x8, s4, s14, $0xb8;
	[tilespmem:$0xB400] =	vst v63  }
0x17a: {  	_ =	swait.ge [sflag:s9], $0x400  }
0x17b: {  	[sflag:s9] =	ssyncset.done $0x0  }
0x17c: {  	s4 =	sadd.s32 $0x3180, s6;
	[sflag:s9] =	ssyncadd.s32 $0xFFFFFC00  }
0x17d: {  	[spmem:s3] =	stream.indirect.scatter.add.f32 [tilespmem:s1], [sflag:$0x4], $0x8, s4, s14, $0xb8;
	[tilespmem:$0xB400] =	vst v63  }
0x17e: {  	_ =	swait.ge [sflag:s10], $0x400  }
0x17f: {  	[sflag:s10] =	ssyncset.done $0x0  }
0x180: {  	[sflag:s10] =	ssyncadd.s32 $0xFFFFFC00  }
0x181: {  	_ =	swait.ge [sflag:s10], $0x400  }
0x182: {  	[sflag:s10] =	ssyncset.done $0x0  }
0x183: {  	[sflag:s10] =	ssyncadd.s32 $0xFFFFFC00  }
0x184: {  	_ =	swait.ge [sflag:s10], $0x400  }
0x185: {  	[sflag:s10] =	ssyncset.done $0x0  }
0x186: {  	[sflag:s10] =	ssyncadd.s32 $0xFFFFFC00  }
0x187: {  	_ =	swait.ge [sflag:s10], $0x400  }
0x188: {  	[sflag:s10] =	ssyncset.done $0x0  }
0x189: {  	[sflag:s10] =	ssyncadd.s32 $0xFFFFFC00  }
0x18a: {  	_ =	swait.ge [sflag:s10], $0x400  }
0x18b: {  	[sflag:s10] =	ssyncset.done $0x0  }
0x18c: {  	[sflag:s10] =	ssyncadd.s32 $0xFFFFFC00  }
0x18d: {  	_ =	swait.ge [sflag:s10], $0x400  }
0x18e: {  	[sflag:s10] =	ssyncset.done $0x0  }
0x18f: {  	[sflag:s10] =	ssyncadd.s32 $0xFFFFFC00  }
0x190: {  	_ =	swait.ge [sflag:s10], $0x400  }
0x191: {  	[sflag:s10] =	ssyncset.done $0x0  }
0x192: {  	[sflag:s10] =	ssyncadd.s32 $0xFFFFFC00  }
0x193: {  	_ =	swait.ge [sflag:s10], $0x400  }
0x194: {  	[sflag:s10] =	ssyncset.done $0x0  }
0x195: {  	[sflag:s10] =	ssyncadd.s32 $0xFFFFFC00  }
.Ltmp0:
0x196: {  	_ =	swait.ge [sflag:s10], $0x400;
	(pc) =	sbr.rel @p0 .LBB2_2-.Ltmp0, $4  }
0x197: {  	[sflag:s10] =	ssyncset.done $0x0  }
0x198: {  	[sflag:s10] =	ssyncadd.s32 $0xFFFFFC00  }
0x199: {  	_ =	swait.ge [sflag:s10], $0x400  }
0x19a: {  	s6 =	sshra.s32 s11, $0x2;
	[sflag:s10] =	ssyncset.done $0x0  }
0x19b: {  	s4 =	sadd.s32 $0x500, s6;
	[sflag:s10] =	ssyncadd.s32 $0xFFFFFC00  }
0x19c: {  	[tilespmem:s2], [sflag:$0x2] =	stream.indirect.gather [hbm4b:s5+s14], $0x8, s4, s14, $0xb8;
	[tilespmem:$0xB400] =	vst v63  }
0x19d: {  	s20 =	sadd.s32 $0x580, s6  }
0x19e: {  	[tilespmem:s13], [sflag:$0x2] =	stream.indirect.gather [hbm4b:s5+s14], $0x8, s20, s14, $0xb8;
	[tilespmem:$0xB400] =	vst v63  }
0x19f: {  	s22 =	sadd.s32 $0x600, s6  }
0x1a0: {  	[tilespmem:s17], [sflag:$0x2] =	stream.indirect.gather [hbm4b:s5+s14], $0x8, s22, s14, $0xb8;
	[tilespmem:$0xB400] =	vst v63  }
0x1a1: {  	s24 =	sadd.s32 $0x680, s6  }
0x1a2: {  	[tilespmem:s19], [sflag:$0x2] =	stream.indirect.gather [hbm4b:s5+s14], $0x8, s24, s14, $0xb8;
	[tilespmem:$0xB400] =	vst v63  }
0x1a3: {  	s26 =	sadd.s32 $0x700, s6  }
0x1a4: {  	[tilespmem:s21], [sflag:$0x2] =	stream.indirect.gather [hbm4b:s5+s14], $0x8, s26, s14, $0xb8;
	[tilespmem:$0xB400] =	vst v63  }
0x1a5: {  	s12 =	sadd.s32 $0x780, s6  }
0x1a6: {  	[tilespmem:s23], [sflag:$0x2] =	stream.indirect.gather [hbm4b:s5+s14], $0x8, s12, s14, $0xb8;
	[tilespmem:$0xB400] =	vst v63  }
0x1a7: {  	s15 =	sadd.s32 $0x800, s6  }
0x1a8: {  	[tilespmem:s25], [sflag:$0x2] =	stream.indirect.gather [hbm4b:s5+s14], $0x8, s15, s14, $0xb8;
	[tilespmem:$0xB400] =	vst v63  }
0x1a9: {  	s16 =	sadd.s32 $0x880, s6  }
0x1aa: {  	[tilespmem:s28], [sflag:$0x2] =	stream.indirect.gather [hbm4b:s5+s14], $0x8, s16, s14, $0xb8;
	[tilespmem:$0xB400] =	vst v63  }
0x1ab: {  	s18 =	sadd.s32 $0x900, s6  }
0x1ac: {  	[tilespmem:s30], [sflag:$0x2] =	stream.indirect.gather [hbm4b:s5+s14], $0x8, s18, s14, $0xb8;
	[tilespmem:$0xB400] =	vst v63  }
0x1ad: {  	s20 =	sadd.s32 $0x980, s6  }
0x1ae: {  	[tilespmem:s1], [sflag:$0x2] =	stream.indirect.gather [hbm4b:s5+s14], $0x8, s20, s14, $0xb8;
	[tilespmem:$0xB400] =	vst v63  }
0x1af: {  	_ =	swait.ge [sflag:s7], $0x400  }
0x1b0: {  	[sflag:s7] =	ssyncset.done $0x0  }
0x1b1: {  	s22 =	sadd.s32 $0x2800, s6;
	[sflag:s7] =	ssyncadd.s32 $0xFFFFFC00  }
0x1b2: {  	[spmem:s3] =	stream.indirect.scatter.add.f32 [tilespmem:s29], [sflag:$0x3], $0x8, s22, s14, $0xb8;
	[tilespmem:$0xB400] =	vst v63  }
0x1b3: {  	_ =	swait.ge [sflag:s7], $0x400  }
0x1b4: {  	[sflag:s7] =	ssyncset.done $0x0  }
0x1b5: {  	s24 =	sadd.s32 $0x2880, s6;
	[sflag:s7] =	ssyncadd.s32 $0xFFFFFC00  }
0x1b6: {  	[spmem:s3] =	stream.indirect.scatter.add.f32 [tilespmem:s31], [sflag:$0x3], $0x8, s24, s14, $0xb8;
	[tilespmem:$0xB400] =	vst v63  }
0x1b7: {  	_ =	swait.ge [sflag:s7], $0x400  }
0x1b8: {  	[sflag:s7] =	ssyncset.done $0x0  }
0x1b9: {  	s26 =	sadd.s32 $0x2900, s6;
	[sflag:s7] =	ssyncadd.s32 $0xFFFFFC00  }
0x1ba: {  	[spmem:s3] =	stream.indirect.scatter.add.f32 [tilespmem:s0], [sflag:$0x3], $0x8, s26, s14, $0xb8;
	[tilespmem:$0xB400] =	vst v63  }
0x1bb: {  	_ =	swait.ge [sflag:s7], $0x400  }
0x1bc: {  	[sflag:s7] =	ssyncset.done $0x0  }
0x1bd: {  	s12 =	sadd.s32 $0x2980, s6;
	s15 =	simm.s32 $0x5C00;
	[sflag:s7] =	ssyncadd.s32 $0xFFFFFC00  }
0x1be: {  	[spmem:s3] =	stream.indirect.scatter.add.f32 [tilespmem:s15], [sflag:$0x3], $0x8, s12, s14, $0xb8;
	[tilespmem:$0xB400] =	vst v63  }
0x1bf: {  	_ =	swait.ge [sflag:s7], $0x400  }
0x1c0: {  	[sflag:s7] =	ssyncset.done $0x0  }
0x1c1: {  	s16 =	sadd.s32 $0x2A00, s6;
	s18 =	simm.s32 $0x6000;
	[sflag:s7] =	ssyncadd.s32 $0xFFFFFC00  }
0x1c2: {  	[spmem:s3] =	stream.indirect.scatter.add.f32 [tilespmem:s18], [sflag:$0x3], $0x8, s16, s14, $0xb8;
	[tilespmem:$0xB400] =	vst v63  }
0x1c3: {  	_ =	swait.ge [sflag:s7], $0x400  }
0x1c4: {  	[sflag:s7] =	ssyncset.done $0x0  }
0x1c5: {  	s20 =	sadd.s32 $0x2A80, s6;
	s22 =	simm.s32 $0x6400;
	[sflag:s7] =	ssyncadd.s32 $0xFFFFFC00  }
0x1c6: {  	[spmem:s3] =	stream.indirect.scatter.add.f32 [tilespmem:s22], [sflag:$0x3], $0x8, s20, s14, $0xb8;
	[tilespmem:$0xB400] =	vst v63  }
0x1c7: {  	_ =	swait.ge [sflag:s7], $0x400  }
0x1c8: {  	[sflag:s7] =	ssyncset.done $0x0  }
0x1c9: {  	s24 =	sadd.s32 $0x2B00, s6;
	s26 =	simm.s32 $0x6800;
	[sflag:s7] =	ssyncadd.s32 $0xFFFFFC00  }
0x1ca: {  	[spmem:s3] =	stream.indirect.scatter.add.f32 [tilespmem:s26], [sflag:$0x3], $0x8, s24, s14, $0xb8;
	[tilespmem:$0xB400] =	vst v63  }
0x1cb: {  	_ =	swait.ge [sflag:s7], $0x400  }
0x1cc: {  	[sflag:s7] =	ssyncset.done $0x0  }
0x1cd: {  	s0 =	sadd.s32 $0x2B80, s6;
	s12 =	simm.s32 $0x6C00;
	[sflag:s7] =	ssyncadd.s32 $0xFFFFFC00  }
0x1ce: {  	[spmem:s3] =	stream.indirect.scatter.add.f32 [tilespmem:s12], [sflag:$0x3], $0x8, s0, s14, $0xb8;
	[tilespmem:$0xB400] =	vst v63  }
0x1cf: {  	_ =	swait.ge [sflag:s7], $0x400  }
0x1d0: {  	[sflag:s7] =	ssyncset.done $0x0  }
0x1d1: {  	s15 =	sadd.s32 $0x2C00, s6;
	s16 =	simm.s32 $0x7000;
	[sflag:s7] =	ssyncadd.s32 $0xFFFFFC00  }
0x1d2: {  	[spmem:s3] =	stream.indirect.scatter.add.f32 [tilespmem:s16], [sflag:$0x3], $0x8, s15, s14, $0xb8;
	[tilespmem:$0xB400] =	vst v63  }
0x1d3: {  	_ =	swait.ge [sflag:s7], $0x400  }
0x1d4: {  	[sflag:s7] =	ssyncset.done $0x0  }
0x1d5: {  	s18 =	sadd.s32 $0x2C80, s6;
	s20 =	simm.s32 $0x7400;
	[sflag:s7] =	ssyncadd.s32 $0xFFFFFC00  }
0x1d6: {  	[spmem:s3] =	stream.indirect.scatter.add.f32 [tilespmem:s20], [sflag:$0x3], $0x8, s18, s14, $0xb8;
	[tilespmem:$0xB400] =	vst v63  }
0x1d7: {  	_ =	swait.ge [sflag:s8], $0x400  }
0x1d8: {  	[sflag:s8] =	ssyncset.done $0x0  }
0x1d9: {  	[sflag:s8] =	ssyncadd.s32 $0xFFFFFC00  }
0x1da: {  	_ =	swait.ge [sflag:s8], $0x400  }
0x1db: {  	[sflag:s8] =	ssyncset.done $0x0  }
0x1dc: {  	[sflag:s8] =	ssyncadd.s32 $0xFFFFFC00  }
0x1dd: {  	_ =	swait.ge [sflag:s8], $0x400  }
0x1de: {  	[sflag:s8] =	ssyncset.done $0x0  }
0x1df: {  	[sflag:s8] =	ssyncadd.s32 $0xFFFFFC00  }
0x1e0: {  	_ =	swait.ge [sflag:s8], $0x400  }
0x1e1: {  	[sflag:s8] =	ssyncset.done $0x0  }
0x1e2: {  	[sflag:s8] =	ssyncadd.s32 $0xFFFFFC00  }
0x1e3: {  	_ =	swait.ge [sflag:s8], $0x400  }
0x1e4: {  	[sflag:s8] =	ssyncset.done $0x0  }
0x1e5: {  	[sflag:s8] =	ssyncadd.s32 $0xFFFFFC00  }
0x1e6: {  	_ =	swait.ge [sflag:s8], $0x400  }
0x1e7: {  	[sflag:s8] =	ssyncset.done $0x0  }
0x1e8: {  	[sflag:s8] =	ssyncadd.s32 $0xFFFFFC00  }
0x1e9: {  	_ =	swait.ge [sflag:s8], $0x400  }
0x1ea: {  	[sflag:s8] =	ssyncset.done $0x0  }
0x1eb: {  	[sflag:s8] =	ssyncadd.s32 $0xFFFFFC00  }
0x1ec: {  	_ =	swait.ge [sflag:s8], $0x400  }
0x1ed: {  	[sflag:s8] =	ssyncset.done $0x0  }
0x1ee: {  	[sflag:s8] =	ssyncadd.s32 $0xFFFFFC00  }
0x1ef: {  	_ =	swait.ge [sflag:s8], $0x400  }
0x1f0: {  	[sflag:s8] =	ssyncset.done $0x0  }
0x1f1: {  	[sflag:s8] =	ssyncadd.s32 $0xFFFFFC00  }
0x1f2: {  	p0 =	seq.s32 s11, $0x7800;
	_ =	swait.ge [sflag:s8], $0x400  }
0x1f3: {  	s4 =	sshra.s32 @!p0 s11, $0x2;
	s11 =	simm.s32 @!p0 $0x5000;
	[sflag:s8] =	ssyncset.done $0x0  }
0x1f4: {  	s12 =	sadd.s32 @!p0 $0xA00, s4;
	s15 =	simm.s32 @!p0 $0x80;
	[sflag:s8] =	ssyncadd.s32 $0xFFFFFC00  }
0x1f5: {  	[tilespmem:s11], [sflag:$0x1] =	stream.indirect.gather @!p0 [hbm4b:s5+s15], $0x8, s12, s15, $0xb8;
	[tilespmem:$0xB400] =	vst v63  }
0x1f6: {  	s11 =	sadd.s32 @!p0 $0xA80, s4;
	s12 =	simm.s32 @!p0 $0x5400  }
0x1f7: {  	[tilespmem:s12], [sflag:$0x1] =	stream.indirect.gather @!p0 [hbm4b:s5+s15], $0x8, s11, s15, $0xb8;
	[tilespmem:$0xB400] =	vst v63  }
0x1f8: {  	s11 =	sadd.s32 @!p0 $0xB00, s4;
	s12 =	simm.s32 @!p0 $0x5800  }
0x1f9: {  	[tilespmem:s12], [sflag:$0x1] =	stream.indirect.gather @!p0 [hbm4b:s5+s15], $0x8, s11, s15, $0xb8;
	[tilespmem:$0xB400] =	vst v63  }
0x1fa: {  	s11 =	sadd.s32 @!p0 $0xB80, s4;
	s12 =	simm.s32 @!p0 $0x5C00  }
0x1fb: {  	[tilespmem:s12], [sflag:$0x1] =	stream.indirect.gather @!p0 [hbm4b:s5+s15], $0x8, s11, s15, $0xb8;
	[tilespmem:$0xB400] =	vst v63  }
0x1fc: {  	s11 =	sadd.s32 @!p0 $0xC00, s4;
	s12 =	simm.s32 @!p0 $0x6000  }
0x1fd: {  	[tilespmem:s12], [sflag:$0x1] =	stream.indirect.gather @!p0 [hbm4b:s5+s15], $0x8, s11, s15, $0xb8;
	[tilespmem:$0xB400] =	vst v63  }
0x1fe: {  	s11 =	sadd.s32 @!p0 $0xC80, s4;
	s12 =	simm.s32 @!p0 $0x6400  }
0x1ff: {  	[tilespmem:s12], [sflag:$0x1] =	stream.indirect.gather @!p0 [hbm4b:s5+s15], $0x8, s11, s15, $0xb8;
	[tilespmem:$0xB400] =	vst v63  }
0x200: {  	s11 =	sadd.s32 @!p0 $0xD00, s4;
	s12 =	simm.s32 @!p0 $0x6800  }
0x201: {  	[tilespmem:s12], [sflag:$0x1] =	stream.indirect.gather @!p0 [hbm4b:s5+s15], $0x8, s11, s15, $0xb8;
	[tilespmem:$0xB400] =	vst v63  }
0x202: {  	s11 =	sadd.s32 @!p0 $0xD80, s4;
	s12 =	simm.s32 @!p0 $0x6C00  }
0x203: {  	[tilespmem:s12], [sflag:$0x1] =	stream.indirect.gather @!p0 [hbm4b:s5+s15], $0x8, s11, s15, $0xb8;
	[tilespmem:$0xB400] =	vst v63  }
0x204: {  	s11 =	sadd.s32 @!p0 $0xE00, s4;
	s12 =	simm.s32 @!p0 $0x7000  }
0x205: {  	[tilespmem:s12], [sflag:$0x1] =	stream.indirect.gather @!p0 [hbm4b:s5+s15], $0x8, s11, s15, $0xb8;
	[tilespmem:$0xB400] =	vst v63  }
0x206: {  	s4 =	sadd.s32 @!p0 $0xE80, s4;
	s11 =	simm.s32 @!p0 $0x7400  }
0x207: {  	[tilespmem:s11], [sflag:$0x1] =	stream.indirect.gather @!p0 [hbm4b:s5+s15], $0x8, s4, s15, $0xb8;
	[tilespmem:$0xB400] =	vst v63  }
0x208: {  	_ =	swait.ge [sflag:s9], $0x400  }
0x209: {  	[sflag:s9] =	ssyncset.done $0x0  }
0x20a: {  	s22 =	sadd.s32 $0x2D00, s6;
	[sflag:s9] =	ssyncadd.s32 $0xFFFFFC00  }
0x20b: {  	[spmem:s3] =	stream.indirect.scatter.add.f32 [tilespmem:s2], [sflag:$0x4], $0x8, s22, s14, $0xb8;
	[tilespmem:$0xB400] =	vst v63  }
0x20c: {  	_ =	swait.ge [sflag:s9], $0x400  }
0x20d: {  	[sflag:s9] =	ssyncset.done $0x0  }
0x20e: {  	s24 =	sadd.s32 $0x2D80, s6;
	[sflag:s9] =	ssyncadd.s32 $0xFFFFFC00  }
0x20f: {  	[spmem:s3] =	stream.indirect.scatter.add.f32 [tilespmem:s13], [sflag:$0x4], $0x8, s24, s14, $0xb8;
	[tilespmem:$0xB400] =	vst v63  }
0x210: {  	_ =	swait.ge [sflag:s9], $0x400  }
0x211: {  	[sflag:s9] =	ssyncset.done $0x0  }
0x212: {  	s26 =	sadd.s32 $0x2E00, s6;
	[sflag:s9] =	ssyncadd.s32 $0xFFFFFC00  }
0x213: {  	[spmem:s3] =	stream.indirect.scatter.add.f32 [tilespmem:s17], [sflag:$0x4], $0x8, s26, s14, $0xb8;
	[tilespmem:$0xB400] =	vst v63  }
0x214: {  	_ =	swait.ge [sflag:s9], $0x400  }
0x215: {  	[sflag:s9] =	ssyncset.done $0x0  }
0x216: {  	s0 =	sadd.s32 $0x2E80, s6;
	[sflag:s9] =	ssyncadd.s32 $0xFFFFFC00  }
0x217: {  	[spmem:s3] =	stream.indirect.scatter.add.f32 [tilespmem:s19], [sflag:$0x4], $0x8, s0, s14, $0xb8;
	[tilespmem:$0xB400] =	vst v63  }
0x218: {  	_ =	swait.ge [sflag:s9], $0x400  }
0x219: {  	[sflag:s9] =	ssyncset.done $0x0  }
0x21a: {  	s11 =	sadd.s32 $0x2F00, s6;
	[sflag:s9] =	ssyncadd.s32 $0xFFFFFC00  }
0x21b: {  	[spmem:s3] =	stream.indirect.scatter.add.f32 [tilespmem:s21], [sflag:$0x4], $0x8, s11, s14, $0xb8;
	[tilespmem:$0xB400] =	vst v63  }
0x21c: {  	_ =	swait.ge [sflag:s9], $0x400  }
0x21d: {  	[sflag:s9] =	ssyncset.done $0x0  }
0x21e: {  	s12 =	sadd.s32 $0x2F80, s6;
	[sflag:s9] =	ssyncadd.s32 $0xFFFFFC00  }
0x21f: {  	[spmem:s3] =	stream.indirect.scatter.add.f32 [tilespmem:s23], [sflag:$0x4], $0x8, s12, s14, $0xb8;
	[tilespmem:$0xB400] =	vst v63  }
0x220: {  	_ =	swait.ge [sflag:s9], $0x400  }
0x221: {  	[sflag:s9] =	ssyncset.done $0x0  }
0x222: {  	s15 =	sadd.s32 $0x3000, s6;
	[sflag:s9] =	ssyncadd.s32 $0xFFFFFC00  }
0x223: {  	[spmem:s3] =	stream.indirect.scatter.add.f32 [tilespmem:s25], [sflag:$0x4], $0x8, s15, s14, $0xb8;
	[tilespmem:$0xB400] =	vst v63  }
0x224: {  	_ =	swait.ge [sflag:s9], $0x400  }
0x225: {  	[sflag:s9] =	ssyncset.done $0x0  }
0x226: {  	s16 =	sadd.s32 $0x3080, s6;
	[sflag:s9] =	ssyncadd.s32 $0xFFFFFC00  }
0x227: {  	[spmem:s3] =	stream.indirect.scatter.add.f32 [tilespmem:s28], [sflag:$0x4], $0x8, s16, s14, $0xb8;
	[tilespmem:$0xB400] =	vst v63  }
0x228: {  	_ =	swait.ge [sflag:s9], $0x400  }
0x229: {  	[sflag:s9] =	ssyncset.done $0x0  }
0x22a: {  	s18 =	sadd.s32 $0x3100, s6;
	[sflag:s9] =	ssyncadd.s32 $0xFFFFFC00  }
0x22b: {  	[spmem:s3] =	stream.indirect.scatter.add.f32 [tilespmem:s30], [sflag:$0x4], $0x8, s18, s14, $0xb8;
	[tilespmem:$0xB400] =	vst v63  }
0x22c: {  	_ =	swait.ge [sflag:s9], $0x400  }
0x22d: {  	[sflag:s9] =	ssyncset.done $0x0  }
0x22e: {  	s20 =	sadd.s32 $0x3180, s6;
	[sflag:s9] =	ssyncadd.s32 $0xFFFFFC00  }
0x22f: {  	[spmem:s3] =	stream.indirect.scatter.add.f32 [tilespmem:s1], [sflag:$0x4], $0x8, s20, s14, $0xb8;
	[tilespmem:$0xB400] =	vst v63  }
0x230: {  	_ =	swait.ge [sflag:s10], $0x400  }
0x231: {  	[sflag:s10] =	ssyncset.done $0x0  }
0x232: {  	[sflag:s10] =	ssyncadd.s32 $0xFFFFFC00  }
0x233: {  	_ =	swait.ge [sflag:s10], $0x400  }
0x234: {  	[sflag:s10] =	ssyncset.done $0x0  }
0x235: {  	[sflag:s10] =	ssyncadd.s32 $0xFFFFFC00  }
0x236: {  	_ =	swait.ge [sflag:s10], $0x400  }
0x237: {  	[sflag:s10] =	ssyncset.done $0x0  }
0x238: {  	[sflag:s10] =	ssyncadd.s32 $0xFFFFFC00  }
0x239: {  	_ =	swait.ge [sflag:s10], $0x400  }
0x23a: {  	[sflag:s10] =	ssyncset.done $0x0  }
0x23b: {  	[sflag:s10] =	ssyncadd.s32 $0xFFFFFC00  }
0x23c: {  	_ =	swait.ge [sflag:s10], $0x400  }
0x23d: {  	[sflag:s10] =	ssyncset.done $0x0  }
0x23e: {  	[sflag:s10] =	ssyncadd.s32 $0xFFFFFC00  }
0x23f: {  	_ =	swait.ge [sflag:s10], $0x400  }
0x240: {  	[sflag:s10] =	ssyncset.done $0x0  }
0x241: {  	[sflag:s10] =	ssyncadd.s32 $0xFFFFFC00  }
0x242: {  	_ =	swait.ge [sflag:s10], $0x400  }
0x243: {  	[sflag:s10] =	ssyncset.done $0x0  }
0x244: {  	[sflag:s10] =	ssyncadd.s32 $0xFFFFFC00  }
0x245: {  	_ =	swait.ge [sflag:s10], $0x400  }
0x246: {  	[sflag:s10] =	ssyncset.done $0x0  }
0x247: {  	[sflag:s10] =	ssyncadd.s32 $0xFFFFFC00  }
0x248: {  	_ =	swait.ge [sflag:s10], $0x400  }
0x249: {  	[sflag:s10] =	ssyncset.done $0x0  }
0x24a: {  	[sflag:s10] =	ssyncadd.s32 $0xFFFFFC00  }
0x24b: {  	_ =	swait.ge [sflag:s10], $0x400  }
0x24c: {  	[sflag:s10] =	ssyncset.done $0x0  }
0x24d: {  	[sflag:s10] =	ssyncadd.s32 $0xFFFFFC00  }
0x24e: {  	[bflag:$0x0] =	sbarrier.arrive $0xFFFF  }
0x24f: {  	s6 =	rddreg [dreg:$0x4]  }
0x250: {  	s22 =	rddreg [dreg:$0x7]  }
0x251: {  	s12 =	simm.s32 $0x5;
	s11 =	rddreg [dreg:$0x9]  }
0x252: {  	[hbm:s22], [sflag:s6] =	dma.local [spmem:s11], $0x280  }
0x253: {  	_ =	swait.ge [sflag:s12], $0x280  }
0x254: {  	s24 =	rddreg [dreg:$0xa]  }
0x255: {  	s26 =	rddreg [dreg:$0x8];
	s0 =	sadd.s32 $0x1, s24  }
0x256: {  	p0 =	sne.s32 s0, s26  }
.Ltmp1:
0x257: {  	_ = 	snop;
	(pc) =	sbr.rel @p0 .LBB2_1-.Ltmp1, $3  }
0x258: {  	_ =	sdelay $0x1  }
0x259: {  	[sflag:s12] =	ssyncset.done $0x0  }
0x25a: {  	[sflag:s12] =	ssyncadd.s32 $0xFFFFFD80  }
0x25b: {  	_ =	sfence.sel $0x180000  }
0x25c: {  	[bflag:$0x0] =	sbarrier.arrive $0xFFFF  }
0x25d: {  	_ =	strace $0x9000004D  }
0x25e: {  	s0 =	stileid.u32;
	[bflag:$0x2] =	sbarrier.arrive $0xFFFF  }
0x25f: {  	p0 =	sne.s32 s0, $0x0;
	s0 =	rddreg [dreg:$0x3]  }
0x260: {  	s0 =	sadd.s32 @!p0 $0x100000, s0  }
0x261: {  	[sflag:s0] =	ssyncadd.tile.s32 @!p0 $0x1;
	_ =	shalt  }
.Lfunc_end2:
_tile_overlayer_lowered:
.L_overlay_start_2:
0x262: {  	(tag) =	ssettag $0x2  }
0x263: {  	s0 =	rddreg [dreg:$0x0];
	s2 =	stileid.u32  }
0x264: {  	s1 =	rddreg [dreg:$0x1];
	p0 =	sne.s32 s2, $0x0  }
0x265: {  	s3 =	rddreg [dreg:$0x2];
	[bflag:$0x3] =	sbarrier.arrive $0xFFFF;
	s2 =	simm.s32 @!p0 $0x1C05  }
0x266: {  	[timem:s3], [sflag:s2] =	dma.local @!p0 [hbm:s0], s1  }
0x267: {  	s0 =	simm.s32 @!p0 $0x5  }
0x268: {  	_ =	swait.ge @!p0 [sflag:s0], s1  }
0x269: {  	s1 =	ssub.s32 @!p0 $0x0, s1;
	[sflag:s0] =	ssyncset.done @!p0 $0x0  }
0x26a: {  	[sflag:s0] =	ssyncadd.s32 @!p0 s1  }
0x26b: {  	[bflag:$0x3] =	sbarrier.arrive $0xFFFF  }
0x26c: {  	_ =	shalt  }

// kernel: kernel.8.cloned.1.call-start
scs
__scs_entry_jumppad:
0x0: {  	(pc) =	sbr.rel $0x88, $3  }
0x1: {  	(tag) =	ssettag $0x0;
	lr =	simm.s32 $0x1  }
0x2: {  	[smem:$0x3F99] =	sst lr;
	_ =	strace $0xD0000000  }
0x3: {  	_ = 	snop  }
0x4: {  	_ = 	snop  }
0x5: {  	_ = 	snop  }
0x6: {  	_ = 	snop  }
0x7: {  	_ = 	snop  }
__scs_overlays_trampoline_lowered:
0x8: {  	[smem:$0x3FA8] =	sst s0  }
0x9: {  	[smem:$0x3FA9] =	sst s1  }
0xa: {  	[smem:$0x3FAA] =	sst s2  }
0xb: {  	[smem:$0x3FAB] =	sst s3  }
0xc: {  	[smem:$0x3FAC] =	sst s4  }
0xd: {  	[smem:$0x3FAD] =	sst s5  }
0xe: {  	[smem:$0x3FAE] =	sst s6  }
0xf: {  	[smem:$0x3FAF] =	sst s7  }
0x10: {  	[smem:$0x3FB0] =	sst s8  }
0x11: {  	[smem:$0x3FB1] =	sst s9;
	s0 =	simm.s32 @!p0 $0x0  }
0x12: {  	s1 =	sld [smem:$0x3F97];
	s0 =	simm.s32 @p0 $0x1  }
0x13: {  	[smem:$0x3FB2] =	sst s0;
	s0 =	simm.s32 @!p1 $0x0  }
0x14: {  	s2 =	sld [smem:$0x3F96];
	s0 =	simm.s32 @p1 $0x1  }
0x15: {  	[smem:$0x3FB3] =	sst s0;
	s0 =	simm.s32 @!p2 $0x0  }
0x16: {  	s3 =	sld [smem:$0x3FDB];
	s0 =	simm.s32 @p2 $0x1  }
0x17: {  	s4 =	simm.s32 $0x1BF5;
	[smem:$0x3FB5] =	sst s0  }
0x18: {  	s0 =	sld [smem:$0x3F98];
	_ =	swait.ge [sflag:s4], $0x0  }
0x19: {  	s7 =	sld [smem:$0x3F99]  }
0x1a: {  	s8 =	sadd.s32 $0xFFFFE003, lr  }
0x1b: {  	s9 =	sadd.s32 $0xFFFFFEF7, lr;
	s5 =	simm.s32 $0xFFFFFFFF;
	p2 =	slt.u32 s8, $0xFFFFF086  }
0x1c: {  	p1 =	slt.u32 s9, $0xF7A;
	s5 =	simm.s32 @!p2 $0x0  }
0x1d: {  	s5 =	simm.s32 @p1 $0x1;
	p0 =	seq.s32 s7, s2  }
0x1e: {  	s7 =	smul.u32 @!p0 $0xF7A, s2;
	p2 =	seq.s32 @!p0 s5, $0x0  }
0x1f: {  	s9 =	smul.u32 $0xF7A, s1;
	s8 =	simm.s32 @!p0 $0x1BF5;
	p2 =	por !p2, p0  }
0x20: {  	[sflag:s8] =	ssyncset.s32 @!p0 $0xFFFFF086;
	s6 =	sadd.s32 @!p0 s3, s7;
	s7 =	simm.s32 @!p0 $0x108  }
0x21: {  	s3 =	sadd.s32 s3, s9;
	s6 =	sadd.s32 @!p0 $0x88, s6;
	s7 =	simm.s32 @p2 $0x1082  }
0x22: {  	[simem:s7], [sflag:s8] =	dma.local @!p0 [hbm:s6], $0xF7A  }
0x23: {  	s9 =	sor.u32 $0xD0000000, s2;
	s6 =	simm.s32 $0x108;
	_ =	swait.ge @!p0 [sflag:s8], $0x0  }
0x24: {  	s3 =	sadd.s32 $0x88, s3;
	s6 =	simm.s32 @!p1 $0x1082;
	[sflag:s4] =	ssyncset.s32 $0xFFFFF086  }
0x25: {  	[simem:s6], [sflag:s4] =	dma.local [hbm:s3], $0xF7A  }
0x26: {  	[smem:$0x3F99] =	sst s1;
	(tag) =	ssettag s2;
	_ =	strace s9  }
0x27: {  	s1 =	sld [smem:$0x3FA9]  }
0x28: {  	s2 =	sld [smem:$0x3FAA]  }
0x29: {  	s4 =	sld [smem:$0x3FAC]  }
0x2a: {  	p0 =	seq.s32 s5, $0x0;
	s5 =	sld [smem:$0x3FAD]  }
0x2b: {  	s6 =	sld [smem:$0x3FAE]  }
0x2c: {  	s7 =	sld [smem:$0x3FAF]  }
0x2d: {  	s3 =	simm.s32 $0x108;
	s8 =	sld [smem:$0x3FB0]  }
0x2e: {  	s3 =	simm.s32 @!p0 $0x1082;
	s9 =	sld [smem:$0x3FB1]  }
0x2f: {  	lr =	sadd.s32 s0, s3;
	s0 =	sld [smem:$0x3FA8]  }
0x30: {  	s3 =	sld [smem:$0x3FAB]  }
0x31: {  	[smem:$0x3FB4] =	sst s10  }
0x32: {  	s10 =	sld [smem:$0x3FB2];
	_ =	sdelay $0x3  }
0x33: {  	p0 =	seq.s32 s10, $0x1;
	s10 =	sld [smem:$0x3FB4];
	_ =	sdelay $0x3  }
0x34: {  	[smem:$0x3FB4] =	sst s10  }
0x35: {  	s10 =	sld [smem:$0x3FB3];
	_ =	sdelay $0x3  }
0x36: {  	p1 =	seq.s32 s10, $0x1;
	s10 =	sld [smem:$0x3FB4];
	_ =	sdelay $0x3  }
0x37: {  	[smem:$0x3FB4] =	sst s10  }
0x38: {  	s10 =	sld [smem:$0x3FB5]  }
0x39: {  	_ = 	snop;
	(pc) =	sbr.ind lr, $3  }
0x3a: {  	_ = 	snop  }
0x3b: {  	_ = 	snop  }
0x3c: {  	p2 =	seq.s32 s10, $0x1;
	s10 =	sld [smem:$0x3FB4]  }
0x3d: {  	_ =	shalt  }
0x3e: {  	_ =	shalt  }
0x3f: {  	_ =	shalt  }
0x40: {  	_ =	shalt  }
0x41: {  	_ =	shalt  }
0x42: {  	_ =	shalt  }
0x43: {  	_ =	shalt  }
0x44: {  	_ =	shalt  }
0x45: {  	_ =	shalt  }
0x46: {  	_ =	shalt  }
0x47: {  	_ =	shalt  }
0x48: {  	_ =	shalt  }
0x49: {  	_ =	shalt  }
0x4a: {  	_ =	shalt  }
0x4b: {  	_ =	shalt  }
0x4c: {  	_ =	shalt  }
0x4d: {  	_ =	shalt  }
0x4e: {  	_ =	shalt  }
0x4f: {  	_ =	shalt  }
0x50: {  	_ =	shalt  }
0x51: {  	_ =	shalt  }
0x52: {  	_ =	shalt  }
0x53: {  	_ =	shalt  }
0x54: {  	_ =	shalt  }
0x55: {  	_ =	shalt  }
0x56: {  	_ =	shalt  }
0x57: {  	_ =	shalt  }
0x58: {  	_ =	shalt  }
0x59: {  	_ =	shalt  }
0x5a: {  	_ =	shalt  }
0x5b: {  	_ =	shalt  }
0x5c: {  	_ =	shalt  }
0x5d: {  	_ =	shalt  }
0x5e: {  	_ =	shalt  }
0x5f: {  	_ =	shalt  }
0x60: {  	_ =	shalt  }
0x61: {  	_ =	shalt  }
0x62: {  	_ =	shalt  }
0x63: {  	_ =	shalt  }
0x64: {  	_ =	shalt  }
0x65: {  	_ =	shalt  }
0x66: {  	_ =	shalt  }
0x67: {  	_ =	shalt  }
0x68: {  	_ =	shalt  }
0x69: {  	_ =	shalt  }
0x6a: {  	_ =	shalt  }
0x6b: {  	_ =	shalt  }
0x6c: {  	_ =	shalt  }
0x6d: {  	_ =	shalt  }
0x6e: {  	_ =	shalt  }
0x6f: {  	_ =	shalt  }
0x70: {  	_ =	shalt  }
0x71: {  	_ =	shalt  }
0x72: {  	_ =	shalt  }
0x73: {  	_ =	shalt  }
0x74: {  	_ =	shalt  }
0x75: {  	_ =	shalt  }
0x76: {  	_ =	shalt  }
0x77: {  	_ =	shalt  }
0x78: {  	_ =	shalt  }
0x79: {  	_ =	shalt  }
0x7a: {  	_ =	shalt  }
0x7b: {  	_ =	shalt  }
0x7c: {  	_ =	shalt  }
0x7d: {  	_ =	shalt  }
0x7e: {  	_ =	shalt  }
0x7f: {  	_ =	shalt  }
0x80: {  	_ =	shalt  }
0x81: {  	_ =	shalt  }
0x82: {  	_ =	shalt  }
0x83: {  	_ =	shalt  }
0x84: {  	_ =	shalt  }
0x85: {  	_ =	shalt  }
0x86: {  	_ =	shalt  }
0x87: {  	_ =	shalt  }
.Lfunc_end0:
.L_simem_size_0:
called_computation_lowered:
.L_overlay_start_0:
0x88: {  	s2 =	sld [smem:$0x3FD9]  }
0x89: {  	s3 =	sld [smem:$0x3FFE];
	_ =	sdelay $0x1  }
0x8a: {  	s1 =	srdreg.scid  }
0x8b: {  	s0 =	sand.u32 $0x1, s1  }
0x8c: {  	s17 =	sshll.u32 s0, $0xA;
	s2 =	sadd.s32 s3, s2  }
0x8d: {  	s2 =	sadd.s32 s2, s17  }
0x8e: {  	[smem:$0x3FC0] =	sst s2  }
0x8f: {  	_ = 	snop  }
0x90: {  	s2 =	sld [smem:$0x3FD0];
	(tm) =	ssettm $0x1  }
0x91: {  	s18 =	sld [smem:$0x3FFB];
	_ =	sdelay $0x3  }
0x92: {  	_ =	strace s18  }
0x93: {  	s3 =	sld [smem:$0x3FFC];
	_ =	sdelay $0x3  }
0x94: {  	_ =	strace s3  }
0x95: {  	s3 =	sld [smem:$0x3FFD];
	_ =	sdelay $0x3  }
0x96: {  	_ =	strace s3  }
0x97: {  	_ =	strace $0x8FFFFFFF  }
0x98: {  	s19 =	sld [smem:$0x3FDB];
	_ =	sdelay $0x1  }
0x99: {  	s4 =	simm.s32 $_scs_section_size  }
0x9a: {  	s5 =	simm.s32 $_size__tile_overlayer_lowered;
	s6 =	simm.s32 $_tile_overlayer_lowered  }
0x9b: {  	s22 =	simm.s32 $0x1BFF;
	s21 =	sshll.u32 s6, $0x1;
	s3 =	sadd.s32 s4, s19  }
0x9c: {  	s7 =	simm.s32 $0x0;
	s20 =	sshll.u32 s5, $0x1;
	s5 =	sadd.s32 s21, s3  }
0x9d: {  	[timem:s7], [sflag:s22] =	dma.local [hbm:s5], s20  }
0x9e: {  	_ =	swait.ge [sflag:s22], s20  }
0x9f: {  	s4 =	ssub.s32 $0x0, s20;
	[sflag:s22] =	ssyncset.done $0x0  }
0xa0: {  	[sflag:s22] =	ssyncadd.s32 s4;
	_ =	sdelay $0x1  }
0xa1: {  	s23 =	simm.s32 $0x1B8B  }
0xa2: {  	_ =	swait.ge [sflag:s23], $0x1  }
0xa3: {  	[sflag:s23] =	ssyncset.done $0x0  }
0xa4: {  	s25 =	simm.s32 $0x1B8E;
	s24 =	sld [smem:$0x3FFE];
	[sflag:s23] =	ssyncadd.s32 $0xFFFFFFFF  }
0xa5: {  	s26 =	simm.s32 $execute0_lowered;
	[smem:$0x3FD2] =	sst s25  }
0xa6: {  	s5 =	sshll.u32 s26, $0x1;
	_ =	strace $0x80000046;
	[dreg:$0x1] =	wrdreg $0xFFFFFFFF  }
0xa7: {  	s28 =	simm.s32 $_size_execute0_lowered;
	s3 =	sadd.s32 s3, s5;
	[dreg:$0x0] =	wrdreg $0x0  }
0xa8: {  	s5 =	sshll.u32 s28, $0x1;
	[dreg:$0x2] =	wrdreg s3  }
0xa9: {  	[dreg:$0x3] =	wrdreg s5  }
0xaa: {  	[dreg:$0x4] =	wrdreg $0xC0  }
0xab: {  	_ =	task [dreg:s7], $0x5FFFF  }
0xac: {  	[dreg:$0x1] =	wrdreg $0xFFFFFFFF  }
0xad: {  	[dreg:$0x0] =	wrdreg $0x60  }
0xae: {  	[dreg:$0x2] =	wrdreg s24  }
0xaf: {  	[dreg:$0x3] =	wrdreg s2  }
0xb0: {  	[dreg:$0x4] =	wrdreg $0x28800  }
0xb1: {  	[dreg:$0x5] =	wrdreg $0x9  }
0xb2: {  	_ =	task.clear_ibuf [dreg:s7], $0x6FFFF;
	_ =	strace $0x90000046  }
0xb3: {  	s29 =	simm.s32 $0x9;
	_ =	strace $0x80000048  }
0xb4: {  	_ =	swait.ge [sflag:s29], $0x1  }
0xb5: {  	[sflag:s29] =	ssyncadd.s32 $0xFFFFFFFF  }
0xb6: {  	_ =	strace $0x90000048  }
0xb7: {  	_ =	sfence  }
0xb8: {  	s30 =	sld [smem:$0x0];
	_ =	sdelay $0x2  }
0xb9: {  	s31 =	sshll.u32 s1, $0xD;
	s1 =	sshrl.u32 s1, $0x2  }
0xba: {  	s3 =	sand.u32 $0x4000, s31;
	s1 =	sadd.s32 s1, s30  }
0xbb: {  	s0 =	sor.u32 s3, s0;
	s1 =	sshll.u32 s1, $0x11  }
0xbc: {  	s0 =	sor.u32 s1, s0  }
0xbd: {  	s0 =	sadd.s32 $0x8F2B, s0  }
0xbe: {  	[sflag:s0] =	ssyncadd.remote.s32 $0x1  }
0xbf: {  	_ =	sfence.sel $0xFFFF  }
0xc0: {  	[dreg:$0x0] =	wrdreg $0xFFFFFFFF;
	(pc) =	sbr.abs _section_cstart, $3  }
0xc1: {  	[dreg:$0x1] =	wrdreg $0xFFFFFFFF  }
0xc2: {  	_ =	task.clear_ibuf [dreg:s7], $0x2FFFF;
	_ =	strace $0x9FFFFFFF  }
0xc3: {  	(tm) =	ssettm $0x7FFFFFFF  }
tec
execute0_lowered:
.L_overlay_start_1:
0x0: {  	(tag) =	ssettag $0x1  }
0x1: {  	s6 =	rddreg [dreg:$0x0]  }
0x2: {  	s1 =	rddreg [dreg:$0x1]  }
0x3: {  	s3 =	rddreg [dreg:$0x2]  }
0x4: {  	s0 =	rddreg [dreg:$0x3];
	s4 =	simm.s32 $0x0;
	s5 =	srdreg.scid  }
0x5: {  	s2 =	stileid.u32;
	s13 =	simm.s32 $0x80;
	s14 =	simm.s32 $0x1  }
0x6: {  	s15 =	simm.s32 $0x0;
	s7 =	sand.u32 $0x1, s5;
	s8 =	smul.u32 $0x280, s2  }
0x7: {  	s30 =	sshll.u32 s2, $0x1;
	[smem:$0x7FF] =	sst s4;
	s31 =	sshll.u32 s2, $0x6  }
0x8: {  	s9 =	smul.u32 $0x2800, s7;
	s5 =	sor.u32 s7, s30;
	_ =	strace $0x80000047  }
0x9: {  	s7 =	ssub.s32 $0x2, s7;
	s10 =	smul.u32 $0x2800, s5;
	s5 =	sadd.s32 $0x16400, s6  }
0xa: {  	s11 =	sshrl.u32 s7, $0x1;
	s12 =	sadd.s32 s8, s3;
	s9 =	sadd.s32 s8, s9  }
0xb: {  	s11 =	ssub.s32 s7, s11;
	s12 =	sshrl.u32 s12, $0x3;
	s9 =	sshrl.u32 s9, $0x3  }
0xc: {  	s10 =	sshrl.u32 s10, $0x3;
	s8 =	smax.u32 s11, $0x1;
	s11 =	sor.u32 $0x1C02, s31  }
0xd: {  	s9 =	sadd.s32 s9, s6;
	s6 =	sadd.s32 s6, s10;
	s10 =	simm.s32 $0x2  }
0xe: {  	s6 =	sadd.s32 $0xC400, s6;
	s7 =	sadd.s32 $0x16600, s9;
	s9 =	simm.s32 $0x2800  }
.LBB2_1:
0xf: {  	[tilespmem:s9], [sflag:$0x2] =	stream.linear.gather [hbm4b:s5+s4], $0x80, $0x38;
	[tilespmem:$0x2B00] =	vst v63  }
0x10: {  	_ =	swait.ge [sflag:s10], $0x80  }
0x11: {  	[sflag:s10] =	ssyncset.done $0x0  }
0x12: {  	[sflag:s10] =	ssyncadd.s32 $0xFFFFFF80  }
0x13: {  	[spmem:s12], [sflag:s11] =	dma.local [hbm:s1], $0x50  }
0x14: {  	_ =	swait.ge [sflag:s10], $0x50  }
0x15: {  	[sflag:s10] =	ssyncset.done $0x0  }
0x16: {  	[sflag:s10] =	ssyncadd.s32 $0xFFFFFFB0  }
0x17: {  	[tilespmem:s4], [sflag:$0x2] =	stream.linear.gather [hbm4b:s6+s4], $0x2800, $0x38;
	[tilespmem:$0x2B00] =	vst v63  }
0x18: {  	_ =	swait.ge [sflag:s10], $0x2800  }
0x19: {  	[sflag:s10] =	ssyncset.done $0x0  }
0x1a: {  	[sflag:s10] =	ssyncadd.s32 $0xFFFFD800  }
0x1b: {  	s16 =	simm.s32 $0x0;
	[bflag:$0x0] =	sbarrier.arrive $0xFFFF  }
.LBB2_2:
0x1c: {  	p0 =	sne.s32 s16, $0x9E00  }
.Ltmp0:
0x1d: {  	_ = 	snop;
	(pc) =	sbr.rel @p0 .LBB2_2-.Ltmp0, $3  }
0x1e: {  	_ =	sdelay $0x1  }
0x1f: {  	s17 =	sshra.s32 s16, $0x2;
	s16 =	sadd.s32 $0x200, s16  }
0x20: {  	[spmem:s3] =	stream.indirect.scatter.add.f32 [tilespmem:s9], [sflag:$0x1], $0x1, s17, s13, $0xb8;
	[tilespmem:$0x2B00] =	vst v63  }
0x21: {  	_ =	swait.ge [sflag:s14], $0x80  }
0x22: {  	s16 =	simm.s32 $0x4F;
	[sflag:s14] =	ssyncset.done $0x0  }
.LBB2_4:
0x23: {  	p0 =	sne.s32 s16, $0x1;
	s16 =	sadd.s32 $0xFFFFFFFF, s16;
	[sflag:s14] =	ssyncadd.s32 $0xFFFFFF80  }
.Ltmp1:
0x24: {  	(pc) =	sbr.rel @p0 .LBB2_4-.Ltmp1, $3  }
0x25: {  	_ =	sdelay $0x1  }
0x26: {  	_ =	swait.ge [sflag:s14], $0x80  }
0x27: {  	[sflag:s14] =	ssyncset.done $0x0  }
0x28: {  	s15 =	sadd.s32 $0x1, s15  }
0x29: {  	[sflag:s14] =	ssyncadd.s32 $0xFFFFFF80;
	p0 =	sne.s32 s15, s8  }
.Ltmp2:
0x2a: {  	[bflag:$0x0] =	sbarrier.arrive $0xFFFF;
	(pc) =	sbr.rel @p0 .LBB2_1-.Ltmp2, $4  }
0x2b: {  	[hbm:s7], [sflag:s11] =	dma.local [spmem:s12], $0x50  }
0x2c: {  	_ =	swait.ge [sflag:s10], $0x50  }
0x2d: {  	[sflag:s10] =	ssyncset.done $0x0  }
0x2e: {  	[sflag:s10] =	ssyncadd.s32 $0xFFFFFFB0  }
0x2f: {  	_ =	sfence.sel $0x180000  }
0x30: {  	[bflag:$0x0] =	sbarrier.arrive $0xFFFF  }
0x31: {  	p0 =	sne.s32 s2, $0x0;
	_ =	strace $0x90000047  }
0x32: {  	s0 =	sadd.s32 @!p0 $0x100000, s0;
	[bflag:$0x2] =	sbarrier.arrive $0xFFFF  }
0x33: {  	[sflag:s0] =	ssyncadd.tile.s32 @!p0 $0x1;
	_ =	shalt  }
.Lfunc_end2:
_tile_overlayer_lowered:
.L_overlay_start_2:
0x34: {  	(tag) =	ssettag $0x2  }
0x35: {  	s0 =	rddreg [dreg:$0x0];
	s2 =	stileid.u32  }
0x36: {  	s1 =	rddreg [dreg:$0x1];
	p0 =	sne.s32 s2, $0x0  }
0x37: {  	s3 =	rddreg [dreg:$0x2];
	[bflag:$0x3] =	sbarrier.arrive $0xFFFF;
	s2 =	simm.s32 @!p0 $0x1C02  }
0x38: {  	[timem:s3], [sflag:s2] =	dma.local @!p0 [hbm:s0], s1  }
0x39: {  	s0 =	simm.s32 @!p0 $0x2  }
0x3a: {  	_ =	swait.ge @!p0 [sflag:s0], s1  }
0x3b: {  	s1 =	ssub.s32 @!p0 $0x0, s1;
	[sflag:s0] =	ssyncset.done @!p0 $0x0  }
0x3c: {  	[sflag:s0] =	ssyncadd.s32 @!p0 s1  }
0x3d: {  	[bflag:$0x3] =	sbarrier.arrive $0xFFFF  }
0x3e: {  	_ =	shalt  }

</sc_bundles>
